<compile_context>
chip_gen: v7x
topology: tpu7x:2x2x1
jax: 0.10.2.dev20260603
libtpu: 0.0.44.dev20260713+nightly
codegen_flags: <defaults>
</compile_context>

<pallas_src>
import functools

import jax
import jax.numpy as jnp
from jax import lax
from jax.experimental import pallas as pl
from jax.experimental.pallas import tpu as pltpu
from jax.experimental.pallas import tpu_sc as plsc

NC = 2
NS = 16
NW = NC * NS

CHUNK = 64
NBUF = 4
TILE = 128
DPAD = 384


def _gather_body(idx_hbm, out_hbm, w_hbm, wt_hbm, idx_v, bufs, gsems,
                 wsems, wid, nchunks):
    base = pl.multiple_of(wid * nchunks * CHUNK, CHUNK)

    pltpu.sync_copy(idx_hbm.at[wid], idx_v)

    def start_gathers(c, buf, sem):
        idx = idx_v.at[c]
        g0 = pltpu.async_copy(w_hbm.at[idx, pl.ds(0, TILE)],
                              buf.at[:, pl.ds(0, TILE)], sem)
        g1 = pltpu.async_copy(w_hbm.at[idx, pl.ds(TILE, TILE)],
                              buf.at[:, pl.ds(TILE, TILE)], sem)
        g2 = pltpu.async_copy(wt_hbm.at[idx],
                              buf.at[:, pl.ds(2 * TILE, TILE)], sem)
        return (g0, g1, g2)

    def step(i, _):
        gs = [start_gathers(NBUF * i + j, bufs[j], gsems[j])
              for j in range(NBUF)]
        ws = []
        for j in range(NBUF):
            for g in gs[j]:
                g.wait()
            off = pl.multiple_of((NBUF * i + j) * CHUNK, CHUNK)
            ws.append(pltpu.async_copy(
                bufs[j], out_hbm.at[pl.ds(base + off, CHUNK)], wsems[j]))
        for w in ws:
            w.wait()
        return 0

    lax.fori_loop(0, nchunks // NBUF, step, 0)


def _make_sc_gather(n_total):
    n_per_w = n_total // NW
    nchunks = n_per_w // CHUNK
    mesh = plsc.VectorSubcoreMesh(core_axis_name="c", subcore_axis_name="s")

    @functools.partial(
        pl.kernel,
        out_type=jax.ShapeDtypeStruct((n_total, DPAD), jnp.float32),
        mesh=mesh,
        scratch_types=(
            [pltpu.VMEM((nchunks, CHUNK), jnp.int32)]
            + [pltpu.VMEM((CHUNK, DPAD), jnp.float32)] * NBUF
            + [pltpu.SemaphoreType.DMA] * (2 * NBUF)
        ),
    )
    def sc_gather(idx_hbm, w_hbm, wt_hbm, out_hbm, idx_v, *rest):
        bufs = rest[:NBUF]
        gsems = rest[NBUF:2 * NBUF]
        wsems = rest[2 * NBUF:3 * NBUF]
        wid = lax.axis_index("s") * NC + lax.axis_index("c")
        _gather_body(idx_hbm, out_hbm, w_hbm, wt_hbm, idx_v, bufs,
                     gsems, wsems, wid, nchunks)

    return sc_gather


def kernel(target_word, synonym, antonym, W):
    b, l = target_word.shape
    dim = W.shape[1]
    n = b * l
    nchunks = n // NW // CHUNK
    w_tail = jnp.pad(W[:, 2 * TILE:], ((0, 0), (0, 3 * TILE - dim)))

    fn = _make_sc_gather(n)
    outs = []
    for idx in (target_word, synonym, antonym):
        idx3 = idx.reshape(NW, nchunks, CHUNK).astype(jnp.int32)
        outs.append(fn(idx3, W, w_tail)[:, :dim].reshape(b, l, dim))
    return tuple(outs)

# --- scband reference (transcript-rebuilt; emitter-appended) ---
"""Pipeline reference for scband-language-model-21955872817329 (READ-ONLY COPY).

The authoritative reference and input builder live on the scoring server;
editing this copy changes nothing except your own understanding.
"""

import jax, jax.numpy as jnp
import numpy as np

VOCAB = 100000
DIM = 300
B = 4096
L = 20


def setup_inputs(seed: int = 0) -> dict:
    key = jax.random.key(seed)
    k1, k2, k3, k4 = jax.random.split(key, 4)
    target_word = jax.random.randint(k1, (B, L), 0, VOCAB, dtype=jnp.int64) if jax.config.jax_enable_x64 else jax.random.randint(k1, (B, L), 0, VOCAB, dtype=jnp.int32)
    synonym = jax.random.randint(k2, (B, L), 0, VOCAB, dtype=target_word.dtype)
    antonym = jax.random.randint(k3, (B, L), 0, VOCAB, dtype=target_word.dtype)
    # learned embedding table (stands in for pretrained w2v weights)
    W = jax.random.normal(k4, (VOCAB, DIM), dtype=jnp.float32) * 0.02
    return {"target_word": target_word, "synonym": synonym, "antonym": antonym, "W": W}


def reference(target_word, synonym, antonym, W):
    # forward(x): x = (target_word, synonym, antonym); each passes through the
    # shared nn.Embedding (pure row gather from the table).
    def forward_once(idx):
        return jnp.take(W, idx, axis=0)
    return (forward_once(target_word), forward_once(synonym), forward_once(antonym))

if __name__ == "__main__":
    import jax
    _d = setup_inputs()
    print(jax.jit(kernel)(*tuple(_d.values())))

</pallas_src>

<mosaic_0001>
#map = affine_map<(d0, d1) -> (0, 0, 0)>
#map1 = affine_map<(d0, d1) -> (0, 0)>
module attributes {stable_mosaic.version = 14 : i64} {
  func.func @sc_gather(%arg0: i32, %arg1: i32, %arg2: memref<32x40x64xi32, #tpu.memory_space<hbm>>, %arg3: memref<100000x300xf32, #tpu.memory_space<hbm>>, %arg4: memref<100000x128xf32, #tpu.memory_space<hbm>>, %arg5: memref<81920x384xf32, #tpu.memory_space<hbm>>, %arg6: memref<40x64xi32, #tpu.memory_space<vmem>>, %arg7: memref<64x384xf32, #tpu.memory_space<vmem>>, %arg8: memref<64x384xf32, #tpu.memory_space<vmem>>, %arg9: memref<64x384xf32, #tpu.memory_space<vmem>>, %arg10: memref<64x384xf32, #tpu.memory_space<vmem>>, %arg11: memref<!tpu.dma_semaphore, #tpu.memory_space<semaphore_mem>>, %arg12: memref<!tpu.dma_semaphore, #tpu.memory_space<semaphore_mem>>, %arg13: memref<!tpu.dma_semaphore, #tpu.memory_space<semaphore_mem>>, %arg14: memref<!tpu.dma_semaphore, #tpu.memory_space<semaphore_mem>>, %arg15: memref<!tpu.dma_semaphore, #tpu.memory_space<semaphore_mem>>, %arg16: memref<!tpu.dma_semaphore, #tpu.memory_space<semaphore_mem>>, %arg17: memref<!tpu.dma_semaphore, #tpu.memory_space<semaphore_mem>>, %arg18: memref<!tpu.dma_semaphore, #tpu.memory_space<semaphore_mem>>) attributes {dimension_semantics = [#tpu.dimension_semantics<core_parallel>, #tpu.dimension_semantics<subcore_parallel>], iteration_bounds = array<i64: 2, 16>, scalar_prefetch = 0 : i64, scratch_operands = 13 : i64, tpu.core_type = #tpu.core_type<sc_vector_subcore>, window_params = [{transform_indices = #map}, {transform_indices = #map1}, {transform_indices = #map1}, {transform_indices = #map1}]} {
    %mul3A = arith.constant 2 : i32
    %mul3A_0 = arith.muli %arg1, %mul3A : i32
    %add3A = arith.addi %mul3A_0, %arg0 : i32
    %mul3A_1 = arith.constant 40 : i32
    %mul3A_2 = arith.muli %add3A, %mul3A_1 : i32
    %mul3A_3 = arith.constant 64 : i32
    %mul3A_4 = arith.muli %mul3A_2, %mul3A_3 : i32
    %multiple_of3A = tpu.assume_multiple %mul3A_4, 64 : i32
    "tpu.region"() ({
      %run_scoped3A = tpu.sem_alloc : memref<!tpu.dma_semaphore, #tpu.memory_space<semaphore_mem>>
      %dma_start3A = arith.constant 0 : i32
      %dma_start3A_11 = arith.constant 0 : i32
      %dma_start3A_12 = tpu.memref_slice %arg2[%add3A, %dma_start3A, %dma_start3A_11] : memref<32x40x64xi32, #tpu.memory_space<hbm>> -> memref<1x40x64xi32, #tpu.memory_space<hbm>>
      %dma_start3A_13 = tpu.memref_squeeze %dma_start3A_12 : memref<1x40x64xi32, #tpu.memory_space<hbm>> -> memref<40x64xi32, #tpu.memory_space<hbm>>
      %dma_start3A_14 = arith.constant 0 : i32
      %dma_start3A_15 = arith.constant 0 : i32
      %dma_start3A_16 = tpu.memref_slice %arg2[%add3A, %dma_start3A_14, %dma_start3A_15] : memref<32x40x64xi32, #tpu.memory_space<hbm>> -> memref<1x40x64xi32, #tpu.memory_space<hbm>>
      %dma_start3A_17 = tpu.memref_squeeze %dma_start3A_16 : memref<1x40x64xi32, #tpu.memory_space<hbm>> -> memref<40x64xi32, #tpu.memory_space<hbm>>
      tpu.enqueue_dma source(%dma_start3A_17 : memref<40x64xi32, #tpu.memory_space<hbm>>) target(%arg6 : memref<40x64xi32, #tpu.memory_space<vmem>>) target_semaphore(%run_scoped3A : memref<!tpu.dma_semaphore, #tpu.memory_space<semaphore_mem>>)
      %dma_wait3A = arith.constant 0 : i32
      %dma_wait3A_18 = arith.constant 0 : i32
      %dma_wait3A_19 = tpu.memref_slice %arg2[%add3A, %dma_wait3A, %dma_wait3A_18] : memref<32x40x64xi32, #tpu.memory_space<hbm>> -> memref<1x40x64xi32, #tpu.memory_space<hbm>>
      %dma_wait3A_20 = tpu.memref_squeeze %dma_wait3A_19 : memref<1x40x64xi32, #tpu.memory_space<hbm>> -> memref<40x64xi32, #tpu.memory_space<hbm>>
      %dma_wait3A_21 = arith.constant 0 : i32
      %dma_wait3A_22 = arith.constant 0 : i32
      %dma_wait3A_23 = tpu.memref_slice %arg2[%add3A, %dma_wait3A_21, %dma_wait3A_22] : memref<32x40x64xi32, #tpu.memory_space<hbm>> -> memref<1x40x64xi32, #tpu.memory_space<hbm>>
      %dma_wait3A_24 = tpu.memref_squeeze %dma_wait3A_23 : memref<1x40x64xi32, #tpu.memory_space<hbm>> -> memref<40x64xi32, #tpu.memory_space<hbm>>
      tpu.wait_dma2 semaphore(%run_scoped3A : memref<!tpu.dma_semaphore, #tpu.memory_space<semaphore_mem>>) src(%dma_wait3A_24 : memref<40x64xi32, #tpu.memory_space<hbm>>) dst(%arg6 : memref<40x64xi32, #tpu.memory_space<vmem>>)
      tpu.yield
    }) : () -> ()
    %scan3A = arith.constant 0 : i32
    %scan3A_5 = arith.constant 0 : i32
    %scan3A_6 = arith.constant 10 : i32
    %scan3A_7 = arith.addi %scan3A_5, %scan3A_6 : i32
    %scan3A_8 = arith.constant 1 : i32
    %scan3A_9 = scf.for %scan3A_11 = %scan3A_5 to %scan3A_7 step %scan3A_8 iter_args(%scan3A_12 = %scan3A) -> (i32)  : i32 {
      %mul3A_13 = arith.constant 4 : i32
      %mul3A_14 = arith.muli %mul3A_13, %scan3A_11 : i32
      %add3A_15 = arith.constant 0 : i32
      %add3A_16 = arith.addi %mul3A_14, %add3A_15 : i32
      %dma_start3A = arith.constant 0 : i32
      %dma_start3A_17 = arith.constant 0 : i32
      %dma_start3A_18 = tpu.memref_slice %arg7[%dma_start3A, %dma_start3A_17] : memref<64x384xf32, #tpu.memory_space<vmem>> -> memref<64x128xf32, #tpu.memory_space<vmem>>
      %dma_start3A_19 = arith.constant 0 : i32
      %dma_start3A_20 = tpu.memref_slice %arg6[%add3A_16, %dma_start3A_19] : memref<40x64xi32, #tpu.memory_space<vmem>> -> memref<1x64xi32, #tpu.memory_space<vmem>>
      %dma_start3A_21 = tpu.memref_squeeze %dma_start3A_20 : memref<1x64xi32, #tpu.memory_space<vmem>> -> memref<64xi32, #tpu.memory_space<vmem>>
      %dma_start3A_22 = arith.constant 0 : i32
      %dma_start3A_23 = arith.constant 0 : i32
      %dma_start3A_24 = tpu.memref_slice %arg3[%dma_start3A_22, %dma_start3A_23] : memref<100000x300xf32, #tpu.memory_space<hbm>> -> memref<100000x128xf32, #tpu.memory_space<hbm>>
      tpu.enqueue_indirect_dma source(%dma_start3A_24 : memref<100000x128xf32, #tpu.memory_space<hbm>>) target(%dma_start3A_18 : memref<64x128xf32, #tpu.memory_space<vmem>>) offsets(%dma_start3A_21 : memref<64xi32, #tpu.memory_space<vmem>>) semaphore(%arg11 : memref<!tpu.dma_semaphore, #tpu.memory_space<semaphore_mem>>)
      %dma_start3A_25 = arith.constant 0 : i32
      %dma_start3A_26 = arith.constant 128 : i32
      %dma_start3A_27 = tpu.memref_slice %arg7[%dma_start3A_25, %dma_start3A_26] : memref<64x384xf32, #tpu.memory_space<vmem>> -> memref<64x128xf32, #tpu.memory_space<vmem>>
      %dma_start3A_28 = arith.constant 0 : i32
      %dma_start3A_29 = tpu.memref_slice %arg6[%add3A_16, %dma_start3A_28] : memref<40x64xi32, #tpu.memory_space<vmem>> -> memref<1x64xi32, #tpu.memory_space<vmem>>
      %dma_start3A_30 = tpu.memref_squeeze %dma_start3A_29 : memref<1x64xi32, #tpu.memory_space<vmem>> -> memref<64xi32, #tpu.memory_space<vmem>>
      %dma_start3A_31 = arith.constant 0 : i32
      %dma_start3A_32 = arith.constant 128 : i32
      %dma_start3A_33 = tpu.memref_slice %arg3[%dma_start3A_31, %dma_start3A_32] : memref<100000x300xf32, #tpu.memory_space<hbm>> -> memref<100000x128xf32, #tpu.memory_space<hbm>>
      tpu.enqueue_indirect_dma source(%dma_start3A_33 : memref<100000x128xf32, #tpu.memory_space<hbm>>) target(%dma_start3A_27 : memref<64x128xf32, #tpu.memory_space<vmem>>) offsets(%dma_start3A_30 : memref<64xi32, #tpu.memory_space<vmem>>) semaphore(%arg11 : memref<!tpu.dma_semaphore, #tpu.memory_space<semaphore_mem>>)
      %dma_start3A_34 = arith.constant 0 : i32
      %dma_start3A_35 = arith.constant 256 : i32
      %dma_start3A_36 = tpu.memref_slice %arg7[%dma_start3A_34, %dma_start3A_35] : memref<64x384xf32, #tpu.memory_space<vmem>> -> memref<64x128xf32, #tpu.memory_space<vmem>>
      %dma_start3A_37 = arith.constant 0 : i32
      %dma_start3A_38 = tpu.memref_slice %arg6[%add3A_16, %dma_start3A_37] : memref<40x64xi32, #tpu.memory_space<vmem>> -> memref<1x64xi32, #tpu.memory_space<vmem>>
      %dma_start3A_39 = tpu.memref_squeeze %dma_start3A_38 : memref<1x64xi32, #tpu.memory_space<vmem>> -> memref<64xi32, #tpu.memory_space<vmem>>
      %dma_start3A_40 = arith.constant 0 : i32
      %dma_start3A_41 = arith.constant 0 : i32
      %dma_start3A_42 = tpu.memref_slice %arg4[%dma_start3A_40, %dma_start3A_41] : memref<100000x128xf32, #tpu.memory_space<hbm>> -> memref<100000x128xf32, #tpu.memory_space<hbm>>
      tpu.enqueue_indirect_dma source(%dma_start3A_42 : memref<100000x128xf32, #tpu.memory_space<hbm>>) target(%dma_start3A_36 : memref<64x128xf32, #tpu.memory_space<vmem>>) offsets(%dma_start3A_39 : memref<64xi32, #tpu.memory_space<vmem>>) semaphore(%arg11 : memref<!tpu.dma_semaphore, #tpu.memory_space<semaphore_mem>>)
      %mul3A_43 = arith.constant 4 : i32
      %mul3A_44 = arith.muli %mul3A_43, %scan3A_11 : i32
      %add3A_45 = arith.constant 1 : i32
      %add3A_46 = arith.addi %mul3A_44, %add3A_45 : i32
      %dma_start3A_47 = arith.constant 0 : i32
      %dma_start3A_48 = arith.constant 0 : i32
      %dma_start3A_49 = tpu.memref_slice %arg8[%dma_start3A_47, %dma_start3A_48] : memref<64x384xf32, #tpu.memory_space<vmem>> -> memref<64x128xf32, #tpu.memory_space<vmem>>
      %dma_start3A_50 = arith.constant 0 : i32
      %dma_start3A_51 = tpu.memref_slice %arg6[%add3A_46, %dma_start3A_50] : memref<40x64xi32, #tpu.memory_space<vmem>> -> memref<1x64xi32, #tpu.memory_space<vmem>>
      %dma_start3A_52 = tpu.memref_squeeze %dma_start3A_51 : memref<1x64xi32, #tpu.memory_space<vmem>> -> memref<64xi32, #tpu.memory_space<vmem>>
      %dma_start3A_53 = arith.constant 0 : i32
      %dma_start3A_54 = arith.constant 0 : i32
      %dma_start3A_55 = tpu.memref_slice %arg3[%dma_start3A_53, %dma_start3A_54] : memref<100000x300xf32, #tpu.memory_space<hbm>> -> memref<100000x128xf32, #tpu.memory_space<hbm>>
      tpu.enqueue_indirect_dma source(%dma_start3A_55 : memref<100000x128xf32, #tpu.memory_space<hbm>>) target(%dma_start3A_49 : memref<64x128xf32, #tpu.memory_space<vmem>>) offsets(%dma_start3A_52 : memref<64xi32, #tpu.memory_space<vmem>>) semaphore(%arg12 : memref<!tpu.dma_semaphore, #tpu.memory_space<semaphore_mem>>)
      %dma_start3A_56 = arith.constant 0 : i32
      %dma_start3A_57 = arith.constant 128 : i32
      %dma_start3A_58 = tpu.memref_slice %arg8[%dma_start3A_56, %dma_start3A_57] : memref<64x384xf32, #tpu.memory_space<vmem>> -> memref<64x128xf32, #tpu.memory_space<vmem>>
      %dma_start3A_59 = arith.constant 0 : i32
      %dma_start3A_60 = tpu.memref_slice %arg6[%add3A_46, %dma_start3A_59] : memref<40x64xi32, #tpu.memory_space<vmem>> -> memref<1x64xi32, #tpu.memory_space<vmem>>
      %dma_start3A_61 = tpu.memref_squeeze %dma_start3A_60 : memref<1x64xi32, #tpu.memory_space<vmem>> -> memref<64xi32, #tpu.memory_space<vmem>>
      %dma_start3A_62 = arith.constant 0 : i32
      %dma_start3A_63 = arith.constant 128 : i32
      %dma_start3A_64 = tpu.memref_slice %arg3[%dma_start3A_62, %dma_start3A_63] : memref<100000x300xf32, #tpu.memory_space<hbm>> -> memref<100000x128xf32, #tpu.memory_space<hbm>>
      tpu.enqueue_indirect_dma source(%dma_start3A_64 : memref<100000x128xf32, #tpu.memory_space<hbm>>) target(%dma_start3A_58 : memref<64x128xf32, #tpu.memory_space<vmem>>) offsets(%dma_start3A_61 : memref<64xi32, #tpu.memory_space<vmem>>) semaphore(%arg12 : memref<!tpu.dma_semaphore, #tpu.memory_space<semaphore_mem>>)
      %dma_start3A_65 = arith.constant 0 : i32
      %dma_start3A_66 = arith.constant 256 : i32
      %dma_start3A_67 = tpu.memref_slice %arg8[%dma_start3A_65, %dma_start3A_66] : memref<64x384xf32, #tpu.memory_space<vmem>> -> memref<64x128xf32, #tpu.memory_space<vmem>>
      %dma_start3A_68 = arith.constant 0 : i32
      %dma_start3A_69 = tpu.memref_slice %arg6[%add3A_46, %dma_start3A_68] : memref<40x64xi32, #tpu.memory_space<vmem>> -> memref<1x64xi32, #tpu.memory_space<vmem>>
      %dma_start3A_70 = tpu.memref_squeeze %dma_start3A_69 : memref<1x64xi32, #tpu.memory_space<vmem>> -> memref<64xi32, #tpu.memory_space<vmem>>
      %dma_start3A_71 = arith.constant 0 : i32
      %dma_start3A_72 = arith.constant 0 : i32
      %dma_start3A_73 = tpu.memref_slice %arg4[%dma_start3A_71, %dma_start3A_72] : memref<100000x128xf32, #tpu.memory_space<hbm>> -> memref<100000x128xf32, #tpu.memory_space<hbm>>
      tpu.enqueue_indirect_dma source(%dma_start3A_73 : memref<100000x128xf32, #tpu.memory_space<hbm>>) target(%dma_start3A_67 : memref<64x128xf32, #tpu.memory_space<vmem>>) offsets(%dma_start3A_70 : memref<64xi32, #tpu.memory_space<vmem>>) semaphore(%arg12 : memref<!tpu.dma_semaphore, #tpu.memory_space<semaphore_mem>>)
      %mul3A_74 = arith.constant 4 : i32
      %mul3A_75 = arith.muli %mul3A_74, %scan3A_11 : i32
      %add3A_76 = arith.constant 2 : i32
      %add3A_77 = arith.addi %mul3A_75, %add3A_76 : i32
      %dma_start3A_78 = arith.constant 0 : i32
      %dma_start3A_79 = arith.constant 0 : i32
      %dma_start3A_80 = tpu.memref_slice %arg9[%dma_start3A_78, %dma_start3A_79] : memref<64x384xf32, #tpu.memory_space<vmem>> -> memref<64x128xf32, #tpu.memory_space<vmem>>
      %dma_start3A_81 = arith.constant 0 : i32
      %dma_start3A_82 = tpu.memref_slice %arg6[%add3A_77, %dma_start3A_81] : memref<40x64xi32, #tpu.memory_space<vmem>> -> memref<1x64xi32, #tpu.memory_space<vmem>>
      %dma_start3A_83 = tpu.memref_squeeze %dma_start3A_82 : memref<1x64xi32, #tpu.memory_space<vmem>> -> memref<64xi32, #tpu.memory_space<vmem>>
      %dma_start3A_84 = arith.constant 0 : i32
      %dma_start3A_85 = arith.constant 0 : i32
      %dma_start3A_86 = tpu.memref_slice %arg3[%dma_start3A_84, %dma_start3A_85] : memref<100000x300xf32, #tpu.memory_space<hbm>> -> memref<100000x128xf32, #tpu.memory_space<hbm>>
      tpu.enqueue_indirect_dma source(%dma_start3A_86 : memref<100000x128xf32, #tpu.memory_space<hbm>>) target(%dma_start3A_80 : memref<64x128xf32, #tpu.memory_space<vmem>>) offsets(%dma_start3A_83 : memref<64xi32, #tpu.memory_space<vmem>>) semaphore(%arg13 : memref<!tpu.dma_semaphore, #tpu.memory_space<semaphore_mem>>)
      %dma_start3A_87 = arith.constant 0 : i32
      %dma_start3A_88 = arith.constant 128 : i32
      %dma_start3A_89 = tpu.memref_slice %arg9[%dma_start3A_87, %dma_start3A_88] : memref<64x384xf32, #tpu.memory_space<vmem>> -> memref<64x128xf32, #tpu.memory_space<vmem>>
      %dma_start3A_90 = arith.constant 0 : i32
      %dma_start3A_91 = tpu.memref_slice %arg6[%add3A_77, %dma_start3A_90] : memref<40x64xi32, #tpu.memory_space<vmem>> -> memref<1x64xi32, #tpu.memory_space<vmem>>
      %dma_start3A_92 = tpu.memref_squeeze %dma_start3A_91 : memref<1x64xi32, #tpu.memory_space<vmem>> -> memref<64xi32, #tpu.memory_space<vmem>>
      %dma_start3A_93 = arith.constant 0 : i32
      %dma_start3A_94 = arith.constant 128 : i32
      %dma_start3A_95 = tpu.memref_slice %arg3[%dma_start3A_93, %dma_start3A_94] : memref<100000x300xf32, #tpu.memory_space<hbm>> -> memref<100000x128xf32, #tpu.memory_space<hbm>>
      tpu.enqueue_indirect_dma source(%dma_start3A_95 : memref<100000x128xf32, #tpu.memory_space<hbm>>) target(%dma_start3A_89 : memref<64x128xf32, #tpu.memory_space<vmem>>) offsets(%dma_start3A_92 : memref<64xi32, #tpu.memory_space<vmem>>) semaphore(%arg13 : memref<!tpu.dma_semaphore, #tpu.memory_space<semaphore_mem>>)
      %dma_start3A_96 = arith.constant 0 : i32
      %dma_start3A_97 = arith.constant 256 : i32
      %dma_start3A_98 = tpu.memref_slice %arg9[%dma_start3A_96, %dma_start3A_97] : memref<64x384xf32, #tpu.memory_space<vmem>> -> memref<64x128xf32, #tpu.memory_space<vmem>>
      %dma_start3A_99 = arith.constant 0 : i32
      %dma_start3A_100 = tpu.memref_slice %arg6[%add3A_77, %dma_start3A_99] : memref<40x64xi32, #tpu.memory_space<vmem>> -> memref<1x64xi32, #tpu.memory_space<vmem>>
      %dma_start3A_101 = tpu.memref_squeeze %dma_start3A_100 : memref<1x64xi32, #tpu.memory_space<vmem>> -> memref<64xi32, #tpu.memory_space<vmem>>
      %dma_start3A_102 = arith.constant 0 : i32
      %dma_start3A_103 = arith.constant 0 : i32
      %dma_start3A_104 = tpu.memref_slice %arg4[%dma_start3A_102, %dma_start3A_103] : memref<100000x128xf32, #tpu.memory_space<hbm>> -> memref<100000x128xf32, #tpu.memory_space<hbm>>
      tpu.enqueue_indirect_dma source(%dma_start3A_104 : memref<100000x128xf32, #tpu.memory_space<hbm>>) target(%dma_start3A_98 : memref<64x128xf32, #tpu.memory_space<vmem>>) offsets(%dma_start3A_101 : memref<64xi32, #tpu.memory_space<vmem>>) semaphore(%arg13 : memref<!tpu.dma_semaphore, #tpu.memory_space<semaphore_mem>>)
      %mul3A_105 = arith.constant 4 : i32
      %mul3A_106 = arith.muli %mul3A_105, %scan3A_11 : i32
      %add3A_107 = arith.constant 3 : i32
      %add3A_108 = arith.addi %mul3A_106, %add3A_107 : i32
      %dma_start3A_109 = arith.constant 0 : i32
      %dma_start3A_110 = arith.constant 0 : i32
      %dma_start3A_111 = tpu.memref_slice %arg10[%dma_start3A_109, %dma_start3A_110] : memref<64x384xf32, #tpu.memory_space<vmem>> -> memref<64x128xf32, #tpu.memory_space<vmem>>
      %dma_start3A_112 = arith.constant 0 : i32
      %dma_start3A_113 = tpu.memref_slice %arg6[%add3A_108, %dma_start3A_112] : memref<40x64xi32, #tpu.memory_space<vmem>> -> memref<1x64xi32, #tpu.memory_space<vmem>>
      %dma_start3A_114 = tpu.memref_squeeze %dma_start3A_113 : memref<1x64xi32, #tpu.memory_space<vmem>> -> memref<64xi32, #tpu.memory_space<vmem>>
      %dma_start3A_115 = arith.constant 0 : i32
      %dma_start3A_116 = arith.constant 0 : i32
      %dma_start3A_117 = tpu.memref_slice %arg3[%dma_start3A_115, %dma_start3A_116] : memref<100000x300xf32, #tpu.memory_space<hbm>> -> memref<100000x128xf32, #tpu.memory_space<hbm>>
      tpu.enqueue_indirect_dma source(%dma_start3A_117 : memref<100000x128xf32, #tpu.memory_space<hbm>>) target(%dma_start3A_111 : memref<64x128xf32, #tpu.memory_space<vmem>>) offsets(%dma_start3A_114 : memref<64xi32, #tpu.memory_space<vmem>>) semaphore(%arg14 : memref<!tpu.dma_semaphore, #tpu.memory_space<semaphore_mem>>)
      %dma_start3A_118 = arith.constant 0 : i32
      %dma_start3A_119 = arith.constant 128 : i32
      %dma_start3A_120 = tpu.memref_slice %arg10[%dma_start3A_118, %dma_start3A_119] : memref<64x384xf32, #tpu.memory_space<vmem>> -> memref<64x128xf32, #tpu.memory_space<vmem>>
      %dma_start3A_121 = arith.constant 0 : i32
      %dma_start3A_122 = tpu.memref_slice %arg6[%add3A_108, %dma_start3A_121] : memref<40x64xi32, #tpu.memory_space<vmem>> -> memref<1x64xi32, #tpu.memory_space<vmem>>
      %dma_start3A_123 = tpu.memref_squeeze %dma_start3A_122 : memref<1x64xi32, #tpu.memory_space<vmem>> -> memref<64xi32, #tpu.memory_space<vmem>>
      %dma_start3A_124 = arith.constant 0 : i32
      %dma_start3A_125 = arith.constant 128 : i32
      %dma_start3A_126 = tpu.memref_slice %arg3[%dma_start3A_124, %dma_start3A_125] : memref<100000x300xf32, #tpu.memory_space<hbm>> -> memref<100000x128xf32, #tpu.memory_space<hbm>>
      tpu.enqueue_indirect_dma source(%dma_start3A_126 : memref<100000x128xf32, #tpu.memory_space<hbm>>) target(%dma_start3A_120 : memref<64x128xf32, #tpu.memory_space<vmem>>) offsets(%dma_start3A_123 : memref<64xi32, #tpu.memory_space<vmem>>) semaphore(%arg14 : memref<!tpu.dma_semaphore, #tpu.memory_space<semaphore_mem>>)
      %dma_start3A_127 = arith.constant 0 : i32
      %dma_start3A_128 = arith.constant 256 : i32
      %dma_start3A_129 = tpu.memref_slice %arg10[%dma_start3A_127, %dma_start3A_128] : memref<64x384xf32, #tpu.memory_space<vmem>> -> memref<64x128xf32, #tpu.memory_space<vmem>>
      %dma_start3A_130 = arith.constant 0 : i32
      %dma_start3A_131 = tpu.memref_slice %arg6[%add3A_108, %dma_start3A_130] : memref<40x64xi32, #tpu.memory_space<vmem>> -> memref<1x64xi32, #tpu.memory_space<vmem>>
      %dma_start3A_132 = tpu.memref_squeeze %dma_start3A_131 : memref<1x64xi32, #tpu.memory_space<vmem>> -> memref<64xi32, #tpu.memory_space<vmem>>
      %dma_start3A_133 = arith.constant 0 : i32
      %dma_start3A_134 = arith.constant 0 : i32
      %dma_start3A_135 = tpu.memref_slice %arg4[%dma_start3A_133, %dma_start3A_134] : memref<100000x128xf32, #tpu.memory_space<hbm>> -> memref<100000x128xf32, #tpu.memory_space<hbm>>
      tpu.enqueue_indirect_dma source(%dma_start3A_135 : memref<100000x128xf32, #tpu.memory_space<hbm>>) target(%dma_start3A_129 : memref<64x128xf32, #tpu.memory_space<vmem>>) offsets(%dma_start3A_132 : memref<64xi32, #tpu.memory_space<vmem>>) semaphore(%arg14 : memref<!tpu.dma_semaphore, #tpu.memory_space<semaphore_mem>>)
      %dma_wait3A = arith.constant 0 : i32
      %dma_wait3A_136 = arith.constant 0 : i32
      %dma_wait3A_137 = tpu.memref_slice %arg7[%dma_wait3A, %dma_wait3A_136] : memref<64x384xf32, #tpu.memory_space<vmem>> -> memref<64x128xf32, #tpu.memory_space<vmem>>
      %dma_wait3A_138 = arith.constant 0 : i32
      %dma_wait3A_139 = tpu.memref_slice %arg6[%add3A_16, %dma_wait3A_138] : memref<40x64xi32, #tpu.memory_space<vmem>> -> memref<1x64xi32, #tpu.memory_space<vmem>>
      %dma_wait3A_140 = tpu.memref_squeeze %dma_wait3A_139 : memref<1x64xi32, #tpu.memory_space<vmem>> -> memref<64xi32, #tpu.memory_space<vmem>>
      %dma_wait3A_141 = arith.constant 0 : i32
      %dma_wait3A_142 = arith.constant 0 : i32
      %dma_wait3A_143 = tpu.memref_slice %arg3[%dma_wait3A_141, %dma_wait3A_142] : memref<100000x300xf32, #tpu.memory_space<hbm>> -> memref<100000x128xf32, #tpu.memory_space<hbm>>
      tpu.wait_indirect_dma semaphore(%arg11 : memref<!tpu.dma_semaphore, #tpu.memory_space<semaphore_mem>>) src(%dma_wait3A_143 : memref<100000x128xf32, #tpu.memory_space<hbm>>) dst(%dma_wait3A_137 : memref<64x128xf32, #tpu.memory_space<vmem>>)
      %dma_wait3A_144 = arith.constant 0 : i32
      %dma_wait3A_145 = arith.constant 128 : i32
      %dma_wait3A_146 = tpu.memref_slice %arg7[%dma_wait3A_144, %dma_wait3A_145] : memref<64x384xf32, #tpu.memory_space<vmem>> -> memref<64x128xf32, #tpu.memory_space<vmem>>
      %dma_wait3A_147 = arith.constant 0 : i32
      %dma_wait3A_148 = tpu.memref_slice %arg6[%add3A_16, %dma_wait3A_147] : memref<40x64xi32, #tpu.memory_space<vmem>> -> memref<1x64xi32, #tpu.memory_space<vmem>>
      %dma_wait3A_149 = tpu.memref_squeeze %dma_wait3A_148 : memref<1x64xi32, #tpu.memory_space<vmem>> -> memref<64xi32, #tpu.memory_space<vmem>>
      %dma_wait3A_150 = arith.constant 0 : i32
      %dma_wait3A_151 = arith.constant 128 : i32
      %dma_wait3A_152 = tpu.memref_slice %arg3[%dma_wait3A_150, %dma_wait3A_151] : memref<100000x300xf32, #tpu.memory_space<hbm>> -> memref<100000x128xf32, #tpu.memory_space<hbm>>
      tpu.wait_indirect_dma semaphore(%arg11 : memref<!tpu.dma_semaphore, #tpu.memory_space<semaphore_mem>>) src(%dma_wait3A_152 : memref<100000x128xf32, #tpu.memory_space<hbm>>) dst(%dma_wait3A_146 : memref<64x128xf32, #tpu.memory_space<vmem>>)
      %dma_wait3A_153 = arith.constant 0 : i32
      %dma_wait3A_154 = arith.constant 256 : i32
      %dma_wait3A_155 = tpu.memref_slice %arg7[%dma_wait3A_153, %dma_wait3A_154] : memref<64x384xf32, #tpu.memory_space<vmem>> -> memref<64x128xf32, #tpu.memory_space<vmem>>
      %dma_wait3A_156 = arith.constant 0 : i32
      %dma_wait3A_157 = tpu.memref_slice %arg6[%add3A_16, %dma_wait3A_156] : memref<40x64xi32, #tpu.memory_space<vmem>> -> memref<1x64xi32, #tpu.memory_space<vmem>>
      %dma_wait3A_158 = tpu.memref_squeeze %dma_wait3A_157 : memref<1x64xi32, #tpu.memory_space<vmem>> -> memref<64xi32, #tpu.memory_space<vmem>>
      %dma_wait3A_159 = arith.constant 0 : i32
      %dma_wait3A_160 = arith.constant 0 : i32
      %dma_wait3A_161 = tpu.memref_slice %arg4[%dma_wait3A_159, %dma_wait3A_160] : memref<100000x128xf32, #tpu.memory_space<hbm>> -> memref<100000x128xf32, #tpu.memory_space<hbm>>
      tpu.wait_indirect_dma semaphore(%arg11 : memref<!tpu.dma_semaphore, #tpu.memory_space<semaphore_mem>>) src(%dma_wait3A_161 : memref<100000x128xf32, #tpu.memory_space<hbm>>) dst(%dma_wait3A_155 : memref<64x128xf32, #tpu.memory_space<vmem>>)
      %mul3A_162 = arith.constant 4 : i32
      %mul3A_163 = arith.muli %mul3A_162, %scan3A_11 : i32
      %add3A_164 = arith.constant 0 : i32
      %add3A_165 = arith.addi %mul3A_163, %add3A_164 : i32
      %mul3A_166 = arith.constant 64 : i32
      %mul3A_167 = arith.muli %add3A_165, %mul3A_166 : i32
      %multiple_of3A_168 = tpu.assume_multiple %mul3A_167, 64 : i32
      %add3A_169 = arith.addi %multiple_of3A, %multiple_of3A_168 : i32
      %dma_start3A_170 = arith.constant 0 : i32
      %dma_start3A_171 = tpu.memref_slice %arg5[%add3A_169, %dma_start3A_170] : memref<81920x384xf32, #tpu.memory_space<hbm>> -> memref<64x384xf32, #tpu.memory_space<hbm>>
      %dma_start3A_172 = arith.constant 0 : i32
      %dma_start3A_173 = tpu.memref_slice %arg5[%add3A_169, %dma_start3A_172] : memref<81920x384xf32, #tpu.memory_space<hbm>> -> memref<64x384xf32, #tpu.memory_space<hbm>>
      tpu.enqueue_dma source(%arg7 : memref<64x384xf32, #tpu.memory_space<vmem>>) target(%dma_start3A_173 : memref<64x384xf32, #tpu.memory_space<hbm>>) target_semaphore(%arg15 : memref<!tpu.dma_semaphore, #tpu.memory_space<semaphore_mem>>)
      %dma_wait3A_174 = arith.constant 0 : i32
      %dma_wait3A_175 = arith.constant 0 : i32
      %dma_wait3A_176 = tpu.memref_slice %arg8[%dma_wait3A_174, %dma_wait3A_175] : memref<64x384xf32, #tpu.memory_space<vmem>> -> memref<64x128xf32, #tpu.memory_space<vmem>>
      %dma_wait3A_177 = arith.constant 0 : i32
      %dma_wait3A_178 = tpu.memref_slice %arg6[%add3A_46, %dma_wait3A_177] : memref<40x64xi32, #tpu.memory_space<vmem>> -> memref<1x64xi32, #tpu.memory_space<vmem>>
      %dma_wait3A_179 = tpu.memref_squeeze %dma_wait3A_178 : memref<1x64xi32, #tpu.memory_space<vmem>> -> memref<64xi32, #tpu.memory_space<vmem>>
      %dma_wait3A_180 = arith.constant 0 : i32
      %dma_wait3A_181 = arith.constant 0 : i32
      %dma_wait3A_182 = tpu.memref_slice %arg3[%dma_wait3A_180, %dma_wait3A_181] : memref<100000x300xf32, #tpu.memory_space<hbm>> -> memref<100000x128xf32, #tpu.memory_space<hbm>>
      tpu.wait_indirect_dma semaphore(%arg12 : memref<!tpu.dma_semaphore, #tpu.memory_space<semaphore_mem>>) src(%dma_wait3A_182 : memref<100000x128xf32, #tpu.memory_space<hbm>>) dst(%dma_wait3A_176 : memref<64x128xf32, #tpu.memory_space<vmem>>)
      %dma_wait3A_183 = arith.constant 0 : i32
      %dma_wait3A_184 = arith.constant 128 : i32
      %dma_wait3A_185 = tpu.memref_slice %arg8[%dma_wait3A_183, %dma_wait3A_184] : memref<64x384xf32, #tpu.memory_space<vmem>> -> memref<64x128xf32, #tpu.memory_space<vmem>>
      %dma_wait3A_186 = arith.constant 0 : i32
      %dma_wait3A_187 = tpu.memref_slice %arg6[%add3A_46, %dma_wait3A_186] : memref<40x64xi32, #tpu.memory_space<vmem>> -> memref<1x64xi32, #tpu.memory_space<vmem>>
      %dma_wait3A_188 = tpu.memref_squeeze %dma_wait3A_187 : memref<1x64xi32, #tpu.memory_space<vmem>> -> memref<64xi32, #tpu.memory_space<vmem>>
      %dma_wait3A_189 = arith.constant 0 : i32
      %dma_wait3A_190 = arith.constant 128 : i32
      %dma_wait3A_191 = tpu.memref_slice %arg3[%dma_wait3A_189, %dma_wait3A_190] : memref<100000x300xf32, #tpu.memory_space<hbm>> -> memref<100000x128xf32, #tpu.memory_space<hbm>>
      tpu.wait_indirect_dma semaphore(%arg12 : memref<!tpu.dma_semaphore, #tpu.memory_space<semaphore_mem>>) src(%dma_wait3A_191 : memref<100000x128xf32, #tpu.memory_space<hbm>>) dst(%dma_wait3A_185 : memref<64x128xf32, #tpu.memory_space<vmem>>)
      %dma_wait3A_192 = arith.constant 0 : i32
      %dma_wait3A_193 = arith.constant 256 : i32
      %dma_wait3A_194 = tpu.memref_slice %arg8[%dma_wait3A_192, %dma_wait3A_193] : memref<64x384xf32, #tpu.memory_space<vmem>> -> memref<64x128xf32, #tpu.memory_space<vmem>>
      %dma_wait3A_195 = arith.constant 0 : i32
      %dma_wait3A_196 = tpu.memref_slice %arg6[%add3A_46, %dma_wait3A_195] : memref<40x64xi32, #tpu.memory_space<vmem>> -> memref<1x64xi32, #tpu.memory_space<vmem>>
      %dma_wait3A_197 = tpu.memref_squeeze %dma_wait3A_196 : memref<1x64xi32, #tpu.memory_space<vmem>> -> memref<64xi32, #tpu.memory_space<vmem>>
      %dma_wait3A_198 = arith.constant 0 : i32
      %dma_wait3A_199 = arith.constant 0 : i32
      %dma_wait3A_200 = tpu.memref_slice %arg4[%dma_wait3A_198, %dma_wait3A_199] : memref<100000x128xf32, #tpu.memory_space<hbm>> -> memref<100000x128xf32, #tpu.memory_space<hbm>>
      tpu.wait_indirect_dma semaphore(%arg12 : memref<!tpu.dma_semaphore, #tpu.memory_space<semaphore_mem>>) src(%dma_wait3A_200 : memref<100000x128xf32, #tpu.memory_space<hbm>>) dst(%dma_wait3A_194 : memref<64x128xf32, #tpu.memory_space<vmem>>)
      %mul3A_201 = arith.constant 4 : i32
      %mul3A_202 = arith.muli %mul3A_201, %scan3A_11 : i32
      %add3A_203 = arith.constant 1 : i32
      %add3A_204 = arith.addi %mul3A_202, %add3A_203 : i32
      %mul3A_205 = arith.constant 64 : i32
      %mul3A_206 = arith.muli %add3A_204, %mul3A_205 : i32
      %multiple_of3A_207 = tpu.assume_multiple %mul3A_206, 64 : i32
      %add3A_208 = arith.addi %multiple_of3A, %multiple_of3A_207 : i32
      %dma_start3A_209 = arith.constant 0 : i32
      %dma_start3A_210 = tpu.memref_slice %arg5[%add3A_208, %dma_start3A_209] : memref<81920x384xf32, #tpu.memory_space<hbm>> -> memref<64x384xf32, #tpu.memory_space<hbm>>
      %dma_start3A_211 = arith.constant 0 : i32
      %dma_start3A_212 = tpu.memref_slice %arg5[%add3A_208, %dma_start3A_211] : memref<81920x384xf32, #tpu.memory_space<hbm>> -> memref<64x384xf32, #tpu.memory_space<hbm>>
      tpu.enqueue_dma source(%arg8 : memref<64x384xf32, #tpu.memory_space<vmem>>) target(%dma_start3A_212 : memref<64x384xf32, #tpu.memory_space<hbm>>) target_semaphore(%arg16 : memref<!tpu.dma_semaphore, #tpu.memory_space<semaphore_mem>>)
      %dma_wait3A_213 = arith.constant 0 : i32
      %dma_wait3A_214 = arith.constant 0 : i32
      %dma_wait3A_215 = tpu.memref_slice %arg9[%dma_wait3A_213, %dma_wait3A_214] : memref<64x384xf32, #tpu.memory_space<vmem>> -> memref<64x128xf32, #tpu.memory_space<vmem>>
      %dma_wait3A_216 = arith.constant 0 : i32
      %dma_wait3A_217 = tpu.memref_slice %arg6[%add3A_77, %dma_wait3A_216] : memref<40x64xi32, #tpu.memory_space<vmem>> -> memref<1x64xi32, #tpu.memory_space<vmem>>
      %dma_wait3A_218 = tpu.memref_squeeze %dma_wait3A_217 : memref<1x64xi32, #tpu.memory_space<vmem>> -> memref<64xi32, #tpu.memory_space<vmem>>
      %dma_wait3A_219 = arith.constant 0 : i32
      %dma_wait3A_220 = arith.constant 0 : i32
      %dma_wait3A_221 = tpu.memref_slice %arg3[%dma_wait3A_219, %dma_wait3A_220] : memref<100000x300xf32, #tpu.memory_space<hbm>> -> memref<100000x128xf32, #tpu.memory_space<hbm>>
      tpu.wait_indirect_dma semaphore(%arg13 : memref<!tpu.dma_semaphore, #tpu.memory_space<semaphore_mem>>) src(%dma_wait3A_221 : memref<100000x128xf32, #tpu.memory_space<hbm>>) dst(%dma_wait3A_215 : memref<64x128xf32, #tpu.memory_space<vmem>>)
      %dma_wait3A_222 = arith.constant 0 : i32
      %dma_wait3A_223 = arith.constant 128 : i32
      %dma_wait3A_224 = tpu.memref_slice %arg9[%dma_wait3A_222, %dma_wait3A_223] : memref<64x384xf32, #tpu.memory_space<vmem>> -> memref<64x128xf32, #tpu.memory_space<vmem>>
      %dma_wait3A_225 = arith.constant 0 : i32
      %dma_wait3A_226 = tpu.memref_slice %arg6[%add3A_77, %dma_wait3A_225] : memref<40x64xi32, #tpu.memory_space<vmem>> -> memref<1x64xi32, #tpu.memory_space<vmem>>
      %dma_wait3A_227 = tpu.memref_squeeze %dma_wait3A_226 : memref<1x64xi32, #tpu.memory_space<vmem>> -> memref<64xi32, #tpu.memory_space<vmem>>
      %dma_wait3A_228 = arith.constant 0 : i32
      %dma_wait3A_229 = arith.constant 128 : i32
      %dma_wait3A_230 = tpu.memref_slice %arg3[%dma_wait3A_228, %dma_wait3A_229] : memref<100000x300xf32, #tpu.memory_space<hbm>> -> memref<100000x128xf32, #tpu.memory_space<hbm>>
      tpu.wait_indirect_dma semaphore(%arg13 : memref<!tpu.dma_semaphore, #tpu.memory_space<semaphore_mem>>) src(%dma_wait3A_230 : memref<100000x128xf32, #tpu.memory_space<hbm>>) dst(%dma_wait3A_224 : memref<64x128xf32, #tpu.memory_space<vmem>>)
      %dma_wait3A_231 = arith.constant 0 : i32
      %dma_wait3A_232 = arith.constant 256 : i32
      %dma_wait3A_233 = tpu.memref_slice %arg9[%dma_wait3A_231, %dma_wait3A_232] : memref<64x384xf32, #tpu.memory_space<vmem>> -> memref<64x128xf32, #tpu.memory_space<vmem>>
      %dma_wait3A_234 = arith.constant 0 : i32
      %dma_wait3A_235 = tpu.memref_slice %arg6[%add3A_77, %dma_wait3A_234] : memref<40x64xi32, #tpu.memory_space<vmem>> -> memref<1x64xi32, #tpu.memory_space<vmem>>
      %dma_wait3A_236 = tpu.memref_squeeze %dma_wait3A_235 : memref<1x64xi32, #tpu.memory_space<vmem>> -> memref<64xi32, #tpu.memory_space<vmem>>
      %dma_wait3A_237 = arith.constant 0 : i32
      %dma_wait3A_238 = arith.constant 0 : i32
      %dma_wait3A_239 = tpu.memref_slice %arg4[%dma_wait3A_237, %dma_wait3A_238] : memref<100000x128xf32, #tpu.memory_space<hbm>> -> memref<100000x128xf32, #tpu.memory_space<hbm>>
      tpu.wait_indirect_dma semaphore(%arg13 : memref<!tpu.dma_semaphore, #tpu.memory_space<semaphore_mem>>) src(%dma_wait3A_239 : memref<100000x128xf32, #tpu.memory_space<hbm>>) dst(%dma_wait3A_233 : memref<64x128xf32, #tpu.memory_space<vmem>>)
      %mul3A_240 = arith.constant 4 : i32
      %mul3A_241 = arith.muli %mul3A_240, %scan3A_11 : i32
      %add3A_242 = arith.constant 2 : i32
      %add3A_243 = arith.addi %mul3A_241, %add3A_242 : i32
      %mul3A_244 = arith.constant 64 : i32
      %mul3A_245 = arith.muli %add3A_243, %mul3A_244 : i32
      %multiple_of3A_246 = tpu.assume_multiple %mul3A_245, 64 : i32
      %add3A_247 = arith.addi %multiple_of3A, %multiple_of3A_246 : i32
      %dma_start3A_248 = arith.constant 0 : i32
      %dma_start3A_249 = tpu.memref_slice %arg5[%add3A_247, %dma_start3A_248] : memref<81920x384xf32, #tpu.memory_space<hbm>> -> memref<64x384xf32, #tpu.memory_space<hbm>>
      %dma_start3A_250 = arith.constant 0 : i32
      %dma_start3A_251 = tpu.memref_slice %arg5[%add3A_247, %dma_start3A_250] : memref<81920x384xf32, #tpu.memory_space<hbm>> -> memref<64x384xf32, #tpu.memory_space<hbm>>
      tpu.enqueue_dma source(%arg9 : memref<64x384xf32, #tpu.memory_space<vmem>>) target(%dma_start3A_251 : memref<64x384xf32, #tpu.memory_space<hbm>>) target_semaphore(%arg17 : memref<!tpu.dma_semaphore, #tpu.memory_space<semaphore_mem>>)
      %dma_wait3A_252 = arith.constant 0 : i32
      %dma_wait3A_253 = arith.constant 0 : i32
      %dma_wait3A_254 = tpu.memref_slice %arg10[%dma_wait3A_252, %dma_wait3A_253] : memref<64x384xf32, #tpu.memory_space<vmem>> -> memref<64x128xf32, #tpu.memory_space<vmem>>
      %dma_wait3A_255 = arith.constant 0 : i32
      %dma_wait3A_256 = tpu.memref_slice %arg6[%add3A_108, %dma_wait3A_255] : memref<40x64xi32, #tpu.memory_space<vmem>> -> memref<1x64xi32, #tpu.memory_space<vmem>>
      %dma_wait3A_257 = tpu.memref_squeeze %dma_wait3A_256 : memref<1x64xi32, #tpu.memory_space<vmem>> -> memref<64xi32, #tpu.memory_space<vmem>>
      %dma_wait3A_258 = arith.constant 0 : i32
      %dma_wait3A_259 = arith.constant 0 : i32
      %dma_wait3A_260 = tpu.memref_slice %arg3[%dma_wait3A_258, %dma_wait3A_259] : memref<100000x300xf32, #tpu.memory_space<hbm>> -> memref<100000x128xf32, #tpu.memory_space<hbm>>
      tpu.wait_indirect_dma semaphore(%arg14 : memref<!tpu.dma_semaphore, #tpu.memory_space<semaphore_mem>>) src(%dma_wait3A_260 : memref<100000x128xf32, #tpu.memory_space<hbm>>) dst(%dma_wait3A_254 : memref<64x128xf32, #tpu.memory_space<vmem>>)
      %dma_wait3A_261 = arith.constant 0 : i32
      %dma_wait3A_262 = arith.constant 128 : i32
      %dma_wait3A_263 = tpu.memref_slice %arg10[%dma_wait3A_261, %dma_wait3A_262] : memref<64x384xf32, #tpu.memory_space<vmem>> -> memref<64x128xf32, #tpu.memory_space<vmem>>
      %dma_wait3A_264 = arith.constant 0 : i32
      %dma_wait3A_265 = tpu.memref_slice %arg6[%add3A_108, %dma_wait3A_264] : memref<40x64xi32, #tpu.memory_space<vmem>> -> memref<1x64xi32, #tpu.memory_space<vmem>>
      %dma_wait3A_266 = tpu.memref_squeeze %dma_wait3A_265 : memref<1x64xi32, #tpu.memory_space<vmem>> -> memref<64xi32, #tpu.memory_space<vmem>>
      %dma_wait3A_267 = arith.constant 0 : i32
      %dma_wait3A_268 = arith.constant 128 : i32
      %dma_wait3A_269 = tpu.memref_slice %arg3[%dma_wait3A_267, %dma_wait3A_268] : memref<100000x300xf32, #tpu.memory_space<hbm>> -> memref<100000x128xf32, #tpu.memory_space<hbm>>
      tpu.wait_indirect_dma semaphore(%arg14 : memref<!tpu.dma_semaphore, #tpu.memory_space<semaphore_mem>>) src(%dma_wait3A_269 : memref<100000x128xf32, #tpu.memory_space<hbm>>) dst(%dma_wait3A_263 : memref<64x128xf32, #tpu.memory_space<vmem>>)
      %dma_wait3A_270 = arith.constant 0 : i32
      %dma_wait3A_271 = arith.constant 256 : i32
      %dma_wait3A_272 = tpu.memref_slice %arg10[%dma_wait3A_270, %dma_wait3A_271] : memref<64x384xf32, #tpu.memory_space<vmem>> -> memref<64x128xf32, #tpu.memory_space<vmem>>
      %dma_wait3A_273 = arith.constant 0 : i32
      %dma_wait3A_274 = tpu.memref_slice %arg6[%add3A_108, %dma_wait3A_273] : memref<40x64xi32, #tpu.memory_space<vmem>> -> memref<1x64xi32, #tpu.memory_space<vmem>>
      %dma_wait3A_275 = tpu.memref_squeeze %dma_wait3A_274 : memref<1x64xi32, #tpu.memory_space<vmem>> -> memref<64xi32, #tpu.memory_space<vmem>>
      %dma_wait3A_276 = arith.constant 0 : i32
      %dma_wait3A_277 = arith.constant 0 : i32
      %dma_wait3A_278 = tpu.memref_slice %arg4[%dma_wait3A_276, %dma_wait3A_277] : memref<100000x128xf32, #tpu.memory_space<hbm>> -> memref<100000x128xf32, #tpu.memory_space<hbm>>
      tpu.wait_indirect_dma semaphore(%arg14 : memref<!tpu.dma_semaphore, #tpu.memory_space<semaphore_mem>>) src(%dma_wait3A_278 : memref<100000x128xf32, #tpu.memory_space<hbm>>) dst(%dma_wait3A_272 : memref<64x128xf32, #tpu.memory_space<vmem>>)
      %mul3A_279 = arith.constant 4 : i32
      %mul3A_280 = arith.muli %mul3A_279, %scan3A_11 : i32
      %add3A_281 = arith.constant 3 : i32
      %add3A_282 = arith.addi %mul3A_280, %add3A_281 : i32
      %mul3A_283 = arith.constant 64 : i32
      %mul3A_284 = arith.muli %add3A_282, %mul3A_283 : i32
      %multiple_of3A_285 = tpu.assume_multiple %mul3A_284, 64 : i32
      %add3A_286 = arith.addi %multiple_of3A, %multiple_of3A_285 : i32
      %dma_start3A_287 = arith.constant 0 : i32
      %dma_start3A_288 = tpu.memref_slice %arg5[%add3A_286, %dma_start3A_287] : memref<81920x384xf32, #tpu.memory_space<hbm>> -> memref<64x384xf32, #tpu.memory_space<hbm>>
      %dma_start3A_289 = arith.constant 0 : i32
      %dma_start3A_290 = tpu.memref_slice %arg5[%add3A_286, %dma_start3A_289] : memref<81920x384xf32, #tpu.memory_space<hbm>> -> memref<64x384xf32, #tpu.memory_space<hbm>>
      tpu.enqueue_dma source(%arg10 : memref<64x384xf32, #tpu.memory_space<vmem>>) target(%dma_start3A_290 : memref<64x384xf32, #tpu.memory_space<hbm>>) target_semaphore(%arg18 : memref<!tpu.dma_semaphore, #tpu.memory_space<semaphore_mem>>)
      %dma_wait3A_291 = arith.constant 0 : i32
      %dma_wait3A_292 = tpu.memref_slice %arg5[%add3A_169, %dma_wait3A_291] : memref<81920x384xf32, #tpu.memory_space<hbm>> -> memref<64x384xf32, #tpu.memory_space<hbm>>
      %dma_wait3A_293 = arith.constant 0 : i32
      %dma_wait3A_294 = tpu.memref_slice %arg5[%add3A_169, %dma_wait3A_293] : memref<81920x384xf32, #tpu.memory_space<hbm>> -> memref<64x384xf32, #tpu.memory_space<hbm>>
      tpu.wait_dma2 semaphore(%arg15 : memref<!tpu.dma_semaphore, #tpu.memory_space<semaphore_mem>>) src(%arg7 : memref<64x384xf32, #tpu.memory_space<vmem>>) dst(%dma_wait3A_294 : memref<64x384xf32, #tpu.memory_space<hbm>>)
      %dma_wait3A_295 = arith.constant 0 : i32
      %dma_wait3A_296 = tpu.memref_slice %arg5[%add3A_208, %dma_wait3A_295] : memref<81920x384xf32, #tpu.memory_space<hbm>> -> memref<64x384xf32, #tpu.memory_space<hbm>>
      %dma_wait3A_297 = arith.constant 0 : i32
      %dma_wait3A_298 = tpu.memref_slice %arg5[%add3A_208, %dma_wait3A_297] : memref<81920x384xf32, #tpu.memory_space<hbm>> -> memref<64x384xf32, #tpu.memory_space<hbm>>
      tpu.wait_dma2 semaphore(%arg16 : memref<!tpu.dma_semaphore, #tpu.memory_space<semaphore_mem>>) src(%arg8 : memref<64x384xf32, #tpu.memory_space<vmem>>) dst(%dma_wait3A_298 : memref<64x384xf32, #tpu.memory_space<hbm>>)
      %dma_wait3A_299 = arith.constant 0 : i32
      %dma_wait3A_300 = tpu.memref_slice %arg5[%add3A_247, %dma_wait3A_299] : memref<81920x384xf32, #tpu.memory_space<hbm>> -> memref<64x384xf32, #tpu.memory_space<hbm>>
      %dma_wait3A_301 = arith.constant 0 : i32
      %dma_wait3A_302 = tpu.memref_slice %arg5[%add3A_247, %dma_wait3A_301] : memref<81920x384xf32, #tpu.memory_space<hbm>> -> memref<64x384xf32, #tpu.memory_space<hbm>>
      tpu.wait_dma2 semaphore(%arg17 : memref<!tpu.dma_semaphore, #tpu.memory_space<semaphore_mem>>) src(%arg9 : memref<64x384xf32, #tpu.memory_space<vmem>>) dst(%dma_wait3A_302 : memref<64x384xf32, #tpu.memory_space<hbm>>)
      %dma_wait3A_303 = arith.constant 0 : i32
      %dma_wait3A_304 = tpu.memref_slice %arg5[%add3A_286, %dma_wait3A_303] : memref<81920x384xf32, #tpu.memory_space<hbm>> -> memref<64x384xf32, #tpu.memory_space<hbm>>
      %dma_wait3A_305 = arith.constant 0 : i32
      %dma_wait3A_306 = tpu.memref_slice %arg5[%add3A_286, %dma_wait3A_305] : memref<81920x384xf32, #tpu.memory_space<hbm>> -> memref<64x384xf32, #tpu.memory_space<hbm>>
      tpu.wait_dma2 semaphore(%arg18 : memref<!tpu.dma_semaphore, #tpu.memory_space<semaphore_mem>>) src(%arg10 : memref<64x384xf32, #tpu.memory_space<vmem>>) dst(%dma_wait3A_306 : memref<64x384xf32, #tpu.memory_space<hbm>>)
      %scan3A_307 = arith.constant 0 : i32
      scf.yield %scan3A_307 : i32
    }
    %scan3A_10 = arith.constant 10 : i32
    return
  }
}

#map = affine_map<(d0, d1) -> (0, 0, 0)>
#map1 = affine_map<(d0, d1) -> (0, 0)>
module attributes {stable_mosaic.version = 14 : i64} {
  func.func @sc_gather(%arg0: i32, %arg1: i32, %arg2: memref<32x40x64xi32, #tpu.memory_space<hbm>>, %arg3: memref<100000x300xf32, #tpu.memory_space<hbm>>, %arg4: memref<100000x128xf32, #tpu.memory_space<hbm>>, %arg5: memref<81920x384xf32, #tpu.memory_space<hbm>>, %arg6: memref<40x64xi32, #tpu.memory_space<vmem>>, %arg7: memref<64x384xf32, #tpu.memory_space<vmem>>, %arg8: memref<64x384xf32, #tpu.memory_space<vmem>>, %arg9: memref<64x384xf32, #tpu.memory_space<vmem>>, %arg10: memref<64x384xf32, #tpu.memory_space<vmem>>, %arg11: memref<!tpu.dma_semaphore, #tpu.memory_space<semaphore_mem>>, %arg12: memref<!tpu.dma_semaphore, #tpu.memory_space<semaphore_mem>>, %arg13: memref<!tpu.dma_semaphore, #tpu.memory_space<semaphore_mem>>, %arg14: memref<!tpu.dma_semaphore, #tpu.memory_space<semaphore_mem>>, %arg15: memref<!tpu.dma_semaphore, #tpu.memory_space<semaphore_mem>>, %arg16: memref<!tpu.dma_semaphore, #tpu.memory_space<semaphore_mem>>, %arg17: memref<!tpu.dma_semaphore, #tpu.memory_space<semaphore_mem>>, %arg18: memref<!tpu.dma_semaphore, #tpu.memory_space<semaphore_mem>>) attributes {dimension_semantics = [#tpu.dimension_semantics<core_parallel>, #tpu.dimension_semantics<subcore_parallel>], iteration_bounds = array<i64: 2, 16>, scalar_prefetch = 0 : i64, scratch_operands = 13 : i64, tpu.core_type = #tpu.core_type<sc_vector_subcore>, window_params = [{transform_indices = #map}, {transform_indices = #map1}, {transform_indices = #map1}, {transform_indices = #map1}]} {
    %mul3A = arith.constant 2 : i32
    %mul3A_0 = arith.muli %arg1, %mul3A : i32
    %add3A = arith.addi %mul3A_0, %arg0 : i32
    %mul3A_1 = arith.constant 40 : i32
    %mul3A_2 = arith.muli %add3A, %mul3A_1 : i32
    %mul3A_3 = arith.constant 64 : i32
    %mul3A_4 = arith.muli %mul3A_2, %mul3A_3 : i32
    %multiple_of3A = tpu.assume_multiple %mul3A_4, 64 : i32
    "tpu.region"() ({
      %run_scoped3A = tpu.sem_alloc : memref<!tpu.dma_semaphore, #tpu.memory_space<semaphore_mem>>
      %dma_start3A = arith.constant 0 : i32
      %dma_start3A_11 = arith.constant 0 : i32
      %dma_start3A_12 = tpu.memref_slice %arg2[%add3A, %dma_start3A, %dma_start3A_11] : memref<32x40x64xi32, #tpu.memory_space<hbm>> -> memref<1x40x64xi32, #tpu.memory_space<hbm>>
      %dma_start3A_13 = tpu.memref_squeeze %dma_start3A_12 : memref<1x40x64xi32, #tpu.memory_space<hbm>> -> memref<40x64xi32, #tpu.memory_space<hbm>>
      %dma_start3A_14 = arith.constant 0 : i32
      %dma_start3A_15 = arith.constant 0 : i32
      %dma_start3A_16 = tpu.memref_slice %arg2[%add3A, %dma_start3A_14, %dma_start3A_15] : memref<32x40x64xi32, #tpu.memory_space<hbm>> -> memref<1x40x64xi32, #tpu.memory_space<hbm>>
      %dma_start3A_17 = tpu.memref_squeeze %dma_start3A_16 : memref<1x40x64xi32, #tpu.memory_space<hbm>> -> memref<40x64xi32, #tpu.memory_space<hbm>>
      tpu.enqueue_dma source(%dma_start3A_17 : memref<40x64xi32, #tpu.memory_space<hbm>>) target(%arg6 : memref<40x64xi32, #tpu.memory_space<vmem>>) target_semaphore(%run_scoped3A : memref<!tpu.dma_semaphore, #tpu.memory_space<semaphore_mem>>)
      %dma_wait3A = arith.constant 0 : i32
      %dma_wait3A_18 = arith.constant 0 : i32
      %dma_wait3A_19 = tpu.memref_slice %arg2[%add3A, %dma_wait3A, %dma_wait3A_18] : memref<32x40x64xi32, #tpu.memory_space<hbm>> -> memref<1x40x64xi32, #tpu.memory_space<hbm>>
      %dma_wait3A_20 = tpu.memref_squeeze %dma_wait3A_19 : memref<1x40x64xi32, #tpu.memory_space<hbm>> -> memref<40x64xi32, #tpu.memory_space<hbm>>
      %dma_wait3A_21 = arith.constant 0 : i32
      %dma_wait3A_22 = arith.constant 0 : i32
      %dma_wait3A_23 = tpu.memref_slice %arg2[%add3A, %dma_wait3A_21, %dma_wait3A_22] : memref<32x40x64xi32, #tpu.memory_space<hbm>> -> memref<1x40x64xi32, #tpu.memory_space<hbm>>
      %dma_wait3A_24 = tpu.memref_squeeze %dma_wait3A_23 : memref<1x40x64xi32, #tpu.memory_space<hbm>> -> memref<40x64xi32, #tpu.memory_space<hbm>>
      tpu.wait_dma2 semaphore(%run_scoped3A : memref<!tpu.dma_semaphore, #tpu.memory_space<semaphore_mem>>) src(%dma_wait3A_24 : memref<40x64xi32, #tpu.memory_space<hbm>>) dst(%arg6 : memref<40x64xi32, #tpu.memory_space<vmem>>)
      tpu.yield
    }) : () -> ()
    %scan3A = arith.constant 0 : i32
    %scan3A_5 = arith.constant 0 : i32
    %scan3A_6 = arith.constant 10 : i32
    %scan3A_7 = arith.addi %scan3A_5, %scan3A_6 : i32
    %scan3A_8 = arith.constant 1 : i32
    %scan3A_9 = scf.for %scan3A_11 = %scan3A_5 to %scan3A_7 step %scan3A_8 iter_args(%scan3A_12 = %scan3A) -> (i32)  : i32 {
      %mul3A_13 = arith.constant 4 : i32
      %mul3A_14 = arith.muli %mul3A_13, %scan3A_11 : i32
      %add3A_15 = arith.constant 0 : i32
      %add3A_16 = arith.addi %mul3A_14, %add3A_15 : i32
      %dma_start3A = arith.constant 0 : i32
      %dma_start3A_17 = arith.constant 0 : i32
      %dma_start3A_18 = tpu.memref_slice %arg7[%dma_start3A, %dma_start3A_17] : memref<64x384xf32, #tpu.memory_space<vmem>> -> memref<64x128xf32, #tpu.memory_space<vmem>>
      %dma_start3A_19 = arith.constant 0 : i32
      %dma_start3A_20 = tpu.memref_slice %arg6[%add3A_16, %dma_start3A_19] : memref<40x64xi32, #tpu.memory_space<vmem>> -> memref<1x64xi32, #tpu.memory_space<vmem>>
      %dma_start3A_21 = tpu.memref_squeeze %dma_start3A_20 : memref<1x64xi32, #tpu.memory_space<vmem>> -> memref<64xi32, #tpu.memory_space<vmem>>
      %dma_start3A_22 = arith.constant 0 : i32
      %dma_start3A_23 = arith.constant 0 : i32
      %dma_start3A_24 = tpu.memref_slice %arg3[%dma_start3A_22, %dma_start3A_23] : memref<100000x300xf32, #tpu.memory_space<hbm>> -> memref<100000x128xf32, #tpu.memory_space<hbm>>
      tpu.enqueue_indirect_dma source(%dma_start3A_24 : memref<100000x128xf32, #tpu.memory_space<hbm>>) target(%dma_start3A_18 : memref<64x128xf32, #tpu.memory_space<vmem>>) offsets(%dma_start3A_21 : memref<64xi32, #tpu.memory_space<vmem>>) semaphore(%arg11 : memref<!tpu.dma_semaphore, #tpu.memory_space<semaphore_mem>>)
      %dma_start3A_25 = arith.constant 0 : i32
      %dma_start3A_26 = arith.constant 128 : i32
      %dma_start3A_27 = tpu.memref_slice %arg7[%dma_start3A_25, %dma_start3A_26] : memref<64x384xf32, #tpu.memory_space<vmem>> -> memref<64x128xf32, #tpu.memory_space<vmem>>
      %dma_start3A_28 = arith.constant 0 : i32
      %dma_start3A_29 = tpu.memref_slice %arg6[%add3A_16, %dma_start3A_28] : memref<40x64xi32, #tpu.memory_space<vmem>> -> memref<1x64xi32, #tpu.memory_space<vmem>>
      %dma_start3A_30 = tpu.memref_squeeze %dma_start3A_29 : memref<1x64xi32, #tpu.memory_space<vmem>> -> memref<64xi32, #tpu.memory_space<vmem>>
      %dma_start3A_31 = arith.constant 0 : i32
      %dma_start3A_32 = arith.constant 128 : i32
      %dma_start3A_33 = tpu.memref_slice %arg3[%dma_start3A_31, %dma_start3A_32] : memref<100000x300xf32, #tpu.memory_space<hbm>> -> memref<100000x128xf32, #tpu.memory_space<hbm>>
      tpu.enqueue_indirect_dma source(%dma_start3A_33 : memref<100000x128xf32, #tpu.memory_space<hbm>>) target(%dma_start3A_27 : memref<64x128xf32, #tpu.memory_space<vmem>>) offsets(%dma_start3A_30 : memref<64xi32, #tpu.memory_space<vmem>>) semaphore(%arg11 : memref<!tpu.dma_semaphore, #tpu.memory_space<semaphore_mem>>)
      %dma_start3A_34 = arith.constant 0 : i32
      %dma_start3A_35 = arith.constant 256 : i32
      %dma_start3A_36 = tpu.memref_slice %arg7[%dma_start3A_34, %dma_start3A_35] : memref<64x384xf32, #tpu.memory_space<vmem>> -> memref<64x128xf32, #tpu.memory_space<vmem>>
      %dma_start3A_37 = arith.constant 0 : i32
      %dma_start3A_38 = tpu.memref_slice %arg6[%add3A_16, %dma_start3A_37] : memref<40x64xi32, #tpu.memory_space<vmem>> -> memref<1x64xi32, #tpu.memory_space<vmem>>
      %dma_start3A_39 = tpu.memref_squeeze %dma_start3A_38 : memref<1x64xi32, #tpu.memory_space<vmem>> -> memref<64xi32, #tpu.memory_space<vmem>>
      %dma_start3A_40 = arith.constant 0 : i32
      %dma_start3A_41 = arith.constant 0 : i32
      %dma_start3A_42 = tpu.memref_slice %arg4[%dma_start3A_40, %dma_start3A_41] : memref<100000x128xf32, #tpu.memory_space<hbm>> -> memref<100000x128xf32, #tpu.memory_space<hbm>>
      tpu.enqueue_indirect_dma source(%dma_start3A_42 : memref<100000x128xf32, #tpu.memory_space<hbm>>) target(%dma_start3A_36 : memref<64x128xf32, #tpu.memory_space<vmem>>) offsets(%dma_start3A_39 : memref<64xi32, #tpu.memory_space<vmem>>) semaphore(%arg11 : memref<!tpu.dma_semaphore, #tpu.memory_space<semaphore_mem>>)
      %mul3A_43 = arith.constant 4 : i32
      %mul3A_44 = arith.muli %mul3A_43, %scan3A_11 : i32
      %add3A_45 = arith.constant 1 : i32
      %add3A_46 = arith.addi %mul3A_44, %add3A_45 : i32
      %dma_start3A_47 = arith.constant 0 : i32
      %dma_start3A_48 = arith.constant 0 : i32
      %dma_start3A_49 = tpu.memref_slice %arg8[%dma_start3A_47, %dma_start3A_48] : memref<64x384xf32, #tpu.memory_space<vmem>> -> memref<64x128xf32, #tpu.memory_space<vmem>>
      %dma_start3A_50 = arith.constant 0 : i32
      %dma_start3A_51 = tpu.memref_slice %arg6[%add3A_46, %dma_start3A_50] : memref<40x64xi32, #tpu.memory_space<vmem>> -> memref<1x64xi32, #tpu.memory_space<vmem>>
      %dma_start3A_52 = tpu.memref_squeeze %dma_start3A_51 : memref<1x64xi32, #tpu.memory_space<vmem>> -> memref<64xi32, #tpu.memory_space<vmem>>
      %dma_start3A_53 = arith.constant 0 : i32
      %dma_start3A_54 = arith.constant 0 : i32
      %dma_start3A_55 = tpu.memref_slice %arg3[%dma_start3A_53, %dma_start3A_54] : memref<100000x300xf32, #tpu.memory_space<hbm>> -> memref<100000x128xf32, #tpu.memory_space<hbm>>
      tpu.enqueue_indirect_dma source(%dma_start3A_55 : memref<100000x128xf32, #tpu.memory_space<hbm>>) target(%dma_start3A_49 : memref<64x128xf32, #tpu.memory_space<vmem>>) offsets(%dma_start3A_52 : memref<64xi32, #tpu.memory_space<vmem>>) semaphore(%arg12 : memref<!tpu.dma_semaphore, #tpu.memory_space<semaphore_mem>>)
      %dma_start3A_56 = arith.constant 0 : i32
      %dma_start3A_57 = arith.constant 128 : i32
      %dma_start3A_58 = tpu.memref_slice %arg8[%dma_start3A_56, %dma_start3A_57] : memref<64x384xf32, #tpu.memory_space<vmem>> -> memref<64x128xf32, #tpu.memory_space<vmem>>
      %dma_start3A_59 = arith.constant 0 : i32
      %dma_start3A_60 = tpu.memref_slice %arg6[%add3A_46, %dma_start3A_59] : memref<40x64xi32, #tpu.memory_space<vmem>> -> memref<1x64xi32, #tpu.memory_space<vmem>>
      %dma_start3A_61 = tpu.memref_squeeze %dma_start3A_60 : memref<1x64xi32, #tpu.memory_space<vmem>> -> memref<64xi32, #tpu.memory_space<vmem>>
      %dma_start3A_62 = arith.constant 0 : i32
      %dma_start3A_63 = arith.constant 128 : i32
      %dma_start3A_64 = tpu.memref_slice %arg3[%dma_start3A_62, %dma_start3A_63] : memref<100000x300xf32, #tpu.memory_space<hbm>> -> memref<100000x128xf32, #tpu.memory_space<hbm>>
      tpu.enqueue_indirect_dma source(%dma_start3A_64 : memref<100000x128xf32, #tpu.memory_space<hbm>>) target(%dma_start3A_58 : memref<64x128xf32, #tpu.memory_space<vmem>>) offsets(%dma_start3A_61 : memref<64xi32, #tpu.memory_space<vmem>>) semaphore(%arg12 : memref<!tpu.dma_semaphore, #tpu.memory_space<semaphore_mem>>)
      %dma_start3A_65 = arith.constant 0 : i32
      %dma_start3A_66 = arith.constant 256 : i32
      %dma_start3A_67 = tpu.memref_slice %arg8[%dma_start3A_65, %dma_start3A_66] : memref<64x384xf32, #tpu.memory_space<vmem>> -> memref<64x128xf32, #tpu.memory_space<vmem>>
      %dma_start3A_68 = arith.constant 0 : i32
      %dma_start3A_69 = tpu.memref_slice %arg6[%add3A_46, %dma_start3A_68] : memref<40x64xi32, #tpu.memory_space<vmem>> -> memref<1x64xi32, #tpu.memory_space<vmem>>
      %dma_start3A_70 = tpu.memref_squeeze %dma_start3A_69 : memref<1x64xi32, #tpu.memory_space<vmem>> -> memref<64xi32, #tpu.memory_space<vmem>>
      %dma_start3A_71 = arith.constant 0 : i32
      %dma_start3A_72 = arith.constant 0 : i32
      %dma_start3A_73 = tpu.memref_slice %arg4[%dma_start3A_71, %dma_start3A_72] : memref<100000x128xf32, #tpu.memory_space<hbm>> -> memref<100000x128xf32, #tpu.memory_space<hbm>>
      tpu.enqueue_indirect_dma source(%dma_start3A_73 : memref<100000x128xf32, #tpu.memory_space<hbm>>) target(%dma_start3A_67 : memref<64x128xf32, #tpu.memory_space<vmem>>) offsets(%dma_start3A_70 : memref<64xi32, #tpu.memory_space<vmem>>) semaphore(%arg12 : memref<!tpu.dma_semaphore, #tpu.memory_space<semaphore_mem>>)
      %mul3A_74 = arith.constant 4 : i32
      %mul3A_75 = arith.muli %mul3A_74, %scan3A_11 : i32
      %add3A_76 = arith.constant 2 : i32
      %add3A_77 = arith.addi %mul3A_75, %add3A_76 : i32
      %dma_start3A_78 = arith.constant 0 : i32
      %dma_start3A_79 = arith.constant 0 : i32
      %dma_start3A_80 = tpu.memref_slice %arg9[%dma_start3A_78, %dma_start3A_79] : memref<64x384xf32, #tpu.memory_space<vmem>> -> memref<64x128xf32, #tpu.memory_space<vmem>>
      %dma_start3A_81 = arith.constant 0 : i32
      %dma_start3A_82 = tpu.memref_slice %arg6[%add3A_77, %dma_start3A_81] : memref<40x64xi32, #tpu.memory_space<vmem>> -> memref<1x64xi32, #tpu.memory_space<vmem>>
      %dma_start3A_83 = tpu.memref_squeeze %dma_start3A_82 : memref<1x64xi32, #tpu.memory_space<vmem>> -> memref<64xi32, #tpu.memory_space<vmem>>
      %dma_start3A_84 = arith.constant 0 : i32
      %dma_start3A_85 = arith.constant 0 : i32
      %dma_start3A_86 = tpu.memref_slice %arg3[%dma_start3A_84, %dma_start3A_85] : memref<100000x300xf32, #tpu.memory_space<hbm>> -> memref<100000x128xf32, #tpu.memory_space<hbm>>
      tpu.enqueue_indirect_dma source(%dma_start3A_86 : memref<100000x128xf32, #tpu.memory_space<hbm>>) target(%dma_start3A_80 : memref<64x128xf32, #tpu.memory_space<vmem>>) offsets(%dma_start3A_83 : memref<64xi32, #tpu.memory_space<vmem>>) semaphore(%arg13 : memref<!tpu.dma_semaphore, #tpu.memory_space<semaphore_mem>>)
      %dma_start3A_87 = arith.constant 0 : i32
      %dma_start3A_88 = arith.constant 128 : i32
      %dma_start3A_89 = tpu.memref_slice %arg9[%dma_start3A_87, %dma_start3A_88] : memref<64x384xf32, #tpu.memory_space<vmem>> -> memref<64x128xf32, #tpu.memory_space<vmem>>
      %dma_start3A_90 = arith.constant 0 : i32
      %dma_start3A_91 = tpu.memref_slice %arg6[%add3A_77, %dma_start3A_90] : memref<40x64xi32, #tpu.memory_space<vmem>> -> memref<1x64xi32, #tpu.memory_space<vmem>>
      %dma_start3A_92 = tpu.memref_squeeze %dma_start3A_91 : memref<1x64xi32, #tpu.memory_space<vmem>> -> memref<64xi32, #tpu.memory_space<vmem>>
      %dma_start3A_93 = arith.constant 0 : i32
      %dma_start3A_94 = arith.constant 128 : i32
      %dma_start3A_95 = tpu.memref_slice %arg3[%dma_start3A_93, %dma_start3A_94] : memref<100000x300xf32, #tpu.memory_space<hbm>> -> memref<100000x128xf32, #tpu.memory_space<hbm>>
      tpu.enqueue_indirect_dma source(%dma_start3A_95 : memref<100000x128xf32, #tpu.memory_space<hbm>>) target(%dma_start3A_89 : memref<64x128xf32, #tpu.memory_space<vmem>>) offsets(%dma_start3A_92 : memref<64xi32, #tpu.memory_space<vmem>>) semaphore(%arg13 : memref<!tpu.dma_semaphore, #tpu.memory_space<semaphore_mem>>)
      %dma_start3A_96 = arith.constant 0 : i32
      %dma_start3A_97 = arith.constant 256 : i32
      %dma_start3A_98 = tpu.memref_slice %arg9[%dma_start3A_96, %dma_start3A_97] : memref<64x384xf32, #tpu.memory_space<vmem>> -> memref<64x128xf32, #tpu.memory_space<vmem>>
      %dma_start3A_99 = arith.constant 0 : i32
      %dma_start3A_100 = tpu.memref_slice %arg6[%add3A_77, %dma_start3A_99] : memref<40x64xi32, #tpu.memory_space<vmem>> -> memref<1x64xi32, #tpu.memory_space<vmem>>
      %dma_start3A_101 = tpu.memref_squeeze %dma_start3A_100 : memref<1x64xi32, #tpu.memory_space<vmem>> -> memref<64xi32, #tpu.memory_space<vmem>>
      %dma_start3A_102 = arith.constant 0 : i32
      %dma_start3A_103 = arith.constant 0 : i32
      %dma_start3A_104 = tpu.memref_slice %arg4[%dma_start3A_102, %dma_start3A_103] : memref<100000x128xf32, #tpu.memory_space<hbm>> -> memref<100000x128xf32, #tpu.memory_space<hbm>>
      tpu.enqueue_indirect_dma source(%dma_start3A_104 : memref<100000x128xf32, #tpu.memory_space<hbm>>) target(%dma_start3A_98 : memref<64x128xf32, #tpu.memory_space<vmem>>) offsets(%dma_start3A_101 : memref<64xi32, #tpu.memory_space<vmem>>) semaphore(%arg13 : memref<!tpu.dma_semaphore, #tpu.memory_space<semaphore_mem>>)
      %mul3A_105 = arith.constant 4 : i32
      %mul3A_106 = arith.muli %mul3A_105, %scan3A_11 : i32
      %add3A_107 = arith.constant 3 : i32
      %add3A_108 = arith.addi %mul3A_106, %add3A_107 : i32
      %dma_start3A_109 = arith.constant 0 : i32
      %dma_start3A_110 = arith.constant 0 : i32
      %dma_start3A_111 = tpu.memref_slice %arg10[%dma_start3A_109, %dma_start3A_110] : memref<64x384xf32, #tpu.memory_space<vmem>> -> memref<64x128xf32, #tpu.memory_space<vmem>>
      %dma_start3A_112 = arith.constant 0 : i32
      %dma_start3A_113 = tpu.memref_slice %arg6[%add3A_108, %dma_start3A_112] : memref<40x64xi32, #tpu.memory_space<vmem>> -> memref<1x64xi32, #tpu.memory_space<vmem>>
      %dma_start3A_114 = tpu.memref_squeeze %dma_start3A_113 : memref<1x64xi32, #tpu.memory_space<vmem>> -> memref<64xi32, #tpu.memory_space<vmem>>
      %dma_start3A_115 = arith.constant 0 : i32
      %dma_start3A_116 = arith.constant 0 : i32
      %dma_start3A_117 = tpu.memref_slice %arg3[%dma_start3A_115, %dma_start3A_116] : memref<100000x300xf32, #tpu.memory_space<hbm>> -> memref<100000x128xf32, #tpu.memory_space<hbm>>
      tpu.enqueue_indirect_dma source(%dma_start3A_117 : memref<100000x128xf32, #tpu.memory_space<hbm>>) target(%dma_start3A_111 : memref<64x128xf32, #tpu.memory_space<vmem>>) offsets(%dma_start3A_114 : memref<64xi32, #tpu.memory_space<vmem>>) semaphore(%arg14 : memref<!tpu.dma_semaphore, #tpu.memory_space<semaphore_mem>>)
      %dma_start3A_118 = arith.constant 0 : i32
      %dma_start3A_119 = arith.constant 128 : i32
      %dma_start3A_120 = tpu.memref_slice %arg10[%dma_start3A_118, %dma_start3A_119] : memref<64x384xf32, #tpu.memory_space<vmem>> -> memref<64x128xf32, #tpu.memory_space<vmem>>
      %dma_start3A_121 = arith.constant 0 : i32
      %dma_start3A_122 = tpu.memref_slice %arg6[%add3A_108, %dma_start3A_121] : memref<40x64xi32, #tpu.memory_space<vmem>> -> memref<1x64xi32, #tpu.memory_space<vmem>>
      %dma_start3A_123 = tpu.memref_squeeze %dma_start3A_122 : memref<1x64xi32, #tpu.memory_space<vmem>> -> memref<64xi32, #tpu.memory_space<vmem>>
      %dma_start3A_124 = arith.constant 0 : i32
      %dma_start3A_125 = arith.constant 128 : i32
      %dma_start3A_126 = tpu.memref_slice %arg3[%dma_start3A_124, %dma_start3A_125] : memref<100000x300xf32, #tpu.memory_space<hbm>> -> memref<100000x128xf32, #tpu.memory_space<hbm>>
      tpu.enqueue_indirect_dma source(%dma_start3A_126 : memref<100000x128xf32, #tpu.memory_space<hbm>>) target(%dma_start3A_120 : memref<64x128xf32, #tpu.memory_space<vmem>>) offsets(%dma_start3A_123 : memref<64xi32, #tpu.memory_space<vmem>>) semaphore(%arg14 : memref<!tpu.dma_semaphore, #tpu.memory_space<semaphore_mem>>)
      %dma_start3A_127 = arith.constant 0 : i32
      %dma_start3A_128 = arith.constant 256 : i32
      %dma_start3A_129 = tpu.memref_slice %arg10[%dma_start3A_127, %dma_start3A_128] : memref<64x384xf32, #tpu.memory_space<vmem>> -> memref<64x128xf32, #tpu.memory_space<vmem>>
      %dma_start3A_130 = arith.constant 0 : i32
      %dma_start3A_131 = tpu.memref_slice %arg6[%add3A_108, %dma_start3A_130] : memref<40x64xi32, #tpu.memory_space<vmem>> -> memref<1x64xi32, #tpu.memory_space<vmem>>
      %dma_start3A_132 = tpu.memref_squeeze %dma_start3A_131 : memref<1x64xi32, #tpu.memory_space<vmem>> -> memref<64xi32, #tpu.memory_space<vmem>>
      %dma_start3A_133 = arith.constant 0 : i32
      %dma_start3A_134 = arith.constant 0 : i32
      %dma_start3A_135 = tpu.memref_slice %arg4[%dma_start3A_133, %dma_start3A_134] : memref<100000x128xf32, #tpu.memory_space<hbm>> -> memref<100000x128xf32, #tpu.memory_space<hbm>>
      tpu.enqueue_indirect_dma source(%dma_start3A_135 : memref<100000x128xf32, #tpu.memory_space<hbm>>) target(%dma_start3A_129 : memref<64x128xf32, #tpu.memory_space<vmem>>) offsets(%dma_start3A_132 : memref<64xi32, #tpu.memory_space<vmem>>) semaphore(%arg14 : memref<!tpu.dma_semaphore, #tpu.memory_space<semaphore_mem>>)
      %dma_wait3A = arith.constant 0 : i32
      %dma_wait3A_136 = arith.constant 0 : i32
      %dma_wait3A_137 = tpu.memref_slice %arg7[%dma_wait3A, %dma_wait3A_136] : memref<64x384xf32, #tpu.memory_space<vmem>> -> memref<64x128xf32, #tpu.memory_space<vmem>>
      %dma_wait3A_138 = arith.constant 0 : i32
      %dma_wait3A_139 = tpu.memref_slice %arg6[%add3A_16, %dma_wait3A_138] : memref<40x64xi32, #tpu.memory_space<vmem>> -> memref<1x64xi32, #tpu.memory_space<vmem>>
      %dma_wait3A_140 = tpu.memref_squeeze %dma_wait3A_139 : memref<1x64xi32, #tpu.memory_space<vmem>> -> memref<64xi32, #tpu.memory_space<vmem>>
      %dma_wait3A_141 = arith.constant 0 : i32
      %dma_wait3A_142 = arith.constant 0 : i32
      %dma_wait3A_143 = tpu.memref_slice %arg3[%dma_wait3A_141, %dma_wait3A_142] : memref<100000x300xf32, #tpu.memory_space<hbm>> -> memref<100000x128xf32, #tpu.memory_space<hbm>>
      tpu.wait_indirect_dma semaphore(%arg11 : memref<!tpu.dma_semaphore, #tpu.memory_space<semaphore_mem>>) src(%dma_wait3A_143 : memref<100000x128xf32, #tpu.memory_space<hbm>>) dst(%dma_wait3A_137 : memref<64x128xf32, #tpu.memory_space<vmem>>)
      %dma_wait3A_144 = arith.constant 0 : i32
      %dma_wait3A_145 = arith.constant 128 : i32
      %dma_wait3A_146 = tpu.memref_slice %arg7[%dma_wait3A_144, %dma_wait3A_145] : memref<64x384xf32, #tpu.memory_space<vmem>> -> memref<64x128xf32, #tpu.memory_space<vmem>>
      %dma_wait3A_147 = arith.constant 0 : i32
      %dma_wait3A_148 = tpu.memref_slice %arg6[%add3A_16, %dma_wait3A_147] : memref<40x64xi32, #tpu.memory_space<vmem>> -> memref<1x64xi32, #tpu.memory_space<vmem>>
      %dma_wait3A_149 = tpu.memref_squeeze %dma_wait3A_148 : memref<1x64xi32, #tpu.memory_space<vmem>> -> memref<64xi32, #tpu.memory_space<vmem>>
      %dma_wait3A_150 = arith.constant 0 : i32
      %dma_wait3A_151 = arith.constant 128 : i32
      %dma_wait3A_152 = tpu.memref_slice %arg3[%dma_wait3A_150, %dma_wait3A_151] : memref<100000x300xf32, #tpu.memory_space<hbm>> -> memref<100000x128xf32, #tpu.memory_space<hbm>>
      tpu.wait_indirect_dma semaphore(%arg11 : memref<!tpu.dma_semaphore, #tpu.memory_space<semaphore_mem>>) src(%dma_wait3A_152 : memref<100000x128xf32, #tpu.memory_space<hbm>>) dst(%dma_wait3A_146 : memref<64x128xf32, #tpu.memory_space<vmem>>)
      %dma_wait3A_153 = arith.constant 0 : i32
      %dma_wait3A_154 = arith.constant 256 : i32
      %dma_wait3A_155 = tpu.memref_slice %arg7[%dma_wait3A_153, %dma_wait3A_154] : memref<64x384xf32, #tpu.memory_space<vmem>> -> memref<64x128xf32, #tpu.memory_space<vmem>>
      %dma_wait3A_156 = arith.constant 0 : i32
      %dma_wait3A_157 = tpu.memref_slice %arg6[%add3A_16, %dma_wait3A_156] : memref<40x64xi32, #tpu.memory_space<vmem>> -> memref<1x64xi32, #tpu.memory_space<vmem>>
      %dma_wait3A_158 = tpu.memref_squeeze %dma_wait3A_157 : memref<1x64xi32, #tpu.memory_space<vmem>> -> memref<64xi32, #tpu.memory_space<vmem>>
      %dma_wait3A_159 = arith.constant 0 : i32
      %dma_wait3A_160 = arith.constant 0 : i32
      %dma_wait3A_161 = tpu.memref_slice %arg4[%dma_wait3A_159, %dma_wait3A_160] : memref<100000x128xf32, #tpu.memory_space<hbm>> -> memref<100000x128xf32, #tpu.memory_space<hbm>>
      tpu.wait_indirect_dma semaphore(%arg11 : memref<!tpu.dma_semaphore, #tpu.memory_space<semaphore_mem>>) src(%dma_wait3A_161 : memref<100000x128xf32, #tpu.memory_space<hbm>>) dst(%dma_wait3A_155 : memref<64x128xf32, #tpu.memory_space<vmem>>)
      %mul3A_162 = arith.constant 4 : i32
      %mul3A_163 = arith.muli %mul3A_162, %scan3A_11 : i32
      %add3A_164 = arith.constant 0 : i32
      %add3A_165 = arith.addi %mul3A_163, %add3A_164 : i32
      %mul3A_166 = arith.constant 64 : i32
      %mul3A_167 = arith.muli %add3A_165, %mul3A_166 : i32
      %multiple_of3A_168 = tpu.assume_multiple %mul3A_167, 64 : i32
      %add3A_169 = arith.addi %multiple_of3A, %multiple_of3A_168 : i32
      %dma_start3A_170 = arith.constant 0 : i32
      %dma_start3A_171 = tpu.memref_slice %arg5[%add3A_169, %dma_start3A_170] : memref<81920x384xf32, #tpu.memory_space<hbm>> -> memref<64x384xf32, #tpu.memory_space<hbm>>
      %dma_start3A_172 = arith.constant 0 : i32
      %dma_start3A_173 = tpu.memref_slice %arg5[%add3A_169, %dma_start3A_172] : memref<81920x384xf32, #tpu.memory_space<hbm>> -> memref<64x384xf32, #tpu.memory_space<hbm>>
      tpu.enqueue_dma source(%arg7 : memref<64x384xf32, #tpu.memory_space<vmem>>) target(%dma_start3A_173 : memref<64x384xf32, #tpu.memory_space<hbm>>) target_semaphore(%arg15 : memref<!tpu.dma_semaphore, #tpu.memory_space<semaphore_mem>>)
      %dma_wait3A_174 = arith.constant 0 : i32
      %dma_wait3A_175 = arith.constant 0 : i32
      %dma_wait3A_176 = tpu.memref_slice %arg8[%dma_wait3A_174, %dma_wait3A_175] : memref<64x384xf32, #tpu.memory_space<vmem>> -> memref<64x128xf32, #tpu.memory_space<vmem>>
      %dma_wait3A_177 = arith.constant 0 : i32
      %dma_wait3A_178 = tpu.memref_slice %arg6[%add3A_46, %dma_wait3A_177] : memref<40x64xi32, #tpu.memory_space<vmem>> -> memref<1x64xi32, #tpu.memory_space<vmem>>
      %dma_wait3A_179 = tpu.memref_squeeze %dma_wait3A_178 : memref<1x64xi32, #tpu.memory_space<vmem>> -> memref<64xi32, #tpu.memory_space<vmem>>
      %dma_wait3A_180 = arith.constant 0 : i32
      %dma_wait3A_181 = arith.constant 0 : i32
      %dma_wait3A_182 = tpu.memref_slice %arg3[%dma_wait3A_180, %dma_wait3A_181] : memref<100000x300xf32, #tpu.memory_space<hbm>> -> memref<100000x128xf32, #tpu.memory_space<hbm>>
      tpu.wait_indirect_dma semaphore(%arg12 : memref<!tpu.dma_semaphore, #tpu.memory_space<semaphore_mem>>) src(%dma_wait3A_182 : memref<100000x128xf32, #tpu.memory_space<hbm>>) dst(%dma_wait3A_176 : memref<64x128xf32, #tpu.memory_space<vmem>>)
      %dma_wait3A_183 = arith.constant 0 : i32
      %dma_wait3A_184 = arith.constant 128 : i32
      %dma_wait3A_185 = tpu.memref_slice %arg8[%dma_wait3A_183, %dma_wait3A_184] : memref<64x384xf32, #tpu.memory_space<vmem>> -> memref<64x128xf32, #tpu.memory_space<vmem>>
      %dma_wait3A_186 = arith.constant 0 : i32
      %dma_wait3A_187 = tpu.memref_slice %arg6[%add3A_46, %dma_wait3A_186] : memref<40x64xi32, #tpu.memory_space<vmem>> -> memref<1x64xi32, #tpu.memory_space<vmem>>
      %dma_wait3A_188 = tpu.memref_squeeze %dma_wait3A_187 : memref<1x64xi32, #tpu.memory_space<vmem>> -> memref<64xi32, #tpu.memory_space<vmem>>
      %dma_wait3A_189 = arith.constant 0 : i32
      %dma_wait3A_190 = arith.constant 128 : i32
      %dma_wait3A_191 = tpu.memref_slice %arg3[%dma_wait3A_189, %dma_wait3A_190] : memref<100000x300xf32, #tpu.memory_space<hbm>> -> memref<100000x128xf32, #tpu.memory_space<hbm>>
      tpu.wait_indirect_dma semaphore(%arg12 : memref<!tpu.dma_semaphore, #tpu.memory_space<semaphore_mem>>) src(%dma_wait3A_191 : memref<100000x128xf32, #tpu.memory_space<hbm>>) dst(%dma_wait3A_185 : memref<64x128xf32, #tpu.memory_space<vmem>>)
      %dma_wait3A_192 = arith.constant 0 : i32
      %dma_wait3A_193 = arith.constant 256 : i32
      %dma_wait3A_194 = tpu.memref_slice %arg8[%dma_wait3A_192, %dma_wait3A_193] : memref<64x384xf32, #tpu.memory_space<vmem>> -> memref<64x128xf32, #tpu.memory_space<vmem>>
      %dma_wait3A_195 = arith.constant 0 : i32
      %dma_wait3A_196 = tpu.memref_slice %arg6[%add3A_46, %dma_wait3A_195] : memref<40x64xi32, #tpu.memory_space<vmem>> -> memref<1x64xi32, #tpu.memory_space<vmem>>
      %dma_wait3A_197 = tpu.memref_squeeze %dma_wait3A_196 : memref<1x64xi32, #tpu.memory_space<vmem>> -> memref<64xi32, #tpu.memory_space<vmem>>
      %dma_wait3A_198 = arith.constant 0 : i32
      %dma_wait3A_199 = arith.constant 0 : i32
      %dma_wait3A_200 = tpu.memref_slice %arg4[%dma_wait3A_198, %dma_wait3A_199] : memref<100000x128xf32, #tpu.memory_space<hbm>> -> memref<100000x128xf32, #tpu.memory_space<hbm>>
      tpu.wait_indirect_dma semaphore(%arg12 : memref<!tpu.dma_semaphore, #tpu.memory_space<semaphore_mem>>) src(%dma_wait3A_200 : memref<100000x128xf32, #tpu.memory_space<hbm>>) dst(%dma_wait3A_194 : memref<64x128xf32, #tpu.memory_space<vmem>>)
      %mul3A_201 = arith.constant 4 : i32
      %mul3A_202 = arith.muli %mul3A_201, %scan3A_11 : i32
      %add3A_203 = arith.constant 1 : i32
      %add3A_204 = arith.addi %mul3A_202, %add3A_203 : i32
      %mul3A_205 = arith.constant 64 : i32
      %mul3A_206 = arith.muli %add3A_204, %mul3A_205 : i32
      %multiple_of3A_207 = tpu.assume_multiple %mul3A_206, 64 : i32
      %add3A_208 = arith.addi %multiple_of3A, %multiple_of3A_207 : i32
      %dma_start3A_209 = arith.constant 0 : i32
      %dma_start3A_210 = tpu.memref_slice %arg5[%add3A_208, %dma_start3A_209] : memref<81920x384xf32, #tpu.memory_space<hbm>> -> memref<64x384xf32, #tpu.memory_space<hbm>>
      %dma_start3A_211 = arith.constant 0 : i32
      %dma_start3A_212 = tpu.memref_slice %arg5[%add3A_208, %dma_start3A_211] : memref<81920x384xf32, #tpu.memory_space<hbm>> -> memref<64x384xf32, #tpu.memory_space<hbm>>
      tpu.enqueue_dma source(%arg8 : memref<64x384xf32, #tpu.memory_space<vmem>>) target(%dma_start3A_212 : memref<64x384xf32, #tpu.memory_space<hbm>>) target_semaphore(%arg16 : memref<!tpu.dma_semaphore, #tpu.memory_space<semaphore_mem>>)
      %dma_wait3A_213 = arith.constant 0 : i32
      %dma_wait3A_214 = arith.constant 0 : i32
      %dma_wait3A_215 = tpu.memref_slice %arg9[%dma_wait3A_213, %dma_wait3A_214] : memref<64x384xf32, #tpu.memory_space<vmem>> -> memref<64x128xf32, #tpu.memory_space<vmem>>
      %dma_wait3A_216 = arith.constant 0 : i32
      %dma_wait3A_217 = tpu.memref_slice %arg6[%add3A_77, %dma_wait3A_216] : memref<40x64xi32, #tpu.memory_space<vmem>> -> memref<1x64xi32, #tpu.memory_space<vmem>>
      %dma_wait3A_218 = tpu.memref_squeeze %dma_wait3A_217 : memref<1x64xi32, #tpu.memory_space<vmem>> -> memref<64xi32, #tpu.memory_space<vmem>>
      %dma_wait3A_219 = arith.constant 0 : i32
      %dma_wait3A_220 = arith.constant 0 : i32
      %dma_wait3A_221 = tpu.memref_slice %arg3[%dma_wait3A_219, %dma_wait3A_220] : memref<100000x300xf32, #tpu.memory_space<hbm>> -> memref<100000x128xf32, #tpu.memory_space<hbm>>
      tpu.wait_indirect_dma semaphore(%arg13 : memref<!tpu.dma_semaphore, #tpu.memory_space<semaphore_mem>>) src(%dma_wait3A_221 : memref<100000x128xf32, #tpu.memory_space<hbm>>) dst(%dma_wait3A_215 : memref<64x128xf32, #tpu.memory_space<vmem>>)
      %dma_wait3A_222 = arith.constant 0 : i32
      %dma_wait3A_223 = arith.constant 128 : i32
      %dma_wait3A_224 = tpu.memref_slice %arg9[%dma_wait3A_222, %dma_wait3A_223] : memref<64x384xf32, #tpu.memory_space<vmem>> -> memref<64x128xf32, #tpu.memory_space<vmem>>
      %dma_wait3A_225 = arith.constant 0 : i32
      %dma_wait3A_226 = tpu.memref_slice %arg6[%add3A_77, %dma_wait3A_225] : memref<40x64xi32, #tpu.memory_space<vmem>> -> memref<1x64xi32, #tpu.memory_space<vmem>>
      %dma_wait3A_227 = tpu.memref_squeeze %dma_wait3A_226 : memref<1x64xi32, #tpu.memory_space<vmem>> -> memref<64xi32, #tpu.memory_space<vmem>>
      %dma_wait3A_228 = arith.constant 0 : i32
      %dma_wait3A_229 = arith.constant 128 : i32
      %dma_wait3A_230 = tpu.memref_slice %arg3[%dma_wait3A_228, %dma_wait3A_229] : memref<100000x300xf32, #tpu.memory_space<hbm>> -> memref<100000x128xf32, #tpu.memory_space<hbm>>
      tpu.wait_indirect_dma semaphore(%arg13 : memref<!tpu.dma_semaphore, #tpu.memory_space<semaphore_mem>>) src(%dma_wait3A_230 : memref<100000x128xf32, #tpu.memory_space<hbm>>) dst(%dma_wait3A_224 : memref<64x128xf32, #tpu.memory_space<vmem>>)
      %dma_wait3A_231 = arith.constant 0 : i32
      %dma_wait3A_232 = arith.constant 256 : i32
      %dma_wait3A_233 = tpu.memref_slice %arg9[%dma_wait3A_231, %dma_wait3A_232] : memref<64x384xf32, #tpu.memory_space<vmem>> -> memref<64x128xf32, #tpu.memory_space<vmem>>
      %dma_wait3A_234 = arith.constant 0 : i32
      %dma_wait3A_235 = tpu.memref_slice %arg6[%add3A_77, %dma_wait3A_234] : memref<40x64xi32, #tpu.memory_space<vmem>> -> memref<1x64xi32, #tpu.memory_space<vmem>>
      %dma_wait3A_236 = tpu.memref_squeeze %dma_wait3A_235 : memref<1x64xi32, #tpu.memory_space<vmem>> -> memref<64xi32, #tpu.memory_space<vmem>>
      %dma_wait3A_237 = arith.constant 0 : i32
      %dma_wait3A_238 = arith.constant 0 : i32
      %dma_wait3A_239 = tpu.memref_slice %arg4[%dma_wait3A_237, %dma_wait3A_238] : memref<100000x128xf32, #tpu.memory_space<hbm>> -> memref<100000x128xf32, #tpu.memory_space<hbm>>
      tpu.wait_indirect_dma semaphore(%arg13 : memref<!tpu.dma_semaphore, #tpu.memory_space<semaphore_mem>>) src(%dma_wait3A_239 : memref<100000x128xf32, #tpu.memory_space<hbm>>) dst(%dma_wait3A_233 : memref<64x128xf32, #tpu.memory_space<vmem>>)
      %mul3A_240 = arith.constant 4 : i32
      %mul3A_241 = arith.muli %mul3A_240, %scan3A_11 : i32
      %add3A_242 = arith.constant 2 : i32
      %add3A_243 = arith.addi %mul3A_241, %add3A_242 : i32
      %mul3A_244 = arith.constant 64 : i32
      %mul3A_245 = arith.muli %add3A_243, %mul3A_244 : i32
      %multiple_of3A_246 = tpu.assume_multiple %mul3A_245, 64 : i32
      %add3A_247 = arith.addi %multiple_of3A, %multiple_of3A_246 : i32
      %dma_start3A_248 = arith.constant 0 : i32
      %dma_start3A_249 = tpu.memref_slice %arg5[%add3A_247, %dma_start3A_248] : memref<81920x384xf32, #tpu.memory_space<hbm>> -> memref<64x384xf32, #tpu.memory_space<hbm>>
      %dma_start3A_250 = arith.constant 0 : i32
      %dma_start3A_251 = tpu.memref_slice %arg5[%add3A_247, %dma_start3A_250] : memref<81920x384xf32, #tpu.memory_space<hbm>> -> memref<64x384xf32, #tpu.memory_space<hbm>>
      tpu.enqueue_dma source(%arg9 : memref<64x384xf32, #tpu.memory_space<vmem>>) target(%dma_start3A_251 : memref<64x384xf32, #tpu.memory_space<hbm>>) target_semaphore(%arg17 : memref<!tpu.dma_semaphore, #tpu.memory_space<semaphore_mem>>)
      %dma_wait3A_252 = arith.constant 0 : i32
      %dma_wait3A_253 = arith.constant 0 : i32
      %dma_wait3A_254 = tpu.memref_slice %arg10[%dma_wait3A_252, %dma_wait3A_253] : memref<64x384xf32, #tpu.memory_space<vmem>> -> memref<64x128xf32, #tpu.memory_space<vmem>>
      %dma_wait3A_255 = arith.constant 0 : i32
      %dma_wait3A_256 = tpu.memref_slice %arg6[%add3A_108, %dma_wait3A_255] : memref<40x64xi32, #tpu.memory_space<vmem>> -> memref<1x64xi32, #tpu.memory_space<vmem>>
      %dma_wait3A_257 = tpu.memref_squeeze %dma_wait3A_256 : memref<1x64xi32, #tpu.memory_space<vmem>> -> memref<64xi32, #tpu.memory_space<vmem>>
      %dma_wait3A_258 = arith.constant 0 : i32
      %dma_wait3A_259 = arith.constant 0 : i32
      %dma_wait3A_260 = tpu.memref_slice %arg3[%dma_wait3A_258, %dma_wait3A_259] : memref<100000x300xf32, #tpu.memory_space<hbm>> -> memref<100000x128xf32, #tpu.memory_space<hbm>>
      tpu.wait_indirect_dma semaphore(%arg14 : memref<!tpu.dma_semaphore, #tpu.memory_space<semaphore_mem>>) src(%dma_wait3A_260 : memref<100000x128xf32, #tpu.memory_space<hbm>>) dst(%dma_wait3A_254 : memref<64x128xf32, #tpu.memory_space<vmem>>)
      %dma_wait3A_261 = arith.constant 0 : i32
      %dma_wait3A_262 = arith.constant 128 : i32
      %dma_wait3A_263 = tpu.memref_slice %arg10[%dma_wait3A_261, %dma_wait3A_262] : memref<64x384xf32, #tpu.memory_space<vmem>> -> memref<64x128xf32, #tpu.memory_space<vmem>>
      %dma_wait3A_264 = arith.constant 0 : i32
      %dma_wait3A_265 = tpu.memref_slice %arg6[%add3A_108, %dma_wait3A_264] : memref<40x64xi32, #tpu.memory_space<vmem>> -> memref<1x64xi32, #tpu.memory_space<vmem>>
      %dma_wait3A_266 = tpu.memref_squeeze %dma_wait3A_265 : memref<1x64xi32, #tpu.memory_space<vmem>> -> memref<64xi32, #tpu.memory_space<vmem>>
      %dma_wait3A_267 = arith.constant 0 : i32
      %dma_wait3A_268 = arith.constant 128 : i32
      %dma_wait3A_269 = tpu.memref_slice %arg3[%dma_wait3A_267, %dma_wait3A_268] : memref<100000x300xf32, #tpu.memory_space<hbm>> -> memref<100000x128xf32, #tpu.memory_space<hbm>>
      tpu.wait_indirect_dma semaphore(%arg14 : memref<!tpu.dma_semaphore, #tpu.memory_space<semaphore_mem>>) src(%dma_wait3A_269 : memref<100000x128xf32, #tpu.memory_space<hbm>>) dst(%dma_wait3A_263 : memref<64x128xf32, #tpu.memory_space<vmem>>)
      %dma_wait3A_270 = arith.constant 0 : i32
      %dma_wait3A_271 = arith.constant 256 : i32
      %dma_wait3A_272 = tpu.memref_slice %arg10[%dma_wait3A_270, %dma_wait3A_271] : memref<64x384xf32, #tpu.memory_space<vmem>> -> memref<64x128xf32, #tpu.memory_space<vmem>>
      %dma_wait3A_273 = arith.constant 0 : i32
      %dma_wait3A_274 = tpu.memref_slice %arg6[%add3A_108, %dma_wait3A_273] : memref<40x64xi32, #tpu.memory_space<vmem>> -> memref<1x64xi32, #tpu.memory_space<vmem>>
      %dma_wait3A_275 = tpu.memref_squeeze %dma_wait3A_274 : memref<1x64xi32, #tpu.memory_space<vmem>> -> memref<64xi32, #tpu.memory_space<vmem>>
      %dma_wait3A_276 = arith.constant 0 : i32
      %dma_wait3A_277 = arith.constant 0 : i32
      %dma_wait3A_278 = tpu.memref_slice %arg4[%dma_wait3A_276, %dma_wait3A_277] : memref<100000x128xf32, #tpu.memory_space<hbm>> -> memref<100000x128xf32, #tpu.memory_space<hbm>>
      tpu.wait_indirect_dma semaphore(%arg14 : memref<!tpu.dma_semaphore, #tpu.memory_space<semaphore_mem>>) src(%dma_wait3A_278 : memref<100000x128xf32, #tpu.memory_space<hbm>>) dst(%dma_wait3A_272 : memref<64x128xf32, #tpu.memory_space<vmem>>)
      %mul3A_279 = arith.constant 4 : i32
      %mul3A_280 = arith.muli %mul3A_279, %scan3A_11 : i32
      %add3A_281 = arith.constant 3 : i32
      %add3A_282 = arith.addi %mul3A_280, %add3A_281 : i32
      %mul3A_283 = arith.constant 64 : i32
      %mul3A_284 = arith.muli %add3A_282, %mul3A_283 : i32
      %multiple_of3A_285 = tpu.assume_multiple %mul3A_284, 64 : i32
      %add3A_286 = arith.addi %multiple_of3A, %multiple_of3A_285 : i32
      %dma_start3A_287 = arith.constant 0 : i32
      %dma_start3A_288 = tpu.memref_slice %arg5[%add3A_286, %dma_start3A_287] : memref<81920x384xf32, #tpu.memory_space<hbm>> -> memref<64x384xf32, #tpu.memory_space<hbm>>
      %dma_start3A_289 = arith.constant 0 : i32
      %dma_start3A_290 = tpu.memref_slice %arg5[%add3A_286, %dma_start3A_289] : memref<81920x384xf32, #tpu.memory_space<hbm>> -> memref<64x384xf32, #tpu.memory_space<hbm>>
      tpu.enqueue_dma source(%arg10 : memref<64x384xf32, #tpu.memory_space<vmem>>) target(%dma_start3A_290 : memref<64x384xf32, #tpu.memory_space<hbm>>) target_semaphore(%arg18 : memref<!tpu.dma_semaphore, #tpu.memory_space<semaphore_mem>>)
      %dma_wait3A_291 = arith.constant 0 : i32
      %dma_wait3A_292 = tpu.memref_slice %arg5[%add3A_169, %dma_wait3A_291] : memref<81920x384xf32, #tpu.memory_space<hbm>> -> memref<64x384xf32, #tpu.memory_space<hbm>>
      %dma_wait3A_293 = arith.constant 0 : i32
      %dma_wait3A_294 = tpu.memref_slice %arg5[%add3A_169, %dma_wait3A_293] : memref<81920x384xf32, #tpu.memory_space<hbm>> -> memref<64x384xf32, #tpu.memory_space<hbm>>
      tpu.wait_dma2 semaphore(%arg15 : memref<!tpu.dma_semaphore, #tpu.memory_space<semaphore_mem>>) src(%arg7 : memref<64x384xf32, #tpu.memory_space<vmem>>) dst(%dma_wait3A_294 : memref<64x384xf32, #tpu.memory_space<hbm>>)
      %dma_wait3A_295 = arith.constant 0 : i32
      %dma_wait3A_296 = tpu.memref_slice %arg5[%add3A_208, %dma_wait3A_295] : memref<81920x384xf32, #tpu.memory_space<hbm>> -> memref<64x384xf32, #tpu.memory_space<hbm>>
      %dma_wait3A_297 = arith.constant 0 : i32
      %dma_wait3A_298 = tpu.memref_slice %arg5[%add3A_208, %dma_wait3A_297] : memref<81920x384xf32, #tpu.memory_space<hbm>> -> memref<64x384xf32, #tpu.memory_space<hbm>>
      tpu.wait_dma2 semaphore(%arg16 : memref<!tpu.dma_semaphore, #tpu.memory_space<semaphore_mem>>) src(%arg8 : memref<64x384xf32, #tpu.memory_space<vmem>>) dst(%dma_wait3A_298 : memref<64x384xf32, #tpu.memory_space<hbm>>)
      %dma_wait3A_299 = arith.constant 0 : i32
      %dma_wait3A_300 = tpu.memref_slice %arg5[%add3A_247, %dma_wait3A_299] : memref<81920x384xf32, #tpu.memory_space<hbm>> -> memref<64x384xf32, #tpu.memory_space<hbm>>
      %dma_wait3A_301 = arith.constant 0 : i32
      %dma_wait3A_302 = tpu.memref_slice %arg5[%add3A_247, %dma_wait3A_301] : memref<81920x384xf32, #tpu.memory_space<hbm>> -> memref<64x384xf32, #tpu.memory_space<hbm>>
      tpu.wait_dma2 semaphore(%arg17 : memref<!tpu.dma_semaphore, #tpu.memory_space<semaphore_mem>>) src(%arg9 : memref<64x384xf32, #tpu.memory_space<vmem>>) dst(%dma_wait3A_302 : memref<64x384xf32, #tpu.memory_space<hbm>>)
      %dma_wait3A_303 = arith.constant 0 : i32
      %dma_wait3A_304 = tpu.memref_slice %arg5[%add3A_286, %dma_wait3A_303] : memref<81920x384xf32, #tpu.memory_space<hbm>> -> memref<64x384xf32, #tpu.memory_space<hbm>>
      %dma_wait3A_305 = arith.constant 0 : i32
      %dma_wait3A_306 = tpu.memref_slice %arg5[%add3A_286, %dma_wait3A_305] : memref<81920x384xf32, #tpu.memory_space<hbm>> -> memref<64x384xf32, #tpu.memory_space<hbm>>
      tpu.wait_dma2 semaphore(%arg18 : memref<!tpu.dma_semaphore, #tpu.memory_space<semaphore_mem>>) src(%arg10 : memref<64x384xf32, #tpu.memory_space<vmem>>) dst(%dma_wait3A_306 : memref<64x384xf32, #tpu.memory_space<hbm>>)
      %scan3A_307 = arith.constant 0 : i32
      scf.yield %scan3A_307 : i32
    }
    %scan3A_10 = arith.constant 10 : i32
    return
  }
}

#map = affine_map<(d0, d1) -> (0, 0, 0)>
#map1 = affine_map<(d0, d1) -> (0, 0)>
module attributes {stable_mosaic.version = 14 : i64} {
  func.func @sc_gather(%arg0: i32, %arg1: i32, %arg2: memref<32x40x64xi32, #tpu.memory_space<hbm>>, %arg3: memref<100000x300xf32, #tpu.memory_space<hbm>>, %arg4: memref<100000x128xf32, #tpu.memory_space<hbm>>, %arg5: memref<81920x384xf32, #tpu.memory_space<hbm>>, %arg6: memref<40x64xi32, #tpu.memory_space<vmem>>, %arg7: memref<64x384xf32, #tpu.memory_space<vmem>>, %arg8: memref<64x384xf32, #tpu.memory_space<vmem>>, %arg9: memref<64x384xf32, #tpu.memory_space<vmem>>, %arg10: memref<64x384xf32, #tpu.memory_space<vmem>>, %arg11: memref<!tpu.dma_semaphore, #tpu.memory_space<semaphore_mem>>, %arg12: memref<!tpu.dma_semaphore, #tpu.memory_space<semaphore_mem>>, %arg13: memref<!tpu.dma_semaphore, #tpu.memory_space<semaphore_mem>>, %arg14: memref<!tpu.dma_semaphore, #tpu.memory_space<semaphore_mem>>, %arg15: memref<!tpu.dma_semaphore, #tpu.memory_space<semaphore_mem>>, %arg16: memref<!tpu.dma_semaphore, #tpu.memory_space<semaphore_mem>>, %arg17: memref<!tpu.dma_semaphore, #tpu.memory_space<semaphore_mem>>, %arg18: memref<!tpu.dma_semaphore, #tpu.memory_space<semaphore_mem>>) attributes {dimension_semantics = [#tpu.dimension_semantics<core_parallel>, #tpu.dimension_semantics<subcore_parallel>], iteration_bounds = array<i64: 2, 16>, scalar_prefetch = 0 : i64, scratch_operands = 13 : i64, tpu.core_type = #tpu.core_type<sc_vector_subcore>, window_params = [{transform_indices = #map}, {transform_indices = #map1}, {transform_indices = #map1}, {transform_indices = #map1}]} {
    %mul3A = arith.constant 2 : i32
    %mul3A_0 = arith.muli %arg1, %mul3A : i32
    %add3A = arith.addi %mul3A_0, %arg0 : i32
    %mul3A_1 = arith.constant 40 : i32
    %mul3A_2 = arith.muli %add3A, %mul3A_1 : i32
    %mul3A_3 = arith.constant 64 : i32
    %mul3A_4 = arith.muli %mul3A_2, %mul3A_3 : i32
    %multiple_of3A = tpu.assume_multiple %mul3A_4, 64 : i32
    "tpu.region"() ({
      %run_scoped3A = tpu.sem_alloc : memref<!tpu.dma_semaphore, #tpu.memory_space<semaphore_mem>>
      %dma_start3A = arith.constant 0 : i32
      %dma_start3A_11 = arith.constant 0 : i32
      %dma_start3A_12 = tpu.memref_slice %arg2[%add3A, %dma_start3A, %dma_start3A_11] : memref<32x40x64xi32, #tpu.memory_space<hbm>> -> memref<1x40x64xi32, #tpu.memory_space<hbm>>
      %dma_start3A_13 = tpu.memref_squeeze %dma_start3A_12 : memref<1x40x64xi32, #tpu.memory_space<hbm>> -> memref<40x64xi32, #tpu.memory_space<hbm>>
      %dma_start3A_14 = arith.constant 0 : i32
      %dma_start3A_15 = arith.constant 0 : i32
      %dma_start3A_16 = tpu.memref_slice %arg2[%add3A, %dma_start3A_14, %dma_start3A_15] : memref<32x40x64xi32, #tpu.memory_space<hbm>> -> memref<1x40x64xi32, #tpu.memory_space<hbm>>
      %dma_start3A_17 = tpu.memref_squeeze %dma_start3A_16 : memref<1x40x64xi32, #tpu.memory_space<hbm>> -> memref<40x64xi32, #tpu.memory_space<hbm>>
      tpu.enqueue_dma source(%dma_start3A_17 : memref<40x64xi32, #tpu.memory_space<hbm>>) target(%arg6 : memref<40x64xi32, #tpu.memory_space<vmem>>) target_semaphore(%run_scoped3A : memref<!tpu.dma_semaphore, #tpu.memory_space<semaphore_mem>>)
      %dma_wait3A = arith.constant 0 : i32
      %dma_wait3A_18 = arith.constant 0 : i32
      %dma_wait3A_19 = tpu.memref_slice %arg2[%add3A, %dma_wait3A, %dma_wait3A_18] : memref<32x40x64xi32, #tpu.memory_space<hbm>> -> memref<1x40x64xi32, #tpu.memory_space<hbm>>
      %dma_wait3A_20 = tpu.memref_squeeze %dma_wait3A_19 : memref<1x40x64xi32, #tpu.memory_space<hbm>> -> memref<40x64xi32, #tpu.memory_space<hbm>>
      %dma_wait3A_21 = arith.constant 0 : i32
      %dma_wait3A_22 = arith.constant 0 : i32
      %dma_wait3A_23 = tpu.memref_slice %arg2[%add3A, %dma_wait3A_21, %dma_wait3A_22] : memref<32x40x64xi32, #tpu.memory_space<hbm>> -> memref<1x40x64xi32, #tpu.memory_space<hbm>>
      %dma_wait3A_24 = tpu.memref_squeeze %dma_wait3A_23 : memref<1x40x64xi32, #tpu.memory_space<hbm>> -> memref<40x64xi32, #tpu.memory_space<hbm>>
      tpu.wait_dma2 semaphore(%run_scoped3A : memref<!tpu.dma_semaphore, #tpu.memory_space<semaphore_mem>>) src(%dma_wait3A_24 : memref<40x64xi32, #tpu.memory_space<hbm>>) dst(%arg6 : memref<40x64xi32, #tpu.memory_space<vmem>>)
      tpu.yield
    }) : () -> ()
    %scan3A = arith.constant 0 : i32
    %scan3A_5 = arith.constant 0 : i32
    %scan3A_6 = arith.constant 10 : i32
    %scan3A_7 = arith.addi %scan3A_5, %scan3A_6 : i32
    %scan3A_8 = arith.constant 1 : i32
    %scan3A_9 = scf.for %scan3A_11 = %scan3A_5 to %scan3A_7 step %scan3A_8 iter_args(%scan3A_12 = %scan3A) -> (i32)  : i32 {
      %mul3A_13 = arith.constant 4 : i32
      %mul3A_14 = arith.muli %mul3A_13, %scan3A_11 : i32
      %add3A_15 = arith.constant 0 : i32
      %add3A_16 = arith.addi %mul3A_14, %add3A_15 : i32
      %dma_start3A = arith.constant 0 : i32
      %dma_start3A_17 = arith.constant 0 : i32
      %dma_start3A_18 = tpu.memref_slice %arg7[%dma_start3A, %dma_start3A_17] : memref<64x384xf32, #tpu.memory_space<vmem>> -> memref<64x128xf32, #tpu.memory_space<vmem>>
      %dma_start3A_19 = arith.constant 0 : i32
      %dma_start3A_20 = tpu.memref_slice %arg6[%add3A_16, %dma_start3A_19] : memref<40x64xi32, #tpu.memory_space<vmem>> -> memref<1x64xi32, #tpu.memory_space<vmem>>
      %dma_start3A_21 = tpu.memref_squeeze %dma_start3A_20 : memref<1x64xi32, #tpu.memory_space<vmem>> -> memref<64xi32, #tpu.memory_space<vmem>>
      %dma_start3A_22 = arith.constant 0 : i32
      %dma_start3A_23 = arith.constant 0 : i32
      %dma_start3A_24 = tpu.memref_slice %arg3[%dma_start3A_22, %dma_start3A_23] : memref<100000x300xf32, #tpu.memory_space<hbm>> -> memref<100000x128xf32, #tpu.memory_space<hbm>>
      tpu.enqueue_indirect_dma source(%dma_start3A_24 : memref<100000x128xf32, #tpu.memory_space<hbm>>) target(%dma_start3A_18 : memref<64x128xf32, #tpu.memory_space<vmem>>) offsets(%dma_start3A_21 : memref<64xi32, #tpu.memory_space<vmem>>) semaphore(%arg11 : memref<!tpu.dma_semaphore, #tpu.memory_space<semaphore_mem>>)
      %dma_start3A_25 = arith.constant 0 : i32
      %dma_start3A_26 = arith.constant 128 : i32
      %dma_start3A_27 = tpu.memref_slice %arg7[%dma_start3A_25, %dma_start3A_26] : memref<64x384xf32, #tpu.memory_space<vmem>> -> memref<64x128xf32, #tpu.memory_space<vmem>>
      %dma_start3A_28 = arith.constant 0 : i32
      %dma_start3A_29 = tpu.memref_slice %arg6[%add3A_16, %dma_start3A_28] : memref<40x64xi32, #tpu.memory_space<vmem>> -> memref<1x64xi32, #tpu.memory_space<vmem>>
      %dma_start3A_30 = tpu.memref_squeeze %dma_start3A_29 : memref<1x64xi32, #tpu.memory_space<vmem>> -> memref<64xi32, #tpu.memory_space<vmem>>
      %dma_start3A_31 = arith.constant 0 : i32
      %dma_start3A_32 = arith.constant 128 : i32
      %dma_start3A_33 = tpu.memref_slice %arg3[%dma_start3A_31, %dma_start3A_32] : memref<100000x300xf32, #tpu.memory_space<hbm>> -> memref<100000x128xf32, #tpu.memory_space<hbm>>
      tpu.enqueue_indirect_dma source(%dma_start3A_33 : memref<100000x128xf32, #tpu.memory_space<hbm>>) target(%dma_start3A_27 : memref<64x128xf32, #tpu.memory_space<vmem>>) offsets(%dma_start3A_30 : memref<64xi32, #tpu.memory_space<vmem>>) semaphore(%arg11 : memref<!tpu.dma_semaphore, #tpu.memory_space<semaphore_mem>>)
      %dma_start3A_34 = arith.constant 0 : i32
      %dma_start3A_35 = arith.constant 256 : i32
      %dma_start3A_36 = tpu.memref_slice %arg7[%dma_start3A_34, %dma_start3A_35] : memref<64x384xf32, #tpu.memory_space<vmem>> -> memref<64x128xf32, #tpu.memory_space<vmem>>
      %dma_start3A_37 = arith.constant 0 : i32
      %dma_start3A_38 = tpu.memref_slice %arg6[%add3A_16, %dma_start3A_37] : memref<40x64xi32, #tpu.memory_space<vmem>> -> memref<1x64xi32, #tpu.memory_space<vmem>>
      %dma_start3A_39 = tpu.memref_squeeze %dma_start3A_38 : memref<1x64xi32, #tpu.memory_space<vmem>> -> memref<64xi32, #tpu.memory_space<vmem>>
      %dma_start3A_40 = arith.constant 0 : i32
      %dma_start3A_41 = arith.constant 0 : i32
      %dma_start3A_42 = tpu.memref_slice %arg4[%dma_start3A_40, %dma_start3A_41] : memref<100000x128xf32, #tpu.memory_space<hbm>> -> memref<100000x128xf32, #tpu.memory_space<hbm>>
      tpu.enqueue_indirect_dma source(%dma_start3A_42 : memref<100000x128xf32, #tpu.memory_space<hbm>>) target(%dma_start3A_36 : memref<64x128xf32, #tpu.memory_space<vmem>>) offsets(%dma_start3A_39 : memref<64xi32, #tpu.memory_space<vmem>>) semaphore(%arg11 : memref<!tpu.dma_semaphore, #tpu.memory_space<semaphore_mem>>)
      %mul3A_43 = arith.constant 4 : i32
      %mul3A_44 = arith.muli %mul3A_43, %scan3A_11 : i32
      %add3A_45 = arith.constant 1 : i32
      %add3A_46 = arith.addi %mul3A_44, %add3A_45 : i32
      %dma_start3A_47 = arith.constant 0 : i32
      %dma_start3A_48 = arith.constant 0 : i32
      %dma_start3A_49 = tpu.memref_slice %arg8[%dma_start3A_47, %dma_start3A_48] : memref<64x384xf32, #tpu.memory_space<vmem>> -> memref<64x128xf32, #tpu.memory_space<vmem>>
      %dma_start3A_50 = arith.constant 0 : i32
      %dma_start3A_51 = tpu.memref_slice %arg6[%add3A_46, %dma_start3A_50] : memref<40x64xi32, #tpu.memory_space<vmem>> -> memref<1x64xi32, #tpu.memory_space<vmem>>
      %dma_start3A_52 = tpu.memref_squeeze %dma_start3A_51 : memref<1x64xi32, #tpu.memory_space<vmem>> -> memref<64xi32, #tpu.memory_space<vmem>>
      %dma_start3A_53 = arith.constant 0 : i32
      %dma_start3A_54 = arith.constant 0 : i32
      %dma_start3A_55 = tpu.memref_slice %arg3[%dma_start3A_53, %dma_start3A_54] : memref<100000x300xf32, #tpu.memory_space<hbm>> -> memref<100000x128xf32, #tpu.memory_space<hbm>>
      tpu.enqueue_indirect_dma source(%dma_start3A_55 : memref<100000x128xf32, #tpu.memory_space<hbm>>) target(%dma_start3A_49 : memref<64x128xf32, #tpu.memory_space<vmem>>) offsets(%dma_start3A_52 : memref<64xi32, #tpu.memory_space<vmem>>) semaphore(%arg12 : memref<!tpu.dma_semaphore, #tpu.memory_space<semaphore_mem>>)
      %dma_start3A_56 = arith.constant 0 : i32
      %dma_start3A_57 = arith.constant 128 : i32
      %dma_start3A_58 = tpu.memref_slice %arg8[%dma_start3A_56, %dma_start3A_57] : memref<64x384xf32, #tpu.memory_space<vmem>> -> memref<64x128xf32, #tpu.memory_space<vmem>>
      %dma_start3A_59 = arith.constant 0 : i32
      %dma_start3A_60 = tpu.memref_slice %arg6[%add3A_46, %dma_start3A_59] : memref<40x64xi32, #tpu.memory_space<vmem>> -> memref<1x64xi32, #tpu.memory_space<vmem>>
      %dma_start3A_61 = tpu.memref_squeeze %dma_start3A_60 : memref<1x64xi32, #tpu.memory_space<vmem>> -> memref<64xi32, #tpu.memory_space<vmem>>
      %dma_start3A_62 = arith.constant 0 : i32
      %dma_start3A_63 = arith.constant 128 : i32
      %dma_start3A_64 = tpu.memref_slice %arg3[%dma_start3A_62, %dma_start3A_63] : memref<100000x300xf32, #tpu.memory_space<hbm>> -> memref<100000x128xf32, #tpu.memory_space<hbm>>
      tpu.enqueue_indirect_dma source(%dma_start3A_64 : memref<100000x128xf32, #tpu.memory_space<hbm>>) target(%dma_start3A_58 : memref<64x128xf32, #tpu.memory_space<vmem>>) offsets(%dma_start3A_61 : memref<64xi32, #tpu.memory_space<vmem>>) semaphore(%arg12 : memref<!tpu.dma_semaphore, #tpu.memory_space<semaphore_mem>>)
      %dma_start3A_65 = arith.constant 0 : i32
      %dma_start3A_66 = arith.constant 256 : i32
      %dma_start3A_67 = tpu.memref_slice %arg8[%dma_start3A_65, %dma_start3A_66] : memref<64x384xf32, #tpu.memory_space<vmem>> -> memref<64x128xf32, #tpu.memory_space<vmem>>
      %dma_start3A_68 = arith.constant 0 : i32
      %dma_start3A_69 = tpu.memref_slice %arg6[%add3A_46, %dma_start3A_68] : memref<40x64xi32, #tpu.memory_space<vmem>> -> memref<1x64xi32, #tpu.memory_space<vmem>>
      %dma_start3A_70 = tpu.memref_squeeze %dma_start3A_69 : memref<1x64xi32, #tpu.memory_space<vmem>> -> memref<64xi32, #tpu.memory_space<vmem>>
      %dma_start3A_71 = arith.constant 0 : i32
      %dma_start3A_72 = arith.constant 0 : i32
      %dma_start3A_73 = tpu.memref_slice %arg4[%dma_start3A_71, %dma_start3A_72] : memref<100000x128xf32, #tpu.memory_space<hbm>> -> memref<100000x128xf32, #tpu.memory_space<hbm>>
      tpu.enqueue_indirect_dma source(%dma_start3A_73 : memref<100000x128xf32, #tpu.memory_space<hbm>>) target(%dma_start3A_67 : memref<64x128xf32, #tpu.memory_space<vmem>>) offsets(%dma_start3A_70 : memref<64xi32, #tpu.memory_space<vmem>>) semaphore(%arg12 : memref<!tpu.dma_semaphore, #tpu.memory_space<semaphore_mem>>)
      %mul3A_74 = arith.constant 4 : i32
      %mul3A_75 = arith.muli %mul3A_74, %scan3A_11 : i32
      %add3A_76 = arith.constant 2 : i32
      %add3A_77 = arith.addi %mul3A_75, %add3A_76 : i32
      %dma_start3A_78 = arith.constant 0 : i32
      %dma_start3A_79 = arith.constant 0 : i32
      %dma_start3A_80 = tpu.memref_slice %arg9[%dma_start3A_78, %dma_start3A_79] : memref<64x384xf32, #tpu.memory_space<vmem>> -> memref<64x128xf32, #tpu.memory_space<vmem>>
      %dma_start3A_81 = arith.constant 0 : i32
      %dma_start3A_82 = tpu.memref_slice %arg6[%add3A_77, %dma_start3A_81] : memref<40x64xi32, #tpu.memory_space<vmem>> -> memref<1x64xi32, #tpu.memory_space<vmem>>
      %dma_start3A_83 = tpu.memref_squeeze %dma_start3A_82 : memref<1x64xi32, #tpu.memory_space<vmem>> -> memref<64xi32, #tpu.memory_space<vmem>>
      %dma_start3A_84 = arith.constant 0 : i32
      %dma_start3A_85 = arith.constant 0 : i32
      %dma_start3A_86 = tpu.memref_slice %arg3[%dma_start3A_84, %dma_start3A_85] : memref<100000x300xf32, #tpu.memory_space<hbm>> -> memref<100000x128xf32, #tpu.memory_space<hbm>>
      tpu.enqueue_indirect_dma source(%dma_start3A_86 : memref<100000x128xf32, #tpu.memory_space<hbm>>) target(%dma_start3A_80 : memref<64x128xf32, #tpu.memory_space<vmem>>) offsets(%dma_start3A_83 : memref<64xi32, #tpu.memory_space<vmem>>) semaphore(%arg13 : memref<!tpu.dma_semaphore, #tpu.memory_space<semaphore_mem>>)
      %dma_start3A_87 = arith.constant 0 : i32
      %dma_start3A_88 = arith.constant 128 : i32
      %dma_start3A_89 = tpu.memref_slice %arg9[%dma_start3A_87, %dma_start3A_88] : memref<64x384xf32, #tpu.memory_space<vmem>> -> memref<64x128xf32, #tpu.memory_space<vmem>>
      %dma_start3A_90 = arith.constant 0 : i32
      %dma_start3A_91 = tpu.memref_slice %arg6[%add3A_77, %dma_start3A_90] : memref<40x64xi32, #tpu.memory_space<vmem>> -> memref<1x64xi32, #tpu.memory_space<vmem>>
      %dma_start3A_92 = tpu.memref_squeeze %dma_start3A_91 : memref<1x64xi32, #tpu.memory_space<vmem>> -> memref<64xi32, #tpu.memory_space<vmem>>
      %dma_start3A_93 = arith.constant 0 : i32
      %dma_start3A_94 = arith.constant 128 : i32
      %dma_start3A_95 = tpu.memref_slice %arg3[%dma_start3A_93, %dma_start3A_94] : memref<100000x300xf32, #tpu.memory_space<hbm>> -> memref<100000x128xf32, #tpu.memory_space<hbm>>
      tpu.enqueue_indirect_dma source(%dma_start3A_95 : memref<100000x128xf32, #tpu.memory_space<hbm>>) target(%dma_start3A_89 : memref<64x128xf32, #tpu.memory_space<vmem>>) offsets(%dma_start3A_92 : memref<64xi32, #tpu.memory_space<vmem>>) semaphore(%arg13 : memref<!tpu.dma_semaphore, #tpu.memory_space<semaphore_mem>>)
      %dma_start3A_96 = arith.constant 0 : i32
      %dma_start3A_97 = arith.constant 256 : i32
      %dma_start3A_98 = tpu.memref_slice %arg9[%dma_start3A_96, %dma_start3A_97] : memref<64x384xf32, #tpu.memory_space<vmem>> -> memref<64x128xf32, #tpu.memory_space<vmem>>
      %dma_start3A_99 = arith.constant 0 : i32
      %dma_start3A_100 = tpu.memref_slice %arg6[%add3A_77, %dma_start3A_99] : memref<40x64xi32, #tpu.memory_space<vmem>> -> memref<1x64xi32, #tpu.memory_space<vmem>>
      %dma_start3A_101 = tpu.memref_squeeze %dma_start3A_100 : memref<1x64xi32, #tpu.memory_space<vmem>> -> memref<64xi32, #tpu.memory_space<vmem>>
      %dma_start3A_102 = arith.constant 0 : i32
      %dma_start3A_103 = arith.constant 0 : i32
      %dma_start3A_104 = tpu.memref_slice %arg4[%dma_start3A_102, %dma_start3A_103] : memref<100000x128xf32, #tpu.memory_space<hbm>> -> memref<100000x128xf32, #tpu.memory_space<hbm>>
      tpu.enqueue_indirect_dma source(%dma_start3A_104 : memref<100000x128xf32, #tpu.memory_space<hbm>>) target(%dma_start3A_98 : memref<64x128xf32, #tpu.memory_space<vmem>>) offsets(%dma_start3A_101 : memref<64xi32, #tpu.memory_space<vmem>>) semaphore(%arg13 : memref<!tpu.dma_semaphore, #tpu.memory_space<semaphore_mem>>)
      %mul3A_105 = arith.constant 4 : i32
      %mul3A_106 = arith.muli %mul3A_105, %scan3A_11 : i32
      %add3A_107 = arith.constant 3 : i32
      %add3A_108 = arith.addi %mul3A_106, %add3A_107 : i32
      %dma_start3A_109 = arith.constant 0 : i32
      %dma_start3A_110 = arith.constant 0 : i32
      %dma_start3A_111 = tpu.memref_slice %arg10[%dma_start3A_109, %dma_start3A_110] : memref<64x384xf32, #tpu.memory_space<vmem>> -> memref<64x128xf32, #tpu.memory_space<vmem>>
      %dma_start3A_112 = arith.constant 0 : i32
      %dma_start3A_113 = tpu.memref_slice %arg6[%add3A_108, %dma_start3A_112] : memref<40x64xi32, #tpu.memory_space<vmem>> -> memref<1x64xi32, #tpu.memory_space<vmem>>
      %dma_start3A_114 = tpu.memref_squeeze %dma_start3A_113 : memref<1x64xi32, #tpu.memory_space<vmem>> -> memref<64xi32, #tpu.memory_space<vmem>>
      %dma_start3A_115 = arith.constant 0 : i32
      %dma_start3A_116 = arith.constant 0 : i32
      %dma_start3A_117 = tpu.memref_slice %arg3[%dma_start3A_115, %dma_start3A_116] : memref<100000x300xf32, #tpu.memory_space<hbm>> -> memref<100000x128xf32, #tpu.memory_space<hbm>>
      tpu.enqueue_indirect_dma source(%dma_start3A_117 : memref<100000x128xf32, #tpu.memory_space<hbm>>) target(%dma_start3A_111 : memref<64x128xf32, #tpu.memory_space<vmem>>) offsets(%dma_start3A_114 : memref<64xi32, #tpu.memory_space<vmem>>) semaphore(%arg14 : memref<!tpu.dma_semaphore, #tpu.memory_space<semaphore_mem>>)
      %dma_start3A_118 = arith.constant 0 : i32
      %dma_start3A_119 = arith.constant 128 : i32
      %dma_start3A_120 = tpu.memref_slice %arg10[%dma_start3A_118, %dma_start3A_119] : memref<64x384xf32, #tpu.memory_space<vmem>> -> memref<64x128xf32, #tpu.memory_space<vmem>>
      %dma_start3A_121 = arith.constant 0 : i32
      %dma_start3A_122 = tpu.memref_slice %arg6[%add3A_108, %dma_start3A_121] : memref<40x64xi32, #tpu.memory_space<vmem>> -> memref<1x64xi32, #tpu.memory_space<vmem>>
      %dma_start3A_123 = tpu.memref_squeeze %dma_start3A_122 : memref<1x64xi32, #tpu.memory_space<vmem>> -> memref<64xi32, #tpu.memory_space<vmem>>
      %dma_start3A_124 = arith.constant 0 : i32
      %dma_start3A_125 = arith.constant 128 : i32
      %dma_start3A_126 = tpu.memref_slice %arg3[%dma_start3A_124, %dma_start3A_125] : memref<100000x300xf32, #tpu.memory_space<hbm>> -> memref<100000x128xf32, #tpu.memory_space<hbm>>
      tpu.enqueue_indirect_dma source(%dma_start3A_126 : memref<100000x128xf32, #tpu.memory_space<hbm>>) target(%dma_start3A_120 : memref<64x128xf32, #tpu.memory_space<vmem>>) offsets(%dma_start3A_123 : memref<64xi32, #tpu.memory_space<vmem>>) semaphore(%arg14 : memref<!tpu.dma_semaphore, #tpu.memory_space<semaphore_mem>>)
      %dma_start3A_127 = arith.constant 0 : i32
      %dma_start3A_128 = arith.constant 256 : i32
      %dma_start3A_129 = tpu.memref_slice %arg10[%dma_start3A_127, %dma_start3A_128] : memref<64x384xf32, #tpu.memory_space<vmem>> -> memref<64x128xf32, #tpu.memory_space<vmem>>
      %dma_start3A_130 = arith.constant 0 : i32
      %dma_start3A_131 = tpu.memref_slice %arg6[%add3A_108, %dma_start3A_130] : memref<40x64xi32, #tpu.memory_space<vmem>> -> memref<1x64xi32, #tpu.memory_space<vmem>>
      %dma_start3A_132 = tpu.memref_squeeze %dma_start3A_131 : memref<1x64xi32, #tpu.memory_space<vmem>> -> memref<64xi32, #tpu.memory_space<vmem>>
      %dma_start3A_133 = arith.constant 0 : i32
      %dma_start3A_134 = arith.constant 0 : i32
      %dma_start3A_135 = tpu.memref_slice %arg4[%dma_start3A_133, %dma_start3A_134] : memref<100000x128xf32, #tpu.memory_space<hbm>> -> memref<100000x128xf32, #tpu.memory_space<hbm>>
      tpu.enqueue_indirect_dma source(%dma_start3A_135 : memref<100000x128xf32, #tpu.memory_space<hbm>>) target(%dma_start3A_129 : memref<64x128xf32, #tpu.memory_space<vmem>>) offsets(%dma_start3A_132 : memref<64xi32, #tpu.memory_space<vmem>>) semaphore(%arg14 : memref<!tpu.dma_semaphore, #tpu.memory_space<semaphore_mem>>)
      %dma_wait3A = arith.constant 0 : i32
      %dma_wait3A_136 = arith.constant 0 : i32
      %dma_wait3A_137 = tpu.memref_slice %arg7[%dma_wait3A, %dma_wait3A_136] : memref<64x384xf32, #tpu.memory_space<vmem>> -> memref<64x128xf32, #tpu.memory_space<vmem>>
      %dma_wait3A_138 = arith.constant 0 : i32
      %dma_wait3A_139 = tpu.memref_slice %arg6[%add3A_16, %dma_wait3A_138] : memref<40x64xi32, #tpu.memory_space<vmem>> -> memref<1x64xi32, #tpu.memory_space<vmem>>
      %dma_wait3A_140 = tpu.memref_squeeze %dma_wait3A_139 : memref<1x64xi32, #tpu.memory_space<vmem>> -> memref<64xi32, #tpu.memory_space<vmem>>
      %dma_wait3A_141 = arith.constant 0 : i32
      %dma_wait3A_142 = arith.constant 0 : i32
      %dma_wait3A_143 = tpu.memref_slice %arg3[%dma_wait3A_141, %dma_wait3A_142] : memref<100000x300xf32, #tpu.memory_space<hbm>> -> memref<100000x128xf32, #tpu.memory_space<hbm>>
      tpu.wait_indirect_dma semaphore(%arg11 : memref<!tpu.dma_semaphore, #tpu.memory_space<semaphore_mem>>) src(%dma_wait3A_143 : memref<100000x128xf32, #tpu.memory_space<hbm>>) dst(%dma_wait3A_137 : memref<64x128xf32, #tpu.memory_space<vmem>>)
      %dma_wait3A_144 = arith.constant 0 : i32
      %dma_wait3A_145 = arith.constant 128 : i32
      %dma_wait3A_146 = tpu.memref_slice %arg7[%dma_wait3A_144, %dma_wait3A_145] : memref<64x384xf32, #tpu.memory_space<vmem>> -> memref<64x128xf32, #tpu.memory_space<vmem>>
      %dma_wait3A_147 = arith.constant 0 : i32
      %dma_wait3A_148 = tpu.memref_slice %arg6[%add3A_16, %dma_wait3A_147] : memref<40x64xi32, #tpu.memory_space<vmem>> -> memref<1x64xi32, #tpu.memory_space<vmem>>
      %dma_wait3A_149 = tpu.memref_squeeze %dma_wait3A_148 : memref<1x64xi32, #tpu.memory_space<vmem>> -> memref<64xi32, #tpu.memory_space<vmem>>
      %dma_wait3A_150 = arith.constant 0 : i32
      %dma_wait3A_151 = arith.constant 128 : i32
      %dma_wait3A_152 = tpu.memref_slice %arg3[%dma_wait3A_150, %dma_wait3A_151] : memref<100000x300xf32, #tpu.memory_space<hbm>> -> memref<100000x128xf32, #tpu.memory_space<hbm>>
      tpu.wait_indirect_dma semaphore(%arg11 : memref<!tpu.dma_semaphore, #tpu.memory_space<semaphore_mem>>) src(%dma_wait3A_152 : memref<100000x128xf32, #tpu.memory_space<hbm>>) dst(%dma_wait3A_146 : memref<64x128xf32, #tpu.memory_space<vmem>>)
      %dma_wait3A_153 = arith.constant 0 : i32
      %dma_wait3A_154 = arith.constant 256 : i32
      %dma_wait3A_155 = tpu.memref_slice %arg7[%dma_wait3A_153, %dma_wait3A_154] : memref<64x384xf32, #tpu.memory_space<vmem>> -> memref<64x128xf32, #tpu.memory_space<vmem>>
      %dma_wait3A_156 = arith.constant 0 : i32
      %dma_wait3A_157 = tpu.memref_slice %arg6[%add3A_16, %dma_wait3A_156] : memref<40x64xi32, #tpu.memory_space<vmem>> -> memref<1x64xi32, #tpu.memory_space<vmem>>
      %dma_wait3A_158 = tpu.memref_squeeze %dma_wait3A_157 : memref<1x64xi32, #tpu.memory_space<vmem>> -> memref<64xi32, #tpu.memory_space<vmem>>
      %dma_wait3A_159 = arith.constant 0 : i32
      %dma_wait3A_160 = arith.constant 0 : i32
      %dma_wait3A_161 = tpu.memref_slice %arg4[%dma_wait3A_159, %dma_wait3A_160] : memref<100000x128xf32, #tpu.memory_space<hbm>> -> memref<100000x128xf32, #tpu.memory_space<hbm>>
      tpu.wait_indirect_dma semaphore(%arg11 : memref<!tpu.dma_semaphore, #tpu.memory_space<semaphore_mem>>) src(%dma_wait3A_161 : memref<100000x128xf32, #tpu.memory_space<hbm>>) dst(%dma_wait3A_155 : memref<64x128xf32, #tpu.memory_space<vmem>>)
      %mul3A_162 = arith.constant 4 : i32
      %mul3A_163 = arith.muli %mul3A_162, %scan3A_11 : i32
      %add3A_164 = arith.constant 0 : i32
      %add3A_165 = arith.addi %mul3A_163, %add3A_164 : i32
      %mul3A_166 = arith.constant 64 : i32
      %mul3A_167 = arith.muli %add3A_165, %mul3A_166 : i32
      %multiple_of3A_168 = tpu.assume_multiple %mul3A_167, 64 : i32
      %add3A_169 = arith.addi %multiple_of3A, %multiple_of3A_168 : i32
      %dma_start3A_170 = arith.constant 0 : i32
      %dma_start3A_171 = tpu.memref_slice %arg5[%add3A_169, %dma_start3A_170] : memref<81920x384xf32, #tpu.memory_space<hbm>> -> memref<64x384xf32, #tpu.memory_space<hbm>>
      %dma_start3A_172 = arith.constant 0 : i32
      %dma_start3A_173 = tpu.memref_slice %arg5[%add3A_169, %dma_start3A_172] : memref<81920x384xf32, #tpu.memory_space<hbm>> -> memref<64x384xf32, #tpu.memory_space<hbm>>
      tpu.enqueue_dma source(%arg7 : memref<64x384xf32, #tpu.memory_space<vmem>>) target(%dma_start3A_173 : memref<64x384xf32, #tpu.memory_space<hbm>>) target_semaphore(%arg15 : memref<!tpu.dma_semaphore, #tpu.memory_space<semaphore_mem>>)
      %dma_wait3A_174 = arith.constant 0 : i32
      %dma_wait3A_175 = arith.constant 0 : i32
      %dma_wait3A_176 = tpu.memref_slice %arg8[%dma_wait3A_174, %dma_wait3A_175] : memref<64x384xf32, #tpu.memory_space<vmem>> -> memref<64x128xf32, #tpu.memory_space<vmem>>
      %dma_wait3A_177 = arith.constant 0 : i32
      %dma_wait3A_178 = tpu.memref_slice %arg6[%add3A_46, %dma_wait3A_177] : memref<40x64xi32, #tpu.memory_space<vmem>> -> memref<1x64xi32, #tpu.memory_space<vmem>>
      %dma_wait3A_179 = tpu.memref_squeeze %dma_wait3A_178 : memref<1x64xi32, #tpu.memory_space<vmem>> -> memref<64xi32, #tpu.memory_space<vmem>>
      %dma_wait3A_180 = arith.constant 0 : i32
      %dma_wait3A_181 = arith.constant 0 : i32
      %dma_wait3A_182 = tpu.memref_slice %arg3[%dma_wait3A_180, %dma_wait3A_181] : memref<100000x300xf32, #tpu.memory_space<hbm>> -> memref<100000x128xf32, #tpu.memory_space<hbm>>
      tpu.wait_indirect_dma semaphore(%arg12 : memref<!tpu.dma_semaphore, #tpu.memory_space<semaphore_mem>>) src(%dma_wait3A_182 : memref<100000x128xf32, #tpu.memory_space<hbm>>) dst(%dma_wait3A_176 : memref<64x128xf32, #tpu.memory_space<vmem>>)
      %dma_wait3A_183 = arith.constant 0 : i32
      %dma_wait3A_184 = arith.constant 128 : i32
      %dma_wait3A_185 = tpu.memref_slice %arg8[%dma_wait3A_183, %dma_wait3A_184] : memref<64x384xf32, #tpu.memory_space<vmem>> -> memref<64x128xf32, #tpu.memory_space<vmem>>
      %dma_wait3A_186 = arith.constant 0 : i32
      %dma_wait3A_187 = tpu.memref_slice %arg6[%add3A_46, %dma_wait3A_186] : memref<40x64xi32, #tpu.memory_space<vmem>> -> memref<1x64xi32, #tpu.memory_space<vmem>>
      %dma_wait3A_188 = tpu.memref_squeeze %dma_wait3A_187 : memref<1x64xi32, #tpu.memory_space<vmem>> -> memref<64xi32, #tpu.memory_space<vmem>>
      %dma_wait3A_189 = arith.constant 0 : i32
      %dma_wait3A_190 = arith.constant 128 : i32
      %dma_wait3A_191 = tpu.memref_slice %arg3[%dma_wait3A_189, %dma_wait3A_190] : memref<100000x300xf32, #tpu.memory_space<hbm>> -> memref<100000x128xf32, #tpu.memory_space<hbm>>
      tpu.wait_indirect_dma semaphore(%arg12 : memref<!tpu.dma_semaphore, #tpu.memory_space<semaphore_mem>>) src(%dma_wait3A_191 : memref<100000x128xf32, #tpu.memory_space<hbm>>) dst(%dma_wait3A_185 : memref<64x128xf32, #tpu.memory_space<vmem>>)
      %dma_wait3A_192 = arith.constant 0 : i32
      %dma_wait3A_193 = arith.constant 256 : i32
      %dma_wait3A_194 = tpu.memref_slice %arg8[%dma_wait3A_192, %dma_wait3A_193] : memref<64x384xf32, #tpu.memory_space<vmem>> -> memref<64x128xf32, #tpu.memory_space<vmem>>
      %dma_wait3A_195 = arith.constant 0 : i32
      %dma_wait3A_196 = tpu.memref_slice %arg6[%add3A_46, %dma_wait3A_195] : memref<40x64xi32, #tpu.memory_space<vmem>> -> memref<1x64xi32, #tpu.memory_space<vmem>>
      %dma_wait3A_197 = tpu.memref_squeeze %dma_wait3A_196 : memref<1x64xi32, #tpu.memory_space<vmem>> -> memref<64xi32, #tpu.memory_space<vmem>>
      %dma_wait3A_198 = arith.constant 0 : i32
      %dma_wait3A_199 = arith.constant 0 : i32
      %dma_wait3A_200 = tpu.memref_slice %arg4[%dma_wait3A_198, %dma_wait3A_199] : memref<100000x128xf32, #tpu.memory_space<hbm>> -> memref<100000x128xf32, #tpu.memory_space<hbm>>
      tpu.wait_indirect_dma semaphore(%arg12 : memref<!tpu.dma_semaphore, #tpu.memory_space<semaphore_mem>>) src(%dma_wait3A_200 : memref<100000x128xf32, #tpu.memory_space<hbm>>) dst(%dma_wait3A_194 : memref<64x128xf32, #tpu.memory_space<vmem>>)
      %mul3A_201 = arith.constant 4 : i32
      %mul3A_202 = arith.muli %mul3A_201, %scan3A_11 : i32
      %add3A_203 = arith.constant 1 : i32
      %add3A_204 = arith.addi %mul3A_202, %add3A_203 : i32
      %mul3A_205 = arith.constant 64 : i32
      %mul3A_206 = arith.muli %add3A_204, %mul3A_205 : i32
      %multiple_of3A_207 = tpu.assume_multiple %mul3A_206, 64 : i32
      %add3A_208 = arith.addi %multiple_of3A, %multiple_of3A_207 : i32
      %dma_start3A_209 = arith.constant 0 : i32
      %dma_start3A_210 = tpu.memref_slice %arg5[%add3A_208, %dma_start3A_209] : memref<81920x384xf32, #tpu.memory_space<hbm>> -> memref<64x384xf32, #tpu.memory_space<hbm>>
      %dma_start3A_211 = arith.constant 0 : i32
      %dma_start3A_212 = tpu.memref_slice %arg5[%add3A_208, %dma_start3A_211] : memref<81920x384xf32, #tpu.memory_space<hbm>> -> memref<64x384xf32, #tpu.memory_space<hbm>>
      tpu.enqueue_dma source(%arg8 : memref<64x384xf32, #tpu.memory_space<vmem>>) target(%dma_start3A_212 : memref<64x384xf32, #tpu.memory_space<hbm>>) target_semaphore(%arg16 : memref<!tpu.dma_semaphore, #tpu.memory_space<semaphore_mem>>)
      %dma_wait3A_213 = arith.constant 0 : i32
      %dma_wait3A_214 = arith.constant 0 : i32
      %dma_wait3A_215 = tpu.memref_slice %arg9[%dma_wait3A_213, %dma_wait3A_214] : memref<64x384xf32, #tpu.memory_space<vmem>> -> memref<64x128xf32, #tpu.memory_space<vmem>>
      %dma_wait3A_216 = arith.constant 0 : i32
      %dma_wait3A_217 = tpu.memref_slice %arg6[%add3A_77, %dma_wait3A_216] : memref<40x64xi32, #tpu.memory_space<vmem>> -> memref<1x64xi32, #tpu.memory_space<vmem>>
      %dma_wait3A_218 = tpu.memref_squeeze %dma_wait3A_217 : memref<1x64xi32, #tpu.memory_space<vmem>> -> memref<64xi32, #tpu.memory_space<vmem>>
      %dma_wait3A_219 = arith.constant 0 : i32
      %dma_wait3A_220 = arith.constant 0 : i32
      %dma_wait3A_221 = tpu.memref_slice %arg3[%dma_wait3A_219, %dma_wait3A_220] : memref<100000x300xf32, #tpu.memory_space<hbm>> -> memref<100000x128xf32, #tpu.memory_space<hbm>>
      tpu.wait_indirect_dma semaphore(%arg13 : memref<!tpu.dma_semaphore, #tpu.memory_space<semaphore_mem>>) src(%dma_wait3A_221 : memref<100000x128xf32, #tpu.memory_space<hbm>>) dst(%dma_wait3A_215 : memref<64x128xf32, #tpu.memory_space<vmem>>)
      %dma_wait3A_222 = arith.constant 0 : i32
      %dma_wait3A_223 = arith.constant 128 : i32
      %dma_wait3A_224 = tpu.memref_slice %arg9[%dma_wait3A_222, %dma_wait3A_223] : memref<64x384xf32, #tpu.memory_space<vmem>> -> memref<64x128xf32, #tpu.memory_space<vmem>>
      %dma_wait3A_225 = arith.constant 0 : i32
      %dma_wait3A_226 = tpu.memref_slice %arg6[%add3A_77, %dma_wait3A_225] : memref<40x64xi32, #tpu.memory_space<vmem>> -> memref<1x64xi32, #tpu.memory_space<vmem>>
      %dma_wait3A_227 = tpu.memref_squeeze %dma_wait3A_226 : memref<1x64xi32, #tpu.memory_space<vmem>> -> memref<64xi32, #tpu.memory_space<vmem>>
      %dma_wait3A_228 = arith.constant 0 : i32
      %dma_wait3A_229 = arith.constant 128 : i32
      %dma_wait3A_230 = tpu.memref_slice %arg3[%dma_wait3A_228, %dma_wait3A_229] : memref<100000x300xf32, #tpu.memory_space<hbm>> -> memref<100000x128xf32, #tpu.memory_space<hbm>>
      tpu.wait_indirect_dma semaphore(%arg13 : memref<!tpu.dma_semaphore, #tpu.memory_space<semaphore_mem>>) src(%dma_wait3A_230 : memref<100000x128xf32, #tpu.memory_space<hbm>>) dst(%dma_wait3A_224 : memref<64x128xf32, #tpu.memory_space<vmem>>)
      %dma_wait3A_231 = arith.constant 0 : i32
      %dma_wait3A_232 = arith.constant 256 : i32
      %dma_wait3A_233 = tpu.memref_slice %arg9[%dma_wait3A_231, %dma_wait3A_232] : memref<64x384xf32, #tpu.memory_space<vmem>> -> memref<64x128xf32, #tpu.memory_space<vmem>>
      %dma_wait3A_234 = arith.constant 0 : i32
      %dma_wait3A_235 = tpu.memref_slice %arg6[%add3A_77, %dma_wait3A_234] : memref<40x64xi32, #tpu.memory_space<vmem>> -> memref<1x64xi32, #tpu.memory_space<vmem>>
      %dma_wait3A_236 = tpu.memref_squeeze %dma_wait3A_235 : memref<1x64xi32, #tpu.memory_space<vmem>> -> memref<64xi32, #tpu.memory_space<vmem>>
      %dma_wait3A_237 = arith.constant 0 : i32
      %dma_wait3A_238 = arith.constant 0 : i32
      %dma_wait3A_239 = tpu.memref_slice %arg4[%dma_wait3A_237, %dma_wait3A_238] : memref<100000x128xf32, #tpu.memory_space<hbm>> -> memref<100000x128xf32, #tpu.memory_space<hbm>>
      tpu.wait_indirect_dma semaphore(%arg13 : memref<!tpu.dma_semaphore, #tpu.memory_space<semaphore_mem>>) src(%dma_wait3A_239 : memref<100000x128xf32, #tpu.memory_space<hbm>>) dst(%dma_wait3A_233 : memref<64x128xf32, #tpu.memory_space<vmem>>)
      %mul3A_240 = arith.constant 4 : i32
      %mul3A_241 = arith.muli %mul3A_240, %scan3A_11 : i32
      %add3A_242 = arith.constant 2 : i32
      %add3A_243 = arith.addi %mul3A_241, %add3A_242 : i32
      %mul3A_244 = arith.constant 64 : i32
      %mul3A_245 = arith.muli %add3A_243, %mul3A_244 : i32
      %multiple_of3A_246 = tpu.assume_multiple %mul3A_245, 64 : i32
      %add3A_247 = arith.addi %multiple_of3A, %multiple_of3A_246 : i32
      %dma_start3A_248 = arith.constant 0 : i32
      %dma_start3A_249 = tpu.memref_slice %arg5[%add3A_247, %dma_start3A_248] : memref<81920x384xf32, #tpu.memory_space<hbm>> -> memref<64x384xf32, #tpu.memory_space<hbm>>
      %dma_start3A_250 = arith.constant 0 : i32
      %dma_start3A_251 = tpu.memref_slice %arg5[%add3A_247, %dma_start3A_250] : memref<81920x384xf32, #tpu.memory_space<hbm>> -> memref<64x384xf32, #tpu.memory_space<hbm>>
      tpu.enqueue_dma source(%arg9 : memref<64x384xf32, #tpu.memory_space<vmem>>) target(%dma_start3A_251 : memref<64x384xf32, #tpu.memory_space<hbm>>) target_semaphore(%arg17 : memref<!tpu.dma_semaphore, #tpu.memory_space<semaphore_mem>>)
      %dma_wait3A_252 = arith.constant 0 : i32
      %dma_wait3A_253 = arith.constant 0 : i32
      %dma_wait3A_254 = tpu.memref_slice %arg10[%dma_wait3A_252, %dma_wait3A_253] : memref<64x384xf32, #tpu.memory_space<vmem>> -> memref<64x128xf32, #tpu.memory_space<vmem>>
      %dma_wait3A_255 = arith.constant 0 : i32
      %dma_wait3A_256 = tpu.memref_slice %arg6[%add3A_108, %dma_wait3A_255] : memref<40x64xi32, #tpu.memory_space<vmem>> -> memref<1x64xi32, #tpu.memory_space<vmem>>
      %dma_wait3A_257 = tpu.memref_squeeze %dma_wait3A_256 : memref<1x64xi32, #tpu.memory_space<vmem>> -> memref<64xi32, #tpu.memory_space<vmem>>
      %dma_wait3A_258 = arith.constant 0 : i32
      %dma_wait3A_259 = arith.constant 0 : i32
      %dma_wait3A_260 = tpu.memref_slice %arg3[%dma_wait3A_258, %dma_wait3A_259] : memref<100000x300xf32, #tpu.memory_space<hbm>> -> memref<100000x128xf32, #tpu.memory_space<hbm>>
      tpu.wait_indirect_dma semaphore(%arg14 : memref<!tpu.dma_semaphore, #tpu.memory_space<semaphore_mem>>) src(%dma_wait3A_260 : memref<100000x128xf32, #tpu.memory_space<hbm>>) dst(%dma_wait3A_254 : memref<64x128xf32, #tpu.memory_space<vmem>>)
      %dma_wait3A_261 = arith.constant 0 : i32
      %dma_wait3A_262 = arith.constant 128 : i32
      %dma_wait3A_263 = tpu.memref_slice %arg10[%dma_wait3A_261, %dma_wait3A_262] : memref<64x384xf32, #tpu.memory_space<vmem>> -> memref<64x128xf32, #tpu.memory_space<vmem>>
      %dma_wait3A_264 = arith.constant 0 : i32
      %dma_wait3A_265 = tpu.memref_slice %arg6[%add3A_108, %dma_wait3A_264] : memref<40x64xi32, #tpu.memory_space<vmem>> -> memref<1x64xi32, #tpu.memory_space<vmem>>
      %dma_wait3A_266 = tpu.memref_squeeze %dma_wait3A_265 : memref<1x64xi32, #tpu.memory_space<vmem>> -> memref<64xi32, #tpu.memory_space<vmem>>
      %dma_wait3A_267 = arith.constant 0 : i32
      %dma_wait3A_268 = arith.constant 128 : i32
      %dma_wait3A_269 = tpu.memref_slice %arg3[%dma_wait3A_267, %dma_wait3A_268] : memref<100000x300xf32, #tpu.memory_space<hbm>> -> memref<100000x128xf32, #tpu.memory_space<hbm>>
      tpu.wait_indirect_dma semaphore(%arg14 : memref<!tpu.dma_semaphore, #tpu.memory_space<semaphore_mem>>) src(%dma_wait3A_269 : memref<100000x128xf32, #tpu.memory_space<hbm>>) dst(%dma_wait3A_263 : memref<64x128xf32, #tpu.memory_space<vmem>>)
      %dma_wait3A_270 = arith.constant 0 : i32
      %dma_wait3A_271 = arith.constant 256 : i32
      %dma_wait3A_272 = tpu.memref_slice %arg10[%dma_wait3A_270, %dma_wait3A_271] : memref<64x384xf32, #tpu.memory_space<vmem>> -> memref<64x128xf32, #tpu.memory_space<vmem>>
      %dma_wait3A_273 = arith.constant 0 : i32
      %dma_wait3A_274 = tpu.memref_slice %arg6[%add3A_108, %dma_wait3A_273] : memref<40x64xi32, #tpu.memory_space<vmem>> -> memref<1x64xi32, #tpu.memory_space<vmem>>
      %dma_wait3A_275 = tpu.memref_squeeze %dma_wait3A_274 : memref<1x64xi32, #tpu.memory_space<vmem>> -> memref<64xi32, #tpu.memory_space<vmem>>
      %dma_wait3A_276 = arith.constant 0 : i32
      %dma_wait3A_277 = arith.constant 0 : i32
      %dma_wait3A_278 = tpu.memref_slice %arg4[%dma_wait3A_276, %dma_wait3A_277] : memref<100000x128xf32, #tpu.memory_space<hbm>> -> memref<100000x128xf32, #tpu.memory_space<hbm>>
      tpu.wait_indirect_dma semaphore(%arg14 : memref<!tpu.dma_semaphore, #tpu.memory_space<semaphore_mem>>) src(%dma_wait3A_278 : memref<100000x128xf32, #tpu.memory_space<hbm>>) dst(%dma_wait3A_272 : memref<64x128xf32, #tpu.memory_space<vmem>>)
      %mul3A_279 = arith.constant 4 : i32
      %mul3A_280 = arith.muli %mul3A_279, %scan3A_11 : i32
      %add3A_281 = arith.constant 3 : i32
      %add3A_282 = arith.addi %mul3A_280, %add3A_281 : i32
      %mul3A_283 = arith.constant 64 : i32
      %mul3A_284 = arith.muli %add3A_282, %mul3A_283 : i32
      %multiple_of3A_285 = tpu.assume_multiple %mul3A_284, 64 : i32
      %add3A_286 = arith.addi %multiple_of3A, %multiple_of3A_285 : i32
      %dma_start3A_287 = arith.constant 0 : i32
      %dma_start3A_288 = tpu.memref_slice %arg5[%add3A_286, %dma_start3A_287] : memref<81920x384xf32, #tpu.memory_space<hbm>> -> memref<64x384xf32, #tpu.memory_space<hbm>>
      %dma_start3A_289 = arith.constant 0 : i32
      %dma_start3A_290 = tpu.memref_slice %arg5[%add3A_286, %dma_start3A_289] : memref<81920x384xf32, #tpu.memory_space<hbm>> -> memref<64x384xf32, #tpu.memory_space<hbm>>
      tpu.enqueue_dma source(%arg10 : memref<64x384xf32, #tpu.memory_space<vmem>>) target(%dma_start3A_290 : memref<64x384xf32, #tpu.memory_space<hbm>>) target_semaphore(%arg18 : memref<!tpu.dma_semaphore, #tpu.memory_space<semaphore_mem>>)
      %dma_wait3A_291 = arith.constant 0 : i32
      %dma_wait3A_292 = tpu.memref_slice %arg5[%add3A_169, %dma_wait3A_291] : memref<81920x384xf32, #tpu.memory_space<hbm>> -> memref<64x384xf32, #tpu.memory_space<hbm>>
      %dma_wait3A_293 = arith.constant 0 : i32
      %dma_wait3A_294 = tpu.memref_slice %arg5[%add3A_169, %dma_wait3A_293] : memref<81920x384xf32, #tpu.memory_space<hbm>> -> memref<64x384xf32, #tpu.memory_space<hbm>>
      tpu.wait_dma2 semaphore(%arg15 : memref<!tpu.dma_semaphore, #tpu.memory_space<semaphore_mem>>) src(%arg7 : memref<64x384xf32, #tpu.memory_space<vmem>>) dst(%dma_wait3A_294 : memref<64x384xf32, #tpu.memory_space<hbm>>)
      %dma_wait3A_295 = arith.constant 0 : i32
      %dma_wait3A_296 = tpu.memref_slice %arg5[%add3A_208, %dma_wait3A_295] : memref<81920x384xf32, #tpu.memory_space<hbm>> -> memref<64x384xf32, #tpu.memory_space<hbm>>
      %dma_wait3A_297 = arith.constant 0 : i32
      %dma_wait3A_298 = tpu.memref_slice %arg5[%add3A_208, %dma_wait3A_297] : memref<81920x384xf32, #tpu.memory_space<hbm>> -> memref<64x384xf32, #tpu.memory_space<hbm>>
      tpu.wait_dma2 semaphore(%arg16 : memref<!tpu.dma_semaphore, #tpu.memory_space<semaphore_mem>>) src(%arg8 : memref<64x384xf32, #tpu.memory_space<vmem>>) dst(%dma_wait3A_298 : memref<64x384xf32, #tpu.memory_space<hbm>>)
      %dma_wait3A_299 = arith.constant 0 : i32
      %dma_wait3A_300 = tpu.memref_slice %arg5[%add3A_247, %dma_wait3A_299] : memref<81920x384xf32, #tpu.memory_space<hbm>> -> memref<64x384xf32, #tpu.memory_space<hbm>>
      %dma_wait3A_301 = arith.constant 0 : i32
      %dma_wait3A_302 = tpu.memref_slice %arg5[%add3A_247, %dma_wait3A_301] : memref<81920x384xf32, #tpu.memory_space<hbm>> -> memref<64x384xf32, #tpu.memory_space<hbm>>
      tpu.wait_dma2 semaphore(%arg17 : memref<!tpu.dma_semaphore, #tpu.memory_space<semaphore_mem>>) src(%arg9 : memref<64x384xf32, #tpu.memory_space<vmem>>) dst(%dma_wait3A_302 : memref<64x384xf32, #tpu.memory_space<hbm>>)
      %dma_wait3A_303 = arith.constant 0 : i32
      %dma_wait3A_304 = tpu.memref_slice %arg5[%add3A_286, %dma_wait3A_303] : memref<81920x384xf32, #tpu.memory_space<hbm>> -> memref<64x384xf32, #tpu.memory_space<hbm>>
      %dma_wait3A_305 = arith.constant 0 : i32
      %dma_wait3A_306 = tpu.memref_slice %arg5[%add3A_286, %dma_wait3A_305] : memref<81920x384xf32, #tpu.memory_space<hbm>> -> memref<64x384xf32, #tpu.memory_space<hbm>>
      tpu.wait_dma2 semaphore(%arg18 : memref<!tpu.dma_semaphore, #tpu.memory_space<semaphore_mem>>) src(%arg10 : memref<64x384xf32, #tpu.memory_space<vmem>>) dst(%dma_wait3A_306 : memref<64x384xf32, #tpu.memory_space<hbm>>)
      %scan3A_307 = arith.constant 0 : i32
      scf.yield %scan3A_307 : i32
    }
    %scan3A_10 = arith.constant 10 : i32
    return
  }
}

</mosaic_0001>

<sc_bundles>
// kernel: kernel.11.cloned.1.call-start
scs
__scs_entry_jumppad:
0x0: {  	(pc) =	sbr.rel $0x88, $3  }
0x1: {  	(tag) =	ssettag $0x0;
	lr =	simm.s32 $0x1  }
0x2: {  	[smem:$0x3F9D] =	sst lr;
	_ =	strace $0xD0000000  }
0x3: {  	_ = 	snop  }
0x4: {  	_ = 	snop  }
0x5: {  	_ = 	snop  }
0x6: {  	_ = 	snop  }
0x7: {  	_ = 	snop  }
__scs_overlays_trampoline_lowered:
0x8: {  	[smem:$0x3FAC] =	sst s0  }
0x9: {  	[smem:$0x3FAD] =	sst s1  }
0xa: {  	[smem:$0x3FAE] =	sst s2  }
0xb: {  	[smem:$0x3FAF] =	sst s3  }
0xc: {  	[smem:$0x3FB0] =	sst s4  }
0xd: {  	[smem:$0x3FB1] =	sst s5  }
0xe: {  	[smem:$0x3FB2] =	sst s6  }
0xf: {  	[smem:$0x3FB3] =	sst s7  }
0x10: {  	[smem:$0x3FB4] =	sst s8  }
0x11: {  	[smem:$0x3FB5] =	sst s9;
	s0 =	simm.s32 @!p0 $0x0  }
0x12: {  	s1 =	sld [smem:$0x3F9B];
	s0 =	simm.s32 @p0 $0x1  }
0x13: {  	[smem:$0x3FB6] =	sst s0;
	s0 =	simm.s32 @!p1 $0x0  }
0x14: {  	s2 =	sld [smem:$0x3F9A];
	s0 =	simm.s32 @p1 $0x1  }
0x15: {  	[smem:$0x3FB7] =	sst s0;
	s0 =	simm.s32 @!p2 $0x0  }
0x16: {  	s3 =	sld [smem:$0x3FDB];
	s0 =	simm.s32 @p2 $0x1  }
0x17: {  	s4 =	simm.s32 $0x1BF5;
	[smem:$0x3FB9] =	sst s0  }
0x18: {  	s0 =	sld [smem:$0x3F9C];
	_ =	swait.ge [sflag:s4], $0x0  }
0x19: {  	s7 =	sld [smem:$0x3F9D]  }
0x1a: {  	s8 =	sadd.s32 $0xFFFFE003, lr  }
0x1b: {  	s9 =	sadd.s32 $0xFFFFFEF7, lr;
	s5 =	simm.s32 $0xFFFFFFFF;
	p2 =	slt.u32 s8, $0xFFFFF086  }
0x1c: {  	p1 =	slt.u32 s9, $0xF7A;
	s5 =	simm.s32 @!p2 $0x0  }
0x1d: {  	s5 =	simm.s32 @p1 $0x1;
	p0 =	seq.s32 s7, s2  }
0x1e: {  	s7 =	smul.u32 @!p0 $0xF7A, s2;
	p2 =	seq.s32 @!p0 s5, $0x0  }
0x1f: {  	s9 =	smul.u32 $0xF7A, s1;
	s8 =	simm.s32 @!p0 $0x1BF5;
	p2 =	por !p2, p0  }
0x20: {  	[sflag:s8] =	ssyncset.s32 @!p0 $0xFFFFF086;
	s6 =	sadd.s32 @!p0 s3, s7;
	s7 =	simm.s32 @!p0 $0x108  }
0x21: {  	s3 =	sadd.s32 s3, s9;
	s6 =	sadd.s32 @!p0 $0x88, s6;
	s7 =	simm.s32 @p2 $0x1082  }
0x22: {  	[simem:s7], [sflag:s8] =	dma.local @!p0 [hbm:s6], $0xF7A  }
0x23: {  	s9 =	sor.u32 $0xD0000000, s2;
	s6 =	simm.s32 $0x108;
	_ =	swait.ge @!p0 [sflag:s8], $0x0  }
0x24: {  	s3 =	sadd.s32 $0x88, s3;
	s6 =	simm.s32 @!p1 $0x1082;
	[sflag:s4] =	ssyncset.s32 $0xFFFFF086  }
0x25: {  	[simem:s6], [sflag:s4] =	dma.local [hbm:s3], $0xF7A  }
0x26: {  	[smem:$0x3F9D] =	sst s1;
	(tag) =	ssettag s2;
	_ =	strace s9  }
0x27: {  	s1 =	sld [smem:$0x3FAD]  }
0x28: {  	s2 =	sld [smem:$0x3FAE]  }
0x29: {  	s4 =	sld [smem:$0x3FB0]  }
0x2a: {  	p0 =	seq.s32 s5, $0x0;
	s5 =	sld [smem:$0x3FB1]  }
0x2b: {  	s6 =	sld [smem:$0x3FB2]  }
0x2c: {  	s7 =	sld [smem:$0x3FB3]  }
0x2d: {  	s3 =	simm.s32 $0x108;
	s8 =	sld [smem:$0x3FB4]  }
0x2e: {  	s3 =	simm.s32 @!p0 $0x1082;
	s9 =	sld [smem:$0x3FB5]  }
0x2f: {  	lr =	sadd.s32 s0, s3;
	s0 =	sld [smem:$0x3FAC]  }
0x30: {  	s3 =	sld [smem:$0x3FAF]  }
0x31: {  	[smem:$0x3FB8] =	sst s10  }
0x32: {  	s10 =	sld [smem:$0x3FB6];
	_ =	sdelay $0x3  }
0x33: {  	p0 =	seq.s32 s10, $0x1;
	s10 =	sld [smem:$0x3FB8];
	_ =	sdelay $0x3  }
0x34: {  	[smem:$0x3FB8] =	sst s10  }
0x35: {  	s10 =	sld [smem:$0x3FB7];
	_ =	sdelay $0x3  }
0x36: {  	p1 =	seq.s32 s10, $0x1;
	s10 =	sld [smem:$0x3FB8];
	_ =	sdelay $0x3  }
0x37: {  	[smem:$0x3FB8] =	sst s10  }
0x38: {  	s10 =	sld [smem:$0x3FB9]  }
0x39: {  	_ = 	snop;
	(pc) =	sbr.ind lr, $3  }
0x3a: {  	_ = 	snop  }
0x3b: {  	_ = 	snop  }
0x3c: {  	p2 =	seq.s32 s10, $0x1;
	s10 =	sld [smem:$0x3FB8]  }
0x3d: {  	_ =	shalt  }
0x3e: {  	_ =	shalt  }
0x3f: {  	_ =	shalt  }
0x40: {  	_ =	shalt  }
0x41: {  	_ =	shalt  }
0x42: {  	_ =	shalt  }
0x43: {  	_ =	shalt  }
0x44: {  	_ =	shalt  }
0x45: {  	_ =	shalt  }
0x46: {  	_ =	shalt  }
0x47: {  	_ =	shalt  }
0x48: {  	_ =	shalt  }
0x49: {  	_ =	shalt  }
0x4a: {  	_ =	shalt  }
0x4b: {  	_ =	shalt  }
0x4c: {  	_ =	shalt  }
0x4d: {  	_ =	shalt  }
0x4e: {  	_ =	shalt  }
0x4f: {  	_ =	shalt  }
0x50: {  	_ =	shalt  }
0x51: {  	_ =	shalt  }
0x52: {  	_ =	shalt  }
0x53: {  	_ =	shalt  }
0x54: {  	_ =	shalt  }
0x55: {  	_ =	shalt  }
0x56: {  	_ =	shalt  }
0x57: {  	_ =	shalt  }
0x58: {  	_ =	shalt  }
0x59: {  	_ =	shalt  }
0x5a: {  	_ =	shalt  }
0x5b: {  	_ =	shalt  }
0x5c: {  	_ =	shalt  }
0x5d: {  	_ =	shalt  }
0x5e: {  	_ =	shalt  }
0x5f: {  	_ =	shalt  }
0x60: {  	_ =	shalt  }
0x61: {  	_ =	shalt  }
0x62: {  	_ =	shalt  }
0x63: {  	_ =	shalt  }
0x64: {  	_ =	shalt  }
0x65: {  	_ =	shalt  }
0x66: {  	_ =	shalt  }
0x67: {  	_ =	shalt  }
0x68: {  	_ =	shalt  }
0x69: {  	_ =	shalt  }
0x6a: {  	_ =	shalt  }
0x6b: {  	_ =	shalt  }
0x6c: {  	_ =	shalt  }
0x6d: {  	_ =	shalt  }
0x6e: {  	_ =	shalt  }
0x6f: {  	_ =	shalt  }
0x70: {  	_ =	shalt  }
0x71: {  	_ =	shalt  }
0x72: {  	_ =	shalt  }
0x73: {  	_ =	shalt  }
0x74: {  	_ =	shalt  }
0x75: {  	_ =	shalt  }
0x76: {  	_ =	shalt  }
0x77: {  	_ =	shalt  }
0x78: {  	_ =	shalt  }
0x79: {  	_ =	shalt  }
0x7a: {  	_ =	shalt  }
0x7b: {  	_ =	shalt  }
0x7c: {  	_ =	shalt  }
0x7d: {  	_ =	shalt  }
0x7e: {  	_ =	shalt  }
0x7f: {  	_ =	shalt  }
0x80: {  	_ =	shalt  }
0x81: {  	_ =	shalt  }
0x82: {  	_ =	shalt  }
0x83: {  	_ =	shalt  }
0x84: {  	_ =	shalt  }
0x85: {  	_ =	shalt  }
0x86: {  	_ =	shalt  }
0x87: {  	_ =	shalt  }
.Lfunc_end0:
.L_simem_size_0:
called_computation.5_lowered:
.L_overlay_start_0:
0x88: {  	s2 =	sld [smem:$0x3FD9]  }
0x89: {  	s3 =	sld [smem:$0x3FFE];
	_ =	sdelay $0x1  }
0x8a: {  	s1 =	srdreg.scid  }
0x8b: {  	s0 =	sand.u32 $0x1, s1  }
0x8c: {  	s15 =	sshll.u32 s0, $0xA;
	s2 =	sadd.s32 s3, s2  }
0x8d: {  	s2 =	sadd.s32 s2, s15  }
0x8e: {  	[smem:$0x3FC4] =	sst s2  }
0x8f: {  	_ = 	snop  }
0x90: {  	s2 =	sld [smem:$0x3FD0];
	_ =	sdelay $0x2  }
0x91: {  	s16 =	simm.s32 $0xC;
	s4 =	simm.s32 $0x10  }
0x92: {  	[smem:s4], [sflag:s16] =	dma.local [hbm:s2], $0x1  }
0x93: {  	_ =	swait.eq [sflag:s16], $0x1  }
0x94: {  	[sflag:s16] =	ssyncset.done $0x0  }
0x95: {  	[sflag:s16] =	ssyncadd.s32 $0xFFFFFFFF  }
0x96: {  	s17 =	sld [smem:$0x10];
	(tm) =	ssettm $0x1  }
0x97: {  	s18 =	sld [smem:$0x3FFB];
	_ =	sdelay $0x3  }
0x98: {  	_ =	strace s18  }
0x99: {  	s2 =	sld [smem:$0x3FFC];
	_ =	sdelay $0x3  }
0x9a: {  	_ =	strace s2  }
0x9b: {  	s2 =	sld [smem:$0x3FFD];
	_ =	sdelay $0x3  }
0x9c: {  	_ =	strace s2  }
0x9d: {  	_ =	strace $0x8FFFFFFF  }
0x9e: {  	s19 =	sld [smem:$0x3FDB];
	_ =	sdelay $0x1  }
0x9f: {  	s20 =	simm.s32 $_scs_section_size  }
0xa0: {  	s5 =	simm.s32 $_size__tile_overlayer_lowered;
	s6 =	simm.s32 $_tile_overlayer_lowered  }
0xa1: {  	s7 =	simm.s32 $0x1BFF;
	s21 =	sshll.u32 s6, $0x1;
	s4 =	sadd.s32 s20, s19  }
0xa2: {  	s22 =	simm.s32 $0x0;
	s5 =	sshll.u32 s5, $0x1;
	s6 =	sadd.s32 s21, s4  }
0xa3: {  	[timem:s22], [sflag:s7] =	dma.local [hbm:s6], s5  }
0xa4: {  	_ =	swait.ge [sflag:s7], s5  }
0xa5: {  	s5 =	ssub.s32 $0x0, s5;
	[sflag:s7] =	ssyncset.done $0x0  }
0xa6: {  	[sflag:s7] =	ssyncadd.s32 s5;
	_ =	sdelay $0x1  }
0xa7: {  	s23 =	simm.s32 $0x1B8B  }
0xa8: {  	_ =	swait.ge [sflag:s23], $0x1  }
0xa9: {  	[sflag:s23] =	ssyncset.done $0x0  }
0xaa: {  	[sflag:s23] =	ssyncadd.s32 $0xFFFFFFFF  }
0xab: {  	s5 =	sld [smem:$0x0]  }
0xac: {  	s6 =	sand.u32 $0xFFFFFFFE, s1  }
0xad: {  	p0 =	sne.s32 s1, s6  }
0xae: {  	s6 =	sshll.u32 @p0 s6, $0xE  }
0xaf: {  	s6 =	sadd.s32 @p0 $0x11B8D, s6;
	s7 =	sshll.u32 @p0 s5, $0x11  }
0xb0: {  	s6 =	sor.u32 @p0 s7, s6  }
0xb1: {  	[sflag:s6] =	ssyncadd.remote.s32 @p0 $0x1;
	_ =	sdelay $0x1  }
0xb2: {  	s6 =	simm.s32 @p0 $0x1B8D  }
0xb3: {  	_ =	swait.eq @p0 [sflag:s6], $0x1  }
0xb4: {  	[sflag:s6] =	ssyncadd.s32 @p0 $0xFFFFFFFF  }
0xb5: {  	s7 =	sshll.u32 @!p0 s1, $0xE  }
0xb6: {  	s7 =	sor.u32 @!p0 $0x4000, s7;
	s6 =	simm.s32 @!p0 $0x1B8D  }
0xb7: {  	s5 =	sshll.u32 @!p0 s5, $0x11;
	s7 =	sadd.s32 @!p0 $0x11B8D, s7;
	_ =	swait.eq @!p0 [sflag:s6], $0x1  }
0xb8: {  	s5 =	sor.u32 @!p0 s5, s7;
	[sflag:s6] =	ssyncadd.s32 @!p0 $0xFFFFFFFF  }
0xb9: {  	s25 =	simm.s32 $0x1B8E;
	s24 =	sld [smem:$0x3FFE];
	[sflag:s5] =	ssyncadd.remote.s32 @!p0 $0x1  }
0xba: {  	s26 =	simm.s32 $execute0_lowered;
	[smem:$0x3FD2] =	sst s25  }
0xbb: {  	s6 =	sshll.u32 s26, $0x1;
	_ =	strace $0x80000049;
	[dreg:$0x1] =	wrdreg $0xFFFFFFFF  }
0xbc: {  	s28 =	simm.s32 $_size_execute0_lowered;
	s4 =	sadd.s32 s4, s6;
	[dreg:$0x0] =	wrdreg $0x0  }
0xbd: {  	s6 =	sshll.u32 s28, $0x1;
	[dreg:$0x2] =	wrdreg s4  }
0xbe: {  	[dreg:$0x3] =	wrdreg s6  }
0xbf: {  	[dreg:$0x4] =	wrdreg $0xC0  }
0xc0: {  	_ =	task [dreg:s22], $0x5FFFF  }
0xc1: {  	[dreg:$0x1] =	wrdreg $0xFFFFFFFF  }
0xc2: {  	[dreg:$0x0] =	wrdreg $0x60  }
0xc3: {  	[dreg:$0x2] =	wrdreg s24  }
0xc4: {  	[dreg:$0x3] =	wrdreg s17  }
0xc5: {  	[dreg:$0x4] =	wrdreg $0xB  }
0xc6: {  	_ =	task.clear_ibuf [dreg:s22], $0x5FFFF;
	_ =	strace $0x90000049  }
0xc7: {  	s29 =	simm.s32 $0xB;
	_ =	strace $0x8000004B  }
0xc8: {  	_ =	swait.ge [sflag:s29], $0x1  }
0xc9: {  	[sflag:s29] =	ssyncadd.s32 $0xFFFFFFFF  }
0xca: {  	_ =	strace $0x9000004B  }
0xcb: {  	_ =	sfence  }
0xcc: {  	s30 =	sld [smem:$0x0];
	_ =	sdelay $0x2  }
0xcd: {  	s31 =	sshll.u32 s1, $0xD;
	s1 =	sshrl.u32 s1, $0x2  }
0xce: {  	s4 =	sand.u32 $0x4000, s31;
	s1 =	sadd.s32 s1, s30  }
0xcf: {  	s0 =	sor.u32 s4, s0;
	s1 =	sshll.u32 s1, $0x11  }
0xd0: {  	s0 =	sor.u32 s1, s0  }
0xd1: {  	s0 =	sadd.s32 $0x8F2B, s0  }
0xd2: {  	[sflag:s0] =	ssyncadd.remote.s32 $0x1  }
0xd3: {  	_ =	sfence.sel $0xFFFF  }
0xd4: {  	[dreg:$0x0] =	wrdreg $0xFFFFFFFF;
	(pc) =	sbr.abs _section_cstart, $3  }
0xd5: {  	[dreg:$0x1] =	wrdreg $0xFFFFFFFF  }
0xd6: {  	_ =	task.clear_ibuf [dreg:s22], $0x2FFFF;
	_ =	strace $0x9FFFFFFF  }
0xd7: {  	(tm) =	ssettm $0x7FFFFFFF  }
tec
execute0_lowered:
.L_overlay_start_1:
0x0: {  	(tag) =	ssettag $0x1  }
0x1: {  	s1 =	rddreg [dreg:$0x0];
	s3 =	srdreg.scid  }
0x2: {  	s2 =	rddreg [dreg:$0x1];
	s5 =	sand.u32 $0x1, s3;
	s3 =	simm.s32 $0x0  }
0x3: {  	s10 =	simm.s32 $0x4400;
	[smem:$0x7FF] =	sst s3  }
0x4: {  	s11 =	simm.s32 $0x5000;
	_ =	strace $0x8000004A;
	[dreg:$0xa] =	wrdreg s10  }
0x5: {  	s12 =	simm.s32 $0x5C00;
	[dreg:$0xb] =	wrdreg s11  }
0x6: {  	s13 =	simm.s32 $0x6800;
	[dreg:$0xc] =	wrdreg s12  }
0x7: {  	s14 =	simm.s32 $0x1800;
	[dreg:$0xd] =	wrdreg s13  }
0x8: {  	s15 =	simm.s32 $0x2400;
	[dreg:$0xe] =	wrdreg s14  }
0x9: {  	s16 =	simm.s32 $0x3000;
	[dreg:$0xf] =	wrdreg s15  }
0xa: {  	s17 =	simm.s32 $0x3C00;
	[dreg:$0x10] =	wrdreg s16  }
0xb: {  	s18 =	simm.s32 $0x4800;
	[dreg:$0x11] =	wrdreg s17  }
0xc: {  	s19 =	simm.s32 $0x5400;
	[dreg:$0x12] =	wrdreg s18  }
0xd: {  	s20 =	simm.s32 $0x6000;
	[dreg:$0x13] =	wrdreg s19  }
0xe: {  	s21 =	simm.s32 $0x6C00;
	[dreg:$0x14] =	wrdreg s20  }
0xf: {  	s22 =	simm.s32 $0x1C00;
	[dreg:$0x15] =	wrdreg s21  }
0x10: {  	s23 =	simm.s32 $0x2800;
	[dreg:$0x16] =	wrdreg s22  }
0x11: {  	s24 =	simm.s32 $0x3400;
	[dreg:$0x17] =	wrdreg s23  }
0x12: {  	[dreg:$0x18] =	wrdreg s24;
	s10 =	simm.s32 $0x9800  }
0x13: {  	s11 =	simm.s32 $0xA400;
	[smem:$0x7C2] =	sst s10  }
0x14: {  	s12 =	simm.s32 $0xB000;
	[smem:$0x7C3] =	sst s11  }
0x15: {  	s13 =	simm.s32 $0xBC00;
	[smem:$0x7C4] =	sst s12  }
0x16: {  	s14 =	simm.s32 $0xC800;
	[smem:$0x7C5] =	sst s13  }
0x17: {  	s15 =	simm.s32 $0x7800;
	[smem:$0x7C6] =	sst s14  }
0x18: {  	s16 =	simm.s32 $0x8400;
	[smem:$0x7C7] =	sst s15  }
0x19: {  	s17 =	simm.s32 $0x9000;
	[smem:$0x7C8] =	sst s16  }
0x1a: {  	s18 =	simm.s32 $0x9C00;
	[smem:$0x7C9] =	sst s17  }
0x1b: {  	s19 =	simm.s32 $0xA800;
	[smem:$0x7CA] =	sst s18  }
0x1c: {  	s20 =	simm.s32 $0xB400;
	[smem:$0x7CB] =	sst s19  }
0x1d: {  	s0 =	stileid.u32;
	s21 =	simm.s32 $0xC000;
	[smem:$0x7CC] =	sst s20  }
0x1e: {  	s4 =	smul.u32 $0x1400, s0;
	s22 =	simm.s32 $0xCC00;
	[smem:$0x7CD] =	sst s21  }
0x1f: {  	s6 =	smul.u32 $0xA00, s5;
	s23 =	simm.s32 $0x7C00;
	[smem:$0x7CE] =	sst s22  }
0x20: {  	s24 =	simm.s32 $0x8800;
	[smem:$0x7CF] =	sst s23  }
0x21: {  	s4 =	sadd.s32 s6, s4;
	s6 =	simm.s32 $0x6400;
	[smem:$0x7D0] =	sst s24  }
0x22: {  	s10 =	simm.s32 $0xEC00;
	[dreg:$0x1c] =	wrdreg s6  }
0x23: {  	s11 =	simm.s32 $0xF800;
	[smem:$0x7D8] =	sst s10  }
0x24: {  	s12 =	simm.s32 $0x10400;
	[smem:$0x7D9] =	sst s11  }
0x25: {  	s13 =	simm.s32 $0x11000;
	[smem:$0x7DA] =	sst s12  }
0x26: {  	s14 =	simm.s32 $0x11C00;
	[smem:$0x7DB] =	sst s13  }
0x27: {  	s15 =	simm.s32 $0x12800;
	[smem:$0x7DC] =	sst s14  }
0x28: {  	s16 =	simm.s32 $0xD800;
	[smem:$0x7DD] =	sst s15  }
0x29: {  	s17 =	simm.s32 $0xE400;
	[smem:$0x7DE] =	sst s16  }
0x2a: {  	s18 =	simm.s32 $0xF000;
	[smem:$0x7DF] =	sst s17  }
0x2b: {  	s19 =	simm.s32 $0xFC00;
	[smem:$0x7E0] =	sst s18  }
0x2c: {  	s20 =	simm.s32 $0x10800;
	[smem:$0x7E1] =	sst s19  }
0x2d: {  	s21 =	simm.s32 $0x11400;
	[smem:$0x7E2] =	sst s20  }
0x2e: {  	s22 =	simm.s32 $0x12000;
	[smem:$0x7E3] =	sst s21  }
0x2f: {  	s23 =	simm.s32 $0x12C00;
	[smem:$0x7E4] =	sst s22  }
0x30: {  	s24 =	simm.s32 $0xDC00;
	[smem:$0x7E5] =	sst s23  }
0x31: {  	s6 =	simm.s32 $0xB800;
	[smem:$0x7E6] =	sst s24  }
0x32: {  	s10 =	simm.s32 $0x13000;
	[smem:$0x7D4] =	sst s6  }
0x33: {  	s11 =	simm.s32 $0x14000;
	[smem:$0x7ED] =	sst s10  }
0x34: {  	s12 =	simm.s32 $0x14C00;
	[smem:$0x7EE] =	sst s11  }
0x35: {  	s13 =	simm.s32 $0x15800;
	[smem:$0x7EF] =	sst s12  }
0x36: {  	s25 =	sadd.s32 $0x85AC00, s1;
	s14 =	simm.s32 $0x16400;
	[smem:$0x7F0] =	sst s13  }
0x37: {  	s7 =	sshrl.u32 s4, $0x3;
	s15 =	simm.s32 $0x17000;
	[smem:$0x7F1] =	sst s14  }
0x38: {  	s8 =	sor.u32 $0x40, s4;
	s17 =	simm.s32 $0x17C00;
	[smem:$0x7F2] =	sst s15  }
0x39: {  	s9 =	sor.u32 $0x80, s4;
	s18 =	simm.s32 $0x18800;
	[smem:$0x7F3] =	sst s17  }
0x3a: {  	s4 =	sor.u32 $0xC0, s4;
	s20 =	simm.s32 $0x13800;
	[smem:$0x7F5] =	sst s18  }
0x3b: {  	s21 =	simm.s32 $0x14400;
	s22 =	simm.s32 $0x15000;
	[smem:$0x7F6] =	sst s20  }
0x3c: {  	s23 =	simm.s32 $0x15C00;
	s24 =	simm.s32 $0x16800;
	[smem:$0x7F7] =	sst s21  }
0x3d: {  	s7 =	smul.u32 $0x180, s7;
	s8 =	sshrl.u32 s8, $0x3;
	[smem:$0x7F8] =	sst s22  }
0x3e: {  	s9 =	sshrl.u32 s9, $0x3;
	s4 =	sshrl.u32 s4, $0x3;
	[smem:$0x7F9] =	sst s23  }
0x3f: {  	s6 =	simm.s32 $0x10C00;
	[smem:$0x7FA] =	sst s24;
	s8 =	smul.u32 $0x180, s8  }
0x40: {  	s9 =	smul.u32 $0x180, s9;
	[smem:$0x7EA] =	sst s6;
	s7 =	sadd.s32 s7, s25  }
0x41: {  	s4 =	smul.u32 $0x180, s4;
	[dreg:$0x3] =	wrdreg s7;
	s26 =	sadd.s32 s8, s25  }
0x42: {  	s31 =	sadd.s32 s9, s25;
	[dreg:$0x4] =	wrdreg s26  }
0x43: {  	s4 =	sadd.s32 s4, s25;
	[dreg:$0x5] =	wrdreg s31  }
0x44: {  	s28 =	simm.s32 $0x7;
	s7 =	simm.s32 $0x2000;
	[dreg:$0x6] =	wrdreg s4  }
0x45: {  	s29 =	simm.s32 $0x8;
	s8 =	simm.s32 $0x2C00;
	[dreg:$0x7] =	wrdreg s7  }
0x46: {  	s30 =	simm.s32 $0x0;
	s9 =	simm.s32 $0x3800;
	[dreg:$0x8] =	wrdreg s8  }
0x47: {  	s10 =	simm.s32 $0x7400;
	s25 =	simm.s32 $0x4000;
	[dreg:$0x9] =	wrdreg s9  }
0x48: {  	s11 =	simm.s32 $0xD400;
	[dreg:$0x19] =	wrdreg s25;
	s26 =	simm.s32 $0x4C00  }
0x49: {  	s12 =	simm.s32 $0x13400;
	s31 =	simm.s32 $0x5800;
	[dreg:$0x1a] =	wrdreg s26  }
0x4a: {  	s13 =	simm.s32 $0x13C00;
	s7 =	simm.s32 $0x7000;
	[dreg:$0x1b] =	wrdreg s31  }
0x4b: {  	s14 =	simm.s32 $0x14800;
	s8 =	simm.s32 $0x8000;
	[dreg:$0x1d] =	wrdreg s7  }
0x4c: {  	s15 =	simm.s32 $0x15400;
	s9 =	simm.s32 $0x8C00;
	[dreg:$0x1e] =	wrdreg s8  }
0x4d: {  	s17 =	simm.s32 $0x16C00;
	s25 =	simm.s32 $0x9400;
	[dreg:$0x1f] =	wrdreg s9  }
0x4e: {  	s18 =	simm.s32 $0x17800;
	[smem:$0x7D1] =	sst s25;
	s26 =	simm.s32 $0xA000  }
0x4f: {  	s20 =	simm.s32 $0x19000;
	s31 =	simm.s32 $0xAC00;
	[smem:$0x7D2] =	sst s26  }
0x50: {  	s21 =	simm.s32 $0x1;
	s7 =	simm.s32 $0xC400;
	[smem:$0x7D3] =	sst s31  }
0x51: {  	s22 =	simm.s32 $0x2;
	s8 =	simm.s32 $0xD000;
	[smem:$0x7D5] =	sst s7  }
0x52: {  	s23 =	simm.s32 $0x3;
	s9 =	simm.s32 $0xE000;
	[smem:$0x7D6] =	sst s8  }
0x53: {  	s24 =	simm.s32 $0x4;
	s25 =	simm.s32 $0xE800;
	[smem:$0x7D7] =	sst s9  }
0x54: {  	s4 =	sadd.s32 $0x1E00, s1;
	[smem:$0x7E7] =	sst s25;
	s26 =	simm.s32 $0xF400  }
0x55: {  	s31 =	simm.s32 $0x10000;
	s7 =	simm.s32 $0x11800;
	[smem:$0x7E8] =	sst s26  }
0x56: {  	s8 =	sshll.u32 s0, $0x1;
	s9 =	simm.s32 $0x12400;
	[smem:$0x7E9] =	sst s31  }
0x57: {  	s25 =	simm.s32 $0x17400;
	[smem:$0x7EB] =	sst s7;
	s6 =	sor.u32 s5, s8  }
0x58: {  	[smem:$0x7EC] =	sst s9;
	s5 =	ssub.s32 $0x2, s5;
	s9 =	simm.s32 $0x1400  }
0x59: {  	[smem:$0x7FB] =	sst s25;
	s26 =	simm.s32 $0x18000;
	s31 =	simm.s32 $0x18C00  }
0x5a: {  	s25 =	simm.s32 $0x5;
	s6 =	smul.u32 $0x280, s6;
	[smem:$0x7FC] =	sst s26  }
0x5b: {  	s16 =	sshrl.u32 s5, $0x1;
	[smem:$0x7FD] =	sst s31;
	s26 =	simm.s32 $0x6  }
0x5c: {  	v2 =	vlaneseq.u32;
	s8 =	ssub.s32 s5, s16;
	s16 =	simm.s32 $0x16000;
	s6 =	sadd.s32 s6, s1  }
0x5d: {  	vm0 =	vmmov $0xff;
	v1 =	vshrl.u32 v2, $0x3;
	s7 =	smax.u32 s8, $0x1;
	s8 =	simm.s32 $0x9;
	s19 =	sadd.s32 $0x855C00, s6  }
0x5e: {  	v0 =	vand.u32 $0x7, v2;
	v2 =	vor.u32 $0x8, v2;
	v1 =	vmul.u32 $0x8, v1;
	s6 =	sadd.s32 $0x1E80, s1;
	[smem:$0x7F4] =	sst s19;
	s19 =	simm.s32 $0x18400  }
.LBB2_1:
0x5f: {  	s0 =	sld [smem:$0x7F4];
	_ =	sdelay $0x2  }
0x60: {  	[tilespmem:s3], [sflag:$0x9] =	stream.linear.gather [hbm4b:s0+s3], $0x1400, $0x38;
	[tilespmem:$0x19400] =	vst v63  }
0x61: {  	_ =	swait.ge [sflag:s8], $0x1400  }
0x62: {  	[sflag:s8] =	ssyncset.done $0x0  }
0x63: {  	s31 =	simm.s32 $0x100;
	s1 =	simm.s32 $0x0;
	[sflag:s8] =	ssyncadd.s32 $0xFFFFEC00  }
.LBB2_2:
0x64: {  	v3 =	vld [tilespmem:s31+$0xFFFFFF00];
	_ =	sdelay $0x4  }
0x65: {  	v4 =	vshrl.u32 v3, $0x3  }
0x66: {  	v4 =	vmul.u32 $0x18, v4  }
0x67: {  	v3 =	vand.u32 $0x7, v3  }
0x68: {  	v3 =	vor.u32 v3, v4  }
0x69: {  	v4 =	vperm.xlane v3, v0;
	_ =	sdelay $0x1  }
0x6a: {  	v3 =	vperm.xlane v3, v2;
	v4 =	vadd.s32 v1, v4;
	_ =	sdelay $0x1  }
0x6b: {  	v3 =	vadd.s32 v1, v3;
	_ =	sdelay $0x2  }
0x6c: {  	[tilespmem:s9], [sflag:$0x1] =	stream.indirect_vreg.gather [hbm4b:s4+s3], $0x80, v4, vm0, $0xb8;
	[tilespmem:$0x19400] =	vst v63  }
0x6d: {  	s0 =	rddreg [dreg:$0x7]  }
0x6e: {  	[tilespmem:s0], [sflag:$0x1] =	stream.indirect_vreg.gather [hbm4b:s4+s3], $0x80, v3, vm0, $0xb8;
	[tilespmem:$0x19400] =	vst v63  }
0x6f: {  	v3 =	vld [tilespmem:s31+$0xFFFFFF10];
	_ =	sdelay $0x4  }
0x70: {  	v17 =	vshrl.u32 v3, $0x3  }
0x71: {  	v4 =	vmul.u32 $0x18, v17  }
0x72: {  	v3 =	vand.u32 $0x7, v3  }
0x73: {  	v3 =	vor.u32 v3, v4  }
0x74: {  	v4 =	vperm.xlane v3, v0;
	_ =	sdelay $0x1  }
0x75: {  	v3 =	vperm.xlane v3, v2;
	v4 =	vadd.s32 v1, v4;
	_ =	sdelay $0x1  }
0x76: {  	v3 =	vadd.s32 v1, v3;
	_ =	sdelay $0x1  }
0x77: {  	s0 =	rddreg [dreg:$0x8]  }
0x78: {  	[tilespmem:s0], [sflag:$0x1] =	stream.indirect_vreg.gather [hbm4b:s4+s3], $0x80, v4, vm0, $0xb8;
	[tilespmem:$0x19400] =	vst v63  }
0x79: {  	s5 =	rddreg [dreg:$0x9]  }
0x7a: {  	[tilespmem:s5], [sflag:$0x1] =	stream.indirect_vreg.gather [hbm4b:s4+s3], $0x80, v3, vm0, $0xb8;
	[tilespmem:$0x19400] =	vst v63  }
0x7b: {  	v3 =	vld [tilespmem:s31+$0xFFFFFF20];
	_ =	sdelay $0x4  }
0x7c: {  	v18 =	vshrl.u32 v3, $0x3  }
0x7d: {  	v4 =	vmul.u32 $0x18, v18  }
0x7e: {  	v3 =	vand.u32 $0x7, v3  }
0x7f: {  	v3 =	vor.u32 v3, v4  }
0x80: {  	v4 =	vperm.xlane v3, v0;
	_ =	sdelay $0x1  }
0x81: {  	v3 =	vperm.xlane v3, v2;
	v4 =	vadd.s32 v1, v4;
	_ =	sdelay $0x1  }
0x82: {  	v3 =	vadd.s32 v1, v3;
	_ =	sdelay $0x1  }
0x83: {  	s0 =	rddreg [dreg:$0xa]  }
0x84: {  	[tilespmem:s0], [sflag:$0x1] =	stream.indirect_vreg.gather [hbm4b:s4+s3], $0x80, v4, vm0, $0xb8;
	[tilespmem:$0x19400] =	vst v63  }
0x85: {  	s5 =	rddreg [dreg:$0xb]  }
0x86: {  	[tilespmem:s5], [sflag:$0x1] =	stream.indirect_vreg.gather [hbm4b:s4+s3], $0x80, v3, vm0, $0xb8;
	[tilespmem:$0x19400] =	vst v63  }
0x87: {  	v3 =	vld [tilespmem:s31+$0xFFFFFF30];
	_ =	sdelay $0x4  }
0x88: {  	v19 =	vshrl.u32 v3, $0x3  }
0x89: {  	v4 =	vmul.u32 $0x18, v19  }
0x8a: {  	v3 =	vand.u32 $0x7, v3  }
0x8b: {  	v3 =	vor.u32 v3, v4  }
0x8c: {  	v4 =	vperm.xlane v3, v0;
	_ =	sdelay $0x1  }
0x8d: {  	v3 =	vperm.xlane v3, v2;
	v4 =	vadd.s32 v1, v4;
	_ =	sdelay $0x1  }
0x8e: {  	v3 =	vadd.s32 v1, v3;
	_ =	sdelay $0x1  }
0x8f: {  	s0 =	rddreg [dreg:$0xc]  }
0x90: {  	[tilespmem:s0], [sflag:$0x1] =	stream.indirect_vreg.gather [hbm4b:s4+s3], $0x80, v4, vm0, $0xb8;
	[tilespmem:$0x19400] =	vst v63  }
0x91: {  	s5 =	rddreg [dreg:$0xd]  }
0x92: {  	[tilespmem:s5], [sflag:$0x1] =	stream.indirect_vreg.gather [hbm4b:s4+s3], $0x80, v3, vm0, $0xb8;
	[tilespmem:$0x19400] =	vst v63  }
0x93: {  	v3 =	vld [tilespmem:s31+$0xFFFFFF00];
	_ =	sdelay $0x4  }
0x94: {  	v20 =	vshrl.u32 v3, $0x3  }
0x95: {  	v4 =	vmul.u32 $0x18, v20  }
0x96: {  	v3 =	vand.u32 $0x7, v3  }
0x97: {  	v3 =	vor.u32 v3, v4  }
0x98: {  	v4 =	vperm.xlane v3, v0;
	_ =	sdelay $0x1  }
0x99: {  	v3 =	vperm.xlane v3, v2;
	v4 =	vadd.s32 v1, v4;
	_ =	sdelay $0x1  }
0x9a: {  	v3 =	vadd.s32 v1, v3;
	_ =	sdelay $0x1  }
0x9b: {  	s0 =	rddreg [dreg:$0xe]  }
0x9c: {  	[tilespmem:s0], [sflag:$0x1] =	stream.indirect_vreg.gather [hbm4b:s6+s3], $0x80, v4, vm0, $0xb8;
	[tilespmem:$0x19400] =	vst v63  }
0x9d: {  	s5 =	rddreg [dreg:$0xf]  }
0x9e: {  	[tilespmem:s5], [sflag:$0x1] =	stream.indirect_vreg.gather [hbm4b:s6+s3], $0x80, v3, vm0, $0xb8;
	[tilespmem:$0x19400] =	vst v63  }
0x9f: {  	v3 =	vld [tilespmem:s31+$0xFFFFFF10];
	_ =	sdelay $0x4  }
0xa0: {  	v21 =	vshrl.u32 v3, $0x3  }
0xa1: {  	v4 =	vmul.u32 $0x18, v21  }
0xa2: {  	v3 =	vand.u32 $0x7, v3  }
0xa3: {  	v3 =	vor.u32 v3, v4  }
0xa4: {  	v4 =	vperm.xlane v3, v0;
	_ =	sdelay $0x1  }
0xa5: {  	v3 =	vperm.xlane v3, v2;
	v4 =	vadd.s32 v1, v4;
	_ =	sdelay $0x1  }
0xa6: {  	v3 =	vadd.s32 v1, v3;
	_ =	sdelay $0x1  }
0xa7: {  	s0 =	rddreg [dreg:$0x10]  }
0xa8: {  	[tilespmem:s0], [sflag:$0x1] =	stream.indirect_vreg.gather [hbm4b:s6+s3], $0x80, v4, vm0, $0xb8;
	[tilespmem:$0x19400] =	vst v63  }
0xa9: {  	s5 =	rddreg [dreg:$0x11]  }
0xaa: {  	[tilespmem:s5], [sflag:$0x1] =	stream.indirect_vreg.gather [hbm4b:s6+s3], $0x80, v3, vm0, $0xb8;
	[tilespmem:$0x19400] =	vst v63  }
0xab: {  	v3 =	vld [tilespmem:s31+$0xFFFFFF20];
	_ =	sdelay $0x4  }
0xac: {  	v22 =	vshrl.u32 v3, $0x3  }
0xad: {  	v4 =	vmul.u32 $0x18, v22  }
0xae: {  	v3 =	vand.u32 $0x7, v3  }
0xaf: {  	v3 =	vor.u32 v3, v4  }
0xb0: {  	v4 =	vperm.xlane v3, v0;
	_ =	sdelay $0x1  }
0xb1: {  	v3 =	vperm.xlane v3, v2;
	v4 =	vadd.s32 v1, v4;
	_ =	sdelay $0x1  }
0xb2: {  	v3 =	vadd.s32 v1, v3;
	_ =	sdelay $0x1  }
0xb3: {  	s0 =	rddreg [dreg:$0x12]  }
0xb4: {  	[tilespmem:s0], [sflag:$0x1] =	stream.indirect_vreg.gather [hbm4b:s6+s3], $0x80, v4, vm0, $0xb8;
	[tilespmem:$0x19400] =	vst v63  }
0xb5: {  	s5 =	rddreg [dreg:$0x13]  }
0xb6: {  	[tilespmem:s5], [sflag:$0x1] =	stream.indirect_vreg.gather [hbm4b:s6+s3], $0x80, v3, vm0, $0xb8;
	[tilespmem:$0x19400] =	vst v63  }
0xb7: {  	v3 =	vld [tilespmem:s31+$0xFFFFFF30];
	_ =	sdelay $0x4  }
0xb8: {  	v23 =	vshrl.u32 v3, $0x3  }
0xb9: {  	v4 =	vmul.u32 $0x18, v23  }
0xba: {  	v3 =	vand.u32 $0x7, v3  }
0xbb: {  	v3 =	vor.u32 v3, v4  }
0xbc: {  	v4 =	vperm.xlane v3, v0;
	_ =	sdelay $0x1  }
0xbd: {  	v3 =	vperm.xlane v3, v2;
	v4 =	vadd.s32 v1, v4;
	_ =	sdelay $0x1  }
0xbe: {  	v3 =	vadd.s32 v1, v3;
	_ =	sdelay $0x1  }
0xbf: {  	s0 =	rddreg [dreg:$0x14]  }
0xc0: {  	[tilespmem:s0], [sflag:$0x1] =	stream.indirect_vreg.gather [hbm4b:s6+s3], $0x80, v4, vm0, $0xb8;
	[tilespmem:$0x19400] =	vst v63  }
0xc1: {  	s5 =	rddreg [dreg:$0x15]  }
0xc2: {  	[tilespmem:s5], [sflag:$0x1] =	stream.indirect_vreg.gather [hbm4b:s6+s3], $0x80, v3, vm0, $0xb8;
	[tilespmem:$0x19400] =	vst v63  }
0xc3: {  	v3 =	vld [tilespmem:s31+$0xFFFFFF00];
	_ =	sdelay $0x4  }
0xc4: {  	v24 =	vperm.xlane v3, v0;
	_ =	sdelay $0x1  }
0xc5: {  	v3 =	vperm.xlane v3, v2;
	v4 =	vadd.s32 v1, v24;
	_ =	sdelay $0x1  }
0xc6: {  	v3 =	vadd.s32 v1, v3;
	_ =	sdelay $0x1  }
0xc7: {  	s0 =	rddreg [dreg:$0x16]  }
0xc8: {  	[tilespmem:s0], [sflag:$0x1] =	stream.indirect_vreg.gather [hbm4b:s2+s3], $0x80, v4, vm0, $0xb8;
	[tilespmem:$0x19400] =	vst v63  }
0xc9: {  	s5 =	rddreg [dreg:$0x17]  }
0xca: {  	[tilespmem:s5], [sflag:$0x1] =	stream.indirect_vreg.gather [hbm4b:s2+s3], $0x80, v3, vm0, $0xb8;
	[tilespmem:$0x19400] =	vst v63  }
0xcb: {  	v3 =	vld [tilespmem:s31+$0xFFFFFF10];
	_ =	sdelay $0x4  }
0xcc: {  	v25 =	vperm.xlane v3, v0;
	_ =	sdelay $0x1  }
0xcd: {  	v3 =	vperm.xlane v3, v2;
	v4 =	vadd.s32 v1, v25;
	_ =	sdelay $0x1  }
0xce: {  	v3 =	vadd.s32 v1, v3;
	_ =	sdelay $0x1  }
0xcf: {  	s0 =	rddreg [dreg:$0x18]  }
0xd0: {  	[tilespmem:s0], [sflag:$0x1] =	stream.indirect_vreg.gather [hbm4b:s2+s3], $0x80, v4, vm0, $0xb8;
	[tilespmem:$0x19400] =	vst v63  }
0xd1: {  	s5 =	rddreg [dreg:$0x19]  }
0xd2: {  	[tilespmem:s5], [sflag:$0x1] =	stream.indirect_vreg.gather [hbm4b:s2+s3], $0x80, v3, vm0, $0xb8;
	[tilespmem:$0x19400] =	vst v63  }
0xd3: {  	v3 =	vld [tilespmem:s31+$0xFFFFFF20];
	_ =	sdelay $0x4  }
0xd4: {  	v26 =	vperm.xlane v3, v0;
	_ =	sdelay $0x1  }
0xd5: {  	v3 =	vperm.xlane v3, v2;
	v4 =	vadd.s32 v1, v26;
	_ =	sdelay $0x1  }
0xd6: {  	v3 =	vadd.s32 v1, v3;
	_ =	sdelay $0x1  }
0xd7: {  	s0 =	rddreg [dreg:$0x1a]  }
0xd8: {  	[tilespmem:s0], [sflag:$0x1] =	stream.indirect_vreg.gather [hbm4b:s2+s3], $0x80, v4, vm0, $0xb8;
	[tilespmem:$0x19400] =	vst v63  }
0xd9: {  	s5 =	rddreg [dreg:$0x1b]  }
0xda: {  	[tilespmem:s5], [sflag:$0x1] =	stream.indirect_vreg.gather [hbm4b:s2+s3], $0x80, v3, vm0, $0xb8;
	[tilespmem:$0x19400] =	vst v63  }
0xdb: {  	v3 =	vld [tilespmem:s31+$0xFFFFFF30];
	_ =	sdelay $0x4  }
0xdc: {  	v27 =	vperm.xlane v3, v0;
	_ =	sdelay $0x1  }
0xdd: {  	v3 =	vperm.xlane v3, v2;
	v4 =	vadd.s32 v1, v27;
	_ =	sdelay $0x1  }
0xde: {  	v3 =	vadd.s32 v1, v3;
	_ =	sdelay $0x1  }
0xdf: {  	s0 =	rddreg [dreg:$0x1c]  }
0xe0: {  	[tilespmem:s0], [sflag:$0x1] =	stream.indirect_vreg.gather [hbm4b:s2+s3], $0x80, v4, vm0, $0xb8;
	[tilespmem:$0x19400] =	vst v63  }
0xe1: {  	s5 =	rddreg [dreg:$0x1d]  }
0xe2: {  	[tilespmem:s5], [sflag:$0x1] =	stream.indirect_vreg.gather [hbm4b:s2+s3], $0x80, v3, vm0, $0xb8;
	[tilespmem:$0x19400] =	vst v63  }
0xe3: {  	v3 =	vld [tilespmem:s31+$0xFFFFFF80];
	_ =	sdelay $0x4  }
0xe4: {  	v28 =	vshrl.u32 v3, $0x3  }
0xe5: {  	v4 =	vmul.u32 $0x18, v28  }
0xe6: {  	v3 =	vand.u32 $0x7, v3  }
0xe7: {  	v3 =	vor.u32 v3, v4  }
0xe8: {  	v4 =	vperm.xlane v3, v0;
	_ =	sdelay $0x1  }
0xe9: {  	v3 =	vperm.xlane v3, v2;
	v4 =	vadd.s32 v1, v4;
	_ =	sdelay $0x1  }
0xea: {  	v3 =	vadd.s32 v1, v3;
	_ =	sdelay $0x2  }
0xeb: {  	[tilespmem:s10], [sflag:$0x2] =	stream.indirect_vreg.gather [hbm4b:s4+s3], $0x80, v4, vm0, $0xb8;
	[tilespmem:$0x19400] =	vst v63  }
0xec: {  	s5 =	rddreg [dreg:$0x1e]  }
0xed: {  	[tilespmem:s5], [sflag:$0x2] =	stream.indirect_vreg.gather [hbm4b:s4+s3], $0x80, v3, vm0, $0xb8;
	[tilespmem:$0x19400] =	vst v63  }
0xee: {  	v3 =	vld [tilespmem:s31+$0xFFFFFF90];
	_ =	sdelay $0x4  }
0xef: {  	v29 =	vshrl.u32 v3, $0x3  }
0xf0: {  	v4 =	vmul.u32 $0x18, v29  }
0xf1: {  	v3 =	vand.u32 $0x7, v3  }
0xf2: {  	v3 =	vor.u32 v3, v4  }
0xf3: {  	v4 =	vperm.xlane v3, v0;
	_ =	sdelay $0x1  }
0xf4: {  	v3 =	vperm.xlane v3, v2;
	v4 =	vadd.s32 v1, v4;
	_ =	sdelay $0x1  }
0xf5: {  	v3 =	vadd.s32 v1, v3  }
0xf6: {  	s0 =	rddreg [dreg:$0x1f]  }
0xf7: {  	s5 =	sld [smem:$0x7C2]  }
0xf8: {  	[tilespmem:s0], [sflag:$0x2] =	stream.indirect_vreg.gather [hbm4b:s4+s3], $0x80, v4, vm0, $0xb8;
	[tilespmem:$0x19400] =	vst v63  }
0xf9: {  	_ = 	snop  }
0xfa: {  	[tilespmem:s5], [sflag:$0x2] =	stream.indirect_vreg.gather [hbm4b:s4+s3], $0x80, v3, vm0, $0xb8;
	[tilespmem:$0x19400] =	vst v63  }
0xfb: {  	v3 =	vld [tilespmem:s31+$0xFFFFFFA0];
	_ =	sdelay $0x4  }
0xfc: {  	v30 =	vshrl.u32 v3, $0x3  }
0xfd: {  	v4 =	vmul.u32 $0x18, v30  }
0xfe: {  	v3 =	vand.u32 $0x7, v3  }
0xff: {  	v3 =	vor.u32 v3, v4  }
0x100: {  	v4 =	vperm.xlane v3, v0;
	_ =	sdelay $0x1  }
0x101: {  	v3 =	vperm.xlane v3, v2;
	v4 =	vadd.s32 v1, v4;
	_ =	sdelay $0x1  }
0x102: {  	s0 =	sld [smem:$0x7C3];
	v3 =	vadd.s32 v1, v3;
	_ =	sdelay $0x1  }
0x103: {  	s5 =	sld [smem:$0x7C4]  }
0x104: {  	[tilespmem:s0], [sflag:$0x2] =	stream.indirect_vreg.gather [hbm4b:s4+s3], $0x80, v4, vm0, $0xb8;
	[tilespmem:$0x19400] =	vst v63  }
0x105: {  	_ = 	snop  }
0x106: {  	[tilespmem:s5], [sflag:$0x2] =	stream.indirect_vreg.gather [hbm4b:s4+s3], $0x80, v3, vm0, $0xb8;
	[tilespmem:$0x19400] =	vst v63  }
0x107: {  	v3 =	vld [tilespmem:s31+$0xFFFFFFB0];
	_ =	sdelay $0x4  }
0x108: {  	v31 =	vshrl.u32 v3, $0x3  }
0x109: {  	v4 =	vmul.u32 $0x18, v31  }
0x10a: {  	v3 =	vand.u32 $0x7, v3  }
0x10b: {  	v3 =	vor.u32 v3, v4  }
0x10c: {  	v4 =	vperm.xlane v3, v0;
	_ =	sdelay $0x1  }
0x10d: {  	v3 =	vperm.xlane v3, v2;
	v4 =	vadd.s32 v1, v4;
	_ =	sdelay $0x1  }
0x10e: {  	s0 =	sld [smem:$0x7C5];
	v3 =	vadd.s32 v1, v3;
	_ =	sdelay $0x1  }
0x10f: {  	s5 =	sld [smem:$0x7C6]  }
0x110: {  	[tilespmem:s0], [sflag:$0x2] =	stream.indirect_vreg.gather [hbm4b:s4+s3], $0x80, v4, vm0, $0xb8;
	[tilespmem:$0x19400] =	vst v63  }
0x111: {  	_ = 	snop  }
0x112: {  	[tilespmem:s5], [sflag:$0x2] =	stream.indirect_vreg.gather [hbm4b:s4+s3], $0x80, v3, vm0, $0xb8;
	[tilespmem:$0x19400] =	vst v63  }
0x113: {  	v3 =	vld [tilespmem:s31+$0xFFFFFF80];
	_ =	sdelay $0x4  }
0x114: {  	v32 =	vshrl.u32 v3, $0x3  }
0x115: {  	v4 =	vmul.u32 $0x18, v32  }
0x116: {  	v3 =	vand.u32 $0x7, v3  }
0x117: {  	v3 =	vor.u32 v3, v4  }
0x118: {  	v4 =	vperm.xlane v3, v0;
	_ =	sdelay $0x1  }
0x119: {  	v3 =	vperm.xlane v3, v2;
	v4 =	vadd.s32 v1, v4;
	_ =	sdelay $0x1  }
0x11a: {  	s0 =	sld [smem:$0x7C7];
	v3 =	vadd.s32 v1, v3;
	_ =	sdelay $0x1  }
0x11b: {  	s5 =	sld [smem:$0x7C8]  }
0x11c: {  	[tilespmem:s0], [sflag:$0x2] =	stream.indirect_vreg.gather [hbm4b:s6+s3], $0x80, v4, vm0, $0xb8;
	[tilespmem:$0x19400] =	vst v63  }
0x11d: {  	_ = 	snop  }
0x11e: {  	[tilespmem:s5], [sflag:$0x2] =	stream.indirect_vreg.gather [hbm4b:s6+s3], $0x80, v3, vm0, $0xb8;
	[tilespmem:$0x19400] =	vst v63  }
0x11f: {  	v3 =	vld [tilespmem:s31+$0xFFFFFF90];
	_ =	sdelay $0x4  }
0x120: {  	v33 =	vshrl.u32 v3, $0x3  }
0x121: {  	v4 =	vmul.u32 $0x18, v33  }
0x122: {  	v3 =	vand.u32 $0x7, v3  }
0x123: {  	v3 =	vor.u32 v3, v4  }
0x124: {  	v4 =	vperm.xlane v3, v0;
	_ =	sdelay $0x1  }
0x125: {  	v3 =	vperm.xlane v3, v2;
	v4 =	vadd.s32 v1, v4;
	_ =	sdelay $0x1  }
0x126: {  	s0 =	sld [smem:$0x7C9];
	v3 =	vadd.s32 v1, v3;
	_ =	sdelay $0x1  }
0x127: {  	s5 =	sld [smem:$0x7CA]  }
0x128: {  	[tilespmem:s0], [sflag:$0x2] =	stream.indirect_vreg.gather [hbm4b:s6+s3], $0x80, v4, vm0, $0xb8;
	[tilespmem:$0x19400] =	vst v63  }
0x129: {  	_ = 	snop  }
0x12a: {  	[tilespmem:s5], [sflag:$0x2] =	stream.indirect_vreg.gather [hbm4b:s6+s3], $0x80, v3, vm0, $0xb8;
	[tilespmem:$0x19400] =	vst v63  }
0x12b: {  	v3 =	vld [tilespmem:s31+$0xFFFFFFA0];
	_ =	sdelay $0x4  }
0x12c: {  	v34 =	vshrl.u32 v3, $0x3  }
0x12d: {  	v4 =	vmul.u32 $0x18, v34  }
0x12e: {  	v3 =	vand.u32 $0x7, v3  }
0x12f: {  	v3 =	vor.u32 v3, v4  }
0x130: {  	v4 =	vperm.xlane v3, v0;
	_ =	sdelay $0x1  }
0x131: {  	v3 =	vperm.xlane v3, v2;
	v4 =	vadd.s32 v1, v4;
	_ =	sdelay $0x1  }
0x132: {  	s0 =	sld [smem:$0x7CB];
	v3 =	vadd.s32 v1, v3;
	_ =	sdelay $0x1  }
0x133: {  	s5 =	sld [smem:$0x7CC]  }
0x134: {  	[tilespmem:s0], [sflag:$0x2] =	stream.indirect_vreg.gather [hbm4b:s6+s3], $0x80, v4, vm0, $0xb8;
	[tilespmem:$0x19400] =	vst v63  }
0x135: {  	_ = 	snop  }
0x136: {  	[tilespmem:s5], [sflag:$0x2] =	stream.indirect_vreg.gather [hbm4b:s6+s3], $0x80, v3, vm0, $0xb8;
	[tilespmem:$0x19400] =	vst v63  }
0x137: {  	v3 =	vld [tilespmem:s31+$0xFFFFFFB0];
	_ =	sdelay $0x4  }
0x138: {  	v35 =	vshrl.u32 v3, $0x3  }
0x139: {  	v4 =	vmul.u32 $0x18, v35  }
0x13a: {  	v3 =	vand.u32 $0x7, v3  }
0x13b: {  	v3 =	vor.u32 v3, v4  }
0x13c: {  	v4 =	vperm.xlane v3, v0;
	_ =	sdelay $0x1  }
0x13d: {  	v3 =	vperm.xlane v3, v2;
	v4 =	vadd.s32 v1, v4;
	_ =	sdelay $0x1  }
0x13e: {  	s0 =	sld [smem:$0x7CD];
	v3 =	vadd.s32 v1, v3;
	_ =	sdelay $0x1  }
0x13f: {  	s5 =	sld [smem:$0x7CE]  }
0x140: {  	[tilespmem:s0], [sflag:$0x2] =	stream.indirect_vreg.gather [hbm4b:s6+s3], $0x80, v4, vm0, $0xb8;
	[tilespmem:$0x19400] =	vst v63  }
0x141: {  	_ = 	snop  }
0x142: {  	[tilespmem:s5], [sflag:$0x2] =	stream.indirect_vreg.gather [hbm4b:s6+s3], $0x80, v3, vm0, $0xb8;
	[tilespmem:$0x19400] =	vst v63  }
0x143: {  	v3 =	vld [tilespmem:s31+$0xFFFFFF80];
	_ =	sdelay $0x4  }
0x144: {  	v36 =	vperm.xlane v3, v0;
	_ =	sdelay $0x1  }
0x145: {  	v3 =	vperm.xlane v3, v2;
	v4 =	vadd.s32 v1, v36;
	_ =	sdelay $0x1  }
0x146: {  	s0 =	sld [smem:$0x7CF];
	v3 =	vadd.s32 v1, v3;
	_ =	sdelay $0x1  }
0x147: {  	s5 =	sld [smem:$0x7D0]  }
0x148: {  	[tilespmem:s0], [sflag:$0x2] =	stream.indirect_vreg.gather [hbm4b:s2+s3], $0x80, v4, vm0, $0xb8;
	[tilespmem:$0x19400] =	vst v63  }
0x149: {  	_ = 	snop  }
0x14a: {  	[tilespmem:s5], [sflag:$0x2] =	stream.indirect_vreg.gather [hbm4b:s2+s3], $0x80, v3, vm0, $0xb8;
	[tilespmem:$0x19400] =	vst v63  }
0x14b: {  	v3 =	vld [tilespmem:s31+$0xFFFFFF90];
	_ =	sdelay $0x4  }
0x14c: {  	v37 =	vperm.xlane v3, v0;
	_ =	sdelay $0x1  }
0x14d: {  	v3 =	vperm.xlane v3, v2;
	v4 =	vadd.s32 v1, v37;
	_ =	sdelay $0x1  }
0x14e: {  	s0 =	sld [smem:$0x7D1];
	v3 =	vadd.s32 v1, v3;
	_ =	sdelay $0x1  }
0x14f: {  	s5 =	sld [smem:$0x7D2]  }
0x150: {  	[tilespmem:s0], [sflag:$0x2] =	stream.indirect_vreg.gather [hbm4b:s2+s3], $0x80, v4, vm0, $0xb8;
	[tilespmem:$0x19400] =	vst v63  }
0x151: {  	_ = 	snop  }
0x152: {  	[tilespmem:s5], [sflag:$0x2] =	stream.indirect_vreg.gather [hbm4b:s2+s3], $0x80, v3, vm0, $0xb8;
	[tilespmem:$0x19400] =	vst v63  }
0x153: {  	v3 =	vld [tilespmem:s31+$0xFFFFFFA0];
	_ =	sdelay $0x4  }
0x154: {  	v38 =	vperm.xlane v3, v0;
	_ =	sdelay $0x1  }
0x155: {  	v3 =	vperm.xlane v3, v2;
	v4 =	vadd.s32 v1, v38;
	_ =	sdelay $0x1  }
0x156: {  	s0 =	sld [smem:$0x7D3];
	v3 =	vadd.s32 v1, v3;
	_ =	sdelay $0x1  }
0x157: {  	s5 =	sld [smem:$0x7D4]  }
0x158: {  	[tilespmem:s0], [sflag:$0x2] =	stream.indirect_vreg.gather [hbm4b:s2+s3], $0x80, v4, vm0, $0xb8;
	[tilespmem:$0x19400] =	vst v63  }
0x159: {  	_ = 	snop  }
0x15a: {  	[tilespmem:s5], [sflag:$0x2] =	stream.indirect_vreg.gather [hbm4b:s2+s3], $0x80, v3, vm0, $0xb8;
	[tilespmem:$0x19400] =	vst v63  }
0x15b: {  	v3 =	vld [tilespmem:s31+$0xFFFFFFB0];
	_ =	sdelay $0x4  }
0x15c: {  	v39 =	vperm.xlane v3, v0;
	_ =	sdelay $0x1  }
0x15d: {  	v3 =	vperm.xlane v3, v2;
	v4 =	vadd.s32 v1, v39;
	_ =	sdelay $0x1  }
0x15e: {  	s0 =	sld [smem:$0x7D5];
	v3 =	vadd.s32 v1, v3;
	_ =	sdelay $0x1  }
0x15f: {  	s5 =	sld [smem:$0x7D6]  }
0x160: {  	[tilespmem:s0], [sflag:$0x2] =	stream.indirect_vreg.gather [hbm4b:s2+s3], $0x80, v4, vm0, $0xb8;
	[tilespmem:$0x19400] =	vst v63  }
0x161: {  	_ = 	snop  }
0x162: {  	[tilespmem:s5], [sflag:$0x2] =	stream.indirect_vreg.gather [hbm4b:s2+s3], $0x80, v3, vm0, $0xb8;
	[tilespmem:$0x19400] =	vst v63  }
0x163: {  	v3 =	vld [tilespmem:s31+$0x0];
	_ =	sdelay $0x4  }
0x164: {  	v40 =	vshrl.u32 v3, $0x3  }
0x165: {  	v4 =	vmul.u32 $0x18, v40  }
0x166: {  	v3 =	vand.u32 $0x7, v3  }
0x167: {  	v3 =	vor.u32 v3, v4  }
0x168: {  	v4 =	vperm.xlane v3, v0;
	_ =	sdelay $0x1  }
0x169: {  	v3 =	vperm.xlane v3, v2;
	v4 =	vadd.s32 v1, v4;
	_ =	sdelay $0x1  }
0x16a: {  	v3 =	vadd.s32 v1, v3;
	_ =	sdelay $0x1  }
0x16b: {  	s5 =	sld [smem:$0x7D7]  }
0x16c: {  	[tilespmem:s11], [sflag:$0x3] =	stream.indirect_vreg.gather [hbm4b:s4+s3], $0x80, v4, vm0, $0xb8;
	[tilespmem:$0x19400] =	vst v63  }
0x16d: {  	_ = 	snop  }
0x16e: {  	[tilespmem:s5], [sflag:$0x3] =	stream.indirect_vreg.gather [hbm4b:s4+s3], $0x80, v3, vm0, $0xb8;
	[tilespmem:$0x19400] =	vst v63  }
0x16f: {  	v3 =	vld [tilespmem:s31+$0x10];
	_ =	sdelay $0x4  }
0x170: {  	v41 =	vshrl.u32 v3, $0x3  }
0x171: {  	v4 =	vmul.u32 $0x18, v41  }
0x172: {  	v3 =	vand.u32 $0x7, v3  }
0x173: {  	v3 =	vor.u32 v3, v4  }
0x174: {  	v4 =	vperm.xlane v3, v0;
	_ =	sdelay $0x1  }
0x175: {  	v3 =	vperm.xlane v3, v2;
	v4 =	vadd.s32 v1, v4;
	_ =	sdelay $0x1  }
0x176: {  	s0 =	sld [smem:$0x7D8];
	v3 =	vadd.s32 v1, v3;
	_ =	sdelay $0x1  }
0x177: {  	s5 =	sld [smem:$0x7D9]  }
0x178: {  	[tilespmem:s0], [sflag:$0x3] =	stream.indirect_vreg.gather [hbm4b:s4+s3], $0x80, v4, vm0, $0xb8;
	[tilespmem:$0x19400] =	vst v63  }
0x179: {  	_ = 	snop  }
0x17a: {  	[tilespmem:s5], [sflag:$0x3] =	stream.indirect_vreg.gather [hbm4b:s4+s3], $0x80, v3, vm0, $0xb8;
	[tilespmem:$0x19400] =	vst v63  }
0x17b: {  	v3 =	vld [tilespmem:s31+$0x20];
	_ =	sdelay $0x4  }
0x17c: {  	v42 =	vshrl.u32 v3, $0x3  }
0x17d: {  	v4 =	vmul.u32 $0x18, v42  }
0x17e: {  	v3 =	vand.u32 $0x7, v3  }
0x17f: {  	v3 =	vor.u32 v3, v4  }
0x180: {  	v4 =	vperm.xlane v3, v0;
	_ =	sdelay $0x1  }
0x181: {  	v3 =	vperm.xlane v3, v2;
	v4 =	vadd.s32 v1, v4;
	_ =	sdelay $0x1  }
0x182: {  	s0 =	sld [smem:$0x7DA];
	v3 =	vadd.s32 v1, v3;
	_ =	sdelay $0x1  }
0x183: {  	s5 =	sld [smem:$0x7DB]  }
0x184: {  	[tilespmem:s0], [sflag:$0x3] =	stream.indirect_vreg.gather [hbm4b:s4+s3], $0x80, v4, vm0, $0xb8;
	[tilespmem:$0x19400] =	vst v63  }
0x185: {  	_ = 	snop  }
0x186: {  	[tilespmem:s5], [sflag:$0x3] =	stream.indirect_vreg.gather [hbm4b:s4+s3], $0x80, v3, vm0, $0xb8;
	[tilespmem:$0x19400] =	vst v63  }
0x187: {  	v3 =	vld [tilespmem:s31+$0x30];
	_ =	sdelay $0x4  }
0x188: {  	v43 =	vshrl.u32 v3, $0x3  }
0x189: {  	v4 =	vmul.u32 $0x18, v43  }
0x18a: {  	v3 =	vand.u32 $0x7, v3  }
0x18b: {  	v3 =	vor.u32 v3, v4  }
0x18c: {  	v4 =	vperm.xlane v3, v0;
	_ =	sdelay $0x1  }
0x18d: {  	v3 =	vperm.xlane v3, v2;
	v4 =	vadd.s32 v1, v4;
	_ =	sdelay $0x1  }
0x18e: {  	s0 =	sld [smem:$0x7DC];
	v3 =	vadd.s32 v1, v3;
	_ =	sdelay $0x1  }
0x18f: {  	s5 =	sld [smem:$0x7DD]  }
0x190: {  	[tilespmem:s0], [sflag:$0x3] =	stream.indirect_vreg.gather [hbm4b:s4+s3], $0x80, v4, vm0, $0xb8;
	[tilespmem:$0x19400] =	vst v63  }
0x191: {  	_ = 	snop  }
0x192: {  	[tilespmem:s5], [sflag:$0x3] =	stream.indirect_vreg.gather [hbm4b:s4+s3], $0x80, v3, vm0, $0xb8;
	[tilespmem:$0x19400] =	vst v63  }
0x193: {  	v3 =	vld [tilespmem:s31+$0x0];
	_ =	sdelay $0x4  }
0x194: {  	v44 =	vshrl.u32 v3, $0x3  }
0x195: {  	v4 =	vmul.u32 $0x18, v44  }
0x196: {  	v3 =	vand.u32 $0x7, v3  }
0x197: {  	v3 =	vor.u32 v3, v4  }
0x198: {  	v4 =	vperm.xlane v3, v0;
	_ =	sdelay $0x1  }
0x199: {  	v3 =	vperm.xlane v3, v2;
	v4 =	vadd.s32 v1, v4;
	_ =	sdelay $0x1  }
0x19a: {  	s0 =	sld [smem:$0x7DE];
	v3 =	vadd.s32 v1, v3;
	_ =	sdelay $0x1  }
0x19b: {  	s5 =	sld [smem:$0x7DF]  }
0x19c: {  	[tilespmem:s0], [sflag:$0x3] =	stream.indirect_vreg.gather [hbm4b:s6+s3], $0x80, v4, vm0, $0xb8;
	[tilespmem:$0x19400] =	vst v63  }
0x19d: {  	_ = 	snop  }
0x19e: {  	[tilespmem:s5], [sflag:$0x3] =	stream.indirect_vreg.gather [hbm4b:s6+s3], $0x80, v3, vm0, $0xb8;
	[tilespmem:$0x19400] =	vst v63  }
0x19f: {  	v3 =	vld [tilespmem:s31+$0x10];
	_ =	sdelay $0x4  }
0x1a0: {  	v45 =	vshrl.u32 v3, $0x3  }
0x1a1: {  	v4 =	vmul.u32 $0x18, v45  }
0x1a2: {  	v3 =	vand.u32 $0x7, v3  }
0x1a3: {  	v3 =	vor.u32 v3, v4  }
0x1a4: {  	v4 =	vperm.xlane v3, v0;
	_ =	sdelay $0x1  }
0x1a5: {  	v3 =	vperm.xlane v3, v2;
	v4 =	vadd.s32 v1, v4;
	_ =	sdelay $0x1  }
0x1a6: {  	s0 =	sld [smem:$0x7E0];
	v3 =	vadd.s32 v1, v3;
	_ =	sdelay $0x1  }
0x1a7: {  	s5 =	sld [smem:$0x7E1]  }
0x1a8: {  	[tilespmem:s0], [sflag:$0x3] =	stream.indirect_vreg.gather [hbm4b:s6+s3], $0x80, v4, vm0, $0xb8;
	[tilespmem:$0x19400] =	vst v63  }
0x1a9: {  	_ = 	snop  }
0x1aa: {  	[tilespmem:s5], [sflag:$0x3] =	stream.indirect_vreg.gather [hbm4b:s6+s3], $0x80, v3, vm0, $0xb8;
	[tilespmem:$0x19400] =	vst v63  }
0x1ab: {  	v3 =	vld [tilespmem:s31+$0x20];
	_ =	sdelay $0x4  }
0x1ac: {  	v46 =	vshrl.u32 v3, $0x3  }
0x1ad: {  	v4 =	vmul.u32 $0x18, v46  }
0x1ae: {  	v3 =	vand.u32 $0x7, v3  }
0x1af: {  	v3 =	vor.u32 v3, v4  }
0x1b0: {  	v4 =	vperm.xlane v3, v0;
	_ =	sdelay $0x1  }
0x1b1: {  	v3 =	vperm.xlane v3, v2;
	v4 =	vadd.s32 v1, v4;
	_ =	sdelay $0x1  }
0x1b2: {  	s0 =	sld [smem:$0x7E2];
	v3 =	vadd.s32 v1, v3;
	_ =	sdelay $0x1  }
0x1b3: {  	s5 =	sld [smem:$0x7E3]  }
0x1b4: {  	[tilespmem:s0], [sflag:$0x3] =	stream.indirect_vreg.gather [hbm4b:s6+s3], $0x80, v4, vm0, $0xb8;
	[tilespmem:$0x19400] =	vst v63  }
0x1b5: {  	_ = 	snop  }
0x1b6: {  	[tilespmem:s5], [sflag:$0x3] =	stream.indirect_vreg.gather [hbm4b:s6+s3], $0x80, v3, vm0, $0xb8;
	[tilespmem:$0x19400] =	vst v63  }
0x1b7: {  	v3 =	vld [tilespmem:s31+$0x30];
	_ =	sdelay $0x4  }
0x1b8: {  	v47 =	vshrl.u32 v3, $0x3  }
0x1b9: {  	v4 =	vmul.u32 $0x18, v47  }
0x1ba: {  	v3 =	vand.u32 $0x7, v3  }
0x1bb: {  	v3 =	vor.u32 v3, v4  }
0x1bc: {  	v4 =	vperm.xlane v3, v0;
	_ =	sdelay $0x1  }
0x1bd: {  	v3 =	vperm.xlane v3, v2;
	v4 =	vadd.s32 v1, v4;
	_ =	sdelay $0x1  }
0x1be: {  	s0 =	sld [smem:$0x7E4];
	v3 =	vadd.s32 v1, v3;
	_ =	sdelay $0x1  }
0x1bf: {  	s5 =	sld [smem:$0x7E5]  }
0x1c0: {  	[tilespmem:s0], [sflag:$0x3] =	stream.indirect_vreg.gather [hbm4b:s6+s3], $0x80, v4, vm0, $0xb8;
	[tilespmem:$0x19400] =	vst v63  }
0x1c1: {  	_ = 	snop  }
0x1c2: {  	[tilespmem:s5], [sflag:$0x3] =	stream.indirect_vreg.gather [hbm4b:s6+s3], $0x80, v3, vm0, $0xb8;
	[tilespmem:$0x19400] =	vst v63  }
0x1c3: {  	v3 =	vld [tilespmem:s31+$0x0];
	_ =	sdelay $0x4  }
0x1c4: {  	v48 =	vperm.xlane v3, v0;
	_ =	sdelay $0x1  }
0x1c5: {  	v3 =	vperm.xlane v3, v2;
	v4 =	vadd.s32 v1, v48;
	_ =	sdelay $0x1  }
0x1c6: {  	s0 =	sld [smem:$0x7E6];
	v3 =	vadd.s32 v1, v3;
	_ =	sdelay $0x1  }
0x1c7: {  	s5 =	sld [smem:$0x7E7]  }
0x1c8: {  	[tilespmem:s0], [sflag:$0x3] =	stream.indirect_vreg.gather [hbm4b:s2+s3], $0x80, v4, vm0, $0xb8;
	[tilespmem:$0x19400] =	vst v63  }
0x1c9: {  	_ = 	snop  }
0x1ca: {  	[tilespmem:s5], [sflag:$0x3] =	stream.indirect_vreg.gather [hbm4b:s2+s3], $0x80, v3, vm0, $0xb8;
	[tilespmem:$0x19400] =	vst v63  }
0x1cb: {  	v3 =	vld [tilespmem:s31+$0x10];
	_ =	sdelay $0x4  }
0x1cc: {  	v49 =	vperm.xlane v3, v0;
	_ =	sdelay $0x1  }
0x1cd: {  	v3 =	vperm.xlane v3, v2;
	v4 =	vadd.s32 v1, v49;
	_ =	sdelay $0x1  }
0x1ce: {  	s0 =	sld [smem:$0x7E8];
	v3 =	vadd.s32 v1, v3;
	_ =	sdelay $0x1  }
0x1cf: {  	s5 =	sld [smem:$0x7E9]  }
0x1d0: {  	[tilespmem:s0], [sflag:$0x3] =	stream.indirect_vreg.gather [hbm4b:s2+s3], $0x80, v4, vm0, $0xb8;
	[tilespmem:$0x19400] =	vst v63  }
0x1d1: {  	_ = 	snop  }
0x1d2: {  	[tilespmem:s5], [sflag:$0x3] =	stream.indirect_vreg.gather [hbm4b:s2+s3], $0x80, v3, vm0, $0xb8;
	[tilespmem:$0x19400] =	vst v63  }
0x1d3: {  	v3 =	vld [tilespmem:s31+$0x20];
	_ =	sdelay $0x4  }
0x1d4: {  	v50 =	vperm.xlane v3, v0;
	_ =	sdelay $0x1  }
0x1d5: {  	v3 =	vperm.xlane v3, v2;
	v4 =	vadd.s32 v1, v50;
	_ =	sdelay $0x1  }
0x1d6: {  	s0 =	sld [smem:$0x7EA];
	v3 =	vadd.s32 v1, v3;
	_ =	sdelay $0x1  }
0x1d7: {  	s5 =	sld [smem:$0x7EB]  }
0x1d8: {  	[tilespmem:s0], [sflag:$0x3] =	stream.indirect_vreg.gather [hbm4b:s2+s3], $0x80, v4, vm0, $0xb8;
	[tilespmem:$0x19400] =	vst v63  }
0x1d9: {  	_ = 	snop  }
0x1da: {  	[tilespmem:s5], [sflag:$0x3] =	stream.indirect_vreg.gather [hbm4b:s2+s3], $0x80, v3, vm0, $0xb8;
	[tilespmem:$0x19400] =	vst v63  }
0x1db: {  	v3 =	vld [tilespmem:s31+$0x30];
	_ =	sdelay $0x4  }
0x1dc: {  	v51 =	vperm.xlane v3, v0;
	_ =	sdelay $0x1  }
0x1dd: {  	v3 =	vperm.xlane v3, v2;
	v4 =	vadd.s32 v1, v51;
	_ =	sdelay $0x1  }
0x1de: {  	s0 =	sld [smem:$0x7EC];
	v3 =	vadd.s32 v1, v3;
	_ =	sdelay $0x1  }
0x1df: {  	s5 =	sld [smem:$0x7ED]  }
0x1e0: {  	[tilespmem:s0], [sflag:$0x3] =	stream.indirect_vreg.gather [hbm4b:s2+s3], $0x80, v4, vm0, $0xb8;
	[tilespmem:$0x19400] =	vst v63  }
0x1e1: {  	_ = 	snop  }
0x1e2: {  	[tilespmem:s5], [sflag:$0x3] =	stream.indirect_vreg.gather [hbm4b:s2+s3], $0x80, v3, vm0, $0xb8;
	[tilespmem:$0x19400] =	vst v63  }
0x1e3: {  	v3 =	vld [tilespmem:s31+$0x80];
	_ =	sdelay $0x4  }
0x1e4: {  	v52 =	vshrl.u32 v3, $0x3  }
0x1e5: {  	v4 =	vmul.u32 $0x18, v52  }
0x1e6: {  	v3 =	vand.u32 $0x7, v3  }
0x1e7: {  	v3 =	vor.u32 v3, v4  }
0x1e8: {  	v4 =	vperm.xlane v3, v0;
	_ =	sdelay $0x1  }
0x1e9: {  	v3 =	vperm.xlane v3, v2;
	v4 =	vadd.s32 v1, v4;
	_ =	sdelay $0x1  }
0x1ea: {  	v3 =	vadd.s32 v1, v3;
	_ =	sdelay $0x1  }
0x1eb: {  	s5 =	sld [smem:$0x7EE]  }
0x1ec: {  	[tilespmem:s12], [sflag:$0x4] =	stream.indirect_vreg.gather [hbm4b:s4+s3], $0x80, v4, vm0, $0xb8;
	[tilespmem:$0x19400] =	vst v63  }
0x1ed: {  	_ = 	snop  }
0x1ee: {  	[tilespmem:s5], [sflag:$0x4] =	stream.indirect_vreg.gather [hbm4b:s4+s3], $0x80, v3, vm0, $0xb8;
	[tilespmem:$0x19400] =	vst v63  }
0x1ef: {  	v3 =	vld [tilespmem:s31+$0x90];
	_ =	sdelay $0x4  }
0x1f0: {  	v53 =	vshrl.u32 v3, $0x3  }
0x1f1: {  	v4 =	vmul.u32 $0x18, v53  }
0x1f2: {  	v3 =	vand.u32 $0x7, v3  }
0x1f3: {  	v3 =	vor.u32 v3, v4  }
0x1f4: {  	v4 =	vperm.xlane v3, v0;
	_ =	sdelay $0x1  }
0x1f5: {  	v3 =	vperm.xlane v3, v2;
	v4 =	vadd.s32 v1, v4;
	_ =	sdelay $0x1  }
0x1f6: {  	s0 =	sld [smem:$0x7EF];
	v3 =	vadd.s32 v1, v3;
	_ =	sdelay $0x1  }
0x1f7: {  	s5 =	sld [smem:$0x7F0]  }
0x1f8: {  	[tilespmem:s0], [sflag:$0x4] =	stream.indirect_vreg.gather [hbm4b:s4+s3], $0x80, v4, vm0, $0xb8;
	[tilespmem:$0x19400] =	vst v63  }
0x1f9: {  	_ = 	snop  }
0x1fa: {  	[tilespmem:s5], [sflag:$0x4] =	stream.indirect_vreg.gather [hbm4b:s4+s3], $0x80, v3, vm0, $0xb8;
	[tilespmem:$0x19400] =	vst v63  }
0x1fb: {  	v3 =	vld [tilespmem:s31+$0xA0];
	_ =	sdelay $0x4  }
0x1fc: {  	v54 =	vshrl.u32 v3, $0x3  }
0x1fd: {  	v4 =	vmul.u32 $0x18, v54  }
0x1fe: {  	v3 =	vand.u32 $0x7, v3  }
0x1ff: {  	v3 =	vor.u32 v3, v4  }
0x200: {  	v4 =	vperm.xlane v3, v0;
	_ =	sdelay $0x1  }
0x201: {  	v3 =	vperm.xlane v3, v2;
	v4 =	vadd.s32 v1, v4;
	_ =	sdelay $0x1  }
0x202: {  	s0 =	sld [smem:$0x7F1];
	v3 =	vadd.s32 v1, v3;
	_ =	sdelay $0x1  }
0x203: {  	s5 =	sld [smem:$0x7F2]  }
0x204: {  	[tilespmem:s0], [sflag:$0x4] =	stream.indirect_vreg.gather [hbm4b:s4+s3], $0x80, v4, vm0, $0xb8;
	[tilespmem:$0x19400] =	vst v63  }
0x205: {  	_ = 	snop  }
0x206: {  	[tilespmem:s5], [sflag:$0x4] =	stream.indirect_vreg.gather [hbm4b:s4+s3], $0x80, v3, vm0, $0xb8;
	[tilespmem:$0x19400] =	vst v63  }
0x207: {  	v3 =	vld [tilespmem:s31+$0xB0];
	_ =	sdelay $0x4  }
0x208: {  	v55 =	vshrl.u32 v3, $0x3  }
0x209: {  	v4 =	vmul.u32 $0x18, v55  }
0x20a: {  	v3 =	vand.u32 $0x7, v3  }
0x20b: {  	v3 =	vor.u32 v3, v4  }
0x20c: {  	v4 =	vperm.xlane v3, v0;
	_ =	sdelay $0x1  }
0x20d: {  	v3 =	vperm.xlane v3, v2;
	v4 =	vadd.s32 v1, v4;
	_ =	sdelay $0x1  }
0x20e: {  	s0 =	sld [smem:$0x7F3];
	v3 =	vadd.s32 v1, v3;
	_ =	sdelay $0x1  }
0x20f: {  	s5 =	sld [smem:$0x7F5]  }
0x210: {  	[tilespmem:s0], [sflag:$0x4] =	stream.indirect_vreg.gather [hbm4b:s4+s3], $0x80, v4, vm0, $0xb8;
	[tilespmem:$0x19400] =	vst v63  }
0x211: {  	_ = 	snop  }
0x212: {  	[tilespmem:s5], [sflag:$0x4] =	stream.indirect_vreg.gather [hbm4b:s4+s3], $0x80, v3, vm0, $0xb8;
	[tilespmem:$0x19400] =	vst v63  }
0x213: {  	v3 =	vld [tilespmem:s31+$0x80];
	_ =	sdelay $0x4  }
0x214: {  	v56 =	vshrl.u32 v3, $0x3  }
0x215: {  	v4 =	vmul.u32 $0x18, v56  }
0x216: {  	v3 =	vand.u32 $0x7, v3  }
0x217: {  	v3 =	vor.u32 v3, v4  }
0x218: {  	v4 =	vperm.xlane v3, v0;
	_ =	sdelay $0x1  }
0x219: {  	v3 =	vperm.xlane v3, v2;
	v4 =	vadd.s32 v1, v4;
	_ =	sdelay $0x1  }
0x21a: {  	s0 =	sld [smem:$0x7F6];
	v3 =	vadd.s32 v1, v3;
	_ =	sdelay $0x1  }
0x21b: {  	s5 =	sld [smem:$0x7F7]  }
0x21c: {  	[tilespmem:s0], [sflag:$0x4] =	stream.indirect_vreg.gather [hbm4b:s6+s3], $0x80, v4, vm0, $0xb8;
	[tilespmem:$0x19400] =	vst v63  }
0x21d: {  	_ = 	snop  }
0x21e: {  	[tilespmem:s5], [sflag:$0x4] =	stream.indirect_vreg.gather [hbm4b:s6+s3], $0x80, v3, vm0, $0xb8;
	[tilespmem:$0x19400] =	vst v63  }
0x21f: {  	v3 =	vld [tilespmem:s31+$0x90];
	_ =	sdelay $0x4  }
0x220: {  	v57 =	vshrl.u32 v3, $0x3  }
0x221: {  	v4 =	vmul.u32 $0x18, v57  }
0x222: {  	v3 =	vand.u32 $0x7, v3  }
0x223: {  	v3 =	vor.u32 v3, v4  }
0x224: {  	v4 =	vperm.xlane v3, v0;
	_ =	sdelay $0x1  }
0x225: {  	v3 =	vperm.xlane v3, v2;
	v4 =	vadd.s32 v1, v4;
	_ =	sdelay $0x1  }
0x226: {  	s0 =	sld [smem:$0x7F8];
	v3 =	vadd.s32 v1, v3;
	_ =	sdelay $0x1  }
0x227: {  	s5 =	sld [smem:$0x7F9]  }
0x228: {  	[tilespmem:s0], [sflag:$0x4] =	stream.indirect_vreg.gather [hbm4b:s6+s3], $0x80, v4, vm0, $0xb8;
	[tilespmem:$0x19400] =	vst v63  }
0x229: {  	_ = 	snop  }
0x22a: {  	[tilespmem:s5], [sflag:$0x4] =	stream.indirect_vreg.gather [hbm4b:s6+s3], $0x80, v3, vm0, $0xb8;
	[tilespmem:$0x19400] =	vst v63  }
0x22b: {  	v3 =	vld [tilespmem:s31+$0xA0];
	_ =	sdelay $0x4  }
0x22c: {  	v58 =	vshrl.u32 v3, $0x3  }
0x22d: {  	v4 =	vmul.u32 $0x18, v58  }
0x22e: {  	v3 =	vand.u32 $0x7, v3  }
0x22f: {  	v3 =	vor.u32 v3, v4  }
0x230: {  	v4 =	vperm.xlane v3, v0;
	_ =	sdelay $0x1  }
0x231: {  	v3 =	vperm.xlane v3, v2;
	v4 =	vadd.s32 v1, v4;
	_ =	sdelay $0x1  }
0x232: {  	s0 =	sld [smem:$0x7FA];
	v3 =	vadd.s32 v1, v3;
	_ =	sdelay $0x1  }
0x233: {  	s5 =	sld [smem:$0x7FB]  }
0x234: {  	[tilespmem:s0], [sflag:$0x4] =	stream.indirect_vreg.gather [hbm4b:s6+s3], $0x80, v4, vm0, $0xb8;
	[tilespmem:$0x19400] =	vst v63  }
0x235: {  	_ = 	snop  }
0x236: {  	[tilespmem:s5], [sflag:$0x4] =	stream.indirect_vreg.gather [hbm4b:s6+s3], $0x80, v3, vm0, $0xb8;
	[tilespmem:$0x19400] =	vst v63  }
0x237: {  	v3 =	vld [tilespmem:s31+$0xB0];
	_ =	sdelay $0x4  }
0x238: {  	v59 =	vshrl.u32 v3, $0x3  }
0x239: {  	v4 =	vmul.u32 $0x18, v59  }
0x23a: {  	v3 =	vand.u32 $0x7, v3  }
0x23b: {  	v3 =	vor.u32 v3, v4  }
0x23c: {  	v4 =	vperm.xlane v3, v0;
	_ =	sdelay $0x1  }
0x23d: {  	v3 =	vperm.xlane v3, v2;
	v4 =	vadd.s32 v1, v4;
	_ =	sdelay $0x1  }
0x23e: {  	s0 =	sld [smem:$0x7FC];
	v3 =	vadd.s32 v1, v3;
	_ =	sdelay $0x1  }
0x23f: {  	s5 =	sld [smem:$0x7FD]  }
0x240: {  	[tilespmem:s0], [sflag:$0x4] =	stream.indirect_vreg.gather [hbm4b:s6+s3], $0x80, v4, vm0, $0xb8;
	[tilespmem:$0x19400] =	vst v63  }
0x241: {  	_ = 	snop  }
0x242: {  	[tilespmem:s5], [sflag:$0x4] =	stream.indirect_vreg.gather [hbm4b:s6+s3], $0x80, v3, vm0, $0xb8;
	[tilespmem:$0x19400] =	vst v63  }
0x243: {  	v3 =	vld [tilespmem:s31+$0x80];
	_ =	sdelay $0x4  }
0x244: {  	v60 =	vperm.xlane v3, v0;
	_ =	sdelay $0x1  }
0x245: {  	v3 =	vperm.xlane v3, v2;
	v4 =	vadd.s32 v1, v60;
	_ =	sdelay $0x1  }
0x246: {  	v3 =	vadd.s32 v1, v3;
	_ =	sdelay $0x2  }
0x247: {  	[tilespmem:s13], [sflag:$0x4] =	stream.indirect_vreg.gather [hbm4b:s2+s3], $0x80, v4, vm0, $0xb8;
	[tilespmem:$0x19400] =	vst v63  }
0x248: {  	_ = 	snop  }
0x249: {  	[tilespmem:s14], [sflag:$0x4] =	stream.indirect_vreg.gather [hbm4b:s2+s3], $0x80, v3, vm0, $0xb8;
	[tilespmem:$0x19400] =	vst v63  }
0x24a: {  	v3 =	vld [tilespmem:s31+$0x90];
	_ =	sdelay $0x4  }
0x24b: {  	v61 =	vperm.xlane v3, v0;
	_ =	sdelay $0x1  }
0x24c: {  	v3 =	vperm.xlane v3, v2;
	v4 =	vadd.s32 v1, v61;
	_ =	sdelay $0x1  }
0x24d: {  	v3 =	vadd.s32 v1, v3;
	_ =	sdelay $0x2  }
0x24e: {  	[tilespmem:s15], [sflag:$0x4] =	stream.indirect_vreg.gather [hbm4b:s2+s3], $0x80, v4, vm0, $0xb8;
	[tilespmem:$0x19400] =	vst v63  }
0x24f: {  	_ = 	snop  }
0x250: {  	[tilespmem:s16], [sflag:$0x4] =	stream.indirect_vreg.gather [hbm4b:s2+s3], $0x80, v3, vm0, $0xb8;
	[tilespmem:$0x19400] =	vst v63  }
0x251: {  	v3 =	vld [tilespmem:s31+$0xA0];
	_ =	sdelay $0x4  }
0x252: {  	v62 =	vperm.xlane v3, v0;
	_ =	sdelay $0x1  }
0x253: {  	v3 =	vperm.xlane v3, v2;
	v4 =	vadd.s32 v1, v62;
	_ =	sdelay $0x1  }
0x254: {  	v3 =	vadd.s32 v1, v3;
	_ =	sdelay $0x2  }
0x255: {  	[tilespmem:s17], [sflag:$0x4] =	stream.indirect_vreg.gather [hbm4b:s2+s3], $0x80, v4, vm0, $0xb8;
	[tilespmem:$0x19400] =	vst v63  }
0x256: {  	_ = 	snop  }
0x257: {  	[tilespmem:s18], [sflag:$0x4] =	stream.indirect_vreg.gather [hbm4b:s2+s3], $0x80, v3, vm0, $0xb8;
	[tilespmem:$0x19400] =	vst v63  }
0x258: {  	v3 =	vld [tilespmem:s31+$0xB0];
	_ =	sdelay $0x4  }
0x259: {  	v63 =	vperm.xlane v3, v0;
	_ =	sdelay $0x1  }
0x25a: {  	v3 =	vperm.xlane v3, v2;
	v4 =	vadd.s32 v1, v63;
	_ =	sdelay $0x1  }
0x25b: {  	v3 =	vadd.s32 v1, v3;
	_ =	sdelay $0x2  }
0x25c: {  	[tilespmem:s19], [sflag:$0x4] =	stream.indirect_vreg.gather [hbm4b:s2+s3], $0x80, v4, vm0, $0xb8;
	[tilespmem:$0x19400] =	vst v63  }
0x25d: {  	_ = 	snop  }
0x25e: {  	[tilespmem:s20], [sflag:$0x4] =	stream.indirect_vreg.gather [hbm4b:s2+s3], $0x80, v3, vm0, $0xb8;
	[tilespmem:$0x19400] =	vst v63  }
0x25f: {  	_ =	swait.ge [sflag:s21], $0x2000  }
0x260: {  	[sflag:s21] =	ssyncset.done $0x0  }
0x261: {  	[sflag:s21] =	ssyncadd.s32 $0xFFFFE000  }
0x262: {  	_ =	swait.ge [sflag:s21], $0x2000  }
0x263: {  	[sflag:s21] =	ssyncset.done $0x0  }
0x264: {  	[sflag:s21] =	ssyncadd.s32 $0xFFFFE000  }
0x265: {  	_ =	swait.ge [sflag:s21], $0x2000  }
0x266: {  	s5 =	rddreg [dreg:$0x3];
	[sflag:s21] =	ssyncset.done $0x0  }
0x267: {  	[sflag:s21] =	ssyncadd.s32 $0xFFFFE000;
	s0 =	sadd.s32 s1, s5  }
0x268: {  	[hbm4b:s0+s3] =	stream.linear.scatter [tilespmem:s9], [sflag:$0x5], $0x6000, $0x38;
	[tilespmem:$0x19400] =	vst v63  }
0x269: {  	_ =	swait.ge [sflag:s22], $0x2000  }
0x26a: {  	[sflag:s22] =	ssyncset.done $0x0  }
0x26b: {  	[sflag:s22] =	ssyncadd.s32 $0xFFFFE000  }
0x26c: {  	_ =	swait.ge [sflag:s22], $0x2000  }
0x26d: {  	[sflag:s22] =	ssyncset.done $0x0  }
0x26e: {  	[sflag:s22] =	ssyncadd.s32 $0xFFFFE000  }
0x26f: {  	_ =	swait.ge [sflag:s22], $0x2000  }
0x270: {  	s5 =	rddreg [dreg:$0x4];
	[sflag:s22] =	ssyncset.done $0x0  }
0x271: {  	[sflag:s22] =	ssyncadd.s32 $0xFFFFE000;
	s0 =	sadd.s32 s1, s5  }
0x272: {  	[hbm4b:s0+s3] =	stream.linear.scatter [tilespmem:s10], [sflag:$0x6], $0x6000, $0x38;
	[tilespmem:$0x19400] =	vst v63  }
0x273: {  	_ =	swait.ge [sflag:s23], $0x2000  }
0x274: {  	[sflag:s23] =	ssyncset.done $0x0  }
0x275: {  	[sflag:s23] =	ssyncadd.s32 $0xFFFFE000  }
0x276: {  	_ =	swait.ge [sflag:s23], $0x2000  }
0x277: {  	[sflag:s23] =	ssyncset.done $0x0  }
0x278: {  	[sflag:s23] =	ssyncadd.s32 $0xFFFFE000  }
0x279: {  	_ =	swait.ge [sflag:s23], $0x2000  }
0x27a: {  	s5 =	rddreg [dreg:$0x5];
	[sflag:s23] =	ssyncset.done $0x0  }
0x27b: {  	[sflag:s23] =	ssyncadd.s32 $0xFFFFE000;
	s0 =	sadd.s32 s1, s5  }
0x27c: {  	[hbm4b:s0+s3] =	stream.linear.scatter [tilespmem:s11], [sflag:$0x7], $0x6000, $0x38;
	[tilespmem:$0x19400] =	vst v63  }
0x27d: {  	_ =	swait.ge [sflag:s24], $0x2000  }
0x27e: {  	[sflag:s24] =	ssyncset.done $0x0  }
0x27f: {  	[sflag:s24] =	ssyncadd.s32 $0xFFFFE000  }
0x280: {  	_ =	swait.ge [sflag:s24], $0x2000  }
0x281: {  	[sflag:s24] =	ssyncset.done $0x0  }
0x282: {  	[sflag:s24] =	ssyncadd.s32 $0xFFFFE000  }
0x283: {  	_ =	swait.ge [sflag:s24], $0x2000  }
0x284: {  	s5 =	rddreg [dreg:$0x6];
	[sflag:s24] =	ssyncset.done $0x0  }
0x285: {  	[sflag:s24] =	ssyncadd.s32 $0xFFFFE000;
	s0 =	sadd.s32 s1, s5  }
0x286: {  	[hbm4b:s0+s3] =	stream.linear.scatter [tilespmem:s12], [sflag:$0x8], $0x6000, $0x38;
	[tilespmem:$0x19400] =	vst v63  }
0x287: {  	_ =	swait.ge [sflag:s25], $0x6000  }
0x288: {  	[sflag:s25] =	ssyncset.done $0x0  }
0x289: {  	[sflag:s25] =	ssyncadd.s32 $0xFFFFA000  }
0x28a: {  	_ =	swait.ge [sflag:s26], $0x6000  }
0x28b: {  	[sflag:s26] =	ssyncset.done $0x0  }
0x28c: {  	[sflag:s26] =	ssyncadd.s32 $0xFFFFA000  }
0x28d: {  	p0 =	sne.s32 s1, $0x1B000;
	_ =	swait.ge [sflag:s28], $0x6000  }
.Ltmp0:
0x28e: {  	[sflag:s28] =	ssyncset.done $0x0;
	(pc) =	sbr.rel @p0 .LBB2_2-.Ltmp0, $4  }
0x28f: {  	[sflag:s28] =	ssyncadd.s32 $0xFFFFA000  }
0x290: {  	_ =	swait.ge [sflag:s29], $0x6000  }
0x291: {  	[sflag:s29] =	ssyncset.done $0x0  }
0x292: {  	s31 =	sadd.s32 $0x200, s31;
	s1 =	sadd.s32 $0x3000, s1;
	[sflag:s29] =	ssyncadd.s32 $0xFFFFA000  }
0x293: {  	s30 =	sadd.s32 $0x1, s30  }
0x294: {  	p0 =	sne.s32 s30, s7  }
.Ltmp1:
0x295: {  	_ = 	snop;
	(pc) =	sbr.rel @p0 .LBB2_1-.Ltmp1, $1  }
0x296: {  	_ =	sdelay $0x3  }
0x297: {  	_ =	sfence.sel $0x180000  }
0x298: {  	[bflag:$0x0] =	sbarrier.arrive $0xFFFF  }
0x299: {  	_ =	strace $0x9000004A  }
0x29a: {  	s0 =	stileid.u32;
	[bflag:$0x2] =	sbarrier.arrive $0xFFFF  }
0x29b: {  	p0 =	sne.s32 s0, $0x0;
	s0 =	rddreg [dreg:$0x2]  }
0x29c: {  	s0 =	sadd.s32 @!p0 $0x100000, s0  }
0x29d: {  	[sflag:s0] =	ssyncadd.tile.s32 @!p0 $0x1;
	_ =	shalt  }
.Lfunc_end2:
_tile_overlayer_lowered:
.L_overlay_start_2:
0x29e: {  	(tag) =	ssettag $0x2  }
0x29f: {  	s0 =	rddreg [dreg:$0x0];
	s2 =	stileid.u32  }
0x2a0: {  	s1 =	rddreg [dreg:$0x1];
	p0 =	sne.s32 s2, $0x0  }
0x2a1: {  	s3 =	rddreg [dreg:$0x2];
	[bflag:$0x3] =	sbarrier.arrive $0xFFFF;
	s2 =	simm.s32 @!p0 $0x1C09  }
0x2a2: {  	[timem:s3], [sflag:s2] =	dma.local @!p0 [hbm:s0], s1  }
0x2a3: {  	s0 =	simm.s32 @!p0 $0x9  }
0x2a4: {  	_ =	swait.ge @!p0 [sflag:s0], s1  }
0x2a5: {  	s1 =	ssub.s32 @!p0 $0x0, s1;
	[sflag:s0] =	ssyncset.done @!p0 $0x0  }
0x2a6: {  	[sflag:s0] =	ssyncadd.s32 @!p0 s1  }
0x2a7: {  	[bflag:$0x3] =	sbarrier.arrive $0xFFFF  }
0x2a8: {  	_ =	shalt  }

// kernel: kernel.5.cloned.1.call-start
scs
__scs_entry_jumppad:
0x0: {  	(pc) =	sbr.rel $0x88, $3  }
0x1: {  	(tag) =	ssettag $0x0;
	lr =	simm.s32 $0x1  }
0x2: {  	[smem:$0x3F9D] =	sst lr;
	_ =	strace $0xD0000000  }
0x3: {  	_ = 	snop  }
0x4: {  	_ = 	snop  }
0x5: {  	_ = 	snop  }
0x6: {  	_ = 	snop  }
0x7: {  	_ = 	snop  }
__scs_overlays_trampoline_lowered:
0x8: {  	[smem:$0x3FAC] =	sst s0  }
0x9: {  	[smem:$0x3FAD] =	sst s1  }
0xa: {  	[smem:$0x3FAE] =	sst s2  }
0xb: {  	[smem:$0x3FAF] =	sst s3  }
0xc: {  	[smem:$0x3FB0] =	sst s4  }
0xd: {  	[smem:$0x3FB1] =	sst s5  }
0xe: {  	[smem:$0x3FB2] =	sst s6  }
0xf: {  	[smem:$0x3FB3] =	sst s7  }
0x10: {  	[smem:$0x3FB4] =	sst s8  }
0x11: {  	[smem:$0x3FB5] =	sst s9;
	s0 =	simm.s32 @!p0 $0x0  }
0x12: {  	s1 =	sld [smem:$0x3F9B];
	s0 =	simm.s32 @p0 $0x1  }
0x13: {  	[smem:$0x3FB6] =	sst s0;
	s0 =	simm.s32 @!p1 $0x0  }
0x14: {  	s2 =	sld [smem:$0x3F9A];
	s0 =	simm.s32 @p1 $0x1  }
0x15: {  	[smem:$0x3FB7] =	sst s0;
	s0 =	simm.s32 @!p2 $0x0  }
0x16: {  	s3 =	sld [smem:$0x3FDB];
	s0 =	simm.s32 @p2 $0x1  }
0x17: {  	s4 =	simm.s32 $0x1BF5;
	[smem:$0x3FB9] =	sst s0  }
0x18: {  	s0 =	sld [smem:$0x3F9C];
	_ =	swait.ge [sflag:s4], $0x0  }
0x19: {  	s7 =	sld [smem:$0x3F9D]  }
0x1a: {  	s8 =	sadd.s32 $0xFFFFE003, lr  }
0x1b: {  	s9 =	sadd.s32 $0xFFFFFEF7, lr;
	s5 =	simm.s32 $0xFFFFFFFF;
	p2 =	slt.u32 s8, $0xFFFFF086  }
0x1c: {  	p1 =	slt.u32 s9, $0xF7A;
	s5 =	simm.s32 @!p2 $0x0  }
0x1d: {  	s5 =	simm.s32 @p1 $0x1;
	p0 =	seq.s32 s7, s2  }
0x1e: {  	s7 =	smul.u32 @!p0 $0xF7A, s2;
	p2 =	seq.s32 @!p0 s5, $0x0  }
0x1f: {  	s9 =	smul.u32 $0xF7A, s1;
	s8 =	simm.s32 @!p0 $0x1BF5;
	p2 =	por !p2, p0  }
0x20: {  	[sflag:s8] =	ssyncset.s32 @!p0 $0xFFFFF086;
	s6 =	sadd.s32 @!p0 s3, s7;
	s7 =	simm.s32 @!p0 $0x108  }
0x21: {  	s3 =	sadd.s32 s3, s9;
	s6 =	sadd.s32 @!p0 $0x88, s6;
	s7 =	simm.s32 @p2 $0x1082  }
0x22: {  	[simem:s7], [sflag:s8] =	dma.local @!p0 [hbm:s6], $0xF7A  }
0x23: {  	s9 =	sor.u32 $0xD0000000, s2;
	s6 =	simm.s32 $0x108;
	_ =	swait.ge @!p0 [sflag:s8], $0x0  }
0x24: {  	s3 =	sadd.s32 $0x88, s3;
	s6 =	simm.s32 @!p1 $0x1082;
	[sflag:s4] =	ssyncset.s32 $0xFFFFF086  }
0x25: {  	[simem:s6], [sflag:s4] =	dma.local [hbm:s3], $0xF7A  }
0x26: {  	[smem:$0x3F9D] =	sst s1;
	(tag) =	ssettag s2;
	_ =	strace s9  }
0x27: {  	s1 =	sld [smem:$0x3FAD]  }
0x28: {  	s2 =	sld [smem:$0x3FAE]  }
0x29: {  	s4 =	sld [smem:$0x3FB0]  }
0x2a: {  	p0 =	seq.s32 s5, $0x0;
	s5 =	sld [smem:$0x3FB1]  }
0x2b: {  	s6 =	sld [smem:$0x3FB2]  }
0x2c: {  	s7 =	sld [smem:$0x3FB3]  }
0x2d: {  	s3 =	simm.s32 $0x108;
	s8 =	sld [smem:$0x3FB4]  }
0x2e: {  	s3 =	simm.s32 @!p0 $0x1082;
	s9 =	sld [smem:$0x3FB5]  }
0x2f: {  	lr =	sadd.s32 s0, s3;
	s0 =	sld [smem:$0x3FAC]  }
0x30: {  	s3 =	sld [smem:$0x3FAF]  }
0x31: {  	[smem:$0x3FB8] =	sst s10  }
0x32: {  	s10 =	sld [smem:$0x3FB6];
	_ =	sdelay $0x3  }
0x33: {  	p0 =	seq.s32 s10, $0x1;
	s10 =	sld [smem:$0x3FB8];
	_ =	sdelay $0x3  }
0x34: {  	[smem:$0x3FB8] =	sst s10  }
0x35: {  	s10 =	sld [smem:$0x3FB7];
	_ =	sdelay $0x3  }
0x36: {  	p1 =	seq.s32 s10, $0x1;
	s10 =	sld [smem:$0x3FB8];
	_ =	sdelay $0x3  }
0x37: {  	[smem:$0x3FB8] =	sst s10  }
0x38: {  	s10 =	sld [smem:$0x3FB9]  }
0x39: {  	_ = 	snop;
	(pc) =	sbr.ind lr, $3  }
0x3a: {  	_ = 	snop  }
0x3b: {  	_ = 	snop  }
0x3c: {  	p2 =	seq.s32 s10, $0x1;
	s10 =	sld [smem:$0x3FB8]  }
0x3d: {  	_ =	shalt  }
0x3e: {  	_ =	shalt  }
0x3f: {  	_ =	shalt  }
0x40: {  	_ =	shalt  }
0x41: {  	_ =	shalt  }
0x42: {  	_ =	shalt  }
0x43: {  	_ =	shalt  }
0x44: {  	_ =	shalt  }
0x45: {  	_ =	shalt  }
0x46: {  	_ =	shalt  }
0x47: {  	_ =	shalt  }
0x48: {  	_ =	shalt  }
0x49: {  	_ =	shalt  }
0x4a: {  	_ =	shalt  }
0x4b: {  	_ =	shalt  }
0x4c: {  	_ =	shalt  }
0x4d: {  	_ =	shalt  }
0x4e: {  	_ =	shalt  }
0x4f: {  	_ =	shalt  }
0x50: {  	_ =	shalt  }
0x51: {  	_ =	shalt  }
0x52: {  	_ =	shalt  }
0x53: {  	_ =	shalt  }
0x54: {  	_ =	shalt  }
0x55: {  	_ =	shalt  }
0x56: {  	_ =	shalt  }
0x57: {  	_ =	shalt  }
0x58: {  	_ =	shalt  }
0x59: {  	_ =	shalt  }
0x5a: {  	_ =	shalt  }
0x5b: {  	_ =	shalt  }
0x5c: {  	_ =	shalt  }
0x5d: {  	_ =	shalt  }
0x5e: {  	_ =	shalt  }
0x5f: {  	_ =	shalt  }
0x60: {  	_ =	shalt  }
0x61: {  	_ =	shalt  }
0x62: {  	_ =	shalt  }
0x63: {  	_ =	shalt  }
0x64: {  	_ =	shalt  }
0x65: {  	_ =	shalt  }
0x66: {  	_ =	shalt  }
0x67: {  	_ =	shalt  }
0x68: {  	_ =	shalt  }
0x69: {  	_ =	shalt  }
0x6a: {  	_ =	shalt  }
0x6b: {  	_ =	shalt  }
0x6c: {  	_ =	shalt  }
0x6d: {  	_ =	shalt  }
0x6e: {  	_ =	shalt  }
0x6f: {  	_ =	shalt  }
0x70: {  	_ =	shalt  }
0x71: {  	_ =	shalt  }
0x72: {  	_ =	shalt  }
0x73: {  	_ =	shalt  }
0x74: {  	_ =	shalt  }
0x75: {  	_ =	shalt  }
0x76: {  	_ =	shalt  }
0x77: {  	_ =	shalt  }
0x78: {  	_ =	shalt  }
0x79: {  	_ =	shalt  }
0x7a: {  	_ =	shalt  }
0x7b: {  	_ =	shalt  }
0x7c: {  	_ =	shalt  }
0x7d: {  	_ =	shalt  }
0x7e: {  	_ =	shalt  }
0x7f: {  	_ =	shalt  }
0x80: {  	_ =	shalt  }
0x81: {  	_ =	shalt  }
0x82: {  	_ =	shalt  }
0x83: {  	_ =	shalt  }
0x84: {  	_ =	shalt  }
0x85: {  	_ =	shalt  }
0x86: {  	_ =	shalt  }
0x87: {  	_ =	shalt  }
.Lfunc_end0:
.L_simem_size_0:
called_computation.3_lowered:
.L_overlay_start_0:
0x88: {  	s2 =	sld [smem:$0x3FD9]  }
0x89: {  	s3 =	sld [smem:$0x3FFE];
	_ =	sdelay $0x1  }
0x8a: {  	s1 =	srdreg.scid  }
0x8b: {  	s0 =	sand.u32 $0x1, s1  }
0x8c: {  	s15 =	sshll.u32 s0, $0xA;
	s2 =	sadd.s32 s3, s2  }
0x8d: {  	s2 =	sadd.s32 s2, s15  }
0x8e: {  	[smem:$0x3FC4] =	sst s2  }
0x8f: {  	_ = 	snop  }
0x90: {  	s2 =	sld [smem:$0x3FD0];
	_ =	sdelay $0x2  }
0x91: {  	s16 =	simm.s32 $0xC;
	s4 =	simm.s32 $0x10  }
0x92: {  	[smem:s4], [sflag:s16] =	dma.local [hbm:s2], $0x1  }
0x93: {  	_ =	swait.eq [sflag:s16], $0x1  }
0x94: {  	[sflag:s16] =	ssyncset.done $0x0  }
0x95: {  	[sflag:s16] =	ssyncadd.s32 $0xFFFFFFFF  }
0x96: {  	s17 =	sld [smem:$0x10];
	(tm) =	ssettm $0x1  }
0x97: {  	s18 =	sld [smem:$0x3FFB];
	_ =	sdelay $0x3  }
0x98: {  	_ =	strace s18  }
0x99: {  	s2 =	sld [smem:$0x3FFC];
	_ =	sdelay $0x3  }
0x9a: {  	_ =	strace s2  }
0x9b: {  	s2 =	sld [smem:$0x3FFD];
	_ =	sdelay $0x3  }
0x9c: {  	_ =	strace s2  }
0x9d: {  	_ =	strace $0x8FFFFFFF  }
0x9e: {  	s19 =	sld [smem:$0x3FDB];
	_ =	sdelay $0x1  }
0x9f: {  	s20 =	simm.s32 $_scs_section_size  }
0xa0: {  	s5 =	simm.s32 $_size__tile_overlayer_lowered;
	s6 =	simm.s32 $_tile_overlayer_lowered  }
0xa1: {  	s7 =	simm.s32 $0x1BFF;
	s21 =	sshll.u32 s6, $0x1;
	s4 =	sadd.s32 s20, s19  }
0xa2: {  	s22 =	simm.s32 $0x0;
	s5 =	sshll.u32 s5, $0x1;
	s6 =	sadd.s32 s21, s4  }
0xa3: {  	[timem:s22], [sflag:s7] =	dma.local [hbm:s6], s5  }
0xa4: {  	_ =	swait.ge [sflag:s7], s5  }
0xa5: {  	s5 =	ssub.s32 $0x0, s5;
	[sflag:s7] =	ssyncset.done $0x0  }
0xa6: {  	[sflag:s7] =	ssyncadd.s32 s5;
	_ =	sdelay $0x1  }
0xa7: {  	s23 =	simm.s32 $0x1B8B  }
0xa8: {  	_ =	swait.ge [sflag:s23], $0x1  }
0xa9: {  	[sflag:s23] =	ssyncset.done $0x0  }
0xaa: {  	[sflag:s23] =	ssyncadd.s32 $0xFFFFFFFF  }
0xab: {  	s5 =	sld [smem:$0x0]  }
0xac: {  	s6 =	sand.u32 $0xFFFFFFFE, s1  }
0xad: {  	p0 =	sne.s32 s1, s6  }
0xae: {  	s6 =	sshll.u32 @p0 s6, $0xE  }
0xaf: {  	s6 =	sadd.s32 @p0 $0x11B8D, s6;
	s7 =	sshll.u32 @p0 s5, $0x11  }
0xb0: {  	s6 =	sor.u32 @p0 s7, s6  }
0xb1: {  	[sflag:s6] =	ssyncadd.remote.s32 @p0 $0x1;
	_ =	sdelay $0x1  }
0xb2: {  	s6 =	simm.s32 @p0 $0x1B8D  }
0xb3: {  	_ =	swait.eq @p0 [sflag:s6], $0x1  }
0xb4: {  	[sflag:s6] =	ssyncadd.s32 @p0 $0xFFFFFFFF  }
0xb5: {  	s7 =	sshll.u32 @!p0 s1, $0xE  }
0xb6: {  	s7 =	sor.u32 @!p0 $0x4000, s7;
	s6 =	simm.s32 @!p0 $0x1B8D  }
0xb7: {  	s5 =	sshll.u32 @!p0 s5, $0x11;
	s7 =	sadd.s32 @!p0 $0x11B8D, s7;
	_ =	swait.eq @!p0 [sflag:s6], $0x1  }
0xb8: {  	s5 =	sor.u32 @!p0 s5, s7;
	[sflag:s6] =	ssyncadd.s32 @!p0 $0xFFFFFFFF  }
0xb9: {  	s25 =	simm.s32 $0x1B8E;
	s24 =	sld [smem:$0x3FFE];
	[sflag:s5] =	ssyncadd.remote.s32 @!p0 $0x1  }
0xba: {  	s26 =	simm.s32 $execute0_lowered;
	[smem:$0x3FD2] =	sst s25  }
0xbb: {  	s6 =	sshll.u32 s26, $0x1;
	_ =	strace $0x8000004C;
	[dreg:$0x1] =	wrdreg $0xFFFFFFFF  }
0xbc: {  	s28 =	simm.s32 $_size_execute0_lowered;
	s4 =	sadd.s32 s4, s6;
	[dreg:$0x0] =	wrdreg $0x0  }
0xbd: {  	s6 =	sshll.u32 s28, $0x1;
	[dreg:$0x2] =	wrdreg s4  }
0xbe: {  	[dreg:$0x3] =	wrdreg s6  }
0xbf: {  	[dreg:$0x4] =	wrdreg $0xC0  }
0xc0: {  	_ =	task [dreg:s22], $0x5FFFF  }
0xc1: {  	[dreg:$0x1] =	wrdreg $0xFFFFFFFF  }
0xc2: {  	[dreg:$0x0] =	wrdreg $0x60  }
0xc3: {  	[dreg:$0x2] =	wrdreg s24  }
0xc4: {  	[dreg:$0x3] =	wrdreg s17  }
0xc5: {  	[dreg:$0x4] =	wrdreg $0xA  }
0xc6: {  	_ =	task.clear_ibuf [dreg:s22], $0x5FFFF;
	_ =	strace $0x9000004C  }
0xc7: {  	s29 =	simm.s32 $0xA;
	_ =	strace $0x8000004E  }
0xc8: {  	_ =	swait.ge [sflag:s29], $0x1  }
0xc9: {  	[sflag:s29] =	ssyncadd.s32 $0xFFFFFFFF  }
0xca: {  	_ =	strace $0x9000004E  }
0xcb: {  	_ =	sfence  }
0xcc: {  	s30 =	sld [smem:$0x0];
	_ =	sdelay $0x2  }
0xcd: {  	s31 =	sshll.u32 s1, $0xD;
	s1 =	sshrl.u32 s1, $0x2  }
0xce: {  	s4 =	sand.u32 $0x4000, s31;
	s1 =	sadd.s32 s1, s30  }
0xcf: {  	s0 =	sor.u32 s4, s0;
	s1 =	sshll.u32 s1, $0x11  }
0xd0: {  	s0 =	sor.u32 s1, s0  }
0xd1: {  	s0 =	sadd.s32 $0x8F2B, s0  }
0xd2: {  	[sflag:s0] =	ssyncadd.remote.s32 $0x1  }
0xd3: {  	_ =	sfence.sel $0xFFFF  }
0xd4: {  	[dreg:$0x0] =	wrdreg $0xFFFFFFFF;
	(pc) =	sbr.abs _section_cstart, $3  }
0xd5: {  	[dreg:$0x1] =	wrdreg $0xFFFFFFFF  }
0xd6: {  	_ =	task.clear_ibuf [dreg:s22], $0x2FFFF;
	_ =	strace $0x9FFFFFFF  }
0xd7: {  	(tm) =	ssettm $0x7FFFFFFF  }
tec
execute0_lowered:
.L_overlay_start_1:
0x0: {  	(tag) =	ssettag $0x1  }
0x1: {  	s1 =	rddreg [dreg:$0x0];
	s3 =	srdreg.scid  }
0x2: {  	s2 =	rddreg [dreg:$0x1];
	s5 =	sand.u32 $0x1, s3;
	s3 =	simm.s32 $0x0  }
0x3: {  	s10 =	simm.s32 $0x4400;
	[smem:$0x7FF] =	sst s3  }
0x4: {  	s11 =	simm.s32 $0x5000;
	_ =	strace $0x8000004D;
	[dreg:$0xa] =	wrdreg s10  }
0x5: {  	s12 =	simm.s32 $0x5C00;
	[dreg:$0xb] =	wrdreg s11  }
0x6: {  	s13 =	simm.s32 $0x6800;
	[dreg:$0xc] =	wrdreg s12  }
0x7: {  	s14 =	simm.s32 $0x1800;
	[dreg:$0xd] =	wrdreg s13  }
0x8: {  	s15 =	simm.s32 $0x2400;
	[dreg:$0xe] =	wrdreg s14  }
0x9: {  	s16 =	simm.s32 $0x3000;
	[dreg:$0xf] =	wrdreg s15  }
0xa: {  	s17 =	simm.s32 $0x3C00;
	[dreg:$0x10] =	wrdreg s16  }
0xb: {  	s18 =	simm.s32 $0x4800;
	[dreg:$0x11] =	wrdreg s17  }
0xc: {  	s19 =	simm.s32 $0x5400;
	[dreg:$0x12] =	wrdreg s18  }
0xd: {  	s20 =	simm.s32 $0x6000;
	[dreg:$0x13] =	wrdreg s19  }
0xe: {  	s21 =	simm.s32 $0x6C00;
	[dreg:$0x14] =	wrdreg s20  }
0xf: {  	s22 =	simm.s32 $0x1C00;
	[dreg:$0x15] =	wrdreg s21  }
0x10: {  	s23 =	simm.s32 $0x2800;
	[dreg:$0x16] =	wrdreg s22  }
0x11: {  	s24 =	simm.s32 $0x3400;
	[dreg:$0x17] =	wrdreg s23  }
0x12: {  	[dreg:$0x18] =	wrdreg s24;
	s10 =	simm.s32 $0x9800  }
0x13: {  	s11 =	simm.s32 $0xA400;
	[smem:$0x7C2] =	sst s10  }
0x14: {  	s12 =	simm.s32 $0xB000;
	[smem:$0x7C3] =	sst s11  }
0x15: {  	s13 =	simm.s32 $0xBC00;
	[smem:$0x7C4] =	sst s12  }
0x16: {  	s14 =	simm.s32 $0xC800;
	[smem:$0x7C5] =	sst s13  }
0x17: {  	s15 =	simm.s32 $0x7800;
	[smem:$0x7C6] =	sst s14  }
0x18: {  	s16 =	simm.s32 $0x8400;
	[smem:$0x7C7] =	sst s15  }
0x19: {  	s17 =	simm.s32 $0x9000;
	[smem:$0x7C8] =	sst s16  }
0x1a: {  	s18 =	simm.s32 $0x9C00;
	[smem:$0x7C9] =	sst s17  }
0x1b: {  	s19 =	simm.s32 $0xA800;
	[smem:$0x7CA] =	sst s18  }
0x1c: {  	s20 =	simm.s32 $0xB400;
	[smem:$0x7CB] =	sst s19  }
0x1d: {  	s0 =	stileid.u32;
	s21 =	simm.s32 $0xC000;
	[smem:$0x7CC] =	sst s20  }
0x1e: {  	s4 =	smul.u32 $0x1400, s0;
	s22 =	simm.s32 $0xCC00;
	[smem:$0x7CD] =	sst s21  }
0x1f: {  	s6 =	smul.u32 $0xA00, s5;
	s23 =	simm.s32 $0x7C00;
	[smem:$0x7CE] =	sst s22  }
0x20: {  	s24 =	simm.s32 $0x8800;
	[smem:$0x7CF] =	sst s23  }
0x21: {  	s4 =	sadd.s32 s6, s4;
	s6 =	simm.s32 $0x6400;
	[smem:$0x7D0] =	sst s24  }
0x22: {  	s10 =	simm.s32 $0xEC00;
	[dreg:$0x1c] =	wrdreg s6  }
0x23: {  	s11 =	simm.s32 $0xF800;
	[smem:$0x7D8] =	sst s10  }
0x24: {  	s12 =	simm.s32 $0x10400;
	[smem:$0x7D9] =	sst s11  }
0x25: {  	s13 =	simm.s32 $0x11000;
	[smem:$0x7DA] =	sst s12  }
0x26: {  	s14 =	simm.s32 $0x11C00;
	[smem:$0x7DB] =	sst s13  }
0x27: {  	s15 =	simm.s32 $0x12800;
	[smem:$0x7DC] =	sst s14  }
0x28: {  	s16 =	simm.s32 $0xD800;
	[smem:$0x7DD] =	sst s15  }
0x29: {  	s17 =	simm.s32 $0xE400;
	[smem:$0x7DE] =	sst s16  }
0x2a: {  	s18 =	simm.s32 $0xF000;
	[smem:$0x7DF] =	sst s17  }
0x2b: {  	s19 =	simm.s32 $0xFC00;
	[smem:$0x7E0] =	sst s18  }
0x2c: {  	s20 =	simm.s32 $0x10800;
	[smem:$0x7E1] =	sst s19  }
0x2d: {  	s21 =	simm.s32 $0x11400;
	[smem:$0x7E2] =	sst s20  }
0x2e: {  	s22 =	simm.s32 $0x12000;
	[smem:$0x7E3] =	sst s21  }
0x2f: {  	s23 =	simm.s32 $0x12C00;
	[smem:$0x7E4] =	sst s22  }
0x30: {  	s24 =	simm.s32 $0xDC00;
	[smem:$0x7E5] =	sst s23  }
0x31: {  	s6 =	simm.s32 $0xB800;
	[smem:$0x7E6] =	sst s24  }
0x32: {  	s10 =	simm.s32 $0x13000;
	[smem:$0x7D4] =	sst s6  }
0x33: {  	s11 =	simm.s32 $0x14000;
	[smem:$0x7ED] =	sst s10  }
0x34: {  	s12 =	simm.s32 $0x14C00;
	[smem:$0x7EE] =	sst s11  }
0x35: {  	s13 =	simm.s32 $0x15800;
	[smem:$0x7EF] =	sst s12  }
0x36: {  	s25 =	sadd.s32 $0xC1FC00, s1;
	s14 =	simm.s32 $0x16400;
	[smem:$0x7F0] =	sst s13  }
0x37: {  	s7 =	sshrl.u32 s4, $0x3;
	s15 =	simm.s32 $0x17000;
	[smem:$0x7F1] =	sst s14  }
0x38: {  	s8 =	sor.u32 $0x40, s4;
	s17 =	simm.s32 $0x17C00;
	[smem:$0x7F2] =	sst s15  }
0x39: {  	s9 =	sor.u32 $0x80, s4;
	s18 =	simm.s32 $0x18800;
	[smem:$0x7F3] =	sst s17  }
0x3a: {  	s4 =	sor.u32 $0xC0, s4;
	s20 =	simm.s32 $0x13800;
	[smem:$0x7F5] =	sst s18  }
0x3b: {  	s21 =	simm.s32 $0x14400;
	s22 =	simm.s32 $0x15000;
	[smem:$0x7F6] =	sst s20  }
0x3c: {  	s23 =	simm.s32 $0x15C00;
	s24 =	simm.s32 $0x16800;
	[smem:$0x7F7] =	sst s21  }
0x3d: {  	s7 =	smul.u32 $0x180, s7;
	s8 =	sshrl.u32 s8, $0x3;
	[smem:$0x7F8] =	sst s22  }
0x3e: {  	s9 =	sshrl.u32 s9, $0x3;
	s4 =	sshrl.u32 s4, $0x3;
	[smem:$0x7F9] =	sst s23  }
0x3f: {  	s6 =	simm.s32 $0x10C00;
	[smem:$0x7FA] =	sst s24;
	s8 =	smul.u32 $0x180, s8  }
0x40: {  	s9 =	smul.u32 $0x180, s9;
	[smem:$0x7EA] =	sst s6;
	s7 =	sadd.s32 s7, s25  }
0x41: {  	s4 =	smul.u32 $0x180, s4;
	[dreg:$0x3] =	wrdreg s7;
	s26 =	sadd.s32 s8, s25  }
0x42: {  	s31 =	sadd.s32 s9, s25;
	[dreg:$0x4] =	wrdreg s26  }
0x43: {  	s4 =	sadd.s32 s4, s25;
	[dreg:$0x5] =	wrdreg s31  }
0x44: {  	s28 =	simm.s32 $0x7;
	s7 =	simm.s32 $0x2000;
	[dreg:$0x6] =	wrdreg s4  }
0x45: {  	s29 =	simm.s32 $0x8;
	s8 =	simm.s32 $0x2C00;
	[dreg:$0x7] =	wrdreg s7  }
0x46: {  	s30 =	simm.s32 $0x0;
	s9 =	simm.s32 $0x3800;
	[dreg:$0x8] =	wrdreg s8  }
0x47: {  	s10 =	simm.s32 $0x7400;
	s25 =	simm.s32 $0x4000;
	[dreg:$0x9] =	wrdreg s9  }
0x48: {  	s11 =	simm.s32 $0xD400;
	[dreg:$0x19] =	wrdreg s25;
	s26 =	simm.s32 $0x4C00  }
0x49: {  	s12 =	simm.s32 $0x13400;
	s31 =	simm.s32 $0x5800;
	[dreg:$0x1a] =	wrdreg s26  }
0x4a: {  	s13 =	simm.s32 $0x13C00;
	s7 =	simm.s32 $0x7000;
	[dreg:$0x1b] =	wrdreg s31  }
0x4b: {  	s14 =	simm.s32 $0x14800;
	s8 =	simm.s32 $0x8000;
	[dreg:$0x1d] =	wrdreg s7  }
0x4c: {  	s15 =	simm.s32 $0x15400;
	s9 =	simm.s32 $0x8C00;
	[dreg:$0x1e] =	wrdreg s8  }
0x4d: {  	s17 =	simm.s32 $0x16C00;
	s25 =	simm.s32 $0x9400;
	[dreg:$0x1f] =	wrdreg s9  }
0x4e: {  	s18 =	simm.s32 $0x17800;
	[smem:$0x7D1] =	sst s25;
	s26 =	simm.s32 $0xA000  }
0x4f: {  	s20 =	simm.s32 $0x19000;
	s31 =	simm.s32 $0xAC00;
	[smem:$0x7D2] =	sst s26  }
0x50: {  	s21 =	simm.s32 $0x1;
	s7 =	simm.s32 $0xC400;
	[smem:$0x7D3] =	sst s31  }
0x51: {  	s22 =	simm.s32 $0x2;
	s8 =	simm.s32 $0xD000;
	[smem:$0x7D5] =	sst s7  }
0x52: {  	s23 =	simm.s32 $0x3;
	s9 =	simm.s32 $0xE000;
	[smem:$0x7D6] =	sst s8  }
0x53: {  	s24 =	simm.s32 $0x4;
	s25 =	simm.s32 $0xE800;
	[smem:$0x7D7] =	sst s9  }
0x54: {  	s4 =	sadd.s32 $0x1E00, s1;
	[smem:$0x7E7] =	sst s25;
	s26 =	simm.s32 $0xF400  }
0x55: {  	s31 =	simm.s32 $0x10000;
	s7 =	simm.s32 $0x11800;
	[smem:$0x7E8] =	sst s26  }
0x56: {  	s8 =	sshll.u32 s0, $0x1;
	s9 =	simm.s32 $0x12400;
	[smem:$0x7E9] =	sst s31  }
0x57: {  	s25 =	simm.s32 $0x17400;
	[smem:$0x7EB] =	sst s7;
	s6 =	sor.u32 s5, s8  }
0x58: {  	[smem:$0x7EC] =	sst s9;
	s5 =	ssub.s32 $0x2, s5;
	s9 =	simm.s32 $0x1400  }
0x59: {  	[smem:$0x7FB] =	sst s25;
	s26 =	simm.s32 $0x18000;
	s31 =	simm.s32 $0x18C00  }
0x5a: {  	s25 =	simm.s32 $0x5;
	s6 =	smul.u32 $0x280, s6;
	[smem:$0x7FC] =	sst s26  }
0x5b: {  	s16 =	sshrl.u32 s5, $0x1;
	[smem:$0x7FD] =	sst s31;
	s26 =	simm.s32 $0x6  }
0x5c: {  	v2 =	vlaneseq.u32;
	s8 =	ssub.s32 s5, s16;
	s16 =	simm.s32 $0x16000;
	s6 =	sadd.s32 s6, s1  }
0x5d: {  	vm0 =	vmmov $0xff;
	v1 =	vshrl.u32 v2, $0x3;
	s7 =	smax.u32 s8, $0x1;
	s8 =	simm.s32 $0x9;
	s19 =	sadd.s32 $0xC1AC00, s6  }
0x5e: {  	v0 =	vand.u32 $0x7, v2;
	v2 =	vor.u32 $0x8, v2;
	v1 =	vmul.u32 $0x8, v1;
	s6 =	sadd.s32 $0x1E80, s1;
	[smem:$0x7F4] =	sst s19;
	s19 =	simm.s32 $0x18400  }
.LBB2_1:
0x5f: {  	s0 =	sld [smem:$0x7F4];
	_ =	sdelay $0x2  }
0x60: {  	[tilespmem:s3], [sflag:$0x9] =	stream.linear.gather [hbm4b:s0+s3], $0x1400, $0x38;
	[tilespmem:$0x19400] =	vst v63  }
0x61: {  	_ =	swait.ge [sflag:s8], $0x1400  }
0x62: {  	[sflag:s8] =	ssyncset.done $0x0  }
0x63: {  	s31 =	simm.s32 $0x100;
	s1 =	simm.s32 $0x0;
	[sflag:s8] =	ssyncadd.s32 $0xFFFFEC00  }
.LBB2_2:
0x64: {  	v3 =	vld [tilespmem:s31+$0xFFFFFF00];
	_ =	sdelay $0x4  }
0x65: {  	v4 =	vshrl.u32 v3, $0x3  }
0x66: {  	v4 =	vmul.u32 $0x18, v4  }
0x67: {  	v3 =	vand.u32 $0x7, v3  }
0x68: {  	v3 =	vor.u32 v3, v4  }
0x69: {  	v4 =	vperm.xlane v3, v0;
	_ =	sdelay $0x1  }
0x6a: {  	v3 =	vperm.xlane v3, v2;
	v4 =	vadd.s32 v1, v4;
	_ =	sdelay $0x1  }
0x6b: {  	v3 =	vadd.s32 v1, v3;
	_ =	sdelay $0x2  }
0x6c: {  	[tilespmem:s9], [sflag:$0x1] =	stream.indirect_vreg.gather [hbm4b:s4+s3], $0x80, v4, vm0, $0xb8;
	[tilespmem:$0x19400] =	vst v63  }
0x6d: {  	s0 =	rddreg [dreg:$0x7]  }
0x6e: {  	[tilespmem:s0], [sflag:$0x1] =	stream.indirect_vreg.gather [hbm4b:s4+s3], $0x80, v3, vm0, $0xb8;
	[tilespmem:$0x19400] =	vst v63  }
0x6f: {  	v3 =	vld [tilespmem:s31+$0xFFFFFF10];
	_ =	sdelay $0x4  }
0x70: {  	v17 =	vshrl.u32 v3, $0x3  }
0x71: {  	v4 =	vmul.u32 $0x18, v17  }
0x72: {  	v3 =	vand.u32 $0x7, v3  }
0x73: {  	v3 =	vor.u32 v3, v4  }
0x74: {  	v4 =	vperm.xlane v3, v0;
	_ =	sdelay $0x1  }
0x75: {  	v3 =	vperm.xlane v3, v2;
	v4 =	vadd.s32 v1, v4;
	_ =	sdelay $0x1  }
0x76: {  	v3 =	vadd.s32 v1, v3;
	_ =	sdelay $0x1  }
0x77: {  	s0 =	rddreg [dreg:$0x8]  }
0x78: {  	[tilespmem:s0], [sflag:$0x1] =	stream.indirect_vreg.gather [hbm4b:s4+s3], $0x80, v4, vm0, $0xb8;
	[tilespmem:$0x19400] =	vst v63  }
0x79: {  	s5 =	rddreg [dreg:$0x9]  }
0x7a: {  	[tilespmem:s5], [sflag:$0x1] =	stream.indirect_vreg.gather [hbm4b:s4+s3], $0x80, v3, vm0, $0xb8;
	[tilespmem:$0x19400] =	vst v63  }
0x7b: {  	v3 =	vld [tilespmem:s31+$0xFFFFFF20];
	_ =	sdelay $0x4  }
0x7c: {  	v18 =	vshrl.u32 v3, $0x3  }
0x7d: {  	v4 =	vmul.u32 $0x18, v18  }
0x7e: {  	v3 =	vand.u32 $0x7, v3  }
0x7f: {  	v3 =	vor.u32 v3, v4  }
0x80: {  	v4 =	vperm.xlane v3, v0;
	_ =	sdelay $0x1  }
0x81: {  	v3 =	vperm.xlane v3, v2;
	v4 =	vadd.s32 v1, v4;
	_ =	sdelay $0x1  }
0x82: {  	v3 =	vadd.s32 v1, v3;
	_ =	sdelay $0x1  }
0x83: {  	s0 =	rddreg [dreg:$0xa]  }
0x84: {  	[tilespmem:s0], [sflag:$0x1] =	stream.indirect_vreg.gather [hbm4b:s4+s3], $0x80, v4, vm0, $0xb8;
	[tilespmem:$0x19400] =	vst v63  }
0x85: {  	s5 =	rddreg [dreg:$0xb]  }
0x86: {  	[tilespmem:s5], [sflag:$0x1] =	stream.indirect_vreg.gather [hbm4b:s4+s3], $0x80, v3, vm0, $0xb8;
	[tilespmem:$0x19400] =	vst v63  }
0x87: {  	v3 =	vld [tilespmem:s31+$0xFFFFFF30];
	_ =	sdelay $0x4  }
0x88: {  	v19 =	vshrl.u32 v3, $0x3  }
0x89: {  	v4 =	vmul.u32 $0x18, v19  }
0x8a: {  	v3 =	vand.u32 $0x7, v3  }
0x8b: {  	v3 =	vor.u32 v3, v4  }
0x8c: {  	v4 =	vperm.xlane v3, v0;
	_ =	sdelay $0x1  }
0x8d: {  	v3 =	vperm.xlane v3, v2;
	v4 =	vadd.s32 v1, v4;
	_ =	sdelay $0x1  }
0x8e: {  	v3 =	vadd.s32 v1, v3;
	_ =	sdelay $0x1  }
0x8f: {  	s0 =	rddreg [dreg:$0xc]  }
0x90: {  	[tilespmem:s0], [sflag:$0x1] =	stream.indirect_vreg.gather [hbm4b:s4+s3], $0x80, v4, vm0, $0xb8;
	[tilespmem:$0x19400] =	vst v63  }
0x91: {  	s5 =	rddreg [dreg:$0xd]  }
0x92: {  	[tilespmem:s5], [sflag:$0x1] =	stream.indirect_vreg.gather [hbm4b:s4+s3], $0x80, v3, vm0, $0xb8;
	[tilespmem:$0x19400] =	vst v63  }
0x93: {  	v3 =	vld [tilespmem:s31+$0xFFFFFF00];
	_ =	sdelay $0x4  }
0x94: {  	v20 =	vshrl.u32 v3, $0x3  }
0x95: {  	v4 =	vmul.u32 $0x18, v20  }
0x96: {  	v3 =	vand.u32 $0x7, v3  }
0x97: {  	v3 =	vor.u32 v3, v4  }
0x98: {  	v4 =	vperm.xlane v3, v0;
	_ =	sdelay $0x1  }
0x99: {  	v3 =	vperm.xlane v3, v2;
	v4 =	vadd.s32 v1, v4;
	_ =	sdelay $0x1  }
0x9a: {  	v3 =	vadd.s32 v1, v3;
	_ =	sdelay $0x1  }
0x9b: {  	s0 =	rddreg [dreg:$0xe]  }
0x9c: {  	[tilespmem:s0], [sflag:$0x1] =	stream.indirect_vreg.gather [hbm4b:s6+s3], $0x80, v4, vm0, $0xb8;
	[tilespmem:$0x19400] =	vst v63  }
0x9d: {  	s5 =	rddreg [dreg:$0xf]  }
0x9e: {  	[tilespmem:s5], [sflag:$0x1] =	stream.indirect_vreg.gather [hbm4b:s6+s3], $0x80, v3, vm0, $0xb8;
	[tilespmem:$0x19400] =	vst v63  }
0x9f: {  	v3 =	vld [tilespmem:s31+$0xFFFFFF10];
	_ =	sdelay $0x4  }
0xa0: {  	v21 =	vshrl.u32 v3, $0x3  }
0xa1: {  	v4 =	vmul.u32 $0x18, v21  }
0xa2: {  	v3 =	vand.u32 $0x7, v3  }
0xa3: {  	v3 =	vor.u32 v3, v4  }
0xa4: {  	v4 =	vperm.xlane v3, v0;
	_ =	sdelay $0x1  }
0xa5: {  	v3 =	vperm.xlane v3, v2;
	v4 =	vadd.s32 v1, v4;
	_ =	sdelay $0x1  }
0xa6: {  	v3 =	vadd.s32 v1, v3;
	_ =	sdelay $0x1  }
0xa7: {  	s0 =	rddreg [dreg:$0x10]  }
0xa8: {  	[tilespmem:s0], [sflag:$0x1] =	stream.indirect_vreg.gather [hbm4b:s6+s3], $0x80, v4, vm0, $0xb8;
	[tilespmem:$0x19400] =	vst v63  }
0xa9: {  	s5 =	rddreg [dreg:$0x11]  }
0xaa: {  	[tilespmem:s5], [sflag:$0x1] =	stream.indirect_vreg.gather [hbm4b:s6+s3], $0x80, v3, vm0, $0xb8;
	[tilespmem:$0x19400] =	vst v63  }
0xab: {  	v3 =	vld [tilespmem:s31+$0xFFFFFF20];
	_ =	sdelay $0x4  }
0xac: {  	v22 =	vshrl.u32 v3, $0x3  }
0xad: {  	v4 =	vmul.u32 $0x18, v22  }
0xae: {  	v3 =	vand.u32 $0x7, v3  }
0xaf: {  	v3 =	vor.u32 v3, v4  }
0xb0: {  	v4 =	vperm.xlane v3, v0;
	_ =	sdelay $0x1  }
0xb1: {  	v3 =	vperm.xlane v3, v2;
	v4 =	vadd.s32 v1, v4;
	_ =	sdelay $0x1  }
0xb2: {  	v3 =	vadd.s32 v1, v3;
	_ =	sdelay $0x1  }
0xb3: {  	s0 =	rddreg [dreg:$0x12]  }
0xb4: {  	[tilespmem:s0], [sflag:$0x1] =	stream.indirect_vreg.gather [hbm4b:s6+s3], $0x80, v4, vm0, $0xb8;
	[tilespmem:$0x19400] =	vst v63  }
0xb5: {  	s5 =	rddreg [dreg:$0x13]  }
0xb6: {  	[tilespmem:s5], [sflag:$0x1] =	stream.indirect_vreg.gather [hbm4b:s6+s3], $0x80, v3, vm0, $0xb8;
	[tilespmem:$0x19400] =	vst v63  }
0xb7: {  	v3 =	vld [tilespmem:s31+$0xFFFFFF30];
	_ =	sdelay $0x4  }
0xb8: {  	v23 =	vshrl.u32 v3, $0x3  }
0xb9: {  	v4 =	vmul.u32 $0x18, v23  }
0xba: {  	v3 =	vand.u32 $0x7, v3  }
0xbb: {  	v3 =	vor.u32 v3, v4  }
0xbc: {  	v4 =	vperm.xlane v3, v0;
	_ =	sdelay $0x1  }
0xbd: {  	v3 =	vperm.xlane v3, v2;
	v4 =	vadd.s32 v1, v4;
	_ =	sdelay $0x1  }
0xbe: {  	v3 =	vadd.s32 v1, v3;
	_ =	sdelay $0x1  }
0xbf: {  	s0 =	rddreg [dreg:$0x14]  }
0xc0: {  	[tilespmem:s0], [sflag:$0x1] =	stream.indirect_vreg.gather [hbm4b:s6+s3], $0x80, v4, vm0, $0xb8;
	[tilespmem:$0x19400] =	vst v63  }
0xc1: {  	s5 =	rddreg [dreg:$0x15]  }
0xc2: {  	[tilespmem:s5], [sflag:$0x1] =	stream.indirect_vreg.gather [hbm4b:s6+s3], $0x80, v3, vm0, $0xb8;
	[tilespmem:$0x19400] =	vst v63  }
0xc3: {  	v3 =	vld [tilespmem:s31+$0xFFFFFF00];
	_ =	sdelay $0x4  }
0xc4: {  	v24 =	vperm.xlane v3, v0;
	_ =	sdelay $0x1  }
0xc5: {  	v3 =	vperm.xlane v3, v2;
	v4 =	vadd.s32 v1, v24;
	_ =	sdelay $0x1  }
0xc6: {  	v3 =	vadd.s32 v1, v3;
	_ =	sdelay $0x1  }
0xc7: {  	s0 =	rddreg [dreg:$0x16]  }
0xc8: {  	[tilespmem:s0], [sflag:$0x1] =	stream.indirect_vreg.gather [hbm4b:s2+s3], $0x80, v4, vm0, $0xb8;
	[tilespmem:$0x19400] =	vst v63  }
0xc9: {  	s5 =	rddreg [dreg:$0x17]  }
0xca: {  	[tilespmem:s5], [sflag:$0x1] =	stream.indirect_vreg.gather [hbm4b:s2+s3], $0x80, v3, vm0, $0xb8;
	[tilespmem:$0x19400] =	vst v63  }
0xcb: {  	v3 =	vld [tilespmem:s31+$0xFFFFFF10];
	_ =	sdelay $0x4  }
0xcc: {  	v25 =	vperm.xlane v3, v0;
	_ =	sdelay $0x1  }
0xcd: {  	v3 =	vperm.xlane v3, v2;
	v4 =	vadd.s32 v1, v25;
	_ =	sdelay $0x1  }
0xce: {  	v3 =	vadd.s32 v1, v3;
	_ =	sdelay $0x1  }
0xcf: {  	s0 =	rddreg [dreg:$0x18]  }
0xd0: {  	[tilespmem:s0], [sflag:$0x1] =	stream.indirect_vreg.gather [hbm4b:s2+s3], $0x80, v4, vm0, $0xb8;
	[tilespmem:$0x19400] =	vst v63  }
0xd1: {  	s5 =	rddreg [dreg:$0x19]  }
0xd2: {  	[tilespmem:s5], [sflag:$0x1] =	stream.indirect_vreg.gather [hbm4b:s2+s3], $0x80, v3, vm0, $0xb8;
	[tilespmem:$0x19400] =	vst v63  }
0xd3: {  	v3 =	vld [tilespmem:s31+$0xFFFFFF20];
	_ =	sdelay $0x4  }
0xd4: {  	v26 =	vperm.xlane v3, v0;
	_ =	sdelay $0x1  }
0xd5: {  	v3 =	vperm.xlane v3, v2;
	v4 =	vadd.s32 v1, v26;
	_ =	sdelay $0x1  }
0xd6: {  	v3 =	vadd.s32 v1, v3;
	_ =	sdelay $0x1  }
0xd7: {  	s0 =	rddreg [dreg:$0x1a]  }
0xd8: {  	[tilespmem:s0], [sflag:$0x1] =	stream.indirect_vreg.gather [hbm4b:s2+s3], $0x80, v4, vm0, $0xb8;
	[tilespmem:$0x19400] =	vst v63  }
0xd9: {  	s5 =	rddreg [dreg:$0x1b]  }
0xda: {  	[tilespmem:s5], [sflag:$0x1] =	stream.indirect_vreg.gather [hbm4b:s2+s3], $0x80, v3, vm0, $0xb8;
	[tilespmem:$0x19400] =	vst v63  }
0xdb: {  	v3 =	vld [tilespmem:s31+$0xFFFFFF30];
	_ =	sdelay $0x4  }
0xdc: {  	v27 =	vperm.xlane v3, v0;
	_ =	sdelay $0x1  }
0xdd: {  	v3 =	vperm.xlane v3, v2;
	v4 =	vadd.s32 v1, v27;
	_ =	sdelay $0x1  }
0xde: {  	v3 =	vadd.s32 v1, v3;
	_ =	sdelay $0x1  }
0xdf: {  	s0 =	rddreg [dreg:$0x1c]  }
0xe0: {  	[tilespmem:s0], [sflag:$0x1] =	stream.indirect_vreg.gather [hbm4b:s2+s3], $0x80, v4, vm0, $0xb8;
	[tilespmem:$0x19400] =	vst v63  }
0xe1: {  	s5 =	rddreg [dreg:$0x1d]  }
0xe2: {  	[tilespmem:s5], [sflag:$0x1] =	stream.indirect_vreg.gather [hbm4b:s2+s3], $0x80, v3, vm0, $0xb8;
	[tilespmem:$0x19400] =	vst v63  }
0xe3: {  	v3 =	vld [tilespmem:s31+$0xFFFFFF80];
	_ =	sdelay $0x4  }
0xe4: {  	v28 =	vshrl.u32 v3, $0x3  }
0xe5: {  	v4 =	vmul.u32 $0x18, v28  }
0xe6: {  	v3 =	vand.u32 $0x7, v3  }
0xe7: {  	v3 =	vor.u32 v3, v4  }
0xe8: {  	v4 =	vperm.xlane v3, v0;
	_ =	sdelay $0x1  }
0xe9: {  	v3 =	vperm.xlane v3, v2;
	v4 =	vadd.s32 v1, v4;
	_ =	sdelay $0x1  }
0xea: {  	v3 =	vadd.s32 v1, v3;
	_ =	sdelay $0x2  }
0xeb: {  	[tilespmem:s10], [sflag:$0x2] =	stream.indirect_vreg.gather [hbm4b:s4+s3], $0x80, v4, vm0, $0xb8;
	[tilespmem:$0x19400] =	vst v63  }
0xec: {  	s5 =	rddreg [dreg:$0x1e]  }
0xed: {  	[tilespmem:s5], [sflag:$0x2] =	stream.indirect_vreg.gather [hbm4b:s4+s3], $0x80, v3, vm0, $0xb8;
	[tilespmem:$0x19400] =	vst v63  }
0xee: {  	v3 =	vld [tilespmem:s31+$0xFFFFFF90];
	_ =	sdelay $0x4  }
0xef: {  	v29 =	vshrl.u32 v3, $0x3  }
0xf0: {  	v4 =	vmul.u32 $0x18, v29  }
0xf1: {  	v3 =	vand.u32 $0x7, v3  }
0xf2: {  	v3 =	vor.u32 v3, v4  }
0xf3: {  	v4 =	vperm.xlane v3, v0;
	_ =	sdelay $0x1  }
0xf4: {  	v3 =	vperm.xlane v3, v2;
	v4 =	vadd.s32 v1, v4;
	_ =	sdelay $0x1  }
0xf5: {  	v3 =	vadd.s32 v1, v3  }
0xf6: {  	s0 =	rddreg [dreg:$0x1f]  }
0xf7: {  	s5 =	sld [smem:$0x7C2]  }
0xf8: {  	[tilespmem:s0], [sflag:$0x2] =	stream.indirect_vreg.gather [hbm4b:s4+s3], $0x80, v4, vm0, $0xb8;
	[tilespmem:$0x19400] =	vst v63  }
0xf9: {  	_ = 	snop  }
0xfa: {  	[tilespmem:s5], [sflag:$0x2] =	stream.indirect_vreg.gather [hbm4b:s4+s3], $0x80, v3, vm0, $0xb8;
	[tilespmem:$0x19400] =	vst v63  }
0xfb: {  	v3 =	vld [tilespmem:s31+$0xFFFFFFA0];
	_ =	sdelay $0x4  }
0xfc: {  	v30 =	vshrl.u32 v3, $0x3  }
0xfd: {  	v4 =	vmul.u32 $0x18, v30  }
0xfe: {  	v3 =	vand.u32 $0x7, v3  }
0xff: {  	v3 =	vor.u32 v3, v4  }
0x100: {  	v4 =	vperm.xlane v3, v0;
	_ =	sdelay $0x1  }
0x101: {  	v3 =	vperm.xlane v3, v2;
	v4 =	vadd.s32 v1, v4;
	_ =	sdelay $0x1  }
0x102: {  	s0 =	sld [smem:$0x7C3];
	v3 =	vadd.s32 v1, v3;
	_ =	sdelay $0x1  }
0x103: {  	s5 =	sld [smem:$0x7C4]  }
0x104: {  	[tilespmem:s0], [sflag:$0x2] =	stream.indirect_vreg.gather [hbm4b:s4+s3], $0x80, v4, vm0, $0xb8;
	[tilespmem:$0x19400] =	vst v63  }
0x105: {  	_ = 	snop  }
0x106: {  	[tilespmem:s5], [sflag:$0x2] =	stream.indirect_vreg.gather [hbm4b:s4+s3], $0x80, v3, vm0, $0xb8;
	[tilespmem:$0x19400] =	vst v63  }
0x107: {  	v3 =	vld [tilespmem:s31+$0xFFFFFFB0];
	_ =	sdelay $0x4  }
0x108: {  	v31 =	vshrl.u32 v3, $0x3  }
0x109: {  	v4 =	vmul.u32 $0x18, v31  }
0x10a: {  	v3 =	vand.u32 $0x7, v3  }
0x10b: {  	v3 =	vor.u32 v3, v4  }
0x10c: {  	v4 =	vperm.xlane v3, v0;
	_ =	sdelay $0x1  }
0x10d: {  	v3 =	vperm.xlane v3, v2;
	v4 =	vadd.s32 v1, v4;
	_ =	sdelay $0x1  }
0x10e: {  	s0 =	sld [smem:$0x7C5];
	v3 =	vadd.s32 v1, v3;
	_ =	sdelay $0x1  }
0x10f: {  	s5 =	sld [smem:$0x7C6]  }
0x110: {  	[tilespmem:s0], [sflag:$0x2] =	stream.indirect_vreg.gather [hbm4b:s4+s3], $0x80, v4, vm0, $0xb8;
	[tilespmem:$0x19400] =	vst v63  }
0x111: {  	_ = 	snop  }
0x112: {  	[tilespmem:s5], [sflag:$0x2] =	stream.indirect_vreg.gather [hbm4b:s4+s3], $0x80, v3, vm0, $0xb8;
	[tilespmem:$0x19400] =	vst v63  }
0x113: {  	v3 =	vld [tilespmem:s31+$0xFFFFFF80];
	_ =	sdelay $0x4  }
0x114: {  	v32 =	vshrl.u32 v3, $0x3  }
0x115: {  	v4 =	vmul.u32 $0x18, v32  }
0x116: {  	v3 =	vand.u32 $0x7, v3  }
0x117: {  	v3 =	vor.u32 v3, v4  }
0x118: {  	v4 =	vperm.xlane v3, v0;
	_ =	sdelay $0x1  }
0x119: {  	v3 =	vperm.xlane v3, v2;
	v4 =	vadd.s32 v1, v4;
	_ =	sdelay $0x1  }
0x11a: {  	s0 =	sld [smem:$0x7C7];
	v3 =	vadd.s32 v1, v3;
	_ =	sdelay $0x1  }
0x11b: {  	s5 =	sld [smem:$0x7C8]  }
0x11c: {  	[tilespmem:s0], [sflag:$0x2] =	stream.indirect_vreg.gather [hbm4b:s6+s3], $0x80, v4, vm0, $0xb8;
	[tilespmem:$0x19400] =	vst v63  }
0x11d: {  	_ = 	snop  }
0x11e: {  	[tilespmem:s5], [sflag:$0x2] =	stream.indirect_vreg.gather [hbm4b:s6+s3], $0x80, v3, vm0, $0xb8;
	[tilespmem:$0x19400] =	vst v63  }
0x11f: {  	v3 =	vld [tilespmem:s31+$0xFFFFFF90];
	_ =	sdelay $0x4  }
0x120: {  	v33 =	vshrl.u32 v3, $0x3  }
0x121: {  	v4 =	vmul.u32 $0x18, v33  }
0x122: {  	v3 =	vand.u32 $0x7, v3  }
0x123: {  	v3 =	vor.u32 v3, v4  }
0x124: {  	v4 =	vperm.xlane v3, v0;
	_ =	sdelay $0x1  }
0x125: {  	v3 =	vperm.xlane v3, v2;
	v4 =	vadd.s32 v1, v4;
	_ =	sdelay $0x1  }
0x126: {  	s0 =	sld [smem:$0x7C9];
	v3 =	vadd.s32 v1, v3;
	_ =	sdelay $0x1  }
0x127: {  	s5 =	sld [smem:$0x7CA]  }
0x128: {  	[tilespmem:s0], [sflag:$0x2] =	stream.indirect_vreg.gather [hbm4b:s6+s3], $0x80, v4, vm0, $0xb8;
	[tilespmem:$0x19400] =	vst v63  }
0x129: {  	_ = 	snop  }
0x12a: {  	[tilespmem:s5], [sflag:$0x2] =	stream.indirect_vreg.gather [hbm4b:s6+s3], $0x80, v3, vm0, $0xb8;
	[tilespmem:$0x19400] =	vst v63  }
0x12b: {  	v3 =	vld [tilespmem:s31+$0xFFFFFFA0];
	_ =	sdelay $0x4  }
0x12c: {  	v34 =	vshrl.u32 v3, $0x3  }
0x12d: {  	v4 =	vmul.u32 $0x18, v34  }
0x12e: {  	v3 =	vand.u32 $0x7, v3  }
0x12f: {  	v3 =	vor.u32 v3, v4  }
0x130: {  	v4 =	vperm.xlane v3, v0;
	_ =	sdelay $0x1  }
0x131: {  	v3 =	vperm.xlane v3, v2;
	v4 =	vadd.s32 v1, v4;
	_ =	sdelay $0x1  }
0x132: {  	s0 =	sld [smem:$0x7CB];
	v3 =	vadd.s32 v1, v3;
	_ =	sdelay $0x1  }
0x133: {  	s5 =	sld [smem:$0x7CC]  }
0x134: {  	[tilespmem:s0], [sflag:$0x2] =	stream.indirect_vreg.gather [hbm4b:s6+s3], $0x80, v4, vm0, $0xb8;
	[tilespmem:$0x19400] =	vst v63  }
0x135: {  	_ = 	snop  }
0x136: {  	[tilespmem:s5], [sflag:$0x2] =	stream.indirect_vreg.gather [hbm4b:s6+s3], $0x80, v3, vm0, $0xb8;
	[tilespmem:$0x19400] =	vst v63  }
0x137: {  	v3 =	vld [tilespmem:s31+$0xFFFFFFB0];
	_ =	sdelay $0x4  }
0x138: {  	v35 =	vshrl.u32 v3, $0x3  }
0x139: {  	v4 =	vmul.u32 $0x18, v35  }
0x13a: {  	v3 =	vand.u32 $0x7, v3  }
0x13b: {  	v3 =	vor.u32 v3, v4  }
0x13c: {  	v4 =	vperm.xlane v3, v0;
	_ =	sdelay $0x1  }
0x13d: {  	v3 =	vperm.xlane v3, v2;
	v4 =	vadd.s32 v1, v4;
	_ =	sdelay $0x1  }
0x13e: {  	s0 =	sld [smem:$0x7CD];
	v3 =	vadd.s32 v1, v3;
	_ =	sdelay $0x1  }
0x13f: {  	s5 =	sld [smem:$0x7CE]  }
0x140: {  	[tilespmem:s0], [sflag:$0x2] =	stream.indirect_vreg.gather [hbm4b:s6+s3], $0x80, v4, vm0, $0xb8;
	[tilespmem:$0x19400] =	vst v63  }
0x141: {  	_ = 	snop  }
0x142: {  	[tilespmem:s5], [sflag:$0x2] =	stream.indirect_vreg.gather [hbm4b:s6+s3], $0x80, v3, vm0, $0xb8;
	[tilespmem:$0x19400] =	vst v63  }
0x143: {  	v3 =	vld [tilespmem:s31+$0xFFFFFF80];
	_ =	sdelay $0x4  }
0x144: {  	v36 =	vperm.xlane v3, v0;
	_ =	sdelay $0x1  }
0x145: {  	v3 =	vperm.xlane v3, v2;
	v4 =	vadd.s32 v1, v36;
	_ =	sdelay $0x1  }
0x146: {  	s0 =	sld [smem:$0x7CF];
	v3 =	vadd.s32 v1, v3;
	_ =	sdelay $0x1  }
0x147: {  	s5 =	sld [smem:$0x7D0]  }
0x148: {  	[tilespmem:s0], [sflag:$0x2] =	stream.indirect_vreg.gather [hbm4b:s2+s3], $0x80, v4, vm0, $0xb8;
	[tilespmem:$0x19400] =	vst v63  }
0x149: {  	_ = 	snop  }
0x14a: {  	[tilespmem:s5], [sflag:$0x2] =	stream.indirect_vreg.gather [hbm4b:s2+s3], $0x80, v3, vm0, $0xb8;
	[tilespmem:$0x19400] =	vst v63  }
0x14b: {  	v3 =	vld [tilespmem:s31+$0xFFFFFF90];
	_ =	sdelay $0x4  }
0x14c: {  	v37 =	vperm.xlane v3, v0;
	_ =	sdelay $0x1  }
0x14d: {  	v3 =	vperm.xlane v3, v2;
	v4 =	vadd.s32 v1, v37;
	_ =	sdelay $0x1  }
0x14e: {  	s0 =	sld [smem:$0x7D1];
	v3 =	vadd.s32 v1, v3;
	_ =	sdelay $0x1  }
0x14f: {  	s5 =	sld [smem:$0x7D2]  }
0x150: {  	[tilespmem:s0], [sflag:$0x2] =	stream.indirect_vreg.gather [hbm4b:s2+s3], $0x80, v4, vm0, $0xb8;
	[tilespmem:$0x19400] =	vst v63  }
0x151: {  	_ = 	snop  }
0x152: {  	[tilespmem:s5], [sflag:$0x2] =	stream.indirect_vreg.gather [hbm4b:s2+s3], $0x80, v3, vm0, $0xb8;
	[tilespmem:$0x19400] =	vst v63  }
0x153: {  	v3 =	vld [tilespmem:s31+$0xFFFFFFA0];
	_ =	sdelay $0x4  }
0x154: {  	v38 =	vperm.xlane v3, v0;
	_ =	sdelay $0x1  }
0x155: {  	v3 =	vperm.xlane v3, v2;
	v4 =	vadd.s32 v1, v38;
	_ =	sdelay $0x1  }
0x156: {  	s0 =	sld [smem:$0x7D3];
	v3 =	vadd.s32 v1, v3;
	_ =	sdelay $0x1  }
0x157: {  	s5 =	sld [smem:$0x7D4]  }
0x158: {  	[tilespmem:s0], [sflag:$0x2] =	stream.indirect_vreg.gather [hbm4b:s2+s3], $0x80, v4, vm0, $0xb8;
	[tilespmem:$0x19400] =	vst v63  }
0x159: {  	_ = 	snop  }
0x15a: {  	[tilespmem:s5], [sflag:$0x2] =	stream.indirect_vreg.gather [hbm4b:s2+s3], $0x80, v3, vm0, $0xb8;
	[tilespmem:$0x19400] =	vst v63  }
0x15b: {  	v3 =	vld [tilespmem:s31+$0xFFFFFFB0];
	_ =	sdelay $0x4  }
0x15c: {  	v39 =	vperm.xlane v3, v0;
	_ =	sdelay $0x1  }
0x15d: {  	v3 =	vperm.xlane v3, v2;
	v4 =	vadd.s32 v1, v39;
	_ =	sdelay $0x1  }
0x15e: {  	s0 =	sld [smem:$0x7D5];
	v3 =	vadd.s32 v1, v3;
	_ =	sdelay $0x1  }
0x15f: {  	s5 =	sld [smem:$0x7D6]  }
0x160: {  	[tilespmem:s0], [sflag:$0x2] =	stream.indirect_vreg.gather [hbm4b:s2+s3], $0x80, v4, vm0, $0xb8;
	[tilespmem:$0x19400] =	vst v63  }
0x161: {  	_ = 	snop  }
0x162: {  	[tilespmem:s5], [sflag:$0x2] =	stream.indirect_vreg.gather [hbm4b:s2+s3], $0x80, v3, vm0, $0xb8;
	[tilespmem:$0x19400] =	vst v63  }
0x163: {  	v3 =	vld [tilespmem:s31+$0x0];
	_ =	sdelay $0x4  }
0x164: {  	v40 =	vshrl.u32 v3, $0x3  }
0x165: {  	v4 =	vmul.u32 $0x18, v40  }
0x166: {  	v3 =	vand.u32 $0x7, v3  }
0x167: {  	v3 =	vor.u32 v3, v4  }
0x168: {  	v4 =	vperm.xlane v3, v0;
	_ =	sdelay $0x1  }
0x169: {  	v3 =	vperm.xlane v3, v2;
	v4 =	vadd.s32 v1, v4;
	_ =	sdelay $0x1  }
0x16a: {  	v3 =	vadd.s32 v1, v3;
	_ =	sdelay $0x1  }
0x16b: {  	s5 =	sld [smem:$0x7D7]  }
0x16c: {  	[tilespmem:s11], [sflag:$0x3] =	stream.indirect_vreg.gather [hbm4b:s4+s3], $0x80, v4, vm0, $0xb8;
	[tilespmem:$0x19400] =	vst v63  }
0x16d: {  	_ = 	snop  }
0x16e: {  	[tilespmem:s5], [sflag:$0x3] =	stream.indirect_vreg.gather [hbm4b:s4+s3], $0x80, v3, vm0, $0xb8;
	[tilespmem:$0x19400] =	vst v63  }
0x16f: {  	v3 =	vld [tilespmem:s31+$0x10];
	_ =	sdelay $0x4  }
0x170: {  	v41 =	vshrl.u32 v3, $0x3  }
0x171: {  	v4 =	vmul.u32 $0x18, v41  }
0x172: {  	v3 =	vand.u32 $0x7, v3  }
0x173: {  	v3 =	vor.u32 v3, v4  }
0x174: {  	v4 =	vperm.xlane v3, v0;
	_ =	sdelay $0x1  }
0x175: {  	v3 =	vperm.xlane v3, v2;
	v4 =	vadd.s32 v1, v4;
	_ =	sdelay $0x1  }
0x176: {  	s0 =	sld [smem:$0x7D8];
	v3 =	vadd.s32 v1, v3;
	_ =	sdelay $0x1  }
0x177: {  	s5 =	sld [smem:$0x7D9]  }
0x178: {  	[tilespmem:s0], [sflag:$0x3] =	stream.indirect_vreg.gather [hbm4b:s4+s3], $0x80, v4, vm0, $0xb8;
	[tilespmem:$0x19400] =	vst v63  }
0x179: {  	_ = 	snop  }
0x17a: {  	[tilespmem:s5], [sflag:$0x3] =	stream.indirect_vreg.gather [hbm4b:s4+s3], $0x80, v3, vm0, $0xb8;
	[tilespmem:$0x19400] =	vst v63  }
0x17b: {  	v3 =	vld [tilespmem:s31+$0x20];
	_ =	sdelay $0x4  }
0x17c: {  	v42 =	vshrl.u32 v3, $0x3  }
0x17d: {  	v4 =	vmul.u32 $0x18, v42  }
0x17e: {  	v3 =	vand.u32 $0x7, v3  }
0x17f: {  	v3 =	vor.u32 v3, v4  }
0x180: {  	v4 =	vperm.xlane v3, v0;
	_ =	sdelay $0x1  }
0x181: {  	v3 =	vperm.xlane v3, v2;
	v4 =	vadd.s32 v1, v4;
	_ =	sdelay $0x1  }
0x182: {  	s0 =	sld [smem:$0x7DA];
	v3 =	vadd.s32 v1, v3;
	_ =	sdelay $0x1  }
0x183: {  	s5 =	sld [smem:$0x7DB]  }
0x184: {  	[tilespmem:s0], [sflag:$0x3] =	stream.indirect_vreg.gather [hbm4b:s4+s3], $0x80, v4, vm0, $0xb8;
	[tilespmem:$0x19400] =	vst v63  }
0x185: {  	_ = 	snop  }
0x186: {  	[tilespmem:s5], [sflag:$0x3] =	stream.indirect_vreg.gather [hbm4b:s4+s3], $0x80, v3, vm0, $0xb8;
	[tilespmem:$0x19400] =	vst v63  }
0x187: {  	v3 =	vld [tilespmem:s31+$0x30];
	_ =	sdelay $0x4  }
0x188: {  	v43 =	vshrl.u32 v3, $0x3  }
0x189: {  	v4 =	vmul.u32 $0x18, v43  }
0x18a: {  	v3 =	vand.u32 $0x7, v3  }
0x18b: {  	v3 =	vor.u32 v3, v4  }
0x18c: {  	v4 =	vperm.xlane v3, v0;
	_ =	sdelay $0x1  }
0x18d: {  	v3 =	vperm.xlane v3, v2;
	v4 =	vadd.s32 v1, v4;
	_ =	sdelay $0x1  }
0x18e: {  	s0 =	sld [smem:$0x7DC];
	v3 =	vadd.s32 v1, v3;
	_ =	sdelay $0x1  }
0x18f: {  	s5 =	sld [smem:$0x7DD]  }
0x190: {  	[tilespmem:s0], [sflag:$0x3] =	stream.indirect_vreg.gather [hbm4b:s4+s3], $0x80, v4, vm0, $0xb8;
	[tilespmem:$0x19400] =	vst v63  }
0x191: {  	_ = 	snop  }
0x192: {  	[tilespmem:s5], [sflag:$0x3] =	stream.indirect_vreg.gather [hbm4b:s4+s3], $0x80, v3, vm0, $0xb8;
	[tilespmem:$0x19400] =	vst v63  }
0x193: {  	v3 =	vld [tilespmem:s31+$0x0];
	_ =	sdelay $0x4  }
0x194: {  	v44 =	vshrl.u32 v3, $0x3  }
0x195: {  	v4 =	vmul.u32 $0x18, v44  }
0x196: {  	v3 =	vand.u32 $0x7, v3  }
0x197: {  	v3 =	vor.u32 v3, v4  }
0x198: {  	v4 =	vperm.xlane v3, v0;
	_ =	sdelay $0x1  }
0x199: {  	v3 =	vperm.xlane v3, v2;
	v4 =	vadd.s32 v1, v4;
	_ =	sdelay $0x1  }
0x19a: {  	s0 =	sld [smem:$0x7DE];
	v3 =	vadd.s32 v1, v3;
	_ =	sdelay $0x1  }
0x19b: {  	s5 =	sld [smem:$0x7DF]  }
0x19c: {  	[tilespmem:s0], [sflag:$0x3] =	stream.indirect_vreg.gather [hbm4b:s6+s3], $0x80, v4, vm0, $0xb8;
	[tilespmem:$0x19400] =	vst v63  }
0x19d: {  	_ = 	snop  }
0x19e: {  	[tilespmem:s5], [sflag:$0x3] =	stream.indirect_vreg.gather [hbm4b:s6+s3], $0x80, v3, vm0, $0xb8;
	[tilespmem:$0x19400] =	vst v63  }
0x19f: {  	v3 =	vld [tilespmem:s31+$0x10];
	_ =	sdelay $0x4  }
0x1a0: {  	v45 =	vshrl.u32 v3, $0x3  }
0x1a1: {  	v4 =	vmul.u32 $0x18, v45  }
0x1a2: {  	v3 =	vand.u32 $0x7, v3  }
0x1a3: {  	v3 =	vor.u32 v3, v4  }
0x1a4: {  	v4 =	vperm.xlane v3, v0;
	_ =	sdelay $0x1  }
0x1a5: {  	v3 =	vperm.xlane v3, v2;
	v4 =	vadd.s32 v1, v4;
	_ =	sdelay $0x1  }
0x1a6: {  	s0 =	sld [smem:$0x7E0];
	v3 =	vadd.s32 v1, v3;
	_ =	sdelay $0x1  }
0x1a7: {  	s5 =	sld [smem:$0x7E1]  }
0x1a8: {  	[tilespmem:s0], [sflag:$0x3] =	stream.indirect_vreg.gather [hbm4b:s6+s3], $0x80, v4, vm0, $0xb8;
	[tilespmem:$0x19400] =	vst v63  }
0x1a9: {  	_ = 	snop  }
0x1aa: {  	[tilespmem:s5], [sflag:$0x3] =	stream.indirect_vreg.gather [hbm4b:s6+s3], $0x80, v3, vm0, $0xb8;
	[tilespmem:$0x19400] =	vst v63  }
0x1ab: {  	v3 =	vld [tilespmem:s31+$0x20];
	_ =	sdelay $0x4  }
0x1ac: {  	v46 =	vshrl.u32 v3, $0x3  }
0x1ad: {  	v4 =	vmul.u32 $0x18, v46  }
0x1ae: {  	v3 =	vand.u32 $0x7, v3  }
0x1af: {  	v3 =	vor.u32 v3, v4  }
0x1b0: {  	v4 =	vperm.xlane v3, v0;
	_ =	sdelay $0x1  }
0x1b1: {  	v3 =	vperm.xlane v3, v2;
	v4 =	vadd.s32 v1, v4;
	_ =	sdelay $0x1  }
0x1b2: {  	s0 =	sld [smem:$0x7E2];
	v3 =	vadd.s32 v1, v3;
	_ =	sdelay $0x1  }
0x1b3: {  	s5 =	sld [smem:$0x7E3]  }
0x1b4: {  	[tilespmem:s0], [sflag:$0x3] =	stream.indirect_vreg.gather [hbm4b:s6+s3], $0x80, v4, vm0, $0xb8;
	[tilespmem:$0x19400] =	vst v63  }
0x1b5: {  	_ = 	snop  }
0x1b6: {  	[tilespmem:s5], [sflag:$0x3] =	stream.indirect_vreg.gather [hbm4b:s6+s3], $0x80, v3, vm0, $0xb8;
	[tilespmem:$0x19400] =	vst v63  }
0x1b7: {  	v3 =	vld [tilespmem:s31+$0x30];
	_ =	sdelay $0x4  }
0x1b8: {  	v47 =	vshrl.u32 v3, $0x3  }
0x1b9: {  	v4 =	vmul.u32 $0x18, v47  }
0x1ba: {  	v3 =	vand.u32 $0x7, v3  }
0x1bb: {  	v3 =	vor.u32 v3, v4  }
0x1bc: {  	v4 =	vperm.xlane v3, v0;
	_ =	sdelay $0x1  }
0x1bd: {  	v3 =	vperm.xlane v3, v2;
	v4 =	vadd.s32 v1, v4;
	_ =	sdelay $0x1  }
0x1be: {  	s0 =	sld [smem:$0x7E4];
	v3 =	vadd.s32 v1, v3;
	_ =	sdelay $0x1  }
0x1bf: {  	s5 =	sld [smem:$0x7E5]  }
0x1c0: {  	[tilespmem:s0], [sflag:$0x3] =	stream.indirect_vreg.gather [hbm4b:s6+s3], $0x80, v4, vm0, $0xb8;
	[tilespmem:$0x19400] =	vst v63  }
0x1c1: {  	_ = 	snop  }
0x1c2: {  	[tilespmem:s5], [sflag:$0x3] =	stream.indirect_vreg.gather [hbm4b:s6+s3], $0x80, v3, vm0, $0xb8;
	[tilespmem:$0x19400] =	vst v63  }
0x1c3: {  	v3 =	vld [tilespmem:s31+$0x0];
	_ =	sdelay $0x4  }
0x1c4: {  	v48 =	vperm.xlane v3, v0;
	_ =	sdelay $0x1  }
0x1c5: {  	v3 =	vperm.xlane v3, v2;
	v4 =	vadd.s32 v1, v48;
	_ =	sdelay $0x1  }
0x1c6: {  	s0 =	sld [smem:$0x7E6];
	v3 =	vadd.s32 v1, v3;
	_ =	sdelay $0x1  }
0x1c7: {  	s5 =	sld [smem:$0x7E7]  }
0x1c8: {  	[tilespmem:s0], [sflag:$0x3] =	stream.indirect_vreg.gather [hbm4b:s2+s3], $0x80, v4, vm0, $0xb8;
	[tilespmem:$0x19400] =	vst v63  }
0x1c9: {  	_ = 	snop  }
0x1ca: {  	[tilespmem:s5], [sflag:$0x3] =	stream.indirect_vreg.gather [hbm4b:s2+s3], $0x80, v3, vm0, $0xb8;
	[tilespmem:$0x19400] =	vst v63  }
0x1cb: {  	v3 =	vld [tilespmem:s31+$0x10];
	_ =	sdelay $0x4  }
0x1cc: {  	v49 =	vperm.xlane v3, v0;
	_ =	sdelay $0x1  }
0x1cd: {  	v3 =	vperm.xlane v3, v2;
	v4 =	vadd.s32 v1, v49;
	_ =	sdelay $0x1  }
0x1ce: {  	s0 =	sld [smem:$0x7E8];
	v3 =	vadd.s32 v1, v3;
	_ =	sdelay $0x1  }
0x1cf: {  	s5 =	sld [smem:$0x7E9]  }
0x1d0: {  	[tilespmem:s0], [sflag:$0x3] =	stream.indirect_vreg.gather [hbm4b:s2+s3], $0x80, v4, vm0, $0xb8;
	[tilespmem:$0x19400] =	vst v63  }
0x1d1: {  	_ = 	snop  }
0x1d2: {  	[tilespmem:s5], [sflag:$0x3] =	stream.indirect_vreg.gather [hbm4b:s2+s3], $0x80, v3, vm0, $0xb8;
	[tilespmem:$0x19400] =	vst v63  }
0x1d3: {  	v3 =	vld [tilespmem:s31+$0x20];
	_ =	sdelay $0x4  }
0x1d4: {  	v50 =	vperm.xlane v3, v0;
	_ =	sdelay $0x1  }
0x1d5: {  	v3 =	vperm.xlane v3, v2;
	v4 =	vadd.s32 v1, v50;
	_ =	sdelay $0x1  }
0x1d6: {  	s0 =	sld [smem:$0x7EA];
	v3 =	vadd.s32 v1, v3;
	_ =	sdelay $0x1  }
0x1d7: {  	s5 =	sld [smem:$0x7EB]  }
0x1d8: {  	[tilespmem:s0], [sflag:$0x3] =	stream.indirect_vreg.gather [hbm4b:s2+s3], $0x80, v4, vm0, $0xb8;
	[tilespmem:$0x19400] =	vst v63  }
0x1d9: {  	_ = 	snop  }
0x1da: {  	[tilespmem:s5], [sflag:$0x3] =	stream.indirect_vreg.gather [hbm4b:s2+s3], $0x80, v3, vm0, $0xb8;
	[tilespmem:$0x19400] =	vst v63  }
0x1db: {  	v3 =	vld [tilespmem:s31+$0x30];
	_ =	sdelay $0x4  }
0x1dc: {  	v51 =	vperm.xlane v3, v0;
	_ =	sdelay $0x1  }
0x1dd: {  	v3 =	vperm.xlane v3, v2;
	v4 =	vadd.s32 v1, v51;
	_ =	sdelay $0x1  }
0x1de: {  	s0 =	sld [smem:$0x7EC];
	v3 =	vadd.s32 v1, v3;
	_ =	sdelay $0x1  }
0x1df: {  	s5 =	sld [smem:$0x7ED]  }
0x1e0: {  	[tilespmem:s0], [sflag:$0x3] =	stream.indirect_vreg.gather [hbm4b:s2+s3], $0x80, v4, vm0, $0xb8;
	[tilespmem:$0x19400] =	vst v63  }
0x1e1: {  	_ = 	snop  }
0x1e2: {  	[tilespmem:s5], [sflag:$0x3] =	stream.indirect_vreg.gather [hbm4b:s2+s3], $0x80, v3, vm0, $0xb8;
	[tilespmem:$0x19400] =	vst v63  }
0x1e3: {  	v3 =	vld [tilespmem:s31+$0x80];
	_ =	sdelay $0x4  }
0x1e4: {  	v52 =	vshrl.u32 v3, $0x3  }
0x1e5: {  	v4 =	vmul.u32 $0x18, v52  }
0x1e6: {  	v3 =	vand.u32 $0x7, v3  }
0x1e7: {  	v3 =	vor.u32 v3, v4  }
0x1e8: {  	v4 =	vperm.xlane v3, v0;
	_ =	sdelay $0x1  }
0x1e9: {  	v3 =	vperm.xlane v3, v2;
	v4 =	vadd.s32 v1, v4;
	_ =	sdelay $0x1  }
0x1ea: {  	v3 =	vadd.s32 v1, v3;
	_ =	sdelay $0x1  }
0x1eb: {  	s5 =	sld [smem:$0x7EE]  }
0x1ec: {  	[tilespmem:s12], [sflag:$0x4] =	stream.indirect_vreg.gather [hbm4b:s4+s3], $0x80, v4, vm0, $0xb8;
	[tilespmem:$0x19400] =	vst v63  }
0x1ed: {  	_ = 	snop  }
0x1ee: {  	[tilespmem:s5], [sflag:$0x4] =	stream.indirect_vreg.gather [hbm4b:s4+s3], $0x80, v3, vm0, $0xb8;
	[tilespmem:$0x19400] =	vst v63  }
0x1ef: {  	v3 =	vld [tilespmem:s31+$0x90];
	_ =	sdelay $0x4  }
0x1f0: {  	v53 =	vshrl.u32 v3, $0x3  }
0x1f1: {  	v4 =	vmul.u32 $0x18, v53  }
0x1f2: {  	v3 =	vand.u32 $0x7, v3  }
0x1f3: {  	v3 =	vor.u32 v3, v4  }
0x1f4: {  	v4 =	vperm.xlane v3, v0;
	_ =	sdelay $0x1  }
0x1f5: {  	v3 =	vperm.xlane v3, v2;
	v4 =	vadd.s32 v1, v4;
	_ =	sdelay $0x1  }
0x1f6: {  	s0 =	sld [smem:$0x7EF];
	v3 =	vadd.s32 v1, v3;
	_ =	sdelay $0x1  }
0x1f7: {  	s5 =	sld [smem:$0x7F0]  }
0x1f8: {  	[tilespmem:s0], [sflag:$0x4] =	stream.indirect_vreg.gather [hbm4b:s4+s3], $0x80, v4, vm0, $0xb8;
	[tilespmem:$0x19400] =	vst v63  }
0x1f9: {  	_ = 	snop  }
0x1fa: {  	[tilespmem:s5], [sflag:$0x4] =	stream.indirect_vreg.gather [hbm4b:s4+s3], $0x80, v3, vm0, $0xb8;
	[tilespmem:$0x19400] =	vst v63  }
0x1fb: {  	v3 =	vld [tilespmem:s31+$0xA0];
	_ =	sdelay $0x4  }
0x1fc: {  	v54 =	vshrl.u32 v3, $0x3  }
0x1fd: {  	v4 =	vmul.u32 $0x18, v54  }
0x1fe: {  	v3 =	vand.u32 $0x7, v3  }
0x1ff: {  	v3 =	vor.u32 v3, v4  }
0x200: {  	v4 =	vperm.xlane v3, v0;
	_ =	sdelay $0x1  }
0x201: {  	v3 =	vperm.xlane v3, v2;
	v4 =	vadd.s32 v1, v4;
	_ =	sdelay $0x1  }
0x202: {  	s0 =	sld [smem:$0x7F1];
	v3 =	vadd.s32 v1, v3;
	_ =	sdelay $0x1  }
0x203: {  	s5 =	sld [smem:$0x7F2]  }
0x204: {  	[tilespmem:s0], [sflag:$0x4] =	stream.indirect_vreg.gather [hbm4b:s4+s3], $0x80, v4, vm0, $0xb8;
	[tilespmem:$0x19400] =	vst v63  }
0x205: {  	_ = 	snop  }
0x206: {  	[tilespmem:s5], [sflag:$0x4] =	stream.indirect_vreg.gather [hbm4b:s4+s3], $0x80, v3, vm0, $0xb8;
	[tilespmem:$0x19400] =	vst v63  }
0x207: {  	v3 =	vld [tilespmem:s31+$0xB0];
	_ =	sdelay $0x4  }
0x208: {  	v55 =	vshrl.u32 v3, $0x3  }
0x209: {  	v4 =	vmul.u32 $0x18, v55  }
0x20a: {  	v3 =	vand.u32 $0x7, v3  }
0x20b: {  	v3 =	vor.u32 v3, v4  }
0x20c: {  	v4 =	vperm.xlane v3, v0;
	_ =	sdelay $0x1  }
0x20d: {  	v3 =	vperm.xlane v3, v2;
	v4 =	vadd.s32 v1, v4;
	_ =	sdelay $0x1  }
0x20e: {  	s0 =	sld [smem:$0x7F3];
	v3 =	vadd.s32 v1, v3;
	_ =	sdelay $0x1  }
0x20f: {  	s5 =	sld [smem:$0x7F5]  }
0x210: {  	[tilespmem:s0], [sflag:$0x4] =	stream.indirect_vreg.gather [hbm4b:s4+s3], $0x80, v4, vm0, $0xb8;
	[tilespmem:$0x19400] =	vst v63  }
0x211: {  	_ = 	snop  }
0x212: {  	[tilespmem:s5], [sflag:$0x4] =	stream.indirect_vreg.gather [hbm4b:s4+s3], $0x80, v3, vm0, $0xb8;
	[tilespmem:$0x19400] =	vst v63  }
0x213: {  	v3 =	vld [tilespmem:s31+$0x80];
	_ =	sdelay $0x4  }
0x214: {  	v56 =	vshrl.u32 v3, $0x3  }
0x215: {  	v4 =	vmul.u32 $0x18, v56  }
0x216: {  	v3 =	vand.u32 $0x7, v3  }
0x217: {  	v3 =	vor.u32 v3, v4  }
0x218: {  	v4 =	vperm.xlane v3, v0;
	_ =	sdelay $0x1  }
0x219: {  	v3 =	vperm.xlane v3, v2;
	v4 =	vadd.s32 v1, v4;
	_ =	sdelay $0x1  }
0x21a: {  	s0 =	sld [smem:$0x7F6];
	v3 =	vadd.s32 v1, v3;
	_ =	sdelay $0x1  }
0x21b: {  	s5 =	sld [smem:$0x7F7]  }
0x21c: {  	[tilespmem:s0], [sflag:$0x4] =	stream.indirect_vreg.gather [hbm4b:s6+s3], $0x80, v4, vm0, $0xb8;
	[tilespmem:$0x19400] =	vst v63  }
0x21d: {  	_ = 	snop  }
0x21e: {  	[tilespmem:s5], [sflag:$0x4] =	stream.indirect_vreg.gather [hbm4b:s6+s3], $0x80, v3, vm0, $0xb8;
	[tilespmem:$0x19400] =	vst v63  }
0x21f: {  	v3 =	vld [tilespmem:s31+$0x90];
	_ =	sdelay $0x4  }
0x220: {  	v57 =	vshrl.u32 v3, $0x3  }
0x221: {  	v4 =	vmul.u32 $0x18, v57  }
0x222: {  	v3 =	vand.u32 $0x7, v3  }
0x223: {  	v3 =	vor.u32 v3, v4  }
0x224: {  	v4 =	vperm.xlane v3, v0;
	_ =	sdelay $0x1  }
0x225: {  	v3 =	vperm.xlane v3, v2;
	v4 =	vadd.s32 v1, v4;
	_ =	sdelay $0x1  }
0x226: {  	s0 =	sld [smem:$0x7F8];
	v3 =	vadd.s32 v1, v3;
	_ =	sdelay $0x1  }
0x227: {  	s5 =	sld [smem:$0x7F9]  }
0x228: {  	[tilespmem:s0], [sflag:$0x4] =	stream.indirect_vreg.gather [hbm4b:s6+s3], $0x80, v4, vm0, $0xb8;
	[tilespmem:$0x19400] =	vst v63  }
0x229: {  	_ = 	snop  }
0x22a: {  	[tilespmem:s5], [sflag:$0x4] =	stream.indirect_vreg.gather [hbm4b:s6+s3], $0x80, v3, vm0, $0xb8;
	[tilespmem:$0x19400] =	vst v63  }
0x22b: {  	v3 =	vld [tilespmem:s31+$0xA0];
	_ =	sdelay $0x4  }
0x22c: {  	v58 =	vshrl.u32 v3, $0x3  }
0x22d: {  	v4 =	vmul.u32 $0x18, v58  }
0x22e: {  	v3 =	vand.u32 $0x7, v3  }
0x22f: {  	v3 =	vor.u32 v3, v4  }
0x230: {  	v4 =	vperm.xlane v3, v0;
	_ =	sdelay $0x1  }
0x231: {  	v3 =	vperm.xlane v3, v2;
	v4 =	vadd.s32 v1, v4;
	_ =	sdelay $0x1  }
0x232: {  	s0 =	sld [smem:$0x7FA];
	v3 =	vadd.s32 v1, v3;
	_ =	sdelay $0x1  }
0x233: {  	s5 =	sld [smem:$0x7FB]  }
0x234: {  	[tilespmem:s0], [sflag:$0x4] =	stream.indirect_vreg.gather [hbm4b:s6+s3], $0x80, v4, vm0, $0xb8;
	[tilespmem:$0x19400] =	vst v63  }
0x235: {  	_ = 	snop  }
0x236: {  	[tilespmem:s5], [sflag:$0x4] =	stream.indirect_vreg.gather [hbm4b:s6+s3], $0x80, v3, vm0, $0xb8;
	[tilespmem:$0x19400] =	vst v63  }
0x237: {  	v3 =	vld [tilespmem:s31+$0xB0];
	_ =	sdelay $0x4  }
0x238: {  	v59 =	vshrl.u32 v3, $0x3  }
0x239: {  	v4 =	vmul.u32 $0x18, v59  }
0x23a: {  	v3 =	vand.u32 $0x7, v3  }
0x23b: {  	v3 =	vor.u32 v3, v4  }
0x23c: {  	v4 =	vperm.xlane v3, v0;
	_ =	sdelay $0x1  }
0x23d: {  	v3 =	vperm.xlane v3, v2;
	v4 =	vadd.s32 v1, v4;
	_ =	sdelay $0x1  }
0x23e: {  	s0 =	sld [smem:$0x7FC];
	v3 =	vadd.s32 v1, v3;
	_ =	sdelay $0x1  }
0x23f: {  	s5 =	sld [smem:$0x7FD]  }
0x240: {  	[tilespmem:s0], [sflag:$0x4] =	stream.indirect_vreg.gather [hbm4b:s6+s3], $0x80, v4, vm0, $0xb8;
	[tilespmem:$0x19400] =	vst v63  }
0x241: {  	_ = 	snop  }
0x242: {  	[tilespmem:s5], [sflag:$0x4] =	stream.indirect_vreg.gather [hbm4b:s6+s3], $0x80, v3, vm0, $0xb8;
	[tilespmem:$0x19400] =	vst v63  }
0x243: {  	v3 =	vld [tilespmem:s31+$0x80];
	_ =	sdelay $0x4  }
0x244: {  	v60 =	vperm.xlane v3, v0;
	_ =	sdelay $0x1  }
0x245: {  	v3 =	vperm.xlane v3, v2;
	v4 =	vadd.s32 v1, v60;
	_ =	sdelay $0x1  }
0x246: {  	v3 =	vadd.s32 v1, v3;
	_ =	sdelay $0x2  }
0x247: {  	[tilespmem:s13], [sflag:$0x4] =	stream.indirect_vreg.gather [hbm4b:s2+s3], $0x80, v4, vm0, $0xb8;
	[tilespmem:$0x19400] =	vst v63  }
0x248: {  	_ = 	snop  }
0x249: {  	[tilespmem:s14], [sflag:$0x4] =	stream.indirect_vreg.gather [hbm4b:s2+s3], $0x80, v3, vm0, $0xb8;
	[tilespmem:$0x19400] =	vst v63  }
0x24a: {  	v3 =	vld [tilespmem:s31+$0x90];
	_ =	sdelay $0x4  }
0x24b: {  	v61 =	vperm.xlane v3, v0;
	_ =	sdelay $0x1  }
0x24c: {  	v3 =	vperm.xlane v3, v2;
	v4 =	vadd.s32 v1, v61;
	_ =	sdelay $0x1  }
0x24d: {  	v3 =	vadd.s32 v1, v3;
	_ =	sdelay $0x2  }
0x24e: {  	[tilespmem:s15], [sflag:$0x4] =	stream.indirect_vreg.gather [hbm4b:s2+s3], $0x80, v4, vm0, $0xb8;
	[tilespmem:$0x19400] =	vst v63  }
0x24f: {  	_ = 	snop  }
0x250: {  	[tilespmem:s16], [sflag:$0x4] =	stream.indirect_vreg.gather [hbm4b:s2+s3], $0x80, v3, vm0, $0xb8;
	[tilespmem:$0x19400] =	vst v63  }
0x251: {  	v3 =	vld [tilespmem:s31+$0xA0];
	_ =	sdelay $0x4  }
0x252: {  	v62 =	vperm.xlane v3, v0;
	_ =	sdelay $0x1  }
0x253: {  	v3 =	vperm.xlane v3, v2;
	v4 =	vadd.s32 v1, v62;
	_ =	sdelay $0x1  }
0x254: {  	v3 =	vadd.s32 v1, v3;
	_ =	sdelay $0x2  }
0x255: {  	[tilespmem:s17], [sflag:$0x4] =	stream.indirect_vreg.gather [hbm4b:s2+s3], $0x80, v4, vm0, $0xb8;
	[tilespmem:$0x19400] =	vst v63  }
0x256: {  	_ = 	snop  }
0x257: {  	[tilespmem:s18], [sflag:$0x4] =	stream.indirect_vreg.gather [hbm4b:s2+s3], $0x80, v3, vm0, $0xb8;
	[tilespmem:$0x19400] =	vst v63  }
0x258: {  	v3 =	vld [tilespmem:s31+$0xB0];
	_ =	sdelay $0x4  }
0x259: {  	v63 =	vperm.xlane v3, v0;
	_ =	sdelay $0x1  }
0x25a: {  	v3 =	vperm.xlane v3, v2;
	v4 =	vadd.s32 v1, v63;
	_ =	sdelay $0x1  }
0x25b: {  	v3 =	vadd.s32 v1, v3;
	_ =	sdelay $0x2  }
0x25c: {  	[tilespmem:s19], [sflag:$0x4] =	stream.indirect_vreg.gather [hbm4b:s2+s3], $0x80, v4, vm0, $0xb8;
	[tilespmem:$0x19400] =	vst v63  }
0x25d: {  	_ = 	snop  }
0x25e: {  	[tilespmem:s20], [sflag:$0x4] =	stream.indirect_vreg.gather [hbm4b:s2+s3], $0x80, v3, vm0, $0xb8;
	[tilespmem:$0x19400] =	vst v63  }
0x25f: {  	_ =	swait.ge [sflag:s21], $0x2000  }
0x260: {  	[sflag:s21] =	ssyncset.done $0x0  }
0x261: {  	[sflag:s21] =	ssyncadd.s32 $0xFFFFE000  }
0x262: {  	_ =	swait.ge [sflag:s21], $0x2000  }
0x263: {  	[sflag:s21] =	ssyncset.done $0x0  }
0x264: {  	[sflag:s21] =	ssyncadd.s32 $0xFFFFE000  }
0x265: {  	_ =	swait.ge [sflag:s21], $0x2000  }
0x266: {  	s5 =	rddreg [dreg:$0x3];
	[sflag:s21] =	ssyncset.done $0x0  }
0x267: {  	[sflag:s21] =	ssyncadd.s32 $0xFFFFE000;
	s0 =	sadd.s32 s1, s5  }
0x268: {  	[hbm4b:s0+s3] =	stream.linear.scatter [tilespmem:s9], [sflag:$0x5], $0x6000, $0x38;
	[tilespmem:$0x19400] =	vst v63  }
0x269: {  	_ =	swait.ge [sflag:s22], $0x2000  }
0x26a: {  	[sflag:s22] =	ssyncset.done $0x0  }
0x26b: {  	[sflag:s22] =	ssyncadd.s32 $0xFFFFE000  }
0x26c: {  	_ =	swait.ge [sflag:s22], $0x2000  }
0x26d: {  	[sflag:s22] =	ssyncset.done $0x0  }
0x26e: {  	[sflag:s22] =	ssyncadd.s32 $0xFFFFE000  }
0x26f: {  	_ =	swait.ge [sflag:s22], $0x2000  }
0x270: {  	s5 =	rddreg [dreg:$0x4];
	[sflag:s22] =	ssyncset.done $0x0  }
0x271: {  	[sflag:s22] =	ssyncadd.s32 $0xFFFFE000;
	s0 =	sadd.s32 s1, s5  }
0x272: {  	[hbm4b:s0+s3] =	stream.linear.scatter [tilespmem:s10], [sflag:$0x6], $0x6000, $0x38;
	[tilespmem:$0x19400] =	vst v63  }
0x273: {  	_ =	swait.ge [sflag:s23], $0x2000  }
0x274: {  	[sflag:s23] =	ssyncset.done $0x0  }
0x275: {  	[sflag:s23] =	ssyncadd.s32 $0xFFFFE000  }
0x276: {  	_ =	swait.ge [sflag:s23], $0x2000  }
0x277: {  	[sflag:s23] =	ssyncset.done $0x0  }
0x278: {  	[sflag:s23] =	ssyncadd.s32 $0xFFFFE000  }
0x279: {  	_ =	swait.ge [sflag:s23], $0x2000  }
0x27a: {  	s5 =	rddreg [dreg:$0x5];
	[sflag:s23] =	ssyncset.done $0x0  }
0x27b: {  	[sflag:s23] =	ssyncadd.s32 $0xFFFFE000;
	s0 =	sadd.s32 s1, s5  }
0x27c: {  	[hbm4b:s0+s3] =	stream.linear.scatter [tilespmem:s11], [sflag:$0x7], $0x6000, $0x38;
	[tilespmem:$0x19400] =	vst v63  }
0x27d: {  	_ =	swait.ge [sflag:s24], $0x2000  }
0x27e: {  	[sflag:s24] =	ssyncset.done $0x0  }
0x27f: {  	[sflag:s24] =	ssyncadd.s32 $0xFFFFE000  }
0x280: {  	_ =	swait.ge [sflag:s24], $0x2000  }
0x281: {  	[sflag:s24] =	ssyncset.done $0x0  }
0x282: {  	[sflag:s24] =	ssyncadd.s32 $0xFFFFE000  }
0x283: {  	_ =	swait.ge [sflag:s24], $0x2000  }
0x284: {  	s5 =	rddreg [dreg:$0x6];
	[sflag:s24] =	ssyncset.done $0x0  }
0x285: {  	[sflag:s24] =	ssyncadd.s32 $0xFFFFE000;
	s0 =	sadd.s32 s1, s5  }
0x286: {  	[hbm4b:s0+s3] =	stream.linear.scatter [tilespmem:s12], [sflag:$0x8], $0x6000, $0x38;
	[tilespmem:$0x19400] =	vst v63  }
0x287: {  	_ =	swait.ge [sflag:s25], $0x6000  }
0x288: {  	[sflag:s25] =	ssyncset.done $0x0  }
0x289: {  	[sflag:s25] =	ssyncadd.s32 $0xFFFFA000  }
0x28a: {  	_ =	swait.ge [sflag:s26], $0x6000  }
0x28b: {  	[sflag:s26] =	ssyncset.done $0x0  }
0x28c: {  	[sflag:s26] =	ssyncadd.s32 $0xFFFFA000  }
0x28d: {  	p0 =	sne.s32 s1, $0x1B000;
	_ =	swait.ge [sflag:s28], $0x6000  }
.Ltmp0:
0x28e: {  	[sflag:s28] =	ssyncset.done $0x0;
	(pc) =	sbr.rel @p0 .LBB2_2-.Ltmp0, $4  }
0x28f: {  	[sflag:s28] =	ssyncadd.s32 $0xFFFFA000  }
0x290: {  	_ =	swait.ge [sflag:s29], $0x6000  }
0x291: {  	[sflag:s29] =	ssyncset.done $0x0  }
0x292: {  	s31 =	sadd.s32 $0x200, s31;
	s1 =	sadd.s32 $0x3000, s1;
	[sflag:s29] =	ssyncadd.s32 $0xFFFFA000  }
0x293: {  	s30 =	sadd.s32 $0x1, s30  }
0x294: {  	p0 =	sne.s32 s30, s7  }
.Ltmp1:
0x295: {  	_ = 	snop;
	(pc) =	sbr.rel @p0 .LBB2_1-.Ltmp1, $1  }
0x296: {  	_ =	sdelay $0x3  }
0x297: {  	_ =	sfence.sel $0x180000  }
0x298: {  	[bflag:$0x0] =	sbarrier.arrive $0xFFFF  }
0x299: {  	_ =	strace $0x9000004D  }
0x29a: {  	s0 =	stileid.u32;
	[bflag:$0x2] =	sbarrier.arrive $0xFFFF  }
0x29b: {  	p0 =	sne.s32 s0, $0x0;
	s0 =	rddreg [dreg:$0x2]  }
0x29c: {  	s0 =	sadd.s32 @!p0 $0x100000, s0  }
0x29d: {  	[sflag:s0] =	ssyncadd.tile.s32 @!p0 $0x1;
	_ =	shalt  }
.Lfunc_end2:
_tile_overlayer_lowered:
.L_overlay_start_2:
0x29e: {  	(tag) =	ssettag $0x2  }
0x29f: {  	s0 =	rddreg [dreg:$0x0];
	s2 =	stileid.u32  }
0x2a0: {  	s1 =	rddreg [dreg:$0x1];
	p0 =	sne.s32 s2, $0x0  }
0x2a1: {  	s3 =	rddreg [dreg:$0x2];
	[bflag:$0x3] =	sbarrier.arrive $0xFFFF;
	s2 =	simm.s32 @!p0 $0x1C09  }
0x2a2: {  	[timem:s3], [sflag:s2] =	dma.local @!p0 [hbm:s0], s1  }
0x2a3: {  	s0 =	simm.s32 @!p0 $0x9  }
0x2a4: {  	_ =	swait.ge @!p0 [sflag:s0], s1  }
0x2a5: {  	s1 =	ssub.s32 @!p0 $0x0, s1;
	[sflag:s0] =	ssyncset.done @!p0 $0x0  }
0x2a6: {  	[sflag:s0] =	ssyncadd.s32 @!p0 s1  }
0x2a7: {  	[bflag:$0x3] =	sbarrier.arrive $0xFFFF  }
0x2a8: {  	_ =	shalt  }

// kernel: kernel.8.cloned.1.call-start
scs
__scs_entry_jumppad:
0x0: {  	(pc) =	sbr.rel $0x88, $3  }
0x1: {  	(tag) =	ssettag $0x0;
	lr =	simm.s32 $0x1  }
0x2: {  	[smem:$0x3F9D] =	sst lr;
	_ =	strace $0xD0000000  }
0x3: {  	_ = 	snop  }
0x4: {  	_ = 	snop  }
0x5: {  	_ = 	snop  }
0x6: {  	_ = 	snop  }
0x7: {  	_ = 	snop  }
__scs_overlays_trampoline_lowered:
0x8: {  	[smem:$0x3FAC] =	sst s0  }
0x9: {  	[smem:$0x3FAD] =	sst s1  }
0xa: {  	[smem:$0x3FAE] =	sst s2  }
0xb: {  	[smem:$0x3FAF] =	sst s3  }
0xc: {  	[smem:$0x3FB0] =	sst s4  }
0xd: {  	[smem:$0x3FB1] =	sst s5  }
0xe: {  	[smem:$0x3FB2] =	sst s6  }
0xf: {  	[smem:$0x3FB3] =	sst s7  }
0x10: {  	[smem:$0x3FB4] =	sst s8  }
0x11: {  	[smem:$0x3FB5] =	sst s9;
	s0 =	simm.s32 @!p0 $0x0  }
0x12: {  	s1 =	sld [smem:$0x3F9B];
	s0 =	simm.s32 @p0 $0x1  }
0x13: {  	[smem:$0x3FB6] =	sst s0;
	s0 =	simm.s32 @!p1 $0x0  }
0x14: {  	s2 =	sld [smem:$0x3F9A];
	s0 =	simm.s32 @p1 $0x1  }
0x15: {  	[smem:$0x3FB7] =	sst s0;
	s0 =	simm.s32 @!p2 $0x0  }
0x16: {  	s3 =	sld [smem:$0x3FDB];
	s0 =	simm.s32 @p2 $0x1  }
0x17: {  	s4 =	simm.s32 $0x1BF5;
	[smem:$0x3FB9] =	sst s0  }
0x18: {  	s0 =	sld [smem:$0x3F9C];
	_ =	swait.ge [sflag:s4], $0x0  }
0x19: {  	s7 =	sld [smem:$0x3F9D]  }
0x1a: {  	s8 =	sadd.s32 $0xFFFFE003, lr  }
0x1b: {  	s9 =	sadd.s32 $0xFFFFFEF7, lr;
	s5 =	simm.s32 $0xFFFFFFFF;
	p2 =	slt.u32 s8, $0xFFFFF086  }
0x1c: {  	p1 =	slt.u32 s9, $0xF7A;
	s5 =	simm.s32 @!p2 $0x0  }
0x1d: {  	s5 =	simm.s32 @p1 $0x1;
	p0 =	seq.s32 s7, s2  }
0x1e: {  	s7 =	smul.u32 @!p0 $0xF7A, s2;
	p2 =	seq.s32 @!p0 s5, $0x0  }
0x1f: {  	s9 =	smul.u32 $0xF7A, s1;
	s8 =	simm.s32 @!p0 $0x1BF5;
	p2 =	por !p2, p0  }
0x20: {  	[sflag:s8] =	ssyncset.s32 @!p0 $0xFFFFF086;
	s6 =	sadd.s32 @!p0 s3, s7;
	s7 =	simm.s32 @!p0 $0x108  }
0x21: {  	s3 =	sadd.s32 s3, s9;
	s6 =	sadd.s32 @!p0 $0x88, s6;
	s7 =	simm.s32 @p2 $0x1082  }
0x22: {  	[simem:s7], [sflag:s8] =	dma.local @!p0 [hbm:s6], $0xF7A  }
0x23: {  	s9 =	sor.u32 $0xD0000000, s2;
	s6 =	simm.s32 $0x108;
	_ =	swait.ge @!p0 [sflag:s8], $0x0  }
0x24: {  	s3 =	sadd.s32 $0x88, s3;
	s6 =	simm.s32 @!p1 $0x1082;
	[sflag:s4] =	ssyncset.s32 $0xFFFFF086  }
0x25: {  	[simem:s6], [sflag:s4] =	dma.local [hbm:s3], $0xF7A  }
0x26: {  	[smem:$0x3F9D] =	sst s1;
	(tag) =	ssettag s2;
	_ =	strace s9  }
0x27: {  	s1 =	sld [smem:$0x3FAD]  }
0x28: {  	s2 =	sld [smem:$0x3FAE]  }
0x29: {  	s4 =	sld [smem:$0x3FB0]  }
0x2a: {  	p0 =	seq.s32 s5, $0x0;
	s5 =	sld [smem:$0x3FB1]  }
0x2b: {  	s6 =	sld [smem:$0x3FB2]  }
0x2c: {  	s7 =	sld [smem:$0x3FB3]  }
0x2d: {  	s3 =	simm.s32 $0x108;
	s8 =	sld [smem:$0x3FB4]  }
0x2e: {  	s3 =	simm.s32 @!p0 $0x1082;
	s9 =	sld [smem:$0x3FB5]  }
0x2f: {  	lr =	sadd.s32 s0, s3;
	s0 =	sld [smem:$0x3FAC]  }
0x30: {  	s3 =	sld [smem:$0x3FAF]  }
0x31: {  	[smem:$0x3FB8] =	sst s10  }
0x32: {  	s10 =	sld [smem:$0x3FB6];
	_ =	sdelay $0x3  }
0x33: {  	p0 =	seq.s32 s10, $0x1;
	s10 =	sld [smem:$0x3FB8];
	_ =	sdelay $0x3  }
0x34: {  	[smem:$0x3FB8] =	sst s10  }
0x35: {  	s10 =	sld [smem:$0x3FB7];
	_ =	sdelay $0x3  }
0x36: {  	p1 =	seq.s32 s10, $0x1;
	s10 =	sld [smem:$0x3FB8];
	_ =	sdelay $0x3  }
0x37: {  	[smem:$0x3FB8] =	sst s10  }
0x38: {  	s10 =	sld [smem:$0x3FB9]  }
0x39: {  	_ = 	snop;
	(pc) =	sbr.ind lr, $3  }
0x3a: {  	_ = 	snop  }
0x3b: {  	_ = 	snop  }
0x3c: {  	p2 =	seq.s32 s10, $0x1;
	s10 =	sld [smem:$0x3FB8]  }
0x3d: {  	_ =	shalt  }
0x3e: {  	_ =	shalt  }
0x3f: {  	_ =	shalt  }
0x40: {  	_ =	shalt  }
0x41: {  	_ =	shalt  }
0x42: {  	_ =	shalt  }
0x43: {  	_ =	shalt  }
0x44: {  	_ =	shalt  }
0x45: {  	_ =	shalt  }
0x46: {  	_ =	shalt  }
0x47: {  	_ =	shalt  }
0x48: {  	_ =	shalt  }
0x49: {  	_ =	shalt  }
0x4a: {  	_ =	shalt  }
0x4b: {  	_ =	shalt  }
0x4c: {  	_ =	shalt  }
0x4d: {  	_ =	shalt  }
0x4e: {  	_ =	shalt  }
0x4f: {  	_ =	shalt  }
0x50: {  	_ =	shalt  }
0x51: {  	_ =	shalt  }
0x52: {  	_ =	shalt  }
0x53: {  	_ =	shalt  }
0x54: {  	_ =	shalt  }
0x55: {  	_ =	shalt  }
0x56: {  	_ =	shalt  }
0x57: {  	_ =	shalt  }
0x58: {  	_ =	shalt  }
0x59: {  	_ =	shalt  }
0x5a: {  	_ =	shalt  }
0x5b: {  	_ =	shalt  }
0x5c: {  	_ =	shalt  }
0x5d: {  	_ =	shalt  }
0x5e: {  	_ =	shalt  }
0x5f: {  	_ =	shalt  }
0x60: {  	_ =	shalt  }
0x61: {  	_ =	shalt  }
0x62: {  	_ =	shalt  }
0x63: {  	_ =	shalt  }
0x64: {  	_ =	shalt  }
0x65: {  	_ =	shalt  }
0x66: {  	_ =	shalt  }
0x67: {  	_ =	shalt  }
0x68: {  	_ =	shalt  }
0x69: {  	_ =	shalt  }
0x6a: {  	_ =	shalt  }
0x6b: {  	_ =	shalt  }
0x6c: {  	_ =	shalt  }
0x6d: {  	_ =	shalt  }
0x6e: {  	_ =	shalt  }
0x6f: {  	_ =	shalt  }
0x70: {  	_ =	shalt  }
0x71: {  	_ =	shalt  }
0x72: {  	_ =	shalt  }
0x73: {  	_ =	shalt  }
0x74: {  	_ =	shalt  }
0x75: {  	_ =	shalt  }
0x76: {  	_ =	shalt  }
0x77: {  	_ =	shalt  }
0x78: {  	_ =	shalt  }
0x79: {  	_ =	shalt  }
0x7a: {  	_ =	shalt  }
0x7b: {  	_ =	shalt  }
0x7c: {  	_ =	shalt  }
0x7d: {  	_ =	shalt  }
0x7e: {  	_ =	shalt  }
0x7f: {  	_ =	shalt  }
0x80: {  	_ =	shalt  }
0x81: {  	_ =	shalt  }
0x82: {  	_ =	shalt  }
0x83: {  	_ =	shalt  }
0x84: {  	_ =	shalt  }
0x85: {  	_ =	shalt  }
0x86: {  	_ =	shalt  }
0x87: {  	_ =	shalt  }
.Lfunc_end0:
.L_simem_size_0:
called_computation.4_lowered:
.L_overlay_start_0:
0x88: {  	s2 =	sld [smem:$0x3FD9]  }
0x89: {  	s3 =	sld [smem:$0x3FFE];
	_ =	sdelay $0x1  }
0x8a: {  	s1 =	srdreg.scid  }
0x8b: {  	s0 =	sand.u32 $0x1, s1  }
0x8c: {  	s14 =	sshll.u32 s0, $0xA;
	s2 =	sadd.s32 s3, s2  }
0x8d: {  	s2 =	sadd.s32 s2, s14  }
0x8e: {  	[smem:$0x3FC4] =	sst s2  }
0x8f: {  	_ = 	snop  }
0x90: {  	s2 =	sld [smem:$0x3FD0];
	_ =	sdelay $0x2  }
0x91: {  	s15 =	simm.s32 $0xC;
	s4 =	simm.s32 $0x10  }
0x92: {  	[smem:s4], [sflag:s15] =	dma.local [hbm:s2], $0x1  }
0x93: {  	_ =	swait.eq [sflag:s15], $0x1  }
0x94: {  	[sflag:s15] =	ssyncset.done $0x0  }
0x95: {  	s16 =	sld [smem:$0x10];
	[sflag:s15] =	ssyncadd.s32 $0xFFFFFFFF  }
0x96: {  	s17 =	sld [smem:$0x12];
	(tm) =	ssettm $0x1  }
0x97: {  	s18 =	sld [smem:$0x3FFB];
	_ =	sdelay $0x3  }
0x98: {  	_ =	strace s18  }
0x99: {  	s4 =	sld [smem:$0x3FFC];
	_ =	sdelay $0x3  }
0x9a: {  	_ =	strace s4  }
0x9b: {  	s4 =	sld [smem:$0x3FFD];
	_ =	sdelay $0x3  }
0x9c: {  	_ =	strace s4  }
0x9d: {  	_ =	strace $0x8FFFFFFF  }
0x9e: {  	s19 =	sld [smem:$0x3FDB];
	_ =	sdelay $0x1  }
0x9f: {  	s5 =	simm.s32 $_scs_section_size  }
0xa0: {  	s6 =	simm.s32 $_size__tile_overlayer_lowered;
	s7 =	simm.s32 $_tile_overlayer_lowered  }
0xa1: {  	s22 =	simm.s32 $0x1BFF;
	s21 =	sshll.u32 s7, $0x1;
	s4 =	sadd.s32 s5, s19  }
0xa2: {  	s8 =	simm.s32 $0x0;
	s20 =	sshll.u32 s6, $0x1;
	s6 =	sadd.s32 s21, s4  }
0xa3: {  	[timem:s8], [sflag:s22] =	dma.local [hbm:s6], s20  }
0xa4: {  	_ =	swait.ge [sflag:s22], s20  }
0xa5: {  	s5 =	ssub.s32 $0x0, s20;
	[sflag:s22] =	ssyncset.done $0x0  }
0xa6: {  	[sflag:s22] =	ssyncadd.s32 s5;
	_ =	sdelay $0x1  }
0xa7: {  	s23 =	simm.s32 $0x1B8B  }
0xa8: {  	_ =	swait.ge [sflag:s23], $0x1  }
0xa9: {  	[sflag:s23] =	ssyncset.done $0x0  }
0xaa: {  	s25 =	simm.s32 $0x1B8E;
	s24 =	sld [smem:$0x3FFE];
	[sflag:s23] =	ssyncadd.s32 $0xFFFFFFFF  }
0xab: {  	s26 =	simm.s32 $execute0_lowered;
	[smem:$0x3FD2] =	sst s25  }
0xac: {  	s6 =	sshll.u32 s26, $0x1;
	_ =	strace $0x80000046;
	[dreg:$0x1] =	wrdreg $0xFFFFFFFF  }
0xad: {  	s28 =	simm.s32 $_size_execute0_lowered;
	s4 =	sadd.s32 s4, s6;
	[dreg:$0x0] =	wrdreg $0x0  }
0xae: {  	s6 =	sshll.u32 s28, $0x1;
	[dreg:$0x2] =	wrdreg s4  }
0xaf: {  	[dreg:$0x3] =	wrdreg s6  }
0xb0: {  	[dreg:$0x4] =	wrdreg $0xC0  }
0xb1: {  	_ =	task [dreg:s8], $0x5FFFF  }
0xb2: {  	[dreg:$0x1] =	wrdreg $0xFFFFFFFF  }
0xb3: {  	[dreg:$0x0] =	wrdreg $0x60  }
0xb4: {  	[dreg:$0x2] =	wrdreg s17  }
0xb5: {  	[dreg:$0x3] =	wrdreg s24  }
0xb6: {  	[dreg:$0x4] =	wrdreg s16  }
0xb7: {  	[dreg:$0x5] =	wrdreg $0x9  }
0xb8: {  	_ =	task.clear_ibuf [dreg:s8], $0x6FFFF;
	_ =	strace $0x90000046  }
0xb9: {  	s29 =	simm.s32 $0x9;
	_ =	strace $0x80000048  }
0xba: {  	_ =	swait.ge [sflag:s29], $0x1  }
0xbb: {  	[sflag:s29] =	ssyncadd.s32 $0xFFFFFFFF  }
0xbc: {  	_ =	strace $0x90000048  }
0xbd: {  	_ =	sfence  }
0xbe: {  	s30 =	sld [smem:$0x0];
	_ =	sdelay $0x2  }
0xbf: {  	s31 =	sshll.u32 s1, $0xD;
	s1 =	sshrl.u32 s1, $0x2  }
0xc0: {  	s3 =	sand.u32 $0x4000, s31;
	s1 =	sadd.s32 s1, s30  }
0xc1: {  	s0 =	sor.u32 s3, s0;
	s1 =	sshll.u32 s1, $0x11  }
0xc2: {  	s0 =	sor.u32 s1, s0  }
0xc3: {  	s0 =	sadd.s32 $0x8F2B, s0  }
0xc4: {  	[sflag:s0] =	ssyncadd.remote.s32 $0x1  }
0xc5: {  	_ =	sfence.sel $0xFFFF  }
0xc6: {  	[dreg:$0x0] =	wrdreg $0xFFFFFFFF;
	(pc) =	sbr.abs _section_cstart, $3  }
0xc7: {  	[dreg:$0x1] =	wrdreg $0xFFFFFFFF  }
0xc8: {  	_ =	task.clear_ibuf [dreg:s8], $0x2FFFF;
	_ =	strace $0x9FFFFFFF  }
0xc9: {  	(tm) =	ssettm $0x7FFFFFFF  }
tec
execute0_lowered:
.L_overlay_start_1:
0x0: {  	(tag) =	ssettag $0x1  }
0x1: {  	s5 =	rddreg [dreg:$0x0]  }
0x2: {  	s1 =	rddreg [dreg:$0x1];
	s3 =	srdreg.scid  }
0x3: {  	s2 =	rddreg [dreg:$0x2];
	s6 =	sand.u32 $0x1, s3;
	s3 =	simm.s32 $0x0  }
0x4: {  	s22 =	simm.s32 $0x2000;
	[smem:$0x7FF] =	sst s3  }
0x5: {  	s23 =	simm.s32 $0x2C00;
	_ =	strace $0x80000047;
	[dreg:$0x8] =	wrdreg s22  }
0x6: {  	s24 =	simm.s32 $0x3800;
	[dreg:$0x9] =	wrdreg s23  }
0x7: {  	s25 =	simm.s32 $0x4400;
	[dreg:$0xa] =	wrdreg s24  }
0x8: {  	s26 =	simm.s32 $0x5000;
	[dreg:$0xb] =	wrdreg s25  }
0x9: {  	s31 =	simm.s32 $0x5C00;
	[dreg:$0xc] =	wrdreg s26  }
0xa: {  	s11 =	simm.s32 $0x3C00;
	[dreg:$0xd] =	wrdreg s31  }
0xb: {  	s12 =	simm.s32 $0x4800;
	[dreg:$0x12] =	wrdreg s11  }
0xc: {  	s13 =	simm.s32 $0x5400;
	[dreg:$0x13] =	wrdreg s12  }
0xd: {  	s14 =	simm.s32 $0x6000;
	[dreg:$0x14] =	wrdreg s13  }
0xe: {  	s15 =	simm.s32 $0x6C00;
	[dreg:$0x15] =	wrdreg s14  }
0xf: {  	s16 =	simm.s32 $0x1C00;
	[dreg:$0x16] =	wrdreg s15  }
0x10: {  	s17 =	simm.s32 $0x2800;
	[dreg:$0x17] =	wrdreg s16  }
0x11: {  	s18 =	simm.s32 $0x3400;
	[dreg:$0x18] =	wrdreg s17  }
0x12: {  	[dreg:$0x19] =	wrdreg s18;
	s22 =	simm.s32 $0x6400  }
0x13: {  	s23 =	simm.s32 $0x7000;
	[dreg:$0x1d] =	wrdreg s22  }
0x14: {  	s24 =	simm.s32 $0x8000;
	[dreg:$0x1e] =	wrdreg s23  }
0x15: {  	s25 =	simm.s32 $0x8C00;
	[dreg:$0x1f] =	wrdreg s24  }
0x16: {  	s26 =	simm.s32 $0x9800;
	[smem:$0x7C1] =	sst s25  }
0x17: {  	s31 =	simm.s32 $0xA400;
	[smem:$0x7C2] =	sst s26  }
0x18: {  	s11 =	simm.s32 $0x8400;
	[smem:$0x7C3] =	sst s31  }
0x19: {  	s12 =	simm.s32 $0x9000;
	[smem:$0x7C8] =	sst s11  }
0x1a: {  	s13 =	simm.s32 $0x9C00;
	[smem:$0x7C9] =	sst s12  }
0x1b: {  	s14 =	simm.s32 $0xA800;
	[smem:$0x7CA] =	sst s13  }
0x1c: {  	s0 =	stileid.u32;
	s15 =	simm.s32 $0xB400;
	[smem:$0x7CB] =	sst s14  }
0x1d: {  	s4 =	smul.u32 $0x1400, s0;
	s16 =	simm.s32 $0xC000;
	[smem:$0x7CC] =	sst s15  }
0x1e: {  	s7 =	smul.u32 $0xA00, s6;
	s17 =	simm.s32 $0xCC00;
	[smem:$0x7CD] =	sst s16  }
0x1f: {  	s18 =	simm.s32 $0x7C00;
	[smem:$0x7CE] =	sst s17  }
0x20: {  	s4 =	sadd.s32 s7, s4;
	s7 =	simm.s32 $0x6800;
	[smem:$0x7CF] =	sst s18  }
0x21: {  	s22 =	simm.s32 $0xAC00;
	[dreg:$0xe] =	wrdreg s7  }
0x22: {  	s23 =	simm.s32 $0xB800;
	[smem:$0x7D3] =	sst s22  }
0x23: {  	s24 =	simm.s32 $0xC400;
	[smem:$0x7D4] =	sst s23  }
0x24: {  	s25 =	simm.s32 $0xD000;
	[smem:$0x7D5] =	sst s24  }
0x25: {  	s26 =	simm.s32 $0xE000;
	[smem:$0x7D6] =	sst s25  }
0x26: {  	s31 =	simm.s32 $0xEC00;
	[smem:$0x7D7] =	sst s26  }
0x27: {  	s11 =	simm.s32 $0x12800;
	[smem:$0x7D8] =	sst s31  }
0x28: {  	s12 =	simm.s32 $0xD800;
	[smem:$0x7DD] =	sst s11  }
0x29: {  	s13 =	simm.s32 $0xE400;
	[smem:$0x7DE] =	sst s12  }
0x2a: {  	s14 =	simm.s32 $0xF000;
	[smem:$0x7DF] =	sst s13  }
0x2b: {  	s15 =	simm.s32 $0xFC00;
	[smem:$0x7E0] =	sst s14  }
0x2c: {  	s16 =	simm.s32 $0x10800;
	[smem:$0x7E1] =	sst s15  }
0x2d: {  	s17 =	simm.s32 $0x11400;
	[smem:$0x7E2] =	sst s16  }
0x2e: {  	s18 =	simm.s32 $0x12000;
	[smem:$0x7E3] =	sst s17  }
0x2f: {  	s7 =	simm.s32 $0xB000;
	[smem:$0x7E4] =	sst s18  }
0x30: {  	s22 =	simm.s32 $0xF400;
	[smem:$0x7C4] =	sst s7  }
0x31: {  	s23 =	simm.s32 $0x10000;
	[smem:$0x7E8] =	sst s22  }
0x32: {  	s24 =	simm.s32 $0x10C00;
	[smem:$0x7E9] =	sst s23  }
0x33: {  	s25 =	simm.s32 $0x11800;
	[smem:$0x7EA] =	sst s24  }
0x34: {  	s26 =	simm.s32 $0x12400;
	[smem:$0x7EB] =	sst s25  }
0x35: {  	s31 =	simm.s32 $0x13000;
	[smem:$0x7EC] =	sst s26  }
0x36: {  	s11 =	simm.s32 $0x14C00;
	[smem:$0x7ED] =	sst s31  }
0x37: {  	s13 =	simm.s32 $0x15800;
	[smem:$0x7EF] =	sst s11  }
0x38: {  	s15 =	simm.s32 $0x16400;
	[smem:$0x7F0] =	sst s13  }
0x39: {  	s19 =	sadd.s32 $0x495C00, s1;
	s16 =	simm.s32 $0x17000;
	[smem:$0x7F1] =	sst s15  }
0x3a: {  	s8 =	sshrl.u32 s4, $0x3;
	s17 =	simm.s32 $0x17C00;
	[smem:$0x7F2] =	sst s16  }
0x3b: {  	s9 =	sor.u32 $0x40, s4;
	s18 =	simm.s32 $0x18800;
	[smem:$0x7F3] =	sst s17  }
0x3c: {  	s10 =	sor.u32 $0x80, s4;
	s7 =	simm.s32 $0xF800;
	[smem:$0x7F5] =	sst s18  }
0x3d: {  	s4 =	sor.u32 $0xC0, s4;
	s22 =	simm.s32 $0x15000;
	[smem:$0x7D9] =	sst s7  }
0x3e: {  	s8 =	smul.u32 $0x180, s8;
	s23 =	simm.s32 $0x15C00;
	[smem:$0x7F8] =	sst s22  }
0x3f: {  	s9 =	sshrl.u32 s9, $0x3;
	s24 =	simm.s32 $0x16800;
	[smem:$0x7F9] =	sst s23  }
0x40: {  	s10 =	sshrl.u32 s10, $0x3;
	s25 =	simm.s32 $0x17400;
	[smem:$0x7FA] =	sst s24  }
0x41: {  	s4 =	sshrl.u32 s4, $0x3;
	s26 =	simm.s32 $0x18000;
	[smem:$0x7FB] =	sst s25  }
0x42: {  	s31 =	simm.s32 $0x18C00;
	s9 =	smul.u32 $0x180, s9;
	[smem:$0x7FC] =	sst s26  }
0x43: {  	s10 =	smul.u32 $0x180, s10;
	[smem:$0x7FD] =	sst s31;
	s8 =	sadd.s32 s8, s19  }
0x44: {  	s4 =	smul.u32 $0x180, s4;
	[dreg:$0x4] =	wrdreg s8;
	s20 =	sadd.s32 s9, s19  }
0x45: {  	s21 =	sadd.s32 s10, s19;
	[dreg:$0x5] =	wrdreg s20  }
0x46: {  	s4 =	sadd.s32 s4, s19;
	[dreg:$0x6] =	wrdreg s21  }
0x47: {  	s8 =	simm.s32 $0x1800;
	[dreg:$0x7] =	wrdreg s4  }
0x48: {  	s9 =	simm.s32 $0x2400;
	[dreg:$0xf] =	wrdreg s8  }
0x49: {  	s28 =	simm.s32 $0x7;
	s10 =	simm.s32 $0x3000;
	[dreg:$0x10] =	wrdreg s9  }
0x4a: {  	s29 =	simm.s32 $0x8;
	s19 =	simm.s32 $0x4000;
	[dreg:$0x11] =	wrdreg s10  }
0x4b: {  	s30 =	simm.s32 $0x0;
	[dreg:$0x1a] =	wrdreg s19;
	s20 =	simm.s32 $0x4C00  }
0x4c: {  	s14 =	sshll.u32 s0, $0x1;
	s21 =	simm.s32 $0x5800;
	[dreg:$0x1b] =	wrdreg s20  }
0x4d: {  	s11 =	simm.s32 $0xD400;
	s8 =	simm.s32 $0xBC00;
	[dreg:$0x1c] =	wrdreg s21  }
0x4e: {  	s13 =	simm.s32 $0x13C00;
	s9 =	simm.s32 $0xC800;
	[smem:$0x7C5] =	sst s8  }
0x4f: {  	s15 =	simm.s32 $0x15400;
	s10 =	simm.s32 $0x7800;
	[smem:$0x7C6] =	sst s9  }
0x50: {  	s16 =	simm.s32 $0x16000;
	s19 =	simm.s32 $0x8800;
	[smem:$0x7C7] =	sst s10  }
0x51: {  	s17 =	simm.s32 $0x16C00;
	[smem:$0x7D0] =	sst s19;
	s20 =	simm.s32 $0x9400  }
0x52: {  	s18 =	simm.s32 $0x17800;
	s21 =	simm.s32 $0xA000;
	[smem:$0x7D1] =	sst s20  }
0x53: {  	s22 =	simm.s32 $0x2;
	s8 =	simm.s32 $0x10400;
	[smem:$0x7D2] =	sst s21  }
0x54: {  	s23 =	simm.s32 $0x3;
	s9 =	simm.s32 $0x11000;
	[smem:$0x7DA] =	sst s8  }
0x55: {  	s24 =	simm.s32 $0x4;
	s10 =	simm.s32 $0x11C00;
	[smem:$0x7DB] =	sst s9  }
0x56: {  	s25 =	simm.s32 $0x5;
	s19 =	simm.s32 $0x12C00;
	[smem:$0x7DC] =	sst s10  }
0x57: {  	s26 =	simm.s32 $0x6;
	s4 =	sadd.s32 $0x1E00, s1;
	[smem:$0x7E5] =	sst s19  }
0x58: {  	s20 =	simm.s32 $0xDC00;
	s21 =	simm.s32 $0xE800;
	s8 =	simm.s32 $0x14000  }
0x59: {  	s9 =	ssub.s32 $0x2, s6;
	s6 =	sor.u32 s6, s14;
	[smem:$0x7E6] =	sst s20  }
0x5a: {  	s10 =	simm.s32 $0x7400;
	s14 =	simm.s32 $0x14800;
	[smem:$0x7E7] =	sst s21  }
0x5b: {  	[smem:$0x7EE] =	sst s8;
	s12 =	sshrl.u32 s9, $0x1;
	s20 =	simm.s32 $0x13800  }
0x5c: {  	s6 =	smul.u32 $0x280, s6;
	s21 =	simm.s32 $0x14400;
	[smem:$0x7F6] =	sst s20  }
0x5d: {  	s8 =	ssub.s32 s9, s12;
	[smem:$0x7F7] =	sst s21;
	s9 =	simm.s32 $0x1400  }
0x5e: {  	v2 =	vlaneseq.u32;
	s12 =	simm.s32 $0x13400;
	s20 =	simm.s32 $0x19000;
	s21 =	simm.s32 $0x1  }
0x5f: {  	vm0 =	vmmov $0xff;
	v1 =	vshrl.u32 v2, $0x3;
	s19 =	sadd.s32 s5, s6;
	s6 =	sadd.s32 $0x1E80, s1;
	s7 =	smax.u32 s8, $0x1  }
0x60: {  	v0 =	vand.u32 $0x7, v2;
	v2 =	vor.u32 $0x8, v2;
	v1 =	vmul.u32 $0x8, v1;
	s8 =	simm.s32 $0x9;
	[smem:$0x7F4] =	sst s19;
	s19 =	simm.s32 $0x18400  }
.LBB2_1:
0x61: {  	s0 =	sld [smem:$0x7F4];
	_ =	sdelay $0x2  }
0x62: {  	[tilespmem:s3], [sflag:$0x9] =	stream.linear.gather [hbm4b:s0+s3], $0x1400, $0x38;
	[tilespmem:$0x19400] =	vst v63  }
0x63: {  	_ =	swait.ge [sflag:s8], $0x1400  }
0x64: {  	[sflag:s8] =	ssyncset.done $0x0  }
0x65: {  	s31 =	simm.s32 $0x100;
	s1 =	simm.s32 $0x0;
	[sflag:s8] =	ssyncadd.s32 $0xFFFFEC00  }
.LBB2_2:
0x66: {  	v3 =	vld [tilespmem:s31+$0xFFFFFF00];
	_ =	sdelay $0x4  }
0x67: {  	v4 =	vshrl.u32 v3, $0x3  }
0x68: {  	v4 =	vmul.u32 $0x18, v4  }
0x69: {  	v3 =	vand.u32 $0x7, v3  }
0x6a: {  	v3 =	vor.u32 v3, v4  }
0x6b: {  	v4 =	vperm.xlane v3, v0;
	_ =	sdelay $0x1  }
0x6c: {  	v3 =	vperm.xlane v3, v2;
	v4 =	vadd.s32 v1, v4;
	_ =	sdelay $0x1  }
0x6d: {  	v3 =	vadd.s32 v1, v3;
	_ =	sdelay $0x2  }
0x6e: {  	[tilespmem:s9], [sflag:$0x1] =	stream.indirect_vreg.gather [hbm4b:s4+s3], $0x80, v4, vm0, $0xb8;
	[tilespmem:$0x19400] =	vst v63  }
0x6f: {  	s0 =	rddreg [dreg:$0x8]  }
0x70: {  	[tilespmem:s0], [sflag:$0x1] =	stream.indirect_vreg.gather [hbm4b:s4+s3], $0x80, v3, vm0, $0xb8;
	[tilespmem:$0x19400] =	vst v63  }
0x71: {  	v3 =	vld [tilespmem:s31+$0xFFFFFF10];
	_ =	sdelay $0x4  }
0x72: {  	v17 =	vshrl.u32 v3, $0x3  }
0x73: {  	v4 =	vmul.u32 $0x18, v17  }
0x74: {  	v3 =	vand.u32 $0x7, v3  }
0x75: {  	v3 =	vor.u32 v3, v4  }
0x76: {  	v4 =	vperm.xlane v3, v0;
	_ =	sdelay $0x1  }
0x77: {  	v3 =	vperm.xlane v3, v2;
	v4 =	vadd.s32 v1, v4;
	_ =	sdelay $0x1  }
0x78: {  	v3 =	vadd.s32 v1, v3;
	_ =	sdelay $0x1  }
0x79: {  	s0 =	rddreg [dreg:$0x9]  }
0x7a: {  	[tilespmem:s0], [sflag:$0x1] =	stream.indirect_vreg.gather [hbm4b:s4+s3], $0x80, v4, vm0, $0xb8;
	[tilespmem:$0x19400] =	vst v63  }
0x7b: {  	s5 =	rddreg [dreg:$0xa]  }
0x7c: {  	[tilespmem:s5], [sflag:$0x1] =	stream.indirect_vreg.gather [hbm4b:s4+s3], $0x80, v3, vm0, $0xb8;
	[tilespmem:$0x19400] =	vst v63  }
0x7d: {  	v3 =	vld [tilespmem:s31+$0xFFFFFF20];
	_ =	sdelay $0x4  }
0x7e: {  	v18 =	vshrl.u32 v3, $0x3  }
0x7f: {  	v4 =	vmul.u32 $0x18, v18  }
0x80: {  	v3 =	vand.u32 $0x7, v3  }
0x81: {  	v3 =	vor.u32 v3, v4  }
0x82: {  	v4 =	vperm.xlane v3, v0;
	_ =	sdelay $0x1  }
0x83: {  	v3 =	vperm.xlane v3, v2;
	v4 =	vadd.s32 v1, v4;
	_ =	sdelay $0x1  }
0x84: {  	v3 =	vadd.s32 v1, v3;
	_ =	sdelay $0x1  }
0x85: {  	s0 =	rddreg [dreg:$0xb]  }
0x86: {  	[tilespmem:s0], [sflag:$0x1] =	stream.indirect_vreg.gather [hbm4b:s4+s3], $0x80, v4, vm0, $0xb8;
	[tilespmem:$0x19400] =	vst v63  }
0x87: {  	s5 =	rddreg [dreg:$0xc]  }
0x88: {  	[tilespmem:s5], [sflag:$0x1] =	stream.indirect_vreg.gather [hbm4b:s4+s3], $0x80, v3, vm0, $0xb8;
	[tilespmem:$0x19400] =	vst v63  }
0x89: {  	v3 =	vld [tilespmem:s31+$0xFFFFFF30];
	_ =	sdelay $0x4  }
0x8a: {  	v19 =	vshrl.u32 v3, $0x3  }
0x8b: {  	v4 =	vmul.u32 $0x18, v19  }
0x8c: {  	v3 =	vand.u32 $0x7, v3  }
0x8d: {  	v3 =	vor.u32 v3, v4  }
0x8e: {  	v4 =	vperm.xlane v3, v0;
	_ =	sdelay $0x1  }
0x8f: {  	v3 =	vperm.xlane v3, v2;
	v4 =	vadd.s32 v1, v4;
	_ =	sdelay $0x1  }
0x90: {  	v3 =	vadd.s32 v1, v3;
	_ =	sdelay $0x1  }
0x91: {  	s0 =	rddreg [dreg:$0xd]  }
0x92: {  	[tilespmem:s0], [sflag:$0x1] =	stream.indirect_vreg.gather [hbm4b:s4+s3], $0x80, v4, vm0, $0xb8;
	[tilespmem:$0x19400] =	vst v63  }
0x93: {  	s5 =	rddreg [dreg:$0xe]  }
0x94: {  	[tilespmem:s5], [sflag:$0x1] =	stream.indirect_vreg.gather [hbm4b:s4+s3], $0x80, v3, vm0, $0xb8;
	[tilespmem:$0x19400] =	vst v63  }
0x95: {  	v3 =	vld [tilespmem:s31+$0xFFFFFF00];
	_ =	sdelay $0x4  }
0x96: {  	v20 =	vshrl.u32 v3, $0x3  }
0x97: {  	v4 =	vmul.u32 $0x18, v20  }
0x98: {  	v3 =	vand.u32 $0x7, v3  }
0x99: {  	v3 =	vor.u32 v3, v4  }
0x9a: {  	v4 =	vperm.xlane v3, v0;
	_ =	sdelay $0x1  }
0x9b: {  	v3 =	vperm.xlane v3, v2;
	v4 =	vadd.s32 v1, v4;
	_ =	sdelay $0x1  }
0x9c: {  	v3 =	vadd.s32 v1, v3;
	_ =	sdelay $0x1  }
0x9d: {  	s0 =	rddreg [dreg:$0xf]  }
0x9e: {  	[tilespmem:s0], [sflag:$0x1] =	stream.indirect_vreg.gather [hbm4b:s6+s3], $0x80, v4, vm0, $0xb8;
	[tilespmem:$0x19400] =	vst v63  }
0x9f: {  	s5 =	rddreg [dreg:$0x10]  }
0xa0: {  	[tilespmem:s5], [sflag:$0x1] =	stream.indirect_vreg.gather [hbm4b:s6+s3], $0x80, v3, vm0, $0xb8;
	[tilespmem:$0x19400] =	vst v63  }
0xa1: {  	v3 =	vld [tilespmem:s31+$0xFFFFFF10];
	_ =	sdelay $0x4  }
0xa2: {  	v21 =	vshrl.u32 v3, $0x3  }
0xa3: {  	v4 =	vmul.u32 $0x18, v21  }
0xa4: {  	v3 =	vand.u32 $0x7, v3  }
0xa5: {  	v3 =	vor.u32 v3, v4  }
0xa6: {  	v4 =	vperm.xlane v3, v0;
	_ =	sdelay $0x1  }
0xa7: {  	v3 =	vperm.xlane v3, v2;
	v4 =	vadd.s32 v1, v4;
	_ =	sdelay $0x1  }
0xa8: {  	v3 =	vadd.s32 v1, v3;
	_ =	sdelay $0x1  }
0xa9: {  	s0 =	rddreg [dreg:$0x11]  }
0xaa: {  	[tilespmem:s0], [sflag:$0x1] =	stream.indirect_vreg.gather [hbm4b:s6+s3], $0x80, v4, vm0, $0xb8;
	[tilespmem:$0x19400] =	vst v63  }
0xab: {  	s5 =	rddreg [dreg:$0x12]  }
0xac: {  	[tilespmem:s5], [sflag:$0x1] =	stream.indirect_vreg.gather [hbm4b:s6+s3], $0x80, v3, vm0, $0xb8;
	[tilespmem:$0x19400] =	vst v63  }
0xad: {  	v3 =	vld [tilespmem:s31+$0xFFFFFF20];
	_ =	sdelay $0x4  }
0xae: {  	v22 =	vshrl.u32 v3, $0x3  }
0xaf: {  	v4 =	vmul.u32 $0x18, v22  }
0xb0: {  	v3 =	vand.u32 $0x7, v3  }
0xb1: {  	v3 =	vor.u32 v3, v4  }
0xb2: {  	v4 =	vperm.xlane v3, v0;
	_ =	sdelay $0x1  }
0xb3: {  	v3 =	vperm.xlane v3, v2;
	v4 =	vadd.s32 v1, v4;
	_ =	sdelay $0x1  }
0xb4: {  	v3 =	vadd.s32 v1, v3;
	_ =	sdelay $0x1  }
0xb5: {  	s0 =	rddreg [dreg:$0x13]  }
0xb6: {  	[tilespmem:s0], [sflag:$0x1] =	stream.indirect_vreg.gather [hbm4b:s6+s3], $0x80, v4, vm0, $0xb8;
	[tilespmem:$0x19400] =	vst v63  }
0xb7: {  	s5 =	rddreg [dreg:$0x14]  }
0xb8: {  	[tilespmem:s5], [sflag:$0x1] =	stream.indirect_vreg.gather [hbm4b:s6+s3], $0x80, v3, vm0, $0xb8;
	[tilespmem:$0x19400] =	vst v63  }
0xb9: {  	v3 =	vld [tilespmem:s31+$0xFFFFFF30];
	_ =	sdelay $0x4  }
0xba: {  	v23 =	vshrl.u32 v3, $0x3  }
0xbb: {  	v4 =	vmul.u32 $0x18, v23  }
0xbc: {  	v3 =	vand.u32 $0x7, v3  }
0xbd: {  	v3 =	vor.u32 v3, v4  }
0xbe: {  	v4 =	vperm.xlane v3, v0;
	_ =	sdelay $0x1  }
0xbf: {  	v3 =	vperm.xlane v3, v2;
	v4 =	vadd.s32 v1, v4;
	_ =	sdelay $0x1  }
0xc0: {  	v3 =	vadd.s32 v1, v3;
	_ =	sdelay $0x1  }
0xc1: {  	s0 =	rddreg [dreg:$0x15]  }
0xc2: {  	[tilespmem:s0], [sflag:$0x1] =	stream.indirect_vreg.gather [hbm4b:s6+s3], $0x80, v4, vm0, $0xb8;
	[tilespmem:$0x19400] =	vst v63  }
0xc3: {  	s5 =	rddreg [dreg:$0x16]  }
0xc4: {  	[tilespmem:s5], [sflag:$0x1] =	stream.indirect_vreg.gather [hbm4b:s6+s3], $0x80, v3, vm0, $0xb8;
	[tilespmem:$0x19400] =	vst v63  }
0xc5: {  	v3 =	vld [tilespmem:s31+$0xFFFFFF00];
	_ =	sdelay $0x4  }
0xc6: {  	v24 =	vperm.xlane v3, v0;
	_ =	sdelay $0x1  }
0xc7: {  	v3 =	vperm.xlane v3, v2;
	v4 =	vadd.s32 v1, v24;
	_ =	sdelay $0x1  }
0xc8: {  	v3 =	vadd.s32 v1, v3;
	_ =	sdelay $0x1  }
0xc9: {  	s0 =	rddreg [dreg:$0x17]  }
0xca: {  	[tilespmem:s0], [sflag:$0x1] =	stream.indirect_vreg.gather [hbm4b:s2+s3], $0x80, v4, vm0, $0xb8;
	[tilespmem:$0x19400] =	vst v63  }
0xcb: {  	s5 =	rddreg [dreg:$0x18]  }
0xcc: {  	[tilespmem:s5], [sflag:$0x1] =	stream.indirect_vreg.gather [hbm4b:s2+s3], $0x80, v3, vm0, $0xb8;
	[tilespmem:$0x19400] =	vst v63  }
0xcd: {  	v3 =	vld [tilespmem:s31+$0xFFFFFF10];
	_ =	sdelay $0x4  }
0xce: {  	v25 =	vperm.xlane v3, v0;
	_ =	sdelay $0x1  }
0xcf: {  	v3 =	vperm.xlane v3, v2;
	v4 =	vadd.s32 v1, v25;
	_ =	sdelay $0x1  }
0xd0: {  	v3 =	vadd.s32 v1, v3;
	_ =	sdelay $0x1  }
0xd1: {  	s0 =	rddreg [dreg:$0x19]  }
0xd2: {  	[tilespmem:s0], [sflag:$0x1] =	stream.indirect_vreg.gather [hbm4b:s2+s3], $0x80, v4, vm0, $0xb8;
	[tilespmem:$0x19400] =	vst v63  }
0xd3: {  	s5 =	rddreg [dreg:$0x1a]  }
0xd4: {  	[tilespmem:s5], [sflag:$0x1] =	stream.indirect_vreg.gather [hbm4b:s2+s3], $0x80, v3, vm0, $0xb8;
	[tilespmem:$0x19400] =	vst v63  }
0xd5: {  	v3 =	vld [tilespmem:s31+$0xFFFFFF20];
	_ =	sdelay $0x4  }
0xd6: {  	v26 =	vperm.xlane v3, v0;
	_ =	sdelay $0x1  }
0xd7: {  	v3 =	vperm.xlane v3, v2;
	v4 =	vadd.s32 v1, v26;
	_ =	sdelay $0x1  }
0xd8: {  	v3 =	vadd.s32 v1, v3;
	_ =	sdelay $0x1  }
0xd9: {  	s0 =	rddreg [dreg:$0x1b]  }
0xda: {  	[tilespmem:s0], [sflag:$0x1] =	stream.indirect_vreg.gather [hbm4b:s2+s3], $0x80, v4, vm0, $0xb8;
	[tilespmem:$0x19400] =	vst v63  }
0xdb: {  	s5 =	rddreg [dreg:$0x1c]  }
0xdc: {  	[tilespmem:s5], [sflag:$0x1] =	stream.indirect_vreg.gather [hbm4b:s2+s3], $0x80, v3, vm0, $0xb8;
	[tilespmem:$0x19400] =	vst v63  }
0xdd: {  	v3 =	vld [tilespmem:s31+$0xFFFFFF30];
	_ =	sdelay $0x4  }
0xde: {  	v27 =	vperm.xlane v3, v0;
	_ =	sdelay $0x1  }
0xdf: {  	v3 =	vperm.xlane v3, v2;
	v4 =	vadd.s32 v1, v27;
	_ =	sdelay $0x1  }
0xe0: {  	v3 =	vadd.s32 v1, v3;
	_ =	sdelay $0x1  }
0xe1: {  	s0 =	rddreg [dreg:$0x1d]  }
0xe2: {  	[tilespmem:s0], [sflag:$0x1] =	stream.indirect_vreg.gather [hbm4b:s2+s3], $0x80, v4, vm0, $0xb8;
	[tilespmem:$0x19400] =	vst v63  }
0xe3: {  	s5 =	rddreg [dreg:$0x1e]  }
0xe4: {  	[tilespmem:s5], [sflag:$0x1] =	stream.indirect_vreg.gather [hbm4b:s2+s3], $0x80, v3, vm0, $0xb8;
	[tilespmem:$0x19400] =	vst v63  }
0xe5: {  	v3 =	vld [tilespmem:s31+$0xFFFFFF80];
	_ =	sdelay $0x4  }
0xe6: {  	v28 =	vshrl.u32 v3, $0x3  }
0xe7: {  	v4 =	vmul.u32 $0x18, v28  }
0xe8: {  	v3 =	vand.u32 $0x7, v3  }
0xe9: {  	v3 =	vor.u32 v3, v4  }
0xea: {  	v4 =	vperm.xlane v3, v0;
	_ =	sdelay $0x1  }
0xeb: {  	v3 =	vperm.xlane v3, v2;
	v4 =	vadd.s32 v1, v4;
	_ =	sdelay $0x1  }
0xec: {  	v3 =	vadd.s32 v1, v3;
	_ =	sdelay $0x2  }
0xed: {  	[tilespmem:s10], [sflag:$0x2] =	stream.indirect_vreg.gather [hbm4b:s4+s3], $0x80, v4, vm0, $0xb8;
	[tilespmem:$0x19400] =	vst v63  }
0xee: {  	s5 =	rddreg [dreg:$0x1f]  }
0xef: {  	[tilespmem:s5], [sflag:$0x2] =	stream.indirect_vreg.gather [hbm4b:s4+s3], $0x80, v3, vm0, $0xb8;
	[tilespmem:$0x19400] =	vst v63  }
0xf0: {  	v3 =	vld [tilespmem:s31+$0xFFFFFF90];
	_ =	sdelay $0x4  }
0xf1: {  	v29 =	vshrl.u32 v3, $0x3  }
0xf2: {  	v4 =	vmul.u32 $0x18, v29  }
0xf3: {  	v3 =	vand.u32 $0x7, v3  }
0xf4: {  	v3 =	vor.u32 v3, v4  }
0xf5: {  	v4 =	vperm.xlane v3, v0;
	_ =	sdelay $0x1  }
0xf6: {  	v3 =	vperm.xlane v3, v2;
	v4 =	vadd.s32 v1, v4;
	_ =	sdelay $0x1  }
0xf7: {  	s0 =	sld [smem:$0x7C1];
	v3 =	vadd.s32 v1, v3;
	_ =	sdelay $0x1  }
0xf8: {  	s5 =	sld [smem:$0x7C2]  }
0xf9: {  	[tilespmem:s0], [sflag:$0x2] =	stream.indirect_vreg.gather [hbm4b:s4+s3], $0x80, v4, vm0, $0xb8;
	[tilespmem:$0x19400] =	vst v63  }
0xfa: {  	_ = 	snop  }
0xfb: {  	[tilespmem:s5], [sflag:$0x2] =	stream.indirect_vreg.gather [hbm4b:s4+s3], $0x80, v3, vm0, $0xb8;
	[tilespmem:$0x19400] =	vst v63  }
0xfc: {  	v3 =	vld [tilespmem:s31+$0xFFFFFFA0];
	_ =	sdelay $0x4  }
0xfd: {  	v30 =	vshrl.u32 v3, $0x3  }
0xfe: {  	v4 =	vmul.u32 $0x18, v30  }
0xff: {  	v3 =	vand.u32 $0x7, v3  }
0x100: {  	v3 =	vor.u32 v3, v4  }
0x101: {  	v4 =	vperm.xlane v3, v0;
	_ =	sdelay $0x1  }
0x102: {  	v3 =	vperm.xlane v3, v2;
	v4 =	vadd.s32 v1, v4;
	_ =	sdelay $0x1  }
0x103: {  	s0 =	sld [smem:$0x7C3];
	v3 =	vadd.s32 v1, v3;
	_ =	sdelay $0x1  }
0x104: {  	s5 =	sld [smem:$0x7C4]  }
0x105: {  	[tilespmem:s0], [sflag:$0x2] =	stream.indirect_vreg.gather [hbm4b:s4+s3], $0x80, v4, vm0, $0xb8;
	[tilespmem:$0x19400] =	vst v63  }
0x106: {  	_ = 	snop  }
0x107: {  	[tilespmem:s5], [sflag:$0x2] =	stream.indirect_vreg.gather [hbm4b:s4+s3], $0x80, v3, vm0, $0xb8;
	[tilespmem:$0x19400] =	vst v63  }
0x108: {  	v3 =	vld [tilespmem:s31+$0xFFFFFFB0];
	_ =	sdelay $0x4  }
0x109: {  	v31 =	vshrl.u32 v3, $0x3  }
0x10a: {  	v4 =	vmul.u32 $0x18, v31  }
0x10b: {  	v3 =	vand.u32 $0x7, v3  }
0x10c: {  	v3 =	vor.u32 v3, v4  }
0x10d: {  	v4 =	vperm.xlane v3, v0;
	_ =	sdelay $0x1  }
0x10e: {  	v3 =	vperm.xlane v3, v2;
	v4 =	vadd.s32 v1, v4;
	_ =	sdelay $0x1  }
0x10f: {  	s0 =	sld [smem:$0x7C5];
	v3 =	vadd.s32 v1, v3;
	_ =	sdelay $0x1  }
0x110: {  	s5 =	sld [smem:$0x7C6]  }
0x111: {  	[tilespmem:s0], [sflag:$0x2] =	stream.indirect_vreg.gather [hbm4b:s4+s3], $0x80, v4, vm0, $0xb8;
	[tilespmem:$0x19400] =	vst v63  }
0x112: {  	_ = 	snop  }
0x113: {  	[tilespmem:s5], [sflag:$0x2] =	stream.indirect_vreg.gather [hbm4b:s4+s3], $0x80, v3, vm0, $0xb8;
	[tilespmem:$0x19400] =	vst v63  }
0x114: {  	v3 =	vld [tilespmem:s31+$0xFFFFFF80];
	_ =	sdelay $0x4  }
0x115: {  	v32 =	vshrl.u32 v3, $0x3  }
0x116: {  	v4 =	vmul.u32 $0x18, v32  }
0x117: {  	v3 =	vand.u32 $0x7, v3  }
0x118: {  	v3 =	vor.u32 v3, v4  }
0x119: {  	v4 =	vperm.xlane v3, v0;
	_ =	sdelay $0x1  }
0x11a: {  	v3 =	vperm.xlane v3, v2;
	v4 =	vadd.s32 v1, v4;
	_ =	sdelay $0x1  }
0x11b: {  	s0 =	sld [smem:$0x7C7];
	v3 =	vadd.s32 v1, v3;
	_ =	sdelay $0x1  }
0x11c: {  	s5 =	sld [smem:$0x7C8]  }
0x11d: {  	[tilespmem:s0], [sflag:$0x2] =	stream.indirect_vreg.gather [hbm4b:s6+s3], $0x80, v4, vm0, $0xb8;
	[tilespmem:$0x19400] =	vst v63  }
0x11e: {  	_ = 	snop  }
0x11f: {  	[tilespmem:s5], [sflag:$0x2] =	stream.indirect_vreg.gather [hbm4b:s6+s3], $0x80, v3, vm0, $0xb8;
	[tilespmem:$0x19400] =	vst v63  }
0x120: {  	v3 =	vld [tilespmem:s31+$0xFFFFFF90];
	_ =	sdelay $0x4  }
0x121: {  	v33 =	vshrl.u32 v3, $0x3  }
0x122: {  	v4 =	vmul.u32 $0x18, v33  }
0x123: {  	v3 =	vand.u32 $0x7, v3  }
0x124: {  	v3 =	vor.u32 v3, v4  }
0x125: {  	v4 =	vperm.xlane v3, v0;
	_ =	sdelay $0x1  }
0x126: {  	v3 =	vperm.xlane v3, v2;
	v4 =	vadd.s32 v1, v4;
	_ =	sdelay $0x1  }
0x127: {  	s0 =	sld [smem:$0x7C9];
	v3 =	vadd.s32 v1, v3;
	_ =	sdelay $0x1  }
0x128: {  	s5 =	sld [smem:$0x7CA]  }
0x129: {  	[tilespmem:s0], [sflag:$0x2] =	stream.indirect_vreg.gather [hbm4b:s6+s3], $0x80, v4, vm0, $0xb8;
	[tilespmem:$0x19400] =	vst v63  }
0x12a: {  	_ = 	snop  }
0x12b: {  	[tilespmem:s5], [sflag:$0x2] =	stream.indirect_vreg.gather [hbm4b:s6+s3], $0x80, v3, vm0, $0xb8;
	[tilespmem:$0x19400] =	vst v63  }
0x12c: {  	v3 =	vld [tilespmem:s31+$0xFFFFFFA0];
	_ =	sdelay $0x4  }
0x12d: {  	v34 =	vshrl.u32 v3, $0x3  }
0x12e: {  	v4 =	vmul.u32 $0x18, v34  }
0x12f: {  	v3 =	vand.u32 $0x7, v3  }
0x130: {  	v3 =	vor.u32 v3, v4  }
0x131: {  	v4 =	vperm.xlane v3, v0;
	_ =	sdelay $0x1  }
0x132: {  	v3 =	vperm.xlane v3, v2;
	v4 =	vadd.s32 v1, v4;
	_ =	sdelay $0x1  }
0x133: {  	s0 =	sld [smem:$0x7CB];
	v3 =	vadd.s32 v1, v3;
	_ =	sdelay $0x1  }
0x134: {  	s5 =	sld [smem:$0x7CC]  }
0x135: {  	[tilespmem:s0], [sflag:$0x2] =	stream.indirect_vreg.gather [hbm4b:s6+s3], $0x80, v4, vm0, $0xb8;
	[tilespmem:$0x19400] =	vst v63  }
0x136: {  	_ = 	snop  }
0x137: {  	[tilespmem:s5], [sflag:$0x2] =	stream.indirect_vreg.gather [hbm4b:s6+s3], $0x80, v3, vm0, $0xb8;
	[tilespmem:$0x19400] =	vst v63  }
0x138: {  	v3 =	vld [tilespmem:s31+$0xFFFFFFB0];
	_ =	sdelay $0x4  }
0x139: {  	v35 =	vshrl.u32 v3, $0x3  }
0x13a: {  	v4 =	vmul.u32 $0x18, v35  }
0x13b: {  	v3 =	vand.u32 $0x7, v3  }
0x13c: {  	v3 =	vor.u32 v3, v4  }
0x13d: {  	v4 =	vperm.xlane v3, v0;
	_ =	sdelay $0x1  }
0x13e: {  	v3 =	vperm.xlane v3, v2;
	v4 =	vadd.s32 v1, v4;
	_ =	sdelay $0x1  }
0x13f: {  	s0 =	sld [smem:$0x7CD];
	v3 =	vadd.s32 v1, v3;
	_ =	sdelay $0x1  }
0x140: {  	s5 =	sld [smem:$0x7CE]  }
0x141: {  	[tilespmem:s0], [sflag:$0x2] =	stream.indirect_vreg.gather [hbm4b:s6+s3], $0x80, v4, vm0, $0xb8;
	[tilespmem:$0x19400] =	vst v63  }
0x142: {  	_ = 	snop  }
0x143: {  	[tilespmem:s5], [sflag:$0x2] =	stream.indirect_vreg.gather [hbm4b:s6+s3], $0x80, v3, vm0, $0xb8;
	[tilespmem:$0x19400] =	vst v63  }
0x144: {  	v3 =	vld [tilespmem:s31+$0xFFFFFF80];
	_ =	sdelay $0x4  }
0x145: {  	v36 =	vperm.xlane v3, v0;
	_ =	sdelay $0x1  }
0x146: {  	v3 =	vperm.xlane v3, v2;
	v4 =	vadd.s32 v1, v36;
	_ =	sdelay $0x1  }
0x147: {  	s0 =	sld [smem:$0x7CF];
	v3 =	vadd.s32 v1, v3;
	_ =	sdelay $0x1  }
0x148: {  	s5 =	sld [smem:$0x7D0]  }
0x149: {  	[tilespmem:s0], [sflag:$0x2] =	stream.indirect_vreg.gather [hbm4b:s2+s3], $0x80, v4, vm0, $0xb8;
	[tilespmem:$0x19400] =	vst v63  }
0x14a: {  	_ = 	snop  }
0x14b: {  	[tilespmem:s5], [sflag:$0x2] =	stream.indirect_vreg.gather [hbm4b:s2+s3], $0x80, v3, vm0, $0xb8;
	[tilespmem:$0x19400] =	vst v63  }
0x14c: {  	v3 =	vld [tilespmem:s31+$0xFFFFFF90];
	_ =	sdelay $0x4  }
0x14d: {  	v37 =	vperm.xlane v3, v0;
	_ =	sdelay $0x1  }
0x14e: {  	v3 =	vperm.xlane v3, v2;
	v4 =	vadd.s32 v1, v37;
	_ =	sdelay $0x1  }
0x14f: {  	s0 =	sld [smem:$0x7D1];
	v3 =	vadd.s32 v1, v3;
	_ =	sdelay $0x1  }
0x150: {  	s5 =	sld [smem:$0x7D2]  }
0x151: {  	[tilespmem:s0], [sflag:$0x2] =	stream.indirect_vreg.gather [hbm4b:s2+s3], $0x80, v4, vm0, $0xb8;
	[tilespmem:$0x19400] =	vst v63  }
0x152: {  	_ = 	snop  }
0x153: {  	[tilespmem:s5], [sflag:$0x2] =	stream.indirect_vreg.gather [hbm4b:s2+s3], $0x80, v3, vm0, $0xb8;
	[tilespmem:$0x19400] =	vst v63  }
0x154: {  	v3 =	vld [tilespmem:s31+$0xFFFFFFA0];
	_ =	sdelay $0x4  }
0x155: {  	v38 =	vperm.xlane v3, v0;
	_ =	sdelay $0x1  }
0x156: {  	v3 =	vperm.xlane v3, v2;
	v4 =	vadd.s32 v1, v38;
	_ =	sdelay $0x1  }
0x157: {  	s0 =	sld [smem:$0x7D3];
	v3 =	vadd.s32 v1, v3;
	_ =	sdelay $0x1  }
0x158: {  	s5 =	sld [smem:$0x7D4]  }
0x159: {  	[tilespmem:s0], [sflag:$0x2] =	stream.indirect_vreg.gather [hbm4b:s2+s3], $0x80, v4, vm0, $0xb8;
	[tilespmem:$0x19400] =	vst v63  }
0x15a: {  	_ = 	snop  }
0x15b: {  	[tilespmem:s5], [sflag:$0x2] =	stream.indirect_vreg.gather [hbm4b:s2+s3], $0x80, v3, vm0, $0xb8;
	[tilespmem:$0x19400] =	vst v63  }
0x15c: {  	v3 =	vld [tilespmem:s31+$0xFFFFFFB0];
	_ =	sdelay $0x4  }
0x15d: {  	v39 =	vperm.xlane v3, v0;
	_ =	sdelay $0x1  }
0x15e: {  	v3 =	vperm.xlane v3, v2;
	v4 =	vadd.s32 v1, v39;
	_ =	sdelay $0x1  }
0x15f: {  	s0 =	sld [smem:$0x7D5];
	v3 =	vadd.s32 v1, v3;
	_ =	sdelay $0x1  }
0x160: {  	s5 =	sld [smem:$0x7D6]  }
0x161: {  	[tilespmem:s0], [sflag:$0x2] =	stream.indirect_vreg.gather [hbm4b:s2+s3], $0x80, v4, vm0, $0xb8;
	[tilespmem:$0x19400] =	vst v63  }
0x162: {  	_ = 	snop  }
0x163: {  	[tilespmem:s5], [sflag:$0x2] =	stream.indirect_vreg.gather [hbm4b:s2+s3], $0x80, v3, vm0, $0xb8;
	[tilespmem:$0x19400] =	vst v63  }
0x164: {  	v3 =	vld [tilespmem:s31+$0x0];
	_ =	sdelay $0x4  }
0x165: {  	v40 =	vshrl.u32 v3, $0x3  }
0x166: {  	v4 =	vmul.u32 $0x18, v40  }
0x167: {  	v3 =	vand.u32 $0x7, v3  }
0x168: {  	v3 =	vor.u32 v3, v4  }
0x169: {  	v4 =	vperm.xlane v3, v0;
	_ =	sdelay $0x1  }
0x16a: {  	v3 =	vperm.xlane v3, v2;
	v4 =	vadd.s32 v1, v4;
	_ =	sdelay $0x1  }
0x16b: {  	v3 =	vadd.s32 v1, v3;
	_ =	sdelay $0x1  }
0x16c: {  	s5 =	sld [smem:$0x7D7]  }
0x16d: {  	[tilespmem:s11], [sflag:$0x3] =	stream.indirect_vreg.gather [hbm4b:s4+s3], $0x80, v4, vm0, $0xb8;
	[tilespmem:$0x19400] =	vst v63  }
0x16e: {  	_ = 	snop  }
0x16f: {  	[tilespmem:s5], [sflag:$0x3] =	stream.indirect_vreg.gather [hbm4b:s4+s3], $0x80, v3, vm0, $0xb8;
	[tilespmem:$0x19400] =	vst v63  }
0x170: {  	v3 =	vld [tilespmem:s31+$0x10];
	_ =	sdelay $0x4  }
0x171: {  	v41 =	vshrl.u32 v3, $0x3  }
0x172: {  	v4 =	vmul.u32 $0x18, v41  }
0x173: {  	v3 =	vand.u32 $0x7, v3  }
0x174: {  	v3 =	vor.u32 v3, v4  }
0x175: {  	v4 =	vperm.xlane v3, v0;
	_ =	sdelay $0x1  }
0x176: {  	v3 =	vperm.xlane v3, v2;
	v4 =	vadd.s32 v1, v4;
	_ =	sdelay $0x1  }
0x177: {  	s0 =	sld [smem:$0x7D8];
	v3 =	vadd.s32 v1, v3;
	_ =	sdelay $0x1  }
0x178: {  	s5 =	sld [smem:$0x7D9]  }
0x179: {  	[tilespmem:s0], [sflag:$0x3] =	stream.indirect_vreg.gather [hbm4b:s4+s3], $0x80, v4, vm0, $0xb8;
	[tilespmem:$0x19400] =	vst v63  }
0x17a: {  	_ = 	snop  }
0x17b: {  	[tilespmem:s5], [sflag:$0x3] =	stream.indirect_vreg.gather [hbm4b:s4+s3], $0x80, v3, vm0, $0xb8;
	[tilespmem:$0x19400] =	vst v63  }
0x17c: {  	v3 =	vld [tilespmem:s31+$0x20];
	_ =	sdelay $0x4  }
0x17d: {  	v42 =	vshrl.u32 v3, $0x3  }
0x17e: {  	v4 =	vmul.u32 $0x18, v42  }
0x17f: {  	v3 =	vand.u32 $0x7, v3  }
0x180: {  	v3 =	vor.u32 v3, v4  }
0x181: {  	v4 =	vperm.xlane v3, v0;
	_ =	sdelay $0x1  }
0x182: {  	v3 =	vperm.xlane v3, v2;
	v4 =	vadd.s32 v1, v4;
	_ =	sdelay $0x1  }
0x183: {  	s0 =	sld [smem:$0x7DA];
	v3 =	vadd.s32 v1, v3;
	_ =	sdelay $0x1  }
0x184: {  	s5 =	sld [smem:$0x7DB]  }
0x185: {  	[tilespmem:s0], [sflag:$0x3] =	stream.indirect_vreg.gather [hbm4b:s4+s3], $0x80, v4, vm0, $0xb8;
	[tilespmem:$0x19400] =	vst v63  }
0x186: {  	_ = 	snop  }
0x187: {  	[tilespmem:s5], [sflag:$0x3] =	stream.indirect_vreg.gather [hbm4b:s4+s3], $0x80, v3, vm0, $0xb8;
	[tilespmem:$0x19400] =	vst v63  }
0x188: {  	v3 =	vld [tilespmem:s31+$0x30];
	_ =	sdelay $0x4  }
0x189: {  	v43 =	vshrl.u32 v3, $0x3  }
0x18a: {  	v4 =	vmul.u32 $0x18, v43  }
0x18b: {  	v3 =	vand.u32 $0x7, v3  }
0x18c: {  	v3 =	vor.u32 v3, v4  }
0x18d: {  	v4 =	vperm.xlane v3, v0;
	_ =	sdelay $0x1  }
0x18e: {  	v3 =	vperm.xlane v3, v2;
	v4 =	vadd.s32 v1, v4;
	_ =	sdelay $0x1  }
0x18f: {  	s0 =	sld [smem:$0x7DC];
	v3 =	vadd.s32 v1, v3;
	_ =	sdelay $0x1  }
0x190: {  	s5 =	sld [smem:$0x7DD]  }
0x191: {  	[tilespmem:s0], [sflag:$0x3] =	stream.indirect_vreg.gather [hbm4b:s4+s3], $0x80, v4, vm0, $0xb8;
	[tilespmem:$0x19400] =	vst v63  }
0x192: {  	_ = 	snop  }
0x193: {  	[tilespmem:s5], [sflag:$0x3] =	stream.indirect_vreg.gather [hbm4b:s4+s3], $0x80, v3, vm0, $0xb8;
	[tilespmem:$0x19400] =	vst v63  }
0x194: {  	v3 =	vld [tilespmem:s31+$0x0];
	_ =	sdelay $0x4  }
0x195: {  	v44 =	vshrl.u32 v3, $0x3  }
0x196: {  	v4 =	vmul.u32 $0x18, v44  }
0x197: {  	v3 =	vand.u32 $0x7, v3  }
0x198: {  	v3 =	vor.u32 v3, v4  }
0x199: {  	v4 =	vperm.xlane v3, v0;
	_ =	sdelay $0x1  }
0x19a: {  	v3 =	vperm.xlane v3, v2;
	v4 =	vadd.s32 v1, v4;
	_ =	sdelay $0x1  }
0x19b: {  	s0 =	sld [smem:$0x7DE];
	v3 =	vadd.s32 v1, v3;
	_ =	sdelay $0x1  }
0x19c: {  	s5 =	sld [smem:$0x7DF]  }
0x19d: {  	[tilespmem:s0], [sflag:$0x3] =	stream.indirect_vreg.gather [hbm4b:s6+s3], $0x80, v4, vm0, $0xb8;
	[tilespmem:$0x19400] =	vst v63  }
0x19e: {  	_ = 	snop  }
0x19f: {  	[tilespmem:s5], [sflag:$0x3] =	stream.indirect_vreg.gather [hbm4b:s6+s3], $0x80, v3, vm0, $0xb8;
	[tilespmem:$0x19400] =	vst v63  }
0x1a0: {  	v3 =	vld [tilespmem:s31+$0x10];
	_ =	sdelay $0x4  }
0x1a1: {  	v45 =	vshrl.u32 v3, $0x3  }
0x1a2: {  	v4 =	vmul.u32 $0x18, v45  }
0x1a3: {  	v3 =	vand.u32 $0x7, v3  }
0x1a4: {  	v3 =	vor.u32 v3, v4  }
0x1a5: {  	v4 =	vperm.xlane v3, v0;
	_ =	sdelay $0x1  }
0x1a6: {  	v3 =	vperm.xlane v3, v2;
	v4 =	vadd.s32 v1, v4;
	_ =	sdelay $0x1  }
0x1a7: {  	s0 =	sld [smem:$0x7E0];
	v3 =	vadd.s32 v1, v3;
	_ =	sdelay $0x1  }
0x1a8: {  	s5 =	sld [smem:$0x7E1]  }
0x1a9: {  	[tilespmem:s0], [sflag:$0x3] =	stream.indirect_vreg.gather [hbm4b:s6+s3], $0x80, v4, vm0, $0xb8;
	[tilespmem:$0x19400] =	vst v63  }
0x1aa: {  	_ = 	snop  }
0x1ab: {  	[tilespmem:s5], [sflag:$0x3] =	stream.indirect_vreg.gather [hbm4b:s6+s3], $0x80, v3, vm0, $0xb8;
	[tilespmem:$0x19400] =	vst v63  }
0x1ac: {  	v3 =	vld [tilespmem:s31+$0x20];
	_ =	sdelay $0x4  }
0x1ad: {  	v46 =	vshrl.u32 v3, $0x3  }
0x1ae: {  	v4 =	vmul.u32 $0x18, v46  }
0x1af: {  	v3 =	vand.u32 $0x7, v3  }
0x1b0: {  	v3 =	vor.u32 v3, v4  }
0x1b1: {  	v4 =	vperm.xlane v3, v0;
	_ =	sdelay $0x1  }
0x1b2: {  	v3 =	vperm.xlane v3, v2;
	v4 =	vadd.s32 v1, v4;
	_ =	sdelay $0x1  }
0x1b3: {  	s0 =	sld [smem:$0x7E2];
	v3 =	vadd.s32 v1, v3;
	_ =	sdelay $0x1  }
0x1b4: {  	s5 =	sld [smem:$0x7E3]  }
0x1b5: {  	[tilespmem:s0], [sflag:$0x3] =	stream.indirect_vreg.gather [hbm4b:s6+s3], $0x80, v4, vm0, $0xb8;
	[tilespmem:$0x19400] =	vst v63  }
0x1b6: {  	_ = 	snop  }
0x1b7: {  	[tilespmem:s5], [sflag:$0x3] =	stream.indirect_vreg.gather [hbm4b:s6+s3], $0x80, v3, vm0, $0xb8;
	[tilespmem:$0x19400] =	vst v63  }
0x1b8: {  	v3 =	vld [tilespmem:s31+$0x30];
	_ =	sdelay $0x4  }
0x1b9: {  	v47 =	vshrl.u32 v3, $0x3  }
0x1ba: {  	v4 =	vmul.u32 $0x18, v47  }
0x1bb: {  	v3 =	vand.u32 $0x7, v3  }
0x1bc: {  	v3 =	vor.u32 v3, v4  }
0x1bd: {  	v4 =	vperm.xlane v3, v0;
	_ =	sdelay $0x1  }
0x1be: {  	v3 =	vperm.xlane v3, v2;
	v4 =	vadd.s32 v1, v4;
	_ =	sdelay $0x1  }
0x1bf: {  	s0 =	sld [smem:$0x7E4];
	v3 =	vadd.s32 v1, v3;
	_ =	sdelay $0x1  }
0x1c0: {  	s5 =	sld [smem:$0x7E5]  }
0x1c1: {  	[tilespmem:s0], [sflag:$0x3] =	stream.indirect_vreg.gather [hbm4b:s6+s3], $0x80, v4, vm0, $0xb8;
	[tilespmem:$0x19400] =	vst v63  }
0x1c2: {  	_ = 	snop  }
0x1c3: {  	[tilespmem:s5], [sflag:$0x3] =	stream.indirect_vreg.gather [hbm4b:s6+s3], $0x80, v3, vm0, $0xb8;
	[tilespmem:$0x19400] =	vst v63  }
0x1c4: {  	v3 =	vld [tilespmem:s31+$0x0];
	_ =	sdelay $0x4  }
0x1c5: {  	v48 =	vperm.xlane v3, v0;
	_ =	sdelay $0x1  }
0x1c6: {  	v3 =	vperm.xlane v3, v2;
	v4 =	vadd.s32 v1, v48;
	_ =	sdelay $0x1  }
0x1c7: {  	s0 =	sld [smem:$0x7E6];
	v3 =	vadd.s32 v1, v3;
	_ =	sdelay $0x1  }
0x1c8: {  	s5 =	sld [smem:$0x7E7]  }
0x1c9: {  	[tilespmem:s0], [sflag:$0x3] =	stream.indirect_vreg.gather [hbm4b:s2+s3], $0x80, v4, vm0, $0xb8;
	[tilespmem:$0x19400] =	vst v63  }
0x1ca: {  	_ = 	snop  }
0x1cb: {  	[tilespmem:s5], [sflag:$0x3] =	stream.indirect_vreg.gather [hbm4b:s2+s3], $0x80, v3, vm0, $0xb8;
	[tilespmem:$0x19400] =	vst v63  }
0x1cc: {  	v3 =	vld [tilespmem:s31+$0x10];
	_ =	sdelay $0x4  }
0x1cd: {  	v49 =	vperm.xlane v3, v0;
	_ =	sdelay $0x1  }
0x1ce: {  	v3 =	vperm.xlane v3, v2;
	v4 =	vadd.s32 v1, v49;
	_ =	sdelay $0x1  }
0x1cf: {  	s0 =	sld [smem:$0x7E8];
	v3 =	vadd.s32 v1, v3;
	_ =	sdelay $0x1  }
0x1d0: {  	s5 =	sld [smem:$0x7E9]  }
0x1d1: {  	[tilespmem:s0], [sflag:$0x3] =	stream.indirect_vreg.gather [hbm4b:s2+s3], $0x80, v4, vm0, $0xb8;
	[tilespmem:$0x19400] =	vst v63  }
0x1d2: {  	_ = 	snop  }
0x1d3: {  	[tilespmem:s5], [sflag:$0x3] =	stream.indirect_vreg.gather [hbm4b:s2+s3], $0x80, v3, vm0, $0xb8;
	[tilespmem:$0x19400] =	vst v63  }
0x1d4: {  	v3 =	vld [tilespmem:s31+$0x20];
	_ =	sdelay $0x4  }
0x1d5: {  	v50 =	vperm.xlane v3, v0;
	_ =	sdelay $0x1  }
0x1d6: {  	v3 =	vperm.xlane v3, v2;
	v4 =	vadd.s32 v1, v50;
	_ =	sdelay $0x1  }
0x1d7: {  	s0 =	sld [smem:$0x7EA];
	v3 =	vadd.s32 v1, v3;
	_ =	sdelay $0x1  }
0x1d8: {  	s5 =	sld [smem:$0x7EB]  }
0x1d9: {  	[tilespmem:s0], [sflag:$0x3] =	stream.indirect_vreg.gather [hbm4b:s2+s3], $0x80, v4, vm0, $0xb8;
	[tilespmem:$0x19400] =	vst v63  }
0x1da: {  	_ = 	snop  }
0x1db: {  	[tilespmem:s5], [sflag:$0x3] =	stream.indirect_vreg.gather [hbm4b:s2+s3], $0x80, v3, vm0, $0xb8;
	[tilespmem:$0x19400] =	vst v63  }
0x1dc: {  	v3 =	vld [tilespmem:s31+$0x30];
	_ =	sdelay $0x4  }
0x1dd: {  	v51 =	vperm.xlane v3, v0;
	_ =	sdelay $0x1  }
0x1de: {  	v3 =	vperm.xlane v3, v2;
	v4 =	vadd.s32 v1, v51;
	_ =	sdelay $0x1  }
0x1df: {  	s0 =	sld [smem:$0x7EC];
	v3 =	vadd.s32 v1, v3;
	_ =	sdelay $0x1  }
0x1e0: {  	s5 =	sld [smem:$0x7ED]  }
0x1e1: {  	[tilespmem:s0], [sflag:$0x3] =	stream.indirect_vreg.gather [hbm4b:s2+s3], $0x80, v4, vm0, $0xb8;
	[tilespmem:$0x19400] =	vst v63  }
0x1e2: {  	_ = 	snop  }
0x1e3: {  	[tilespmem:s5], [sflag:$0x3] =	stream.indirect_vreg.gather [hbm4b:s2+s3], $0x80, v3, vm0, $0xb8;
	[tilespmem:$0x19400] =	vst v63  }
0x1e4: {  	v3 =	vld [tilespmem:s31+$0x80];
	_ =	sdelay $0x4  }
0x1e5: {  	v52 =	vshrl.u32 v3, $0x3  }
0x1e6: {  	v4 =	vmul.u32 $0x18, v52  }
0x1e7: {  	v3 =	vand.u32 $0x7, v3  }
0x1e8: {  	v3 =	vor.u32 v3, v4  }
0x1e9: {  	v4 =	vperm.xlane v3, v0;
	_ =	sdelay $0x1  }
0x1ea: {  	v3 =	vperm.xlane v3, v2;
	v4 =	vadd.s32 v1, v4;
	_ =	sdelay $0x1  }
0x1eb: {  	v3 =	vadd.s32 v1, v3;
	_ =	sdelay $0x1  }
0x1ec: {  	s5 =	sld [smem:$0x7EE]  }
0x1ed: {  	[tilespmem:s12], [sflag:$0x4] =	stream.indirect_vreg.gather [hbm4b:s4+s3], $0x80, v4, vm0, $0xb8;
	[tilespmem:$0x19400] =	vst v63  }
0x1ee: {  	_ = 	snop  }
0x1ef: {  	[tilespmem:s5], [sflag:$0x4] =	stream.indirect_vreg.gather [hbm4b:s4+s3], $0x80, v3, vm0, $0xb8;
	[tilespmem:$0x19400] =	vst v63  }
0x1f0: {  	v3 =	vld [tilespmem:s31+$0x90];
	_ =	sdelay $0x4  }
0x1f1: {  	v53 =	vshrl.u32 v3, $0x3  }
0x1f2: {  	v4 =	vmul.u32 $0x18, v53  }
0x1f3: {  	v3 =	vand.u32 $0x7, v3  }
0x1f4: {  	v3 =	vor.u32 v3, v4  }
0x1f5: {  	v4 =	vperm.xlane v3, v0;
	_ =	sdelay $0x1  }
0x1f6: {  	v3 =	vperm.xlane v3, v2;
	v4 =	vadd.s32 v1, v4;
	_ =	sdelay $0x1  }
0x1f7: {  	s0 =	sld [smem:$0x7EF];
	v3 =	vadd.s32 v1, v3;
	_ =	sdelay $0x1  }
0x1f8: {  	s5 =	sld [smem:$0x7F0]  }
0x1f9: {  	[tilespmem:s0], [sflag:$0x4] =	stream.indirect_vreg.gather [hbm4b:s4+s3], $0x80, v4, vm0, $0xb8;
	[tilespmem:$0x19400] =	vst v63  }
0x1fa: {  	_ = 	snop  }
0x1fb: {  	[tilespmem:s5], [sflag:$0x4] =	stream.indirect_vreg.gather [hbm4b:s4+s3], $0x80, v3, vm0, $0xb8;
	[tilespmem:$0x19400] =	vst v63  }
0x1fc: {  	v3 =	vld [tilespmem:s31+$0xA0];
	_ =	sdelay $0x4  }
0x1fd: {  	v54 =	vshrl.u32 v3, $0x3  }
0x1fe: {  	v4 =	vmul.u32 $0x18, v54  }
0x1ff: {  	v3 =	vand.u32 $0x7, v3  }
0x200: {  	v3 =	vor.u32 v3, v4  }
0x201: {  	v4 =	vperm.xlane v3, v0;
	_ =	sdelay $0x1  }
0x202: {  	v3 =	vperm.xlane v3, v2;
	v4 =	vadd.s32 v1, v4;
	_ =	sdelay $0x1  }
0x203: {  	s0 =	sld [smem:$0x7F1];
	v3 =	vadd.s32 v1, v3;
	_ =	sdelay $0x1  }
0x204: {  	s5 =	sld [smem:$0x7F2]  }
0x205: {  	[tilespmem:s0], [sflag:$0x4] =	stream.indirect_vreg.gather [hbm4b:s4+s3], $0x80, v4, vm0, $0xb8;
	[tilespmem:$0x19400] =	vst v63  }
0x206: {  	_ = 	snop  }
0x207: {  	[tilespmem:s5], [sflag:$0x4] =	stream.indirect_vreg.gather [hbm4b:s4+s3], $0x80, v3, vm0, $0xb8;
	[tilespmem:$0x19400] =	vst v63  }
0x208: {  	v3 =	vld [tilespmem:s31+$0xB0];
	_ =	sdelay $0x4  }
0x209: {  	v55 =	vshrl.u32 v3, $0x3  }
0x20a: {  	v4 =	vmul.u32 $0x18, v55  }
0x20b: {  	v3 =	vand.u32 $0x7, v3  }
0x20c: {  	v3 =	vor.u32 v3, v4  }
0x20d: {  	v4 =	vperm.xlane v3, v0;
	_ =	sdelay $0x1  }
0x20e: {  	v3 =	vperm.xlane v3, v2;
	v4 =	vadd.s32 v1, v4;
	_ =	sdelay $0x1  }
0x20f: {  	s0 =	sld [smem:$0x7F3];
	v3 =	vadd.s32 v1, v3;
	_ =	sdelay $0x1  }
0x210: {  	s5 =	sld [smem:$0x7F5]  }
0x211: {  	[tilespmem:s0], [sflag:$0x4] =	stream.indirect_vreg.gather [hbm4b:s4+s3], $0x80, v4, vm0, $0xb8;
	[tilespmem:$0x19400] =	vst v63  }
0x212: {  	_ = 	snop  }
0x213: {  	[tilespmem:s5], [sflag:$0x4] =	stream.indirect_vreg.gather [hbm4b:s4+s3], $0x80, v3, vm0, $0xb8;
	[tilespmem:$0x19400] =	vst v63  }
0x214: {  	v3 =	vld [tilespmem:s31+$0x80];
	_ =	sdelay $0x4  }
0x215: {  	v56 =	vshrl.u32 v3, $0x3  }
0x216: {  	v4 =	vmul.u32 $0x18, v56  }
0x217: {  	v3 =	vand.u32 $0x7, v3  }
0x218: {  	v3 =	vor.u32 v3, v4  }
0x219: {  	v4 =	vperm.xlane v3, v0;
	_ =	sdelay $0x1  }
0x21a: {  	v3 =	vperm.xlane v3, v2;
	v4 =	vadd.s32 v1, v4;
	_ =	sdelay $0x1  }
0x21b: {  	s0 =	sld [smem:$0x7F6];
	v3 =	vadd.s32 v1, v3;
	_ =	sdelay $0x1  }
0x21c: {  	s5 =	sld [smem:$0x7F7]  }
0x21d: {  	[tilespmem:s0], [sflag:$0x4] =	stream.indirect_vreg.gather [hbm4b:s6+s3], $0x80, v4, vm0, $0xb8;
	[tilespmem:$0x19400] =	vst v63  }
0x21e: {  	_ = 	snop  }
0x21f: {  	[tilespmem:s5], [sflag:$0x4] =	stream.indirect_vreg.gather [hbm4b:s6+s3], $0x80, v3, vm0, $0xb8;
	[tilespmem:$0x19400] =	vst v63  }
0x220: {  	v3 =	vld [tilespmem:s31+$0x90];
	_ =	sdelay $0x4  }
0x221: {  	v57 =	vshrl.u32 v3, $0x3  }
0x222: {  	v4 =	vmul.u32 $0x18, v57  }
0x223: {  	v3 =	vand.u32 $0x7, v3  }
0x224: {  	v3 =	vor.u32 v3, v4  }
0x225: {  	v4 =	vperm.xlane v3, v0;
	_ =	sdelay $0x1  }
0x226: {  	v3 =	vperm.xlane v3, v2;
	v4 =	vadd.s32 v1, v4;
	_ =	sdelay $0x1  }
0x227: {  	s0 =	sld [smem:$0x7F8];
	v3 =	vadd.s32 v1, v3;
	_ =	sdelay $0x1  }
0x228: {  	s5 =	sld [smem:$0x7F9]  }
0x229: {  	[tilespmem:s0], [sflag:$0x4] =	stream.indirect_vreg.gather [hbm4b:s6+s3], $0x80, v4, vm0, $0xb8;
	[tilespmem:$0x19400] =	vst v63  }
0x22a: {  	_ = 	snop  }
0x22b: {  	[tilespmem:s5], [sflag:$0x4] =	stream.indirect_vreg.gather [hbm4b:s6+s3], $0x80, v3, vm0, $0xb8;
	[tilespmem:$0x19400] =	vst v63  }
0x22c: {  	v3 =	vld [tilespmem:s31+$0xA0];
	_ =	sdelay $0x4  }
0x22d: {  	v58 =	vshrl.u32 v3, $0x3  }
0x22e: {  	v4 =	vmul.u32 $0x18, v58  }
0x22f: {  	v3 =	vand.u32 $0x7, v3  }
0x230: {  	v3 =	vor.u32 v3, v4  }
0x231: {  	v4 =	vperm.xlane v3, v0;
	_ =	sdelay $0x1  }
0x232: {  	v3 =	vperm.xlane v3, v2;
	v4 =	vadd.s32 v1, v4;
	_ =	sdelay $0x1  }
0x233: {  	s0 =	sld [smem:$0x7FA];
	v3 =	vadd.s32 v1, v3;
	_ =	sdelay $0x1  }
0x234: {  	s5 =	sld [smem:$0x7FB]  }
0x235: {  	[tilespmem:s0], [sflag:$0x4] =	stream.indirect_vreg.gather [hbm4b:s6+s3], $0x80, v4, vm0, $0xb8;
	[tilespmem:$0x19400] =	vst v63  }
0x236: {  	_ = 	snop  }
0x237: {  	[tilespmem:s5], [sflag:$0x4] =	stream.indirect_vreg.gather [hbm4b:s6+s3], $0x80, v3, vm0, $0xb8;
	[tilespmem:$0x19400] =	vst v63  }
0x238: {  	v3 =	vld [tilespmem:s31+$0xB0];
	_ =	sdelay $0x4  }
0x239: {  	v59 =	vshrl.u32 v3, $0x3  }
0x23a: {  	v4 =	vmul.u32 $0x18, v59  }
0x23b: {  	v3 =	vand.u32 $0x7, v3  }
0x23c: {  	v3 =	vor.u32 v3, v4  }
0x23d: {  	v4 =	vperm.xlane v3, v0;
	_ =	sdelay $0x1  }
0x23e: {  	v3 =	vperm.xlane v3, v2;
	v4 =	vadd.s32 v1, v4;
	_ =	sdelay $0x1  }
0x23f: {  	s0 =	sld [smem:$0x7FC];
	v3 =	vadd.s32 v1, v3;
	_ =	sdelay $0x1  }
0x240: {  	s5 =	sld [smem:$0x7FD]  }
0x241: {  	[tilespmem:s0], [sflag:$0x4] =	stream.indirect_vreg.gather [hbm4b:s6+s3], $0x80, v4, vm0, $0xb8;
	[tilespmem:$0x19400] =	vst v63  }
0x242: {  	_ = 	snop  }
0x243: {  	[tilespmem:s5], [sflag:$0x4] =	stream.indirect_vreg.gather [hbm4b:s6+s3], $0x80, v3, vm0, $0xb8;
	[tilespmem:$0x19400] =	vst v63  }
0x244: {  	v3 =	vld [tilespmem:s31+$0x80];
	_ =	sdelay $0x4  }
0x245: {  	v60 =	vperm.xlane v3, v0;
	_ =	sdelay $0x1  }
0x246: {  	v3 =	vperm.xlane v3, v2;
	v4 =	vadd.s32 v1, v60;
	_ =	sdelay $0x1  }
0x247: {  	v3 =	vadd.s32 v1, v3;
	_ =	sdelay $0x2  }
0x248: {  	[tilespmem:s13], [sflag:$0x4] =	stream.indirect_vreg.gather [hbm4b:s2+s3], $0x80, v4, vm0, $0xb8;
	[tilespmem:$0x19400] =	vst v63  }
0x249: {  	_ = 	snop  }
0x24a: {  	[tilespmem:s14], [sflag:$0x4] =	stream.indirect_vreg.gather [hbm4b:s2+s3], $0x80, v3, vm0, $0xb8;
	[tilespmem:$0x19400] =	vst v63  }
0x24b: {  	v3 =	vld [tilespmem:s31+$0x90];
	_ =	sdelay $0x4  }
0x24c: {  	v61 =	vperm.xlane v3, v0;
	_ =	sdelay $0x1  }
0x24d: {  	v3 =	vperm.xlane v3, v2;
	v4 =	vadd.s32 v1, v61;
	_ =	sdelay $0x1  }
0x24e: {  	v3 =	vadd.s32 v1, v3;
	_ =	sdelay $0x2  }
0x24f: {  	[tilespmem:s15], [sflag:$0x4] =	stream.indirect_vreg.gather [hbm4b:s2+s3], $0x80, v4, vm0, $0xb8;
	[tilespmem:$0x19400] =	vst v63  }
0x250: {  	_ = 	snop  }
0x251: {  	[tilespmem:s16], [sflag:$0x4] =	stream.indirect_vreg.gather [hbm4b:s2+s3], $0x80, v3, vm0, $0xb8;
	[tilespmem:$0x19400] =	vst v63  }
0x252: {  	v3 =	vld [tilespmem:s31+$0xA0];
	_ =	sdelay $0x4  }
0x253: {  	v62 =	vperm.xlane v3, v0;
	_ =	sdelay $0x1  }
0x254: {  	v3 =	vperm.xlane v3, v2;
	v4 =	vadd.s32 v1, v62;
	_ =	sdelay $0x1  }
0x255: {  	v3 =	vadd.s32 v1, v3;
	_ =	sdelay $0x2  }
0x256: {  	[tilespmem:s17], [sflag:$0x4] =	stream.indirect_vreg.gather [hbm4b:s2+s3], $0x80, v4, vm0, $0xb8;
	[tilespmem:$0x19400] =	vst v63  }
0x257: {  	_ = 	snop  }
0x258: {  	[tilespmem:s18], [sflag:$0x4] =	stream.indirect_vreg.gather [hbm4b:s2+s3], $0x80, v3, vm0, $0xb8;
	[tilespmem:$0x19400] =	vst v63  }
0x259: {  	v3 =	vld [tilespmem:s31+$0xB0];
	_ =	sdelay $0x4  }
0x25a: {  	v63 =	vperm.xlane v3, v0;
	_ =	sdelay $0x1  }
0x25b: {  	v3 =	vperm.xlane v3, v2;
	v4 =	vadd.s32 v1, v63;
	_ =	sdelay $0x1  }
0x25c: {  	v3 =	vadd.s32 v1, v3;
	_ =	sdelay $0x2  }
0x25d: {  	[tilespmem:s19], [sflag:$0x4] =	stream.indirect_vreg.gather [hbm4b:s2+s3], $0x80, v4, vm0, $0xb8;
	[tilespmem:$0x19400] =	vst v63  }
0x25e: {  	_ = 	snop  }
0x25f: {  	[tilespmem:s20], [sflag:$0x4] =	stream.indirect_vreg.gather [hbm4b:s2+s3], $0x80, v3, vm0, $0xb8;
	[tilespmem:$0x19400] =	vst v63  }
0x260: {  	_ =	swait.ge [sflag:s21], $0x2000  }
0x261: {  	[sflag:s21] =	ssyncset.done $0x0  }
0x262: {  	[sflag:s21] =	ssyncadd.s32 $0xFFFFE000  }
0x263: {  	_ =	swait.ge [sflag:s21], $0x2000  }
0x264: {  	[sflag:s21] =	ssyncset.done $0x0  }
0x265: {  	[sflag:s21] =	ssyncadd.s32 $0xFFFFE000  }
0x266: {  	_ =	swait.ge [sflag:s21], $0x2000  }
0x267: {  	s5 =	rddreg [dreg:$0x4];
	[sflag:s21] =	ssyncset.done $0x0  }
0x268: {  	[sflag:s21] =	ssyncadd.s32 $0xFFFFE000;
	s0 =	sadd.s32 s1, s5  }
0x269: {  	[hbm4b:s0+s3] =	stream.linear.scatter [tilespmem:s9], [sflag:$0x5], $0x6000, $0x38;
	[tilespmem:$0x19400] =	vst v63  }
0x26a: {  	_ =	swait.ge [sflag:s22], $0x2000  }
0x26b: {  	[sflag:s22] =	ssyncset.done $0x0  }
0x26c: {  	[sflag:s22] =	ssyncadd.s32 $0xFFFFE000  }
0x26d: {  	_ =	swait.ge [sflag:s22], $0x2000  }
0x26e: {  	[sflag:s22] =	ssyncset.done $0x0  }
0x26f: {  	[sflag:s22] =	ssyncadd.s32 $0xFFFFE000  }
0x270: {  	_ =	swait.ge [sflag:s22], $0x2000  }
0x271: {  	s5 =	rddreg [dreg:$0x5];
	[sflag:s22] =	ssyncset.done $0x0  }
0x272: {  	[sflag:s22] =	ssyncadd.s32 $0xFFFFE000;
	s0 =	sadd.s32 s1, s5  }
0x273: {  	[hbm4b:s0+s3] =	stream.linear.scatter [tilespmem:s10], [sflag:$0x6], $0x6000, $0x38;
	[tilespmem:$0x19400] =	vst v63  }
0x274: {  	_ =	swait.ge [sflag:s23], $0x2000  }
0x275: {  	[sflag:s23] =	ssyncset.done $0x0  }
0x276: {  	[sflag:s23] =	ssyncadd.s32 $0xFFFFE000  }
0x277: {  	_ =	swait.ge [sflag:s23], $0x2000  }
0x278: {  	[sflag:s23] =	ssyncset.done $0x0  }
0x279: {  	[sflag:s23] =	ssyncadd.s32 $0xFFFFE000  }
0x27a: {  	_ =	swait.ge [sflag:s23], $0x2000  }
0x27b: {  	s5 =	rddreg [dreg:$0x6];
	[sflag:s23] =	ssyncset.done $0x0  }
0x27c: {  	[sflag:s23] =	ssyncadd.s32 $0xFFFFE000;
	s0 =	sadd.s32 s1, s5  }
0x27d: {  	[hbm4b:s0+s3] =	stream.linear.scatter [tilespmem:s11], [sflag:$0x7], $0x6000, $0x38;
	[tilespmem:$0x19400] =	vst v63  }
0x27e: {  	_ =	swait.ge [sflag:s24], $0x2000  }
0x27f: {  	[sflag:s24] =	ssyncset.done $0x0  }
0x280: {  	[sflag:s24] =	ssyncadd.s32 $0xFFFFE000  }
0x281: {  	_ =	swait.ge [sflag:s24], $0x2000  }
0x282: {  	[sflag:s24] =	ssyncset.done $0x0  }
0x283: {  	[sflag:s24] =	ssyncadd.s32 $0xFFFFE000  }
0x284: {  	_ =	swait.ge [sflag:s24], $0x2000  }
0x285: {  	s5 =	rddreg [dreg:$0x7];
	[sflag:s24] =	ssyncset.done $0x0  }
0x286: {  	[sflag:s24] =	ssyncadd.s32 $0xFFFFE000;
	s0 =	sadd.s32 s1, s5  }
0x287: {  	[hbm4b:s0+s3] =	stream.linear.scatter [tilespmem:s12], [sflag:$0x8], $0x6000, $0x38;
	[tilespmem:$0x19400] =	vst v63  }
0x288: {  	_ =	swait.ge [sflag:s25], $0x6000  }
0x289: {  	[sflag:s25] =	ssyncset.done $0x0  }
0x28a: {  	[sflag:s25] =	ssyncadd.s32 $0xFFFFA000  }
0x28b: {  	_ =	swait.ge [sflag:s26], $0x6000  }
0x28c: {  	[sflag:s26] =	ssyncset.done $0x0  }
0x28d: {  	[sflag:s26] =	ssyncadd.s32 $0xFFFFA000  }
0x28e: {  	p0 =	sne.s32 s1, $0x1B000;
	_ =	swait.ge [sflag:s28], $0x6000  }
.Ltmp0:
0x28f: {  	[sflag:s28] =	ssyncset.done $0x0;
	(pc) =	sbr.rel @p0 .LBB2_2-.Ltmp0, $4  }
0x290: {  	[sflag:s28] =	ssyncadd.s32 $0xFFFFA000  }
0x291: {  	_ =	swait.ge [sflag:s29], $0x6000  }
0x292: {  	[sflag:s29] =	ssyncset.done $0x0  }
0x293: {  	s31 =	sadd.s32 $0x200, s31;
	s1 =	sadd.s32 $0x3000, s1;
	[sflag:s29] =	ssyncadd.s32 $0xFFFFA000  }
0x294: {  	s30 =	sadd.s32 $0x1, s30  }
0x295: {  	p0 =	sne.s32 s30, s7  }
.Ltmp1:
0x296: {  	_ = 	snop;
	(pc) =	sbr.rel @p0 .LBB2_1-.Ltmp1, $1  }
0x297: {  	_ =	sdelay $0x3  }
0x298: {  	_ =	sfence.sel $0x180000  }
0x299: {  	[bflag:$0x0] =	sbarrier.arrive $0xFFFF  }
0x29a: {  	_ =	strace $0x90000047  }
0x29b: {  	s0 =	stileid.u32;
	[bflag:$0x2] =	sbarrier.arrive $0xFFFF  }
0x29c: {  	p0 =	sne.s32 s0, $0x0;
	s0 =	rddreg [dreg:$0x3]  }
0x29d: {  	s0 =	sadd.s32 @!p0 $0x100000, s0  }
0x29e: {  	[sflag:s0] =	ssyncadd.tile.s32 @!p0 $0x1;
	_ =	shalt  }
.Lfunc_end2:
_tile_overlayer_lowered:
.L_overlay_start_2:
0x29f: {  	(tag) =	ssettag $0x2  }
0x2a0: {  	s0 =	rddreg [dreg:$0x0];
	s2 =	stileid.u32  }
0x2a1: {  	s1 =	rddreg [dreg:$0x1];
	p0 =	sne.s32 s2, $0x0  }
0x2a2: {  	s3 =	rddreg [dreg:$0x2];
	[bflag:$0x3] =	sbarrier.arrive $0xFFFF;
	s2 =	simm.s32 @!p0 $0x1C09  }
0x2a3: {  	[timem:s3], [sflag:s2] =	dma.local @!p0 [hbm:s0], s1  }
0x2a4: {  	s0 =	simm.s32 @!p0 $0x9  }
0x2a5: {  	_ =	swait.ge @!p0 [sflag:s0], s1  }
0x2a6: {  	s1 =	ssub.s32 @!p0 $0x0, s1;
	[sflag:s0] =	ssyncset.done @!p0 $0x0  }
0x2a7: {  	[sflag:s0] =	ssyncadd.s32 @!p0 s1  }
0x2a8: {  	[bflag:$0x3] =	sbarrier.arrive $0xFFFF  }
0x2a9: {  	_ =	shalt  }

// kernel: sparse-core-data-format-call.1.cloned.1.call-start
scs
called_computation.1_lowered:
.L_overlay_start_0:
0x0: {  	s2 =	sld [smem:$0x3FD9]  }
0x1: {  	s3 =	sld [smem:$0x3FFE];
	_ =	sdelay $0x1  }
0x2: {  	s1 =	srdreg.scid  }
0x3: {  	s0 =	sand.u32 $0x1, s1  }
0x4: {  	s16 =	sshll.u32 s0, $0xA;
	s2 =	sadd.s32 s3, s2  }
0x5: {  	s2 =	sadd.s32 s2, s16  }
0x6: {  	[smem:$0x3FC4] =	sst s2  }
0x7: {  	_ = 	snop  }
0x8: {  	s2 =	sld [smem:$0x3FD0];
	_ =	sdelay $0x2  }
0x9: {  	s17 =	simm.s32 $0xC;
	s4 =	simm.s32 $0x10  }
0xa: {  	[smem:s4], [sflag:s17] =	dma.local [hbm:s2], $0x1  }
0xb: {  	_ =	swait.eq [sflag:s17], $0x1  }
0xc: {  	[sflag:s17] =	ssyncset.done $0x0  }
0xd: {  	[sflag:s17] =	ssyncadd.s32 $0xFFFFFFFF  }
0xe: {  	s18 =	sld [smem:$0x11];
	(tm) =	ssettm $0x1  }
0xf: {  	s19 =	sld [smem:$0x3FFB];
	_ =	sdelay $0x3  }
0x10: {  	_ =	strace s19  }
0x11: {  	s2 =	sld [smem:$0x3FFC];
	_ =	sdelay $0x3  }
0x12: {  	_ =	strace s2  }
0x13: {  	s2 =	sld [smem:$0x3FFD];
	_ =	sdelay $0x3  }
0x14: {  	_ =	strace s2  }
0x15: {  	_ =	strace $0x8FFFFFFF  }
0x16: {  	s20 =	sld [smem:$0x3FDB];
	_ =	sdelay $0x1  }
0x17: {  	s21 =	simm.s32 $_scs_section_size  }
0x18: {  	s5 =	simm.s32 $_size__tile_overlayer_lowered;
	s6 =	simm.s32 $_tile_overlayer_lowered  }
0x19: {  	s7 =	simm.s32 $0x1BFF;
	s22 =	sshll.u32 s6, $0x1;
	s4 =	sadd.s32 s21, s20  }
0x1a: {  	s23 =	simm.s32 $0x0;
	s5 =	sshll.u32 s5, $0x1;
	s6 =	sadd.s32 s22, s4  }
0x1b: {  	[timem:s23], [sflag:s7] =	dma.local [hbm:s6], s5  }
0x1c: {  	_ =	swait.ge [sflag:s7], s5  }
0x1d: {  	s5 =	ssub.s32 $0x0, s5;
	[sflag:s7] =	ssyncset.done $0x0  }
0x1e: {  	[sflag:s7] =	ssyncadd.s32 s5;
	_ =	sdelay $0x1  }
0x1f: {  	s24 =	simm.s32 $0x1B8B  }
0x20: {  	_ =	swait.ge [sflag:s24], $0x1  }
0x21: {  	[sflag:s24] =	ssyncset.done $0x0  }
0x22: {  	[sflag:s24] =	ssyncadd.s32 $0xFFFFFFFF  }
0x23: {  	s5 =	sld [smem:$0x0]  }
0x24: {  	s6 =	sand.u32 $0xFFFFFFFE, s1  }
0x25: {  	p0 =	sne.s32 s1, s6  }
0x26: {  	s6 =	sshll.u32 @p0 s6, $0xE  }
0x27: {  	s6 =	sadd.s32 @p0 $0x11B8D, s6;
	s7 =	sshll.u32 @p0 s5, $0x11  }
0x28: {  	s6 =	sor.u32 @p0 s7, s6  }
0x29: {  	[sflag:s6] =	ssyncadd.remote.s32 @p0 $0x1;
	_ =	sdelay $0x1  }
0x2a: {  	s6 =	simm.s32 @p0 $0x1B8D  }
0x2b: {  	_ =	swait.eq @p0 [sflag:s6], $0x1  }
0x2c: {  	[sflag:s6] =	ssyncadd.s32 @p0 $0xFFFFFFFF  }
0x2d: {  	s7 =	sshll.u32 @!p0 s1, $0xE  }
0x2e: {  	s7 =	sor.u32 @!p0 $0x4000, s7;
	s6 =	simm.s32 @!p0 $0x1B8D  }
0x2f: {  	s5 =	sshll.u32 @!p0 s5, $0x11;
	s7 =	sadd.s32 @!p0 $0x11B8D, s7;
	_ =	swait.eq @!p0 [sflag:s6], $0x1  }
0x30: {  	s5 =	sor.u32 @!p0 s5, s7;
	[sflag:s6] =	ssyncadd.s32 @!p0 $0xFFFFFFFF  }
0x31: {  	s26 =	simm.s32 $0x1B8E;
	s25 =	sld [smem:$0x3FFE];
	[sflag:s5] =	ssyncadd.remote.s32 @!p0 $0x1  }
0x32: {  	s27 =	simm.s32 $execute0_lowered;
	[smem:$0x3FD2] =	sst s26  }
0x33: {  	s6 =	sshll.u32 s27, $0x1;
	_ =	strace $0x8000004F;
	[dreg:$0x1] =	wrdreg $0xFFFFFFFF  }
0x34: {  	s28 =	simm.s32 $_size_execute0_lowered;
	s4 =	sadd.s32 s4, s6;
	[dreg:$0x0] =	wrdreg $0x0  }
0x35: {  	s6 =	sshll.u32 s28, $0x1;
	[dreg:$0x2] =	wrdreg s4  }
0x36: {  	[dreg:$0x3] =	wrdreg s6  }
0x37: {  	[dreg:$0x4] =	wrdreg $0xC0  }
0x38: {  	_ =	task [dreg:s23], $0x5FFFF  }
0x39: {  	[dreg:$0x1] =	wrdreg $0xFFFFFFFF  }
0x3a: {  	[dreg:$0x0] =	wrdreg $0x60  }
0x3b: {  	[dreg:$0x2] =	wrdreg s25  }
0x3c: {  	[dreg:$0x3] =	wrdreg s18  }
0x3d: {  	[dreg:$0x4] =	wrdreg $0x9  }
0x3e: {  	_ =	task.clear_ibuf [dreg:s23], $0x5FFFF;
	_ =	strace $0x9000004F  }
0x3f: {  	s29 =	simm.s32 $0x9;
	_ =	strace $0x80000051  }
0x40: {  	_ =	swait.ge [sflag:s29], $0x1  }
0x41: {  	[sflag:s29] =	ssyncadd.s32 $0xFFFFFFFF  }
0x42: {  	_ =	strace $0x90000051  }
0x43: {  	_ =	sfence  }
0x44: {  	s30 =	sld [smem:$0x0];
	_ =	sdelay $0x2  }
0x45: {  	s31 =	sshll.u32 s1, $0xD;
	s1 =	sshrl.u32 s1, $0x2  }
0x46: {  	s4 =	sand.u32 $0x4000, s31;
	s1 =	sadd.s32 s1, s30  }
0x47: {  	s0 =	sor.u32 s4, s0;
	s1 =	sshll.u32 s1, $0x11  }
0x48: {  	s0 =	sor.u32 s1, s0  }
0x49: {  	s0 =	sadd.s32 $0x8F2B, s0  }
0x4a: {  	[sflag:s0] =	ssyncadd.remote.s32 $0x1  }
0x4b: {  	_ =	sfence.sel $0xFFFF  }
0x4c: {  	[dreg:$0x0] =	wrdreg $0xFFFFFFFF;
	(pc) =	sbr.abs _section_cstart, $3  }
0x4d: {  	[dreg:$0x1] =	wrdreg $0xFFFFFFFF  }
0x4e: {  	_ =	task.clear_ibuf [dreg:s23], $0x2FFFF;
	_ =	strace $0x9FFFFFFF  }
0x4f: {  	(tm) =	ssettm $0x7FFFFFFF  }
tec
execute0_lowered:
.L_overlay_start_1:
0x0: {  	(tag) =	ssettag $0x1  }
0x1: {  	s0 =	srdreg.scid;
	s6 =	rddreg [dreg:$0x0]  }
0x2: {  	s3 =	rddreg [dreg:$0x1];
	s1 =	sshll.u32 s0, $0x4  }
0x3: {  	s5 =	simm.s32 $0x1;
	s0 =	stileid.u32;
	s1 =	sand.u32 $0x10, s1  }
0x4: {  	s31 =	simm.s32 $0x2;
	s16 =	simm.s32 $0x0;
	s1 =	sor.u32 s0, s1  }
0x5: {  	s8 =	simm.s32 $0x8000;
	s18 =	simm.s32 $0x0;
	s2 =	sshll.u32 s1, $0x7  }
0x6: {  	s17 =	simm.s32 $0x0;
	s9 =	simm.s32 $0x0;
	s4 =	ssub.s32 $0x1000, s2  }
0x7: {  	s10 =	simm.s32 $0x0;
	s11 =	simm.s32 $0x0;
	s30 =	sand.u32 $0xF80, s4  }
0x8: {  	s12 =	simm.s32 $0x0;
	s13 =	simm.s32 $0x0;
	p0 =	sne.s32 s30, $0x0  }
.Ltmp0:
0x9: {  	s7 =	sshrl.u32 s4, $0xC;
	s5 =	simm.s32 @!p0 $0x0;
	(pc) =	sbr.rel .LBB1_1-.Ltmp0, $4  }
0xa: {  	s15 =	simm.s32 $0x0;
	s1 =	rddreg [dreg:$0x2];
	s5 =	sadd.s32 s5, s7  }
0xb: {  	_ =	strace $0x80000050;
	s4 =	simm.s32 $0x1;
	s5 =	smul.u32 $0x3C, s5  }
0xc: {  	s6 =	sadd.s32 $0xFDFC00, s6;
	s14 =	smov.u32 s2;
	[sflag:s4] =	ssyncpa.u1 $0x0  }
0xd: {  	[sflag:s31] =	ssyncpa.u1 $0x0;
	p0 =	por $0x0, $0x0;
	s7 =	sor.u32 $0x1, s5  }
.LBB1_4:
0xe: {  	s23 =	sshra.s32 s23, $0x2;
	s30 =	sshll.u32 s9, $0xC  }
0xf: {  	p1 =	sgt.s32 s10, $0x13;
	s24 =	smov.u32 s10;
	s25 =	sshra.s32 s10, $0x1F  }
0x10: {  	s26 =	sshll.u32 s11, $0x3;
	s28 =	smov.u32 s11;
	s29 =	sshra.s32 s11, $0x1F  }
0x11: {  	s22 =	sadd.s32 s23, s22;
	s24 =	simm.s32 @!p1 $0x13;
	s25 =	sand.u32 s25, s10  }
0x12: {  	s23 =	sand.u32 $0xFFFF8000, s30;
	s27 =	sand.u32 $0xFFFFFC00, s26;
	p1 =	sgt.s32 s9, $0xB0  }
0x13: {  	s31 =	sand.u32 s29, s11;
	s29 =	sshll.u32 s9, $0x7;
	s30 =	sshra.s32 s9, $0x1F  }
0x14: {  	[tilespmem:s21+$0x2040 ss:$0x81] =	vst.msk $0xffff, v4;
	s24 =	ssub.s32 s24, s25;
	s23 =	sadd.s32 s27, s23;
	s27 =	smov.u32 s9  }
0x15: {  	[tilespmem:s21+$0x2850 ss:$0x81] =	vst.msk $0xffff, v3;
	s29 =	sand.u32 $0x380, s29;
	s25 =	sadd.s32 $0xFFFFFFED, s24;
	s27 =	simm.s32 @!p1 $0xB0  }
0x16: {  	v5 =	vld [tilespmem:s20+$0xFFFFFFD0];
	[tilespmem:s21+$0x3060 ss:$0x81] =	vst.msk $0xffff, v2;
	p1 =	sgt.s32 s11, $0xF80;
	s23 =	sshrl.u32 s23, $0xC;
	s24 =	ssub.s32 $0x14, s24  }
0x17: {  	v58 =	vld [tilespmem:s20+$0xFFFFFFE0];
	[tilespmem:s21+$0x0 ss:$0x81] =	vst.msk $0xffff, v1;
	s28 =	simm.s32 @!p1 $0xF80;
	p1 =	sgt.s32 s25, $0x0;
	s21 =	smulhi.u32 $0xD79436, s23  }
0x18: {  	v59 =	vld [tilespmem:s20+$0xFFFFFFF0];
	s25 =	ssub.s32 s28, s31;
	s28 =	sand.u32 s30, s9;
	s24 =	simm.s32 @p1 $0x0  }
0x19: {  	v60 =	vld [tilespmem:s20+$0x0];
	s27 =	ssub.s32 s27, s28;
	s31 =	sadd.s32 $0xFFFFF080, s25;
	s25 =	ssub.s32 $0x1000, s25  }
0x1a: {  	v61 =	vld [tilespmem:s20+$0x10];
	[tilespmem:s22+$0x3870 ss:$0x81] =	vst.msk $0xffff, v0;
	s21 =	smul.u32 $0x130, s21;
	s28 =	sand.u32 $0x7, s11;
	p1 =	sgt.s32 s31, $0x7F  }
0x1b: {  	v62 =	vld [tilespmem:s20+$0x20];
	[tilespmem:s22+$0x810 ss:$0x81] =	vst.msk $0xffff, v5;
	s30 =	sadd.s32 $0xFFFFFF50, s27;
	s31 =	sand.u32 $0x78, s11;
	s25 =	simm.s32 @p1 $0x0  }
0x1c: {  	v63 =	vld [tilespmem:s20+$0xFFFFFFC0];
	[tilespmem:s22+$0x1020 ss:$0x81] =	vst.msk $0xffff, v58;
	p1 =	sgt.s32 s30, $0x7F;
	s30 =	sand.u32 $0xC00, s26;
	s24 =	smul.u32 s25, s24  }
0x1d: {  	[tilespmem:s22+$0x1830 ss:$0x81] =	vst.msk $0xffff, v59;
	s26 =	ssub.s32 $0x130, s27;
	s20 =	sor.u32 s31, s30;
	s31 =	smul.u32 $0x26000, s10  }
0x1e: {  	[tilespmem:s22+$0x2040 ss:$0x81] =	vst.msk $0xffff, v60;
	s21 =	ssub.s32 s23, s21;
	s26 =	simm.s32 @p1 $0x0;
	s20 =	sor.u32 s29, s20  }
0x1f: {  	[tilespmem:s22+$0x2850 ss:$0x81] =	vst.msk $0xffff, v61;
	s26 =	smul.u32 s26, s24;
	s20 =	sshrl.u32 s20, $0x3;
	s27 =	sadd.s32 s3, s31  }
0x20: {  	[tilespmem:s22+$0x3060 ss:$0x81] =	vst.msk $0xffff, v62;
	s21 =	sshll.u32 s21, $0x9;
	s29 =	sshll.u32 s28, $0x12;
	s20 =	sadd.s32 s20, s27  }
0x21: {  	[tilespmem:s22+$0x0 ss:$0x81] =	vst.msk $0xffff, v63;
	s31 =	sor.u32 $0x400, s29;
	s30 =	sand.u32 $0x3FFFFFFF, s26;
	s20 =	sadd.s32 s21, s20  }
0x22: {  	[hbm4b:s20+s31] =	stream.strided.scatter [tilespmem:s19], [sflag:$0x2], s30, s8, s31, $0x20;
	[tilespmem:$0x10100] =	vst v63  }
.LBB1_5:
0x23: {  	p1 =	slt.u32 s15, $0x2  }
0x24: {  	p2 =	sgt.s32 @!p1 s18, $0x13  }
0x25: {  	s19 =	smov.u32 s18;
	s20 =	sshra.s32 @!p1 s18, $0x1F;
	p2 =	por !p2, p1  }
0x26: {  	s18 =	sand.u32 @!p1 s20, s18;
	s19 =	simm.s32 @p2 $0x13  }
0x27: {  	p3 =	sgt.s32 @!p1 s16, $0xB0;
	s18 =	ssub.s32 @!p1 s19, s18  }
0x28: {  	p4 =	sgt.s32 @!p1 s17, $0xF80;
	s21 =	sshra.s32 @!p1 s17, $0x1F;
	s19 =	sadd.s32 @!p1 $0xFFFFFFED, s18  }
0x29: {  	s20 =	smov.u32 s16;
	p2 =	sgt.s32 @!p1 s19, $0x0;
	s19 =	sshra.s32 @!p1 s16, $0x1F  }
0x2a: {  	p4 =	por !p4, p1;
	s16 =	sand.u32 @!p1 s19, s16;
	s19 =	smov.u32 s17  }
0x2b: {  	p3 =	por !p3, p1;
	s17 =	sand.u32 @!p1 s21, s17;
	s19 =	simm.s32 @p4 $0xF80  }
0x2c: {  	s20 =	simm.s32 @p3 $0xB0;
	s18 =	ssub.s32 @!p1 $0x14, s18;
	s17 =	ssub.s32 @!p1 s19, s17  }
0x2d: {  	p2 =	por !p2, p1;
	s16 =	ssub.s32 @!p1 s20, s16;
	s20 =	sadd.s32 @!p1 $0xFFFFF080, s17  }
0x2e: {  	s18 =	simm.s32 @!p2 $0x0;
	p3 =	sgt.s32 @!p1 s20, $0x7F  }
0x2f: {  	s19 =	sadd.s32 @!p1 $0xFFFFFF50, s16;
	s17 =	ssub.s32 @!p1 $0x1000, s17;
	p3 =	por !p3, p1  }
0x30: {  	p2 =	sgt.s32 @!p1 s19, $0x7F;
	s19 =	sadd.s32 $0x80, s12;
	s17 =	simm.s32 @!p3 $0x0  }
0x31: {  	p3 =	sgt.s32 s19, $0x12B;
	s17 =	smul.u32 @!p1 s17, s18;
	s18 =	simm.s32 $0x1  }
0x32: {  	s16 =	ssub.s32 @!p1 $0x130, s16;
	p2 =	por !p2, p1;
	s18 =	simm.s32 @!p3 $0x0  }
0x33: {  	s21 =	smov.u32 s14;
	s16 =	simm.s32 @!p2 $0x0;
	s20 =	sadd.s32 s18, s13  }
0x34: {  	s16 =	smul.u32 @!p1 s16, s17;
	s17 =	sadd.s32 $0x1000, s14;
	p2 =	sgt.s32 s20, $0x13  }
0x35: {  	p0 =	por !p0, !p0;
	s22 =	simm.s32 @!p1 $0x2;
	s21 =	smov.u32 @p2 s17  }
0x36: {  	s19 =	simm.s32 @p3 $0x0;
	s20 =	simm.s32 @p2 $0x0;
	p2 =	sgt.s32 s21, $0xFFF  }
0x37: {  	s18 =	smov.u32 s10;
	s21 =	smov.u32 @p2 s2;
	p2 =	sne.s32 s15, s7  }
.Ltmp1:
0x38: {  	s10 =	smov.u32 s13;
	s16 =	sand.u32 @!p1 $0x3FFFFFFF, s16;
	(pc) =	sbr.rel @!p2 .LBB1_6-.Ltmp1, $4  }
0x39: {  	s17 =	smov.u32 s11;
	s11 =	smov.u32 s14;
	_ =	swait.ge @!p1 [sflag:s22], s16  }
0x3a: {  	s23 =	ssub.s32 @!p1 $0x0, s16;
	s16 =	smov.u32 s9;
	s9 =	smov.u32 s12  }
0x3b: {  	s12 =	smov.u32 s19;
	s13 =	smov.u32 s20;
	[sflag:s22] =	ssyncset.done @!p1 $0x0  }
0x3c: {  	s15 =	sadd.s32 $0x1, s15;
	[sflag:s22] =	ssyncadd.s32 @!p1 s23;
	s14 =	smov.u32 s21  }
.LBB1_1:
0x3d: {  	p1 =	sge.u32 s15, s5  }
0x3e: {  	s19 =	sshrl.u32 @!p1 s13, $0x3  }
0x3f: {  	s20 =	sshll.u32 @!p1 s12, $0x3;
	s19 =	smul.u32 @!p1 $0xC00, s19  }
0x40: {  	s21 =	sshll.u32 @!p1 s13, $0x7;
	s20 =	sand.u32 @!p1 $0xFFFFFC00, s20  }
0x41: {  	s19 =	sadd.s32 @!p1 s19, s20;
	s20 =	sand.u32 @!p1 $0x380, s21  }
0x42: {  	s19 =	sor.u32 @!p1 s20, s19  }
0x43: {  	s20 =	sand.u32 @!p1 $0x7F, s12;
	s21 =	smulhi.u32 @!p1 $0xAAAAAAAB, s19  }
0x44: {  	s19 =	sor.u32 @!p1 s20, s19  }
0x45: {  	s20 =	smulhi.u32 @!p1 $0xAAAAAAAB, s19;
	s21 =	sshrl.u32 @!p1 s21, $0x8  }
0x46: {  	s22 =	smulhi.u32 @!p1 $0xAAAAAAB, s21;
	_ =	sdelay $0x1  }
0x47: {  	s20 =	sshrl.u32 @!p1 s20, $0x8;
	s22 =	smul.u32 @!p1 $0x18, s22  }
0x48: {  	s31 =	sadd.s32 $0xFFFFFFFF, s15;
	s20 =	smul.u32 @!p1 $0x180, s20  }
0x49: {  	s23 =	sxor.u32 @!p1 $0xFFFFFFFF, s15;
	s21 =	ssub.s32 @!p1 s21, s22;
	s22 =	smul.u32 @!p1 $0x480, s14  }
0x4a: {  	s23 =	sshll.u32 @!p1 s23, $0xE;
	s19 =	ssub.s32 @!p1 s19, s20;
	s20 =	smul.u32 @!p1 $0x30, s21  }
0x4b: {  	s21 =	sand.u32 @!p1 $0x4000, s23;
	s23 =	sand.u32 @!p1 $0x7, s19;
	s22 =	sadd.s32 @!p1 s6, s22  }
0x4c: {  	s19 =	sshrl.u32 @!p1 s19, $0x3;
	s20 =	sadd.s32 @!p1 s20, s22;
	s22 =	sshll.u32 @!p1 s23, $0x12  }
0x4d: {  	s19 =	sadd.s32 @!p1 s19, s20;
	s20 =	sor.u32 @!p1 $0x80, s22;
	s22 =	simm.s32 @!p1 $0x2400  }
0x4e: {  	[tilespmem:s21], [sflag:$0x1] =	stream.strided.gather @!p1 [hbm4b:s19+s20], $0x4000, s22, s20, $0x38;
	[tilespmem:$0x10100] =	vst v63  }
0x4f: {  	p1 =	sge.u32 s31, s5  }
.Ltmp2:
0x50: {  	_ = 	snop;
	(pc) =	sbr.rel @p1 .LBB1_5-.Ltmp2, $1  }
0x51: {  	_ =	sdelay $0x3  }
0x52: {  	s19 =	simm.s32 $0x1  }
0x53: {  	_ =	swait.ge [sflag:s4], $0x4000;
	s19 =	simm.s32 @!p0 $0x0  }
0x54: {  	[sflag:s4] =	ssyncset.done $0x0;
	s20 =	sshll.u32 s19, $0xE  }
0x55: {  	[sflag:s4] =	ssyncadd.s32 $0xFFFFC000;
	s20 =	sor.u32 $0x40, s20  }
0x56: {  	s19 =	smul.u32 $0x10200, s19;
	v0 =	vld [tilespmem:s20+$0x30]  }
0x57: {  	v1 =	vld [tilespmem:s20+$0xFFFFFFD0]  }
0x58: {  	s19 =	sshrl.u32 s19, $0x2;
	v5 =	vld [tilespmem:s20+$0xFFFFFFE0]  }
0x59: {  	v6 =	vld [tilespmem:s20+$0xFFFFFFF0];
	s22 =	sor.u32 $0x8000, s19  }
0x5a: {  	s31 =	sand.u32 $0x1, s15;
	v4 =	vld [tilespmem:s20+$0x0];
	s21 =	sadd.s32 $0x0, s22  }
0x5b: {  	v3 =	vld [tilespmem:s20+$0x10];
	s19 =	smul.u32 $0x10200, s31;
	[tilespmem:s21+$0x3870 ss:$0x81] =	vst.msk $0xffff, v0  }
0x5c: {  	v2 =	vld [tilespmem:s20+$0x20];
	[tilespmem:s21+$0x810 ss:$0x81] =	vst.msk $0xffff, v1  }
0x5d: {  	s19 =	sshrl.u32 s19, $0x2;
	v1 =	vld [tilespmem:s20+$0xFFFFFFC0];
	[tilespmem:s21+$0x1020 ss:$0x81] =	vst.msk $0xffff, v5;
	s20 =	sadd.s32 $0x80, s20  }
0x5e: {  	s23 =	simm.s32 $0x4;
	s24 =	simm.s32 $0x8;
	s19 =	sor.u32 $0x8000, s19;
	[tilespmem:s21+$0x1830 ss:$0x81] =	vst.msk $0xffff, v6;
	v0 =	vld [tilespmem:s20+$0x30]  }
.LBB1_3:
0x5f: {  	p1 =	sne.s32 s24, $0x1FC;
	v5 =	vld [tilespmem:s20+$0xFFFFFFD0];
	[tilespmem:s21+$0x2040 ss:$0x81] =	vst.msk $0xffff, v4  }
0x60: {  	v6 =	vld [tilespmem:s20+$0xFFFFFFE0];
	[tilespmem:s21+$0x2850 ss:$0x81] =	vst.msk $0xffff, v3  }
0x61: {  	s25 =	sshra.s32 s23, $0x2;
	s23 =	smov.u32 s24;
	v7 =	vld [tilespmem:s20+$0xFFFFFFF0];
	[tilespmem:s21+$0x3060 ss:$0x81] =	vst.msk $0xffff, v2  }
.Ltmp3:
0x62: {  	v4 =	vld [tilespmem:s20+$0x0];
	[tilespmem:s21+$0x0 ss:$0x81] =	vst.msk $0xffff, v1;
	s21 =	sadd.s32 s25, s22;
	(pc) =	sbr.rel @p1 .LBB1_3-.Ltmp3, $4  }
0x63: {  	v3 =	vld [tilespmem:s20+$0x10];
	[tilespmem:s21+$0x3870 ss:$0x81] =	vst.msk $0xffff, v0  }
0x64: {  	[tilespmem:s21+$0x810 ss:$0x81] =	vst.msk $0xffff, v5;
	v2 =	vld [tilespmem:s20+$0x20]  }
0x65: {  	v1 =	vld [tilespmem:s20+$0xFFFFFFC0];
	[tilespmem:s21+$0x1020 ss:$0x81] =	vst.msk $0xffff, v6;
	s20 =	sadd.s32 $0x80, s20  }
0x66: {  	s24 =	sadd.s32 $0x4, s24;
	v0 =	vld [tilespmem:s20+$0x30];
	[tilespmem:s21+$0x1830 ss:$0x81] =	vst.msk $0xffff, v7  }
.Ltmp4:
0x67: {  	_ = 	snop;
	(pc) =	sbr.rel .LBB1_4-.Ltmp4, $1  }
0x68: {  	_ =	sdelay $0x3  }
.LBB1_6:
0x69: {  	_ =	sfence.sel $0x180000  }
0x6a: {  	s2 =	simm.s32 $0x1;
	[bflag:$0x0] =	sbarrier.arrive $0xFFFF  }
0x6b: {  	s31 =	simm.s32 $0x2;
	[sflag:s2] =	ssyncpa.u1 $0x1  }
0x6c: {  	[sflag:s31] =	ssyncpa.u1 $0x1  }
0x6d: {  	p0 =	sne.s32 s0, $0x0;
	_ =	strace $0x90000050  }
0x6e: {  	s0 =	sadd.s32 @!p0 $0x100000, s1;
	[bflag:$0x2] =	sbarrier.arrive $0xFFFF  }
0x6f: {  	[sflag:s0] =	ssyncadd.tile.s32 @!p0 $0x1;
	_ =	shalt  }
.Lfunc_end1:
_tile_overlayer_lowered:
.L_overlay_start_2:
0x70: {  	(tag) =	ssettag $0x2  }
0x71: {  	s0 =	rddreg [dreg:$0x0];
	s2 =	stileid.u32  }
0x72: {  	s1 =	rddreg [dreg:$0x1];
	p0 =	sne.s32 s2, $0x0  }
0x73: {  	s3 =	rddreg [dreg:$0x2];
	[bflag:$0x3] =	sbarrier.arrive $0xFFFF;
	s2 =	simm.s32 @!p0 $0x1C01  }
0x74: {  	[timem:s3], [sflag:s2] =	dma.local @!p0 [hbm:s0], s1  }
0x75: {  	s0 =	simm.s32 @!p0 $0x1  }
0x76: {  	_ =	swait.ge @!p0 [sflag:s0], s1  }
0x77: {  	s1 =	ssub.s32 @!p0 $0x0, s1;
	[sflag:s0] =	ssyncset.done @!p0 $0x0  }
0x78: {  	[sflag:s0] =	ssyncadd.s32 @!p0 s1  }
0x79: {  	[bflag:$0x3] =	sbarrier.arrive $0xFFFF  }
0x7a: {  	_ =	shalt  }

// kernel: sparse-core-data-format-call.2.cloned.1.call-start
scs
called_computation.2_lowered:
.L_overlay_start_0:
0x0: {  	s2 =	sld [smem:$0x3FD9]  }
0x1: {  	s3 =	sld [smem:$0x3FFE];
	_ =	sdelay $0x1  }
0x2: {  	s1 =	srdreg.scid  }
0x3: {  	s0 =	sand.u32 $0x1, s1  }
0x4: {  	s16 =	sshll.u32 s0, $0xA;
	s2 =	sadd.s32 s3, s2  }
0x5: {  	s2 =	sadd.s32 s2, s16  }
0x6: {  	[smem:$0x3FC4] =	sst s2  }
0x7: {  	_ = 	snop  }
0x8: {  	s2 =	sld [smem:$0x3FD0];
	_ =	sdelay $0x2  }
0x9: {  	s17 =	simm.s32 $0xC;
	s4 =	simm.s32 $0x10  }
0xa: {  	[smem:s4], [sflag:s17] =	dma.local [hbm:s2], $0x1  }
0xb: {  	_ =	swait.eq [sflag:s17], $0x1  }
0xc: {  	[sflag:s17] =	ssyncset.done $0x0  }
0xd: {  	[sflag:s17] =	ssyncadd.s32 $0xFFFFFFFF  }
0xe: {  	s18 =	sld [smem:$0x10];
	(tm) =	ssettm $0x1  }
0xf: {  	s19 =	sld [smem:$0x3FFB];
	_ =	sdelay $0x3  }
0x10: {  	_ =	strace s19  }
0x11: {  	s2 =	sld [smem:$0x3FFC];
	_ =	sdelay $0x3  }
0x12: {  	_ =	strace s2  }
0x13: {  	s2 =	sld [smem:$0x3FFD];
	_ =	sdelay $0x3  }
0x14: {  	_ =	strace s2  }
0x15: {  	_ =	strace $0x8FFFFFFF  }
0x16: {  	s20 =	sld [smem:$0x3FDB];
	_ =	sdelay $0x1  }
0x17: {  	s21 =	simm.s32 $_scs_section_size  }
0x18: {  	s5 =	simm.s32 $_size__tile_overlayer_lowered;
	s6 =	simm.s32 $_tile_overlayer_lowered  }
0x19: {  	s7 =	simm.s32 $0x1BFF;
	s22 =	sshll.u32 s6, $0x1;
	s4 =	sadd.s32 s21, s20  }
0x1a: {  	s23 =	simm.s32 $0x0;
	s5 =	sshll.u32 s5, $0x1;
	s6 =	sadd.s32 s22, s4  }
0x1b: {  	[timem:s23], [sflag:s7] =	dma.local [hbm:s6], s5  }
0x1c: {  	_ =	swait.ge [sflag:s7], s5  }
0x1d: {  	s5 =	ssub.s32 $0x0, s5;
	[sflag:s7] =	ssyncset.done $0x0  }
0x1e: {  	[sflag:s7] =	ssyncadd.s32 s5;
	_ =	sdelay $0x1  }
0x1f: {  	s24 =	simm.s32 $0x1B8B  }
0x20: {  	_ =	swait.ge [sflag:s24], $0x1  }
0x21: {  	[sflag:s24] =	ssyncset.done $0x0  }
0x22: {  	[sflag:s24] =	ssyncadd.s32 $0xFFFFFFFF  }
0x23: {  	s5 =	sld [smem:$0x0]  }
0x24: {  	s6 =	sand.u32 $0xFFFFFFFE, s1  }
0x25: {  	p0 =	sne.s32 s1, s6  }
0x26: {  	s6 =	sshll.u32 @p0 s6, $0xE  }
0x27: {  	s6 =	sadd.s32 @p0 $0x11B8D, s6;
	s7 =	sshll.u32 @p0 s5, $0x11  }
0x28: {  	s6 =	sor.u32 @p0 s7, s6  }
0x29: {  	[sflag:s6] =	ssyncadd.remote.s32 @p0 $0x1;
	_ =	sdelay $0x1  }
0x2a: {  	s6 =	simm.s32 @p0 $0x1B8D  }
0x2b: {  	_ =	swait.eq @p0 [sflag:s6], $0x1  }
0x2c: {  	[sflag:s6] =	ssyncadd.s32 @p0 $0xFFFFFFFF  }
0x2d: {  	s7 =	sshll.u32 @!p0 s1, $0xE  }
0x2e: {  	s7 =	sor.u32 @!p0 $0x4000, s7;
	s6 =	simm.s32 @!p0 $0x1B8D  }
0x2f: {  	s5 =	sshll.u32 @!p0 s5, $0x11;
	s7 =	sadd.s32 @!p0 $0x11B8D, s7;
	_ =	swait.eq @!p0 [sflag:s6], $0x1  }
0x30: {  	s5 =	sor.u32 @!p0 s5, s7;
	[sflag:s6] =	ssyncadd.s32 @!p0 $0xFFFFFFFF  }
0x31: {  	s26 =	simm.s32 $0x1B8E;
	s25 =	sld [smem:$0x3FFE];
	[sflag:s5] =	ssyncadd.remote.s32 @!p0 $0x1  }
0x32: {  	s27 =	simm.s32 $execute0_lowered;
	[smem:$0x3FD2] =	sst s26  }
0x33: {  	s6 =	sshll.u32 s27, $0x1;
	_ =	strace $0x80000055;
	[dreg:$0x1] =	wrdreg $0xFFFFFFFF  }
0x34: {  	s28 =	simm.s32 $_size_execute0_lowered;
	s4 =	sadd.s32 s4, s6;
	[dreg:$0x0] =	wrdreg $0x0  }
0x35: {  	s6 =	sshll.u32 s28, $0x1;
	[dreg:$0x2] =	wrdreg s4  }
0x36: {  	[dreg:$0x3] =	wrdreg s6  }
0x37: {  	[dreg:$0x4] =	wrdreg $0xC0  }
0x38: {  	_ =	task [dreg:s23], $0x5FFFF  }
0x39: {  	[dreg:$0x1] =	wrdreg $0xFFFFFFFF  }
0x3a: {  	[dreg:$0x0] =	wrdreg $0x60  }
0x3b: {  	[dreg:$0x2] =	wrdreg s25  }
0x3c: {  	[dreg:$0x3] =	wrdreg s18  }
0x3d: {  	[dreg:$0x4] =	wrdreg $0xA  }
0x3e: {  	_ =	task.clear_ibuf [dreg:s23], $0x5FFFF;
	_ =	strace $0x90000055  }
0x3f: {  	s29 =	simm.s32 $0xA;
	_ =	strace $0x80000057  }
0x40: {  	_ =	swait.ge [sflag:s29], $0x1  }
0x41: {  	[sflag:s29] =	ssyncadd.s32 $0xFFFFFFFF  }
0x42: {  	_ =	strace $0x90000057  }
0x43: {  	_ =	sfence  }
0x44: {  	s30 =	sld [smem:$0x0];
	_ =	sdelay $0x2  }
0x45: {  	s31 =	sshll.u32 s1, $0xD;
	s1 =	sshrl.u32 s1, $0x2  }
0x46: {  	s4 =	sand.u32 $0x4000, s31;
	s1 =	sadd.s32 s1, s30  }
0x47: {  	s0 =	sor.u32 s4, s0;
	s1 =	sshll.u32 s1, $0x11  }
0x48: {  	s0 =	sor.u32 s1, s0  }
0x49: {  	s0 =	sadd.s32 $0x8F2B, s0  }
0x4a: {  	[sflag:s0] =	ssyncadd.remote.s32 $0x1  }
0x4b: {  	_ =	sfence.sel $0xFFFF  }
0x4c: {  	[dreg:$0x0] =	wrdreg $0xFFFFFFFF;
	(pc) =	sbr.abs _section_cstart, $3  }
0x4d: {  	[dreg:$0x1] =	wrdreg $0xFFFFFFFF  }
0x4e: {  	_ =	task.clear_ibuf [dreg:s23], $0x2FFFF;
	_ =	strace $0x9FFFFFFF  }
0x4f: {  	(tm) =	ssettm $0x7FFFFFFF  }
tec
execute0_lowered:
.L_overlay_start_1:
0x0: {  	(tag) =	ssettag $0x1  }
0x1: {  	s0 =	srdreg.scid;
	s6 =	rddreg [dreg:$0x0]  }
0x2: {  	s3 =	rddreg [dreg:$0x1];
	s1 =	sshll.u32 s0, $0x4  }
0x3: {  	s5 =	simm.s32 $0x1;
	s0 =	stileid.u32;
	s1 =	sand.u32 $0x10, s1  }
0x4: {  	s31 =	simm.s32 $0x2;
	s16 =	simm.s32 $0x0;
	s1 =	sor.u32 s0, s1  }
0x5: {  	s8 =	simm.s32 $0x8000;
	s18 =	simm.s32 $0x0;
	s2 =	sshll.u32 s1, $0x7  }
0x6: {  	s17 =	simm.s32 $0x0;
	s9 =	simm.s32 $0x0;
	s4 =	ssub.s32 $0x1000, s2  }
0x7: {  	s10 =	simm.s32 $0x0;
	s11 =	simm.s32 $0x0;
	s30 =	sand.u32 $0xF80, s4  }
0x8: {  	s12 =	simm.s32 $0x0;
	s13 =	simm.s32 $0x0;
	p0 =	sne.s32 s30, $0x0  }
.Ltmp0:
0x9: {  	s7 =	sshrl.u32 s4, $0xC;
	s5 =	simm.s32 @!p0 $0x0;
	(pc) =	sbr.rel .LBB1_1-.Ltmp0, $4  }
0xa: {  	s15 =	simm.s32 $0x0;
	s1 =	rddreg [dreg:$0x2];
	s5 =	sadd.s32 s5, s7  }
0xb: {  	_ =	strace $0x80000056;
	s4 =	simm.s32 $0x1;
	s5 =	smul.u32 $0x3C, s5  }
0xc: {  	s6 =	sadd.s32 $0x1E00, s6;
	s14 =	smov.u32 s2;
	[sflag:s4] =	ssyncpa.u1 $0x0  }
0xd: {  	[sflag:s31] =	ssyncpa.u1 $0x0;
	p0 =	por $0x0, $0x0;
	s7 =	sor.u32 $0x1, s5  }
.LBB1_4:
0xe: {  	s23 =	sshra.s32 s23, $0x2;
	s30 =	sshll.u32 s9, $0xC  }
0xf: {  	p1 =	sgt.s32 s10, $0x13;
	s24 =	smov.u32 s10;
	s25 =	sshra.s32 s10, $0x1F  }
0x10: {  	s26 =	sshll.u32 s11, $0x3;
	s28 =	smov.u32 s11;
	s29 =	sshra.s32 s11, $0x1F  }
0x11: {  	s22 =	sadd.s32 s23, s22;
	s24 =	simm.s32 @!p1 $0x13;
	s25 =	sand.u32 s25, s10  }
0x12: {  	s23 =	sand.u32 $0xFFFF8000, s30;
	s27 =	sand.u32 $0xFFFFFC00, s26;
	p1 =	sgt.s32 s9, $0xB0  }
0x13: {  	s31 =	sand.u32 s29, s11;
	s29 =	sshll.u32 s9, $0x7;
	s30 =	sshra.s32 s9, $0x1F  }
0x14: {  	[tilespmem:s21+$0x2040 ss:$0x81] =	vst.msk $0xffff, v4;
	s24 =	ssub.s32 s24, s25;
	s23 =	sadd.s32 s27, s23;
	s27 =	smov.u32 s9  }
0x15: {  	[tilespmem:s21+$0x2850 ss:$0x81] =	vst.msk $0xffff, v3;
	s29 =	sand.u32 $0x380, s29;
	s25 =	sadd.s32 $0xFFFFFFED, s24;
	s27 =	simm.s32 @!p1 $0xB0  }
0x16: {  	v5 =	vld [tilespmem:s20+$0xFFFFFFD0];
	[tilespmem:s21+$0x3060 ss:$0x81] =	vst.msk $0xffff, v2;
	p1 =	sgt.s32 s11, $0xF80;
	s23 =	sshrl.u32 s23, $0xC;
	s24 =	ssub.s32 $0x14, s24  }
0x17: {  	v58 =	vld [tilespmem:s20+$0xFFFFFFE0];
	[tilespmem:s21+$0x0 ss:$0x81] =	vst.msk $0xffff, v1;
	s28 =	simm.s32 @!p1 $0xF80;
	p1 =	sgt.s32 s25, $0x0;
	s21 =	smulhi.u32 $0xD79436, s23  }
0x18: {  	v59 =	vld [tilespmem:s20+$0xFFFFFFF0];
	s25 =	ssub.s32 s28, s31;
	s28 =	sand.u32 s30, s9;
	s24 =	simm.s32 @p1 $0x0  }
0x19: {  	v60 =	vld [tilespmem:s20+$0x0];
	s27 =	ssub.s32 s27, s28;
	s31 =	sadd.s32 $0xFFFFF080, s25;
	s25 =	ssub.s32 $0x1000, s25  }
0x1a: {  	v61 =	vld [tilespmem:s20+$0x10];
	[tilespmem:s22+$0x3870 ss:$0x81] =	vst.msk $0xffff, v0;
	s21 =	smul.u32 $0x130, s21;
	s28 =	sand.u32 $0x7, s11;
	p1 =	sgt.s32 s31, $0x7F  }
0x1b: {  	v62 =	vld [tilespmem:s20+$0x20];
	[tilespmem:s22+$0x810 ss:$0x81] =	vst.msk $0xffff, v5;
	s30 =	sadd.s32 $0xFFFFFF50, s27;
	s31 =	sand.u32 $0x78, s11;
	s25 =	simm.s32 @p1 $0x0  }
0x1c: {  	v63 =	vld [tilespmem:s20+$0xFFFFFFC0];
	[tilespmem:s22+$0x1020 ss:$0x81] =	vst.msk $0xffff, v58;
	p1 =	sgt.s32 s30, $0x7F;
	s30 =	sand.u32 $0xC00, s26;
	s24 =	smul.u32 s25, s24  }
0x1d: {  	[tilespmem:s22+$0x1830 ss:$0x81] =	vst.msk $0xffff, v59;
	s26 =	ssub.s32 $0x130, s27;
	s20 =	sor.u32 s31, s30;
	s31 =	smul.u32 $0x26000, s10  }
0x1e: {  	[tilespmem:s22+$0x2040 ss:$0x81] =	vst.msk $0xffff, v60;
	s21 =	ssub.s32 s23, s21;
	s26 =	simm.s32 @p1 $0x0;
	s20 =	sor.u32 s29, s20  }
0x1f: {  	[tilespmem:s22+$0x2850 ss:$0x81] =	vst.msk $0xffff, v61;
	s26 =	smul.u32 s26, s24;
	s20 =	sshrl.u32 s20, $0x3;
	s27 =	sadd.s32 s3, s31  }
0x20: {  	[tilespmem:s22+$0x3060 ss:$0x81] =	vst.msk $0xffff, v62;
	s21 =	sshll.u32 s21, $0x9;
	s29 =	sshll.u32 s28, $0x12;
	s20 =	sadd.s32 s20, s27  }
0x21: {  	[tilespmem:s22+$0x0 ss:$0x81] =	vst.msk $0xffff, v63;
	s31 =	sor.u32 $0x400, s29;
	s30 =	sand.u32 $0x3FFFFFFF, s26;
	s20 =	sadd.s32 s21, s20  }
0x22: {  	[hbm4b:s20+s31] =	stream.strided.scatter [tilespmem:s19], [sflag:$0x2], s30, s8, s31, $0x20;
	[tilespmem:$0x10100] =	vst v63  }
.LBB1_5:
0x23: {  	p1 =	slt.u32 s15, $0x2  }
0x24: {  	p2 =	sgt.s32 @!p1 s18, $0x13  }
0x25: {  	s19 =	smov.u32 s18;
	s20 =	sshra.s32 @!p1 s18, $0x1F;
	p2 =	por !p2, p1  }
0x26: {  	s18 =	sand.u32 @!p1 s20, s18;
	s19 =	simm.s32 @p2 $0x13  }
0x27: {  	p3 =	sgt.s32 @!p1 s16, $0xB0;
	s18 =	ssub.s32 @!p1 s19, s18  }
0x28: {  	p4 =	sgt.s32 @!p1 s17, $0xF80;
	s21 =	sshra.s32 @!p1 s17, $0x1F;
	s19 =	sadd.s32 @!p1 $0xFFFFFFED, s18  }
0x29: {  	s20 =	smov.u32 s16;
	p2 =	sgt.s32 @!p1 s19, $0x0;
	s19 =	sshra.s32 @!p1 s16, $0x1F  }
0x2a: {  	p4 =	por !p4, p1;
	s16 =	sand.u32 @!p1 s19, s16;
	s19 =	smov.u32 s17  }
0x2b: {  	p3 =	por !p3, p1;
	s17 =	sand.u32 @!p1 s21, s17;
	s19 =	simm.s32 @p4 $0xF80  }
0x2c: {  	s20 =	simm.s32 @p3 $0xB0;
	s18 =	ssub.s32 @!p1 $0x14, s18;
	s17 =	ssub.s32 @!p1 s19, s17  }
0x2d: {  	p2 =	por !p2, p1;
	s16 =	ssub.s32 @!p1 s20, s16;
	s20 =	sadd.s32 @!p1 $0xFFFFF080, s17  }
0x2e: {  	s18 =	simm.s32 @!p2 $0x0;
	p3 =	sgt.s32 @!p1 s20, $0x7F  }
0x2f: {  	s19 =	sadd.s32 @!p1 $0xFFFFFF50, s16;
	s17 =	ssub.s32 @!p1 $0x1000, s17;
	p3 =	por !p3, p1  }
0x30: {  	p2 =	sgt.s32 @!p1 s19, $0x7F;
	s19 =	sadd.s32 $0x80, s12;
	s17 =	simm.s32 @!p3 $0x0  }
0x31: {  	p3 =	sgt.s32 s19, $0x12B;
	s17 =	smul.u32 @!p1 s17, s18;
	s18 =	simm.s32 $0x1  }
0x32: {  	s16 =	ssub.s32 @!p1 $0x130, s16;
	p2 =	por !p2, p1;
	s18 =	simm.s32 @!p3 $0x0  }
0x33: {  	s21 =	smov.u32 s14;
	s16 =	simm.s32 @!p2 $0x0;
	s20 =	sadd.s32 s18, s13  }
0x34: {  	s16 =	smul.u32 @!p1 s16, s17;
	s17 =	sadd.s32 $0x1000, s14;
	p2 =	sgt.s32 s20, $0x13  }
0x35: {  	p0 =	por !p0, !p0;
	s22 =	simm.s32 @!p1 $0x2;
	s21 =	smov.u32 @p2 s17  }
0x36: {  	s19 =	simm.s32 @p3 $0x0;
	s20 =	simm.s32 @p2 $0x0;
	p2 =	sgt.s32 s21, $0xFFF  }
0x37: {  	s18 =	smov.u32 s10;
	s21 =	smov.u32 @p2 s2;
	p2 =	sne.s32 s15, s7  }
.Ltmp1:
0x38: {  	s10 =	smov.u32 s13;
	s16 =	sand.u32 @!p1 $0x3FFFFFFF, s16;
	(pc) =	sbr.rel @!p2 .LBB1_6-.Ltmp1, $4  }
0x39: {  	s17 =	smov.u32 s11;
	s11 =	smov.u32 s14;
	_ =	swait.ge @!p1 [sflag:s22], s16  }
0x3a: {  	s23 =	ssub.s32 @!p1 $0x0, s16;
	s16 =	smov.u32 s9;
	s9 =	smov.u32 s12  }
0x3b: {  	s12 =	smov.u32 s19;
	s13 =	smov.u32 s20;
	[sflag:s22] =	ssyncset.done @!p1 $0x0  }
0x3c: {  	s15 =	sadd.s32 $0x1, s15;
	[sflag:s22] =	ssyncadd.s32 @!p1 s23;
	s14 =	smov.u32 s21  }
.LBB1_1:
0x3d: {  	p1 =	sge.u32 s15, s5  }
0x3e: {  	s19 =	sshrl.u32 @!p1 s13, $0x3  }
0x3f: {  	s20 =	sshll.u32 @!p1 s12, $0x3;
	s19 =	smul.u32 @!p1 $0xC00, s19  }
0x40: {  	s21 =	sshll.u32 @!p1 s13, $0x7;
	s20 =	sand.u32 @!p1 $0xFFFFFC00, s20  }
0x41: {  	s19 =	sadd.s32 @!p1 s19, s20;
	s20 =	sand.u32 @!p1 $0x380, s21  }
0x42: {  	s19 =	sor.u32 @!p1 s20, s19  }
0x43: {  	s20 =	sand.u32 @!p1 $0x7F, s12;
	s21 =	smulhi.u32 @!p1 $0xAAAAAAAB, s19  }
0x44: {  	s19 =	sor.u32 @!p1 s20, s19  }
0x45: {  	s20 =	smulhi.u32 @!p1 $0xAAAAAAAB, s19;
	s21 =	sshrl.u32 @!p1 s21, $0x8  }
0x46: {  	s22 =	smulhi.u32 @!p1 $0xAAAAAAB, s21;
	_ =	sdelay $0x1  }
0x47: {  	s20 =	sshrl.u32 @!p1 s20, $0x8;
	s22 =	smul.u32 @!p1 $0x18, s22  }
0x48: {  	s31 =	sadd.s32 $0xFFFFFFFF, s15;
	s20 =	smul.u32 @!p1 $0x180, s20  }
0x49: {  	s23 =	sxor.u32 @!p1 $0xFFFFFFFF, s15;
	s21 =	ssub.s32 @!p1 s21, s22;
	s22 =	smul.u32 @!p1 $0x480, s14  }
0x4a: {  	s23 =	sshll.u32 @!p1 s23, $0xE;
	s19 =	ssub.s32 @!p1 s19, s20;
	s20 =	smul.u32 @!p1 $0x30, s21  }
0x4b: {  	s21 =	sand.u32 @!p1 $0x4000, s23;
	s23 =	sand.u32 @!p1 $0x7, s19;
	s22 =	sadd.s32 @!p1 s6, s22  }
0x4c: {  	s19 =	sshrl.u32 @!p1 s19, $0x3;
	s20 =	sadd.s32 @!p1 s20, s22;
	s22 =	sshll.u32 @!p1 s23, $0x12  }
0x4d: {  	s19 =	sadd.s32 @!p1 s19, s20;
	s20 =	sor.u32 @!p1 $0x80, s22;
	s22 =	simm.s32 @!p1 $0x2400  }
0x4e: {  	[tilespmem:s21], [sflag:$0x1] =	stream.strided.gather @!p1 [hbm4b:s19+s20], $0x4000, s22, s20, $0x38;
	[tilespmem:$0x10100] =	vst v63  }
0x4f: {  	p1 =	sge.u32 s31, s5  }
.Ltmp2:
0x50: {  	_ = 	snop;
	(pc) =	sbr.rel @p1 .LBB1_5-.Ltmp2, $1  }
0x51: {  	_ =	sdelay $0x3  }
0x52: {  	s19 =	simm.s32 $0x1  }
0x53: {  	_ =	swait.ge [sflag:s4], $0x4000;
	s19 =	simm.s32 @!p0 $0x0  }
0x54: {  	[sflag:s4] =	ssyncset.done $0x0;
	s20 =	sshll.u32 s19, $0xE  }
0x55: {  	[sflag:s4] =	ssyncadd.s32 $0xFFFFC000;
	s20 =	sor.u32 $0x40, s20  }
0x56: {  	s19 =	smul.u32 $0x10200, s19;
	v0 =	vld [tilespmem:s20+$0x30]  }
0x57: {  	v1 =	vld [tilespmem:s20+$0xFFFFFFD0]  }
0x58: {  	s19 =	sshrl.u32 s19, $0x2;
	v5 =	vld [tilespmem:s20+$0xFFFFFFE0]  }
0x59: {  	v6 =	vld [tilespmem:s20+$0xFFFFFFF0];
	s22 =	sor.u32 $0x8000, s19  }
0x5a: {  	s31 =	sand.u32 $0x1, s15;
	v4 =	vld [tilespmem:s20+$0x0];
	s21 =	sadd.s32 $0x0, s22  }
0x5b: {  	v3 =	vld [tilespmem:s20+$0x10];
	s19 =	smul.u32 $0x10200, s31;
	[tilespmem:s21+$0x3870 ss:$0x81] =	vst.msk $0xffff, v0  }
0x5c: {  	v2 =	vld [tilespmem:s20+$0x20];
	[tilespmem:s21+$0x810 ss:$0x81] =	vst.msk $0xffff, v1  }
0x5d: {  	s19 =	sshrl.u32 s19, $0x2;
	v1 =	vld [tilespmem:s20+$0xFFFFFFC0];
	[tilespmem:s21+$0x1020 ss:$0x81] =	vst.msk $0xffff, v5;
	s20 =	sadd.s32 $0x80, s20  }
0x5e: {  	s23 =	simm.s32 $0x4;
	s24 =	simm.s32 $0x8;
	s19 =	sor.u32 $0x8000, s19;
	[tilespmem:s21+$0x1830 ss:$0x81] =	vst.msk $0xffff, v6;
	v0 =	vld [tilespmem:s20+$0x30]  }
.LBB1_3:
0x5f: {  	p1 =	sne.s32 s24, $0x1FC;
	v5 =	vld [tilespmem:s20+$0xFFFFFFD0];
	[tilespmem:s21+$0x2040 ss:$0x81] =	vst.msk $0xffff, v4  }
0x60: {  	v6 =	vld [tilespmem:s20+$0xFFFFFFE0];
	[tilespmem:s21+$0x2850 ss:$0x81] =	vst.msk $0xffff, v3  }
0x61: {  	s25 =	sshra.s32 s23, $0x2;
	s23 =	smov.u32 s24;
	v7 =	vld [tilespmem:s20+$0xFFFFFFF0];
	[tilespmem:s21+$0x3060 ss:$0x81] =	vst.msk $0xffff, v2  }
.Ltmp3:
0x62: {  	v4 =	vld [tilespmem:s20+$0x0];
	[tilespmem:s21+$0x0 ss:$0x81] =	vst.msk $0xffff, v1;
	s21 =	sadd.s32 s25, s22;
	(pc) =	sbr.rel @p1 .LBB1_3-.Ltmp3, $4  }
0x63: {  	v3 =	vld [tilespmem:s20+$0x10];
	[tilespmem:s21+$0x3870 ss:$0x81] =	vst.msk $0xffff, v0  }
0x64: {  	[tilespmem:s21+$0x810 ss:$0x81] =	vst.msk $0xffff, v5;
	v2 =	vld [tilespmem:s20+$0x20]  }
0x65: {  	v1 =	vld [tilespmem:s20+$0xFFFFFFC0];
	[tilespmem:s21+$0x1020 ss:$0x81] =	vst.msk $0xffff, v6;
	s20 =	sadd.s32 $0x80, s20  }
0x66: {  	s24 =	sadd.s32 $0x4, s24;
	v0 =	vld [tilespmem:s20+$0x30];
	[tilespmem:s21+$0x1830 ss:$0x81] =	vst.msk $0xffff, v7  }
.Ltmp4:
0x67: {  	_ = 	snop;
	(pc) =	sbr.rel .LBB1_4-.Ltmp4, $1  }
0x68: {  	_ =	sdelay $0x3  }
.LBB1_6:
0x69: {  	_ =	sfence.sel $0x180000  }
0x6a: {  	s2 =	simm.s32 $0x1;
	[bflag:$0x0] =	sbarrier.arrive $0xFFFF  }
0x6b: {  	s31 =	simm.s32 $0x2;
	[sflag:s2] =	ssyncpa.u1 $0x1  }
0x6c: {  	[sflag:s31] =	ssyncpa.u1 $0x1  }
0x6d: {  	p0 =	sne.s32 s0, $0x0;
	_ =	strace $0x90000056  }
0x6e: {  	s0 =	sadd.s32 @!p0 $0x100000, s1;
	[bflag:$0x2] =	sbarrier.arrive $0xFFFF  }
0x6f: {  	[sflag:s0] =	ssyncadd.tile.s32 @!p0 $0x1;
	_ =	shalt  }
.Lfunc_end1:
_tile_overlayer_lowered:
.L_overlay_start_2:
0x70: {  	(tag) =	ssettag $0x2  }
0x71: {  	s0 =	rddreg [dreg:$0x0];
	s2 =	stileid.u32  }
0x72: {  	s1 =	rddreg [dreg:$0x1];
	p0 =	sne.s32 s2, $0x0  }
0x73: {  	s3 =	rddreg [dreg:$0x2];
	[bflag:$0x3] =	sbarrier.arrive $0xFFFF;
	s2 =	simm.s32 @!p0 $0x1C01  }
0x74: {  	[timem:s3], [sflag:s2] =	dma.local @!p0 [hbm:s0], s1  }
0x75: {  	s0 =	simm.s32 @!p0 $0x1  }
0x76: {  	_ =	swait.ge @!p0 [sflag:s0], s1  }
0x77: {  	s1 =	ssub.s32 @!p0 $0x0, s1;
	[sflag:s0] =	ssyncset.done @!p0 $0x0  }
0x78: {  	[sflag:s0] =	ssyncadd.s32 @!p0 s1  }
0x79: {  	[bflag:$0x3] =	sbarrier.arrive $0xFFFF  }
0x7a: {  	_ =	shalt  }

// kernel: sparse-core-data-format-call.cloned.1.call-start
scs
called_computation_lowered:
.L_overlay_start_0:
0x0: {  	s2 =	sld [smem:$0x3FD9]  }
0x1: {  	s3 =	sld [smem:$0x3FFE];
	_ =	sdelay $0x1  }
0x2: {  	s1 =	srdreg.scid  }
0x3: {  	s0 =	sand.u32 $0x1, s1  }
0x4: {  	s16 =	sshll.u32 s0, $0xA;
	s2 =	sadd.s32 s3, s2  }
0x5: {  	s2 =	sadd.s32 s2, s16  }
0x6: {  	[smem:$0x3FC4] =	sst s2  }
0x7: {  	_ = 	snop  }
0x8: {  	s2 =	sld [smem:$0x3FD0];
	_ =	sdelay $0x2  }
0x9: {  	s17 =	simm.s32 $0xC;
	s4 =	simm.s32 $0x10  }
0xa: {  	[smem:s4], [sflag:s17] =	dma.local [hbm:s2], $0x1  }
0xb: {  	_ =	swait.eq [sflag:s17], $0x1  }
0xc: {  	[sflag:s17] =	ssyncset.done $0x0  }
0xd: {  	[sflag:s17] =	ssyncadd.s32 $0xFFFFFFFF  }
0xe: {  	s18 =	sld [smem:$0x12];
	(tm) =	ssettm $0x1  }
0xf: {  	s19 =	sld [smem:$0x3FFB];
	_ =	sdelay $0x3  }
0x10: {  	_ =	strace s19  }
0x11: {  	s2 =	sld [smem:$0x3FFC];
	_ =	sdelay $0x3  }
0x12: {  	_ =	strace s2  }
0x13: {  	s2 =	sld [smem:$0x3FFD];
	_ =	sdelay $0x3  }
0x14: {  	_ =	strace s2  }
0x15: {  	_ =	strace $0x8FFFFFFF  }
0x16: {  	s20 =	sld [smem:$0x3FDB];
	_ =	sdelay $0x1  }
0x17: {  	s21 =	simm.s32 $_scs_section_size  }
0x18: {  	s5 =	simm.s32 $_size__tile_overlayer_lowered;
	s6 =	simm.s32 $_tile_overlayer_lowered  }
0x19: {  	s7 =	simm.s32 $0x1BFF;
	s22 =	sshll.u32 s6, $0x1;
	s4 =	sadd.s32 s21, s20  }
0x1a: {  	s23 =	simm.s32 $0x0;
	s5 =	sshll.u32 s5, $0x1;
	s6 =	sadd.s32 s22, s4  }
0x1b: {  	[timem:s23], [sflag:s7] =	dma.local [hbm:s6], s5  }
0x1c: {  	_ =	swait.ge [sflag:s7], s5  }
0x1d: {  	s5 =	ssub.s32 $0x0, s5;
	[sflag:s7] =	ssyncset.done $0x0  }
0x1e: {  	[sflag:s7] =	ssyncadd.s32 s5;
	_ =	sdelay $0x1  }
0x1f: {  	s24 =	simm.s32 $0x1B8B  }
0x20: {  	_ =	swait.ge [sflag:s24], $0x1  }
0x21: {  	[sflag:s24] =	ssyncset.done $0x0  }
0x22: {  	[sflag:s24] =	ssyncadd.s32 $0xFFFFFFFF  }
0x23: {  	s5 =	sld [smem:$0x0]  }
0x24: {  	s6 =	sand.u32 $0xFFFFFFFE, s1  }
0x25: {  	p0 =	sne.s32 s1, s6  }
0x26: {  	s6 =	sshll.u32 @p0 s6, $0xE  }
0x27: {  	s6 =	sadd.s32 @p0 $0x11B8D, s6;
	s7 =	sshll.u32 @p0 s5, $0x11  }
0x28: {  	s6 =	sor.u32 @p0 s7, s6  }
0x29: {  	[sflag:s6] =	ssyncadd.remote.s32 @p0 $0x1;
	_ =	sdelay $0x1  }
0x2a: {  	s6 =	simm.s32 @p0 $0x1B8D  }
0x2b: {  	_ =	swait.eq @p0 [sflag:s6], $0x1  }
0x2c: {  	[sflag:s6] =	ssyncadd.s32 @p0 $0xFFFFFFFF  }
0x2d: {  	s7 =	sshll.u32 @!p0 s1, $0xE  }
0x2e: {  	s7 =	sor.u32 @!p0 $0x4000, s7;
	s6 =	simm.s32 @!p0 $0x1B8D  }
0x2f: {  	s5 =	sshll.u32 @!p0 s5, $0x11;
	s7 =	sadd.s32 @!p0 $0x11B8D, s7;
	_ =	swait.eq @!p0 [sflag:s6], $0x1  }
0x30: {  	s5 =	sor.u32 @!p0 s5, s7;
	[sflag:s6] =	ssyncadd.s32 @!p0 $0xFFFFFFFF  }
0x31: {  	s26 =	simm.s32 $0x1B8E;
	s25 =	sld [smem:$0x3FFE];
	[sflag:s5] =	ssyncadd.remote.s32 @!p0 $0x1  }
0x32: {  	s27 =	simm.s32 $execute0_lowered;
	[smem:$0x3FD2] =	sst s26  }
0x33: {  	s6 =	sshll.u32 s27, $0x1;
	_ =	strace $0x80000052;
	[dreg:$0x1] =	wrdreg $0xFFFFFFFF  }
0x34: {  	s28 =	simm.s32 $_size_execute0_lowered;
	s4 =	sadd.s32 s4, s6;
	[dreg:$0x0] =	wrdreg $0x0  }
0x35: {  	s6 =	sshll.u32 s28, $0x1;
	[dreg:$0x2] =	wrdreg s4  }
0x36: {  	[dreg:$0x3] =	wrdreg s6  }
0x37: {  	[dreg:$0x4] =	wrdreg $0xC0  }
0x38: {  	_ =	task [dreg:s23], $0x5FFFF  }
0x39: {  	[dreg:$0x1] =	wrdreg $0xFFFFFFFF  }
0x3a: {  	[dreg:$0x0] =	wrdreg $0x60  }
0x3b: {  	[dreg:$0x2] =	wrdreg s25  }
0x3c: {  	[dreg:$0x3] =	wrdreg s18  }
0x3d: {  	[dreg:$0x4] =	wrdreg $0xB  }
0x3e: {  	_ =	task.clear_ibuf [dreg:s23], $0x5FFFF;
	_ =	strace $0x90000052  }
0x3f: {  	s29 =	simm.s32 $0xB;
	_ =	strace $0x80000054  }
0x40: {  	_ =	swait.ge [sflag:s29], $0x1  }
0x41: {  	[sflag:s29] =	ssyncadd.s32 $0xFFFFFFFF  }
0x42: {  	_ =	strace $0x90000054  }
0x43: {  	_ =	sfence  }
0x44: {  	s30 =	sld [smem:$0x0];
	_ =	sdelay $0x2  }
0x45: {  	s31 =	sshll.u32 s1, $0xD;
	s1 =	sshrl.u32 s1, $0x2  }
0x46: {  	s4 =	sand.u32 $0x4000, s31;
	s1 =	sadd.s32 s1, s30  }
0x47: {  	s0 =	sor.u32 s4, s0;
	s1 =	sshll.u32 s1, $0x11  }
0x48: {  	s0 =	sor.u32 s1, s0  }
0x49: {  	s0 =	sadd.s32 $0x8F2B, s0  }
0x4a: {  	[sflag:s0] =	ssyncadd.remote.s32 $0x1  }
0x4b: {  	_ =	sfence.sel $0xFFFF  }
0x4c: {  	[dreg:$0x0] =	wrdreg $0xFFFFFFFF;
	(pc) =	sbr.abs _section_cstart, $3  }
0x4d: {  	[dreg:$0x1] =	wrdreg $0xFFFFFFFF  }
0x4e: {  	_ =	task.clear_ibuf [dreg:s23], $0x2FFFF;
	_ =	strace $0x9FFFFFFF  }
0x4f: {  	(tm) =	ssettm $0x7FFFFFFF  }
tec
execute0_lowered:
.L_overlay_start_1:
0x0: {  	(tag) =	ssettag $0x1  }
0x1: {  	s0 =	srdreg.scid;
	s6 =	rddreg [dreg:$0x0]  }
0x2: {  	s3 =	rddreg [dreg:$0x1];
	s1 =	sshll.u32 s0, $0x4  }
0x3: {  	s5 =	simm.s32 $0x1;
	s0 =	stileid.u32;
	s1 =	sand.u32 $0x10, s1  }
0x4: {  	s31 =	simm.s32 $0x2;
	s16 =	simm.s32 $0x0;
	s1 =	sor.u32 s0, s1  }
0x5: {  	s8 =	simm.s32 $0x8000;
	s18 =	simm.s32 $0x0;
	s2 =	sshll.u32 s1, $0x7  }
0x6: {  	s17 =	simm.s32 $0x0;
	s9 =	simm.s32 $0x0;
	s4 =	ssub.s32 $0x1000, s2  }
0x7: {  	s10 =	simm.s32 $0x0;
	s11 =	simm.s32 $0x0;
	s30 =	sand.u32 $0xF80, s4  }
0x8: {  	s12 =	simm.s32 $0x0;
	s13 =	simm.s32 $0x0;
	p0 =	sne.s32 s30, $0x0  }
.Ltmp0:
0x9: {  	s7 =	sshrl.u32 s4, $0xC;
	s5 =	simm.s32 @!p0 $0x0;
	(pc) =	sbr.rel .LBB1_1-.Ltmp0, $4  }
0xa: {  	s15 =	simm.s32 $0x0;
	s1 =	rddreg [dreg:$0x2];
	s5 =	sadd.s32 s5, s7  }
0xb: {  	_ =	strace $0x80000053;
	s4 =	simm.s32 $0x1;
	s5 =	smul.u32 $0x3C, s5  }
0xc: {  	s6 =	sadd.s32 $0x145FC00, s6;
	s14 =	smov.u32 s2;
	[sflag:s4] =	ssyncpa.u1 $0x0  }
0xd: {  	[sflag:s31] =	ssyncpa.u1 $0x0;
	p0 =	por $0x0, $0x0;
	s7 =	sor.u32 $0x1, s5  }
.LBB1_4:
0xe: {  	s23 =	sshra.s32 s23, $0x2;
	s30 =	sshll.u32 s9, $0xC  }
0xf: {  	p1 =	sgt.s32 s10, $0x13;
	s24 =	smov.u32 s10;
	s25 =	sshra.s32 s10, $0x1F  }
0x10: {  	s26 =	sshll.u32 s11, $0x3;
	s28 =	smov.u32 s11;
	s29 =	sshra.s32 s11, $0x1F  }
0x11: {  	s22 =	sadd.s32 s23, s22;
	s24 =	simm.s32 @!p1 $0x13;
	s25 =	sand.u32 s25, s10  }
0x12: {  	s23 =	sand.u32 $0xFFFF8000, s30;
	s27 =	sand.u32 $0xFFFFFC00, s26;
	p1 =	sgt.s32 s9, $0xB0  }
0x13: {  	s31 =	sand.u32 s29, s11;
	s29 =	sshll.u32 s9, $0x7;
	s30 =	sshra.s32 s9, $0x1F  }
0x14: {  	[tilespmem:s21+$0x2040 ss:$0x81] =	vst.msk $0xffff, v4;
	s24 =	ssub.s32 s24, s25;
	s23 =	sadd.s32 s27, s23;
	s27 =	smov.u32 s9  }
0x15: {  	[tilespmem:s21+$0x2850 ss:$0x81] =	vst.msk $0xffff, v3;
	s29 =	sand.u32 $0x380, s29;
	s25 =	sadd.s32 $0xFFFFFFED, s24;
	s27 =	simm.s32 @!p1 $0xB0  }
0x16: {  	v5 =	vld [tilespmem:s20+$0xFFFFFFD0];
	[tilespmem:s21+$0x3060 ss:$0x81] =	vst.msk $0xffff, v2;
	p1 =	sgt.s32 s11, $0xF80;
	s23 =	sshrl.u32 s23, $0xC;
	s24 =	ssub.s32 $0x14, s24  }
0x17: {  	v58 =	vld [tilespmem:s20+$0xFFFFFFE0];
	[tilespmem:s21+$0x0 ss:$0x81] =	vst.msk $0xffff, v1;
	s28 =	simm.s32 @!p1 $0xF80;
	p1 =	sgt.s32 s25, $0x0;
	s21 =	smulhi.u32 $0xD79436, s23  }
0x18: {  	v59 =	vld [tilespmem:s20+$0xFFFFFFF0];
	s25 =	ssub.s32 s28, s31;
	s28 =	sand.u32 s30, s9;
	s24 =	simm.s32 @p1 $0x0  }
0x19: {  	v60 =	vld [tilespmem:s20+$0x0];
	s27 =	ssub.s32 s27, s28;
	s31 =	sadd.s32 $0xFFFFF080, s25;
	s25 =	ssub.s32 $0x1000, s25  }
0x1a: {  	v61 =	vld [tilespmem:s20+$0x10];
	[tilespmem:s22+$0x3870 ss:$0x81] =	vst.msk $0xffff, v0;
	s21 =	smul.u32 $0x130, s21;
	s28 =	sand.u32 $0x7, s11;
	p1 =	sgt.s32 s31, $0x7F  }
0x1b: {  	v62 =	vld [tilespmem:s20+$0x20];
	[tilespmem:s22+$0x810 ss:$0x81] =	vst.msk $0xffff, v5;
	s30 =	sadd.s32 $0xFFFFFF50, s27;
	s31 =	sand.u32 $0x78, s11;
	s25 =	simm.s32 @p1 $0x0  }
0x1c: {  	v63 =	vld [tilespmem:s20+$0xFFFFFFC0];
	[tilespmem:s22+$0x1020 ss:$0x81] =	vst.msk $0xffff, v58;
	p1 =	sgt.s32 s30, $0x7F;
	s30 =	sand.u32 $0xC00, s26;
	s24 =	smul.u32 s25, s24  }
0x1d: {  	[tilespmem:s22+$0x1830 ss:$0x81] =	vst.msk $0xffff, v59;
	s26 =	ssub.s32 $0x130, s27;
	s20 =	sor.u32 s31, s30;
	s31 =	smul.u32 $0x26000, s10  }
0x1e: {  	[tilespmem:s22+$0x2040 ss:$0x81] =	vst.msk $0xffff, v60;
	s21 =	ssub.s32 s23, s21;
	s26 =	simm.s32 @p1 $0x0;
	s20 =	sor.u32 s29, s20  }
0x1f: {  	[tilespmem:s22+$0x2850 ss:$0x81] =	vst.msk $0xffff, v61;
	s26 =	smul.u32 s26, s24;
	s20 =	sshrl.u32 s20, $0x3;
	s27 =	sadd.s32 s3, s31  }
0x20: {  	[tilespmem:s22+$0x3060 ss:$0x81] =	vst.msk $0xffff, v62;
	s21 =	sshll.u32 s21, $0x9;
	s29 =	sshll.u32 s28, $0x12;
	s20 =	sadd.s32 s20, s27  }
0x21: {  	[tilespmem:s22+$0x0 ss:$0x81] =	vst.msk $0xffff, v63;
	s31 =	sor.u32 $0x400, s29;
	s30 =	sand.u32 $0x3FFFFFFF, s26;
	s20 =	sadd.s32 s21, s20  }
0x22: {  	[hbm4b:s20+s31] =	stream.strided.scatter [tilespmem:s19], [sflag:$0x2], s30, s8, s31, $0x20;
	[tilespmem:$0x10100] =	vst v63  }
.LBB1_5:
0x23: {  	p1 =	slt.u32 s15, $0x2  }
0x24: {  	p2 =	sgt.s32 @!p1 s18, $0x13  }
0x25: {  	s19 =	smov.u32 s18;
	s20 =	sshra.s32 @!p1 s18, $0x1F;
	p2 =	por !p2, p1  }
0x26: {  	s18 =	sand.u32 @!p1 s20, s18;
	s19 =	simm.s32 @p2 $0x13  }
0x27: {  	p3 =	sgt.s32 @!p1 s16, $0xB0;
	s18 =	ssub.s32 @!p1 s19, s18  }
0x28: {  	p4 =	sgt.s32 @!p1 s17, $0xF80;
	s21 =	sshra.s32 @!p1 s17, $0x1F;
	s19 =	sadd.s32 @!p1 $0xFFFFFFED, s18  }
0x29: {  	s20 =	smov.u32 s16;
	p2 =	sgt.s32 @!p1 s19, $0x0;
	s19 =	sshra.s32 @!p1 s16, $0x1F  }
0x2a: {  	p4 =	por !p4, p1;
	s16 =	sand.u32 @!p1 s19, s16;
	s19 =	smov.u32 s17  }
0x2b: {  	p3 =	por !p3, p1;
	s17 =	sand.u32 @!p1 s21, s17;
	s19 =	simm.s32 @p4 $0xF80  }
0x2c: {  	s20 =	simm.s32 @p3 $0xB0;
	s18 =	ssub.s32 @!p1 $0x14, s18;
	s17 =	ssub.s32 @!p1 s19, s17  }
0x2d: {  	p2 =	por !p2, p1;
	s16 =	ssub.s32 @!p1 s20, s16;
	s20 =	sadd.s32 @!p1 $0xFFFFF080, s17  }
0x2e: {  	s18 =	simm.s32 @!p2 $0x0;
	p3 =	sgt.s32 @!p1 s20, $0x7F  }
0x2f: {  	s19 =	sadd.s32 @!p1 $0xFFFFFF50, s16;
	s17 =	ssub.s32 @!p1 $0x1000, s17;
	p3 =	por !p3, p1  }
0x30: {  	p2 =	sgt.s32 @!p1 s19, $0x7F;
	s19 =	sadd.s32 $0x80, s12;
	s17 =	simm.s32 @!p3 $0x0  }
0x31: {  	p3 =	sgt.s32 s19, $0x12B;
	s17 =	smul.u32 @!p1 s17, s18;
	s18 =	simm.s32 $0x1  }
0x32: {  	s16 =	ssub.s32 @!p1 $0x130, s16;
	p2 =	por !p2, p1;
	s18 =	simm.s32 @!p3 $0x0  }
0x33: {  	s21 =	smov.u32 s14;
	s16 =	simm.s32 @!p2 $0x0;
	s20 =	sadd.s32 s18, s13  }
0x34: {  	s16 =	smul.u32 @!p1 s16, s17;
	s17 =	sadd.s32 $0x1000, s14;
	p2 =	sgt.s32 s20, $0x13  }
0x35: {  	p0 =	por !p0, !p0;
	s22 =	simm.s32 @!p1 $0x2;
	s21 =	smov.u32 @p2 s17  }
0x36: {  	s19 =	simm.s32 @p3 $0x0;
	s20 =	simm.s32 @p2 $0x0;
	p2 =	sgt.s32 s21, $0xFFF  }
0x37: {  	s18 =	smov.u32 s10;
	s21 =	smov.u32 @p2 s2;
	p2 =	sne.s32 s15, s7  }
.Ltmp1:
0x38: {  	s10 =	smov.u32 s13;
	s16 =	sand.u32 @!p1 $0x3FFFFFFF, s16;
	(pc) =	sbr.rel @!p2 .LBB1_6-.Ltmp1, $4  }
0x39: {  	s17 =	smov.u32 s11;
	s11 =	smov.u32 s14;
	_ =	swait.ge @!p1 [sflag:s22], s16  }
0x3a: {  	s23 =	ssub.s32 @!p1 $0x0, s16;
	s16 =	smov.u32 s9;
	s9 =	smov.u32 s12  }
0x3b: {  	s12 =	smov.u32 s19;
	s13 =	smov.u32 s20;
	[sflag:s22] =	ssyncset.done @!p1 $0x0  }
0x3c: {  	s15 =	sadd.s32 $0x1, s15;
	[sflag:s22] =	ssyncadd.s32 @!p1 s23;
	s14 =	smov.u32 s21  }
.LBB1_1:
0x3d: {  	p1 =	sge.u32 s15, s5  }
0x3e: {  	s19 =	sshrl.u32 @!p1 s13, $0x3  }
0x3f: {  	s20 =	sshll.u32 @!p1 s12, $0x3;
	s19 =	smul.u32 @!p1 $0xC00, s19  }
0x40: {  	s21 =	sshll.u32 @!p1 s13, $0x7;
	s20 =	sand.u32 @!p1 $0xFFFFFC00, s20  }
0x41: {  	s19 =	sadd.s32 @!p1 s19, s20;
	s20 =	sand.u32 @!p1 $0x380, s21  }
0x42: {  	s19 =	sor.u32 @!p1 s20, s19  }
0x43: {  	s20 =	sand.u32 @!p1 $0x7F, s12;
	s21 =	smulhi.u32 @!p1 $0xAAAAAAAB, s19  }
0x44: {  	s19 =	sor.u32 @!p1 s20, s19  }
0x45: {  	s20 =	smulhi.u32 @!p1 $0xAAAAAAAB, s19;
	s21 =	sshrl.u32 @!p1 s21, $0x8  }
0x46: {  	s22 =	smulhi.u32 @!p1 $0xAAAAAAB, s21;
	_ =	sdelay $0x1  }
0x47: {  	s20 =	sshrl.u32 @!p1 s20, $0x8;
	s22 =	smul.u32 @!p1 $0x18, s22  }
0x48: {  	s31 =	sadd.s32 $0xFFFFFFFF, s15;
	s20 =	smul.u32 @!p1 $0x180, s20  }
0x49: {  	s23 =	sxor.u32 @!p1 $0xFFFFFFFF, s15;
	s21 =	ssub.s32 @!p1 s21, s22;
	s22 =	smul.u32 @!p1 $0x480, s14  }
0x4a: {  	s23 =	sshll.u32 @!p1 s23, $0xE;
	s19 =	ssub.s32 @!p1 s19, s20;
	s20 =	smul.u32 @!p1 $0x30, s21  }
0x4b: {  	s21 =	sand.u32 @!p1 $0x4000, s23;
	s23 =	sand.u32 @!p1 $0x7, s19;
	s22 =	sadd.s32 @!p1 s6, s22  }
0x4c: {  	s19 =	sshrl.u32 @!p1 s19, $0x3;
	s20 =	sadd.s32 @!p1 s20, s22;
	s22 =	sshll.u32 @!p1 s23, $0x12  }
0x4d: {  	s19 =	sadd.s32 @!p1 s19, s20;
	s20 =	sor.u32 @!p1 $0x80, s22;
	s22 =	simm.s32 @!p1 $0x2400  }
0x4e: {  	[tilespmem:s21], [sflag:$0x1] =	stream.strided.gather @!p1 [hbm4b:s19+s20], $0x4000, s22, s20, $0x38;
	[tilespmem:$0x10100] =	vst v63  }
0x4f: {  	p1 =	sge.u32 s31, s5  }
.Ltmp2:
0x50: {  	_ = 	snop;
	(pc) =	sbr.rel @p1 .LBB1_5-.Ltmp2, $1  }
0x51: {  	_ =	sdelay $0x3  }
0x52: {  	s19 =	simm.s32 $0x1  }
0x53: {  	_ =	swait.ge [sflag:s4], $0x4000;
	s19 =	simm.s32 @!p0 $0x0  }
0x54: {  	[sflag:s4] =	ssyncset.done $0x0;
	s20 =	sshll.u32 s19, $0xE  }
0x55: {  	[sflag:s4] =	ssyncadd.s32 $0xFFFFC000;
	s20 =	sor.u32 $0x40, s20  }
0x56: {  	s19 =	smul.u32 $0x10200, s19;
	v0 =	vld [tilespmem:s20+$0x30]  }
0x57: {  	v1 =	vld [tilespmem:s20+$0xFFFFFFD0]  }
0x58: {  	s19 =	sshrl.u32 s19, $0x2;
	v5 =	vld [tilespmem:s20+$0xFFFFFFE0]  }
0x59: {  	v6 =	vld [tilespmem:s20+$0xFFFFFFF0];
	s22 =	sor.u32 $0x8000, s19  }
0x5a: {  	s31 =	sand.u32 $0x1, s15;
	v4 =	vld [tilespmem:s20+$0x0];
	s21 =	sadd.s32 $0x0, s22  }
0x5b: {  	v3 =	vld [tilespmem:s20+$0x10];
	s19 =	smul.u32 $0x10200, s31;
	[tilespmem:s21+$0x3870 ss:$0x81] =	vst.msk $0xffff, v0  }
0x5c: {  	v2 =	vld [tilespmem:s20+$0x20];
	[tilespmem:s21+$0x810 ss:$0x81] =	vst.msk $0xffff, v1  }
0x5d: {  	s19 =	sshrl.u32 s19, $0x2;
	v1 =	vld [tilespmem:s20+$0xFFFFFFC0];
	[tilespmem:s21+$0x1020 ss:$0x81] =	vst.msk $0xffff, v5;
	s20 =	sadd.s32 $0x80, s20  }
0x5e: {  	s23 =	simm.s32 $0x4;
	s24 =	simm.s32 $0x8;
	s19 =	sor.u32 $0x8000, s19;
	[tilespmem:s21+$0x1830 ss:$0x81] =	vst.msk $0xffff, v6;
	v0 =	vld [tilespmem:s20+$0x30]  }
.LBB1_3:
0x5f: {  	p1 =	sne.s32 s24, $0x1FC;
	v5 =	vld [tilespmem:s20+$0xFFFFFFD0];
	[tilespmem:s21+$0x2040 ss:$0x81] =	vst.msk $0xffff, v4  }
0x60: {  	v6 =	vld [tilespmem:s20+$0xFFFFFFE0];
	[tilespmem:s21+$0x2850 ss:$0x81] =	vst.msk $0xffff, v3  }
0x61: {  	s25 =	sshra.s32 s23, $0x2;
	s23 =	smov.u32 s24;
	v7 =	vld [tilespmem:s20+$0xFFFFFFF0];
	[tilespmem:s21+$0x3060 ss:$0x81] =	vst.msk $0xffff, v2  }
.Ltmp3:
0x62: {  	v4 =	vld [tilespmem:s20+$0x0];
	[tilespmem:s21+$0x0 ss:$0x81] =	vst.msk $0xffff, v1;
	s21 =	sadd.s32 s25, s22;
	(pc) =	sbr.rel @p1 .LBB1_3-.Ltmp3, $4  }
0x63: {  	v3 =	vld [tilespmem:s20+$0x10];
	[tilespmem:s21+$0x3870 ss:$0x81] =	vst.msk $0xffff, v0  }
0x64: {  	[tilespmem:s21+$0x810 ss:$0x81] =	vst.msk $0xffff, v5;
	v2 =	vld [tilespmem:s20+$0x20]  }
0x65: {  	v1 =	vld [tilespmem:s20+$0xFFFFFFC0];
	[tilespmem:s21+$0x1020 ss:$0x81] =	vst.msk $0xffff, v6;
	s20 =	sadd.s32 $0x80, s20  }
0x66: {  	s24 =	sadd.s32 $0x4, s24;
	v0 =	vld [tilespmem:s20+$0x30];
	[tilespmem:s21+$0x1830 ss:$0x81] =	vst.msk $0xffff, v7  }
.Ltmp4:
0x67: {  	_ = 	snop;
	(pc) =	sbr.rel .LBB1_4-.Ltmp4, $1  }
0x68: {  	_ =	sdelay $0x3  }
.LBB1_6:
0x69: {  	_ =	sfence.sel $0x180000  }
0x6a: {  	s2 =	simm.s32 $0x1;
	[bflag:$0x0] =	sbarrier.arrive $0xFFFF  }
0x6b: {  	s31 =	simm.s32 $0x2;
	[sflag:s2] =	ssyncpa.u1 $0x1  }
0x6c: {  	[sflag:s31] =	ssyncpa.u1 $0x1  }
0x6d: {  	p0 =	sne.s32 s0, $0x0;
	_ =	strace $0x90000053  }
0x6e: {  	s0 =	sadd.s32 @!p0 $0x100000, s1;
	[bflag:$0x2] =	sbarrier.arrive $0xFFFF  }
0x6f: {  	[sflag:s0] =	ssyncadd.tile.s32 @!p0 $0x1;
	_ =	shalt  }
.Lfunc_end1:
_tile_overlayer_lowered:
.L_overlay_start_2:
0x70: {  	(tag) =	ssettag $0x2  }
0x71: {  	s0 =	rddreg [dreg:$0x0];
	s2 =	stileid.u32  }
0x72: {  	s1 =	rddreg [dreg:$0x1];
	p0 =	sne.s32 s2, $0x0  }
0x73: {  	s3 =	rddreg [dreg:$0x2];
	[bflag:$0x3] =	sbarrier.arrive $0xFFFF;
	s2 =	simm.s32 @!p0 $0x1C01  }
0x74: {  	[timem:s3], [sflag:s2] =	dma.local @!p0 [hbm:s0], s1  }
0x75: {  	s0 =	simm.s32 @!p0 $0x1  }
0x76: {  	_ =	swait.ge @!p0 [sflag:s0], s1  }
0x77: {  	s1 =	ssub.s32 @!p0 $0x0, s1;
	[sflag:s0] =	ssyncset.done @!p0 $0x0  }
0x78: {  	[sflag:s0] =	ssyncadd.s32 @!p0 s1  }
0x79: {  	[bflag:$0x3] =	sbarrier.arrive $0xFFFF  }
0x7a: {  	_ =	shalt  }

</sc_bundles>
